<compile_context>
chip_gen: v7x
topology: tpu7x:2x2x1
jax: 0.10.2.dev20260603
libtpu: 0.0.44.dev20260713+nightly
codegen_flags: <defaults>
</compile_context>

<pallas_src>
import functools

import jax
import jax.numpy as jnp
from jax import lax
from jax.experimental import pallas as pl
from jax.experimental.pallas import tpu as pltpu
from jax.experimental.pallas import tpu_sc as plsc

_B, _N, _C = 16, 300, 92
_T = 50
_TP = 64
_NP = 304
_G = 262144
_G_BLK = 8192
_NBLK = _G // _G_BLK
_INF = float("inf")


def _global_loss_body(cls_p, cls_t, reg_p, reg_t, out_ref):
    i = pl.program_id(0)

    @pl.when(i == 0)
    def _():
        out_ref[0] = 0.0
        out_ref[1] = 0.0

    s_cls = jnp.sum(jnp.abs(cls_p[...] - cls_t[...]))
    d = reg_p[...] - reg_t[...]
    out_ref[0] += s_cls
    out_ref[1] += jnp.sum(d * d)


def _build_body(coords_ref, logits_ref, tgt_ref, labels_ref,
                cm_ref, cbb_ref, cgi_ref, rsb_ref):
    logits = logits_ref[...]
    rowsum = jnp.sum(logits, axis=2, keepdims=True)
    prob = jax.nn.softmax(logits, axis=-1)

    valid = jax.lax.broadcasted_iota(jnp.int32, (_N, _TP), 1) < _T

    for b in range(_B):
        prob_b = prob[b]
        lab = labels_ref[b]
        oh = (lab == jax.lax.broadcasted_iota(jnp.int32, (_C, _TP), 0))
        cclass = jax.lax.dot(prob_b, oh.astype(jnp.float32),
                             precision=jax.lax.Precision.HIGHEST)

        cb = coords_ref[b]
        cx, cy, w, h = cb[:, 0:1], cb[:, 1:2], cb[:, 2:3], cb[:, 3:4]
        tg = tgt_ref[b]
        tcx, tcy, tw, th = tg[0:1, :], tg[1:2, :], tg[2:3, :], tg[3:4, :]

        cbbox = (jnp.abs(cx - tcx) + jnp.abs(cy - tcy)
                 + jnp.abs(w - tw) + jnp.abs(h - th))

        x0, y0 = cx - 0.5 * w, cy - 0.5 * h
        x1, y1 = cx + 0.5 * w, cy + 0.5 * h
        tx0, ty0 = tcx - 0.5 * tw, tcy - 0.5 * th
        tx1, ty1 = tcx + 0.5 * tw, tcy + 0.5 * th
        area1 = (x1 - x0) * (y1 - y0)
        area2 = (tx1 - tx0) * (ty1 - ty0)
        inter = (jnp.clip(jnp.minimum(x1, tx1) - jnp.maximum(x0, tx0), 0.0)
                 * jnp.clip(jnp.minimum(y1, ty1) - jnp.maximum(y0, ty0), 0.0))
        union = area1 + area2 - inter
        iou = inter / union
        areae = (jnp.clip(jnp.maximum(x1, tx1) - jnp.minimum(x0, tx0), 0.0)
                 * jnp.clip(jnp.maximum(y1, ty1) - jnp.minimum(y0, ty0), 0.0))
        giou = iou - (areae - union) / areae

        cm = 5.0 * cbbox - cclass - 2.0 * giou
        cm_ref[b] = jnp.where(valid, cm, _INF)
        cbb_ref[b] = jnp.where(valid, cbbox, 0.0)
        cgi_ref[b] = jnp.where(valid, giou, 0.0)
        rsb_ref[b] = jnp.broadcast_to(rowsum[b], (_N, _TP))


def _sc_match_body(cm_hbm, cbb_hbm, cgi_hbm, rsb_hbm, out_hbm,
                   cm_v, cbb_v, cgi_v, rsb_v, rowmin_v, colpen_v, acc_v):
    wid = lax.axis_index("s") * 2 + lax.axis_index("c")
    lane = lax.iota(jnp.int32, 16)
    lane0 = lane == 0
    big = jnp.int32(2 ** 30)

    @pl.when(wid < _B)
    def _():
        b = wid
        pltpu.sync_copy(cm_hbm.at[b], cm_v)
        pltpu.sync_copy(cbb_hbm.at[b], cbb_v)
        pltpu.sync_copy(cgi_hbm.at[b], cgi_v)
        pltpu.sync_copy(rsb_hbm.at[b], rsb_v)

        for k in range(_TP // 16):
            colpen_v[pl.ds(k * 16, 16)] = jnp.where(
                k * 16 + lane < _T, 0.0, _INF)

        for k in range(_N // 16, _NP // 16):
            rowmin_v[pl.ds(k * 16, 16)] = jnp.full((16,), _INF)

        def init_row(r, _):
            rvec = jnp.full((16,), r, jnp.int32)
            m = jnp.full((16,), _INF)
            for k in range(_TP // 16):
                m = jnp.minimum(
                    m, plsc.load_gather(cm_v, [rvec * _TP + k * 16 + lane]))
            plsc.store_scatter(rowmin_v, [rvec],
                               jnp.full((16,), jnp.min(m)), mask=lane0)
            return 0

        lax.fori_loop(0, _N, init_row, 0)

        def pick_row():
            best_v = jnp.full((16,), _INF)
            best_i = jnp.zeros((16,), jnp.int32)
            for k in range(_NP // 16):
                v = rowmin_v[pl.ds(k * 16, 16)]
                upd = v < best_v
                best_v = jnp.where(upd, v, best_v)
                best_i = jnp.where(upd, k * 16 + lane, best_i)
            gmin = jnp.min(best_v)
            return jnp.min(jnp.where(best_v == gmin, best_i, big))

        def rescan_row(i_s):
            ivec = jnp.full((16,), i_s, jnp.int32)
            bv = jnp.full((16,), _INF)
            bj = jnp.zeros((16,), jnp.int32)
            for k in range(_TP // 16):
                v = (plsc.load_gather(cm_v, [ivec * _TP + k * 16 + lane])
                     + colpen_v[pl.ds(k * 16, 16)])
                upd = v < bv
                bv = jnp.where(upd, v, bv)
                bj = jnp.where(upd, k * 16 + lane, bj)
            mrow = jnp.min(bv)
            j_s = jnp.min(jnp.where(bv == mrow, bj, big))
            return mrow, j_s

        def w_cond(c):
            return c[0] == 0

        def w_body(c):
            i_s = pick_row()
            mrow, j_s = rescan_row(i_s)
            ivec = jnp.full((16,), i_s, jnp.int32)
            cached = jnp.min(plsc.load_gather(rowmin_v, [ivec]))
            stale = mrow > cached

            @pl.when(stale)
            def _():
                plsc.store_scatter(rowmin_v, [ivec],
                                   jnp.full((16,), mrow), mask=lane0)

            ok = jnp.where(stale, 0, 1).astype(jnp.int32)
            return (ok, i_s, j_s)

        def step(t, accs):
            acc_bb, acc_gi, acc_rs = accs
            _, i_s, j_s = lax.while_loop(
                w_cond, w_body,
                (jnp.int32(0), jnp.int32(0), jnp.int32(0)))
            ivec = jnp.full((16,), i_s, jnp.int32)
            jvec = jnp.full((16,), j_s, jnp.int32)
            fvec = ivec * _TP + jvec
            acc_bb = acc_bb + plsc.load_gather(cbb_v, [fvec])
            acc_gi = acc_gi + plsc.load_gather(cgi_v, [fvec])
            acc_rs = acc_rs + plsc.load_gather(rsb_v, [fvec])
            plsc.store_scatter(rowmin_v, [ivec],
                               jnp.full((16,), _INF), mask=lane0)
            plsc.store_scatter(colpen_v, [jvec],
                               jnp.full((16,), _INF), mask=lane0)
            return (acc_bb, acc_gi, acc_rs)

        zero = jnp.zeros((16,), jnp.float32)
        acc_bb, acc_gi, acc_rs = lax.fori_loop(
            0, _T, step, (zero, zero, zero))

        acc_v[pl.ds(0, 16)] = acc_bb
        acc_v[pl.ds(16, 16)] = acc_gi
        acc_v[pl.ds(32, 16)] = acc_rs
        acc_v[pl.ds(48, 16)] = zero
        pltpu.sync_copy(acc_v, out_hbm.at[b])


def _sc_match(cm, cbb, cgi, rsb):
    mesh = plsc.VectorSubcoreMesh(core_axis_name="c", subcore_axis_name="s",
                                  num_cores=2, num_subcores=16)
    f = functools.partial(
        pl.kernel,
        out_type=jax.ShapeDtypeStruct((_B, 64), jnp.float32),
        mesh=mesh,
        compiler_params=pltpu.CompilerParams(needs_layout_passes=False),
        scratch_types=[
            pltpu.VMEM((_N * _TP,), jnp.float32),
            pltpu.VMEM((_N * _TP,), jnp.float32),
            pltpu.VMEM((_N * _TP,), jnp.float32),
            pltpu.VMEM((_N * _TP,), jnp.float32),
            pltpu.VMEM((_NP,), jnp.float32),
            pltpu.VMEM((_TP,), jnp.float32),
            pltpu.VMEM((64,), jnp.float32),
        ],
    )(_sc_match_body)
    return f(cm, cbb, cgi, rsb)


def kernel(box_coords, box_logits, tgt_boxes, g_cls_pred, g_cls_tgt,
           g_regr_pred, g_regr_tgt, tgt_labels):
    tgt_t = jnp.transpose(tgt_boxes, (0, 2, 1))
    tgt_t = jnp.pad(tgt_t, ((0, 0), (0, 0), (0, _TP - _T)))
    labels = jnp.pad(tgt_labels.astype(jnp.int32),
                     ((0, 0), (0, _TP - _T)),
                     constant_values=-1)[:, None, :]

    plane = jax.ShapeDtypeStruct((_B, _N, _TP), jnp.float32)
    cm, cbb, cgi, rsb = pl.pallas_call(
        _build_body,
        out_shape=[plane, plane, plane, plane],
    )(box_coords, box_logits, tgt_t, labels)

    gsums = pl.pallas_call(
        _global_loss_body,
        grid=(_NBLK,),
        in_specs=[pl.BlockSpec((_B, _G_BLK), lambda i: (0, i))] * 4,
        out_specs=pl.BlockSpec(memory_space=pltpu.SMEM),
        out_shape=jax.ShapeDtypeStruct((2,), jnp.float32),
    )(g_cls_pred, g_cls_tgt, g_regr_pred, g_regr_tgt)

    parts = _sc_match(cm.reshape(_B, _N * _TP), cbb.reshape(_B, _N * _TP),
                      cgi.reshape(_B, _N * _TP), rsb.reshape(_B, _N * _TP))
    msums = jnp.sum(parts[:, 0::16], axis=0)

    denom = jnp.float32(_B * _G)
    num_boxes = jnp.float32(4.0 * _B)
    g_cls_loss = gsums[0] / denom
    g_regr_loss = gsums[1] / denom
    loss_bbox = msums[0] / num_boxes
    loss_giou = (jnp.float32(_B * _T) - msums[1]) / num_boxes
    loss_cls = -msums[2]
    return jnp.stack([g_cls_loss, g_regr_loss, loss_bbox, loss_giou,
                      loss_cls])

# --- scband reference (transcript-rebuilt; emitter-appended) ---
"""Pipeline reference for scband-fdtcriterion-52939766890873 (READ-ONLY COPY).

The authoritative reference and input builder live on the scoring server;
editing this copy changes nothing except your own understanding.
"""

import jax, jax.numpy as jnp
import numpy as np

B, N, C = 16, 300, 92
T = 50
G = 262144

def box_cxcywh_to_xyxy(b):
    cx, cy, w, h = b[..., 0], b[..., 1], b[..., 2], b[..., 3]
    return jnp.stack([cx - 0.5 * w, cy - 0.5 * h, cx + 0.5 * w, cy + 0.5 * h], axis=-1)

def giou_pairwise(b1, b2):
    area1 = (b1[:, 2] - b1[:, 0]) * (b1[:, 3] - b1[:, 1])
    area2 = (b2[:, 2] - b2[:, 0]) * (b2[:, 3] - b2[:, 1])
    lt = jnp.maximum(b1[:, None, :2], b2[None, :, :2])
    rb = jnp.minimum(b1[:, None, 2:], b2[None, :, 2:])
    wh = jnp.clip(rb - lt, 0.0)
    inter = wh[..., 0] * wh[..., 1]
    union = area1[:, None] + area2[None, :] - inter
    iou = inter / union
    lte = jnp.minimum(b1[:, None, :2], b2[None, :, :2])
    rbe = jnp.maximum(b1[:, None, 2:], b2[None, :, 2:])
    whe = jnp.clip(rbe - lte, 0.0)
    areae = whe[..., 0] * whe[..., 1]
    return iou - (areae - union) / areae

def giou_elem(b1, b2):
    area1 = (b1[:, 2] - b1[:, 0]) * (b1[:, 3] - b1[:, 1])
    area2 = (b2[:, 2] - b2[:, 0]) * (b2[:, 3] - b2[:, 1])
    lt = jnp.maximum(b1[:, :2], b2[:, :2])
    rb = jnp.minimum(b1[:, 2:], b2[:, 2:])
    wh = jnp.clip(rb - lt, 0.0)
    inter = wh[:, 0] * wh[:, 1]
    union = area1 + area2 - inter
    iou = inter / union
    lte = jnp.minimum(b1[:, :2], b2[:, :2])
    rbe = jnp.maximum(b1[:, 2:], b2[:, 2:])
    whe = jnp.clip(rbe - lte, 0.0)
    areae = whe[:, 0] * whe[:, 1]
    return iou - (areae - union) / areae

def compute_match_indices(box_coords, box_logits, tgt_boxes, tgt_labels):
    # Matcher indices are non-differentiable integer constants (like scipy linear_sum_assignment in DETR).
    # Greedy global-min assignment approximates the Hungarian matcher.
    bsz = box_coords.shape[0]
    t = tgt_boxes.shape[1]
    prob = jax.nn.softmax(box_logits, axis=-1)
    coords_x = box_cxcywh_to_xyxy(box_coords)
    tgts_x = box_cxcywh_to_xyxy(tgt_boxes)

    def match_one(prob_b, coords_b, tgts_b, coords_x_b, tgts_x_b, labels_b):
        cost_class = -prob_b[:, labels_b]
        cost_bbox = jnp.sum(jnp.abs(coords_b[:, None, :] - tgts_b[None, :, :]), axis=-1)
        cost_giou = -giou_pairwise(coords_x_b, tgts_x_b)
        Cm = 1.0 * cost_class + 5.0 * cost_bbox + 2.0 * cost_giou

        def body(Cm, _):
            flat_idx = jnp.argmin(Cm.ravel())
            i = flat_idx // t
            j = flat_idx % t
            Cm = Cm.at[i, :].set(jnp.inf).at[:, j].set(jnp.inf)
            return Cm, (i, j)

        _, (src, tgt) = jax.lax.scan(body, Cm, xs=None, length=t)
        return src, tgt

    src_all, tgt_all = jax.vmap(match_one)(prob, box_coords, tgt_boxes, coords_x, tgts_x, tgt_labels)
    batch_idx = jnp.asarray(np.repeat(np.arange(bsz, dtype=np.int64), t))
    src_idx = src_all.reshape(bsz * t)
    tgt_idx = tgt_all.reshape(bsz * t)
    return batch_idx, src_idx, tgt_idx

def setup_inputs(seed: int = 0) -> dict:
    key = jax.random.key(seed)
    ks = jax.random.split(key, 8)
    return {
        "box_coords": jax.random.uniform(ks[0], (B, N, 4), dtype=jnp.float32),
        "box_logits": jax.random.normal(ks[1], (B, N, C), dtype=jnp.float32),
        "tgt_boxes": jax.random.uniform(ks[2], (B, T, 4), dtype=jnp.float32),
        "g_cls_pred": jax.random.normal(ks[3], (B, G), dtype=jnp.float32),
        "g_cls_tgt": jax.random.normal(ks[4], (B, G), dtype=jnp.float32),
        "g_regr_pred": jax.random.normal(ks[5], (B, G), dtype=jnp.float32),
        "g_regr_tgt": jax.random.normal(ks[6], (B, G), dtype=jnp.float32),
        "tgt_labels": jax.random.randint(ks[7], (B, T), 0, C, dtype=jnp.int64),
    }

def reference(box_coords, box_logits, tgt_boxes, g_cls_pred, g_cls_tgt, g_regr_pred, g_regr_tgt, tgt_labels):
    # global classifier head loss: F.l1_loss mean
    g_cls_loss = jnp.mean(jnp.abs(g_cls_pred - g_cls_tgt))
    # global regressor head loss: F.mse_loss mean
    g_regr_loss = jnp.mean((g_regr_pred - g_regr_tgt) ** 2)
    batch_idx, src_idx, tgt_idx = compute_match_indices(box_coords, box_logits, tgt_boxes, tgt_labels)
    src_boxes = box_coords[batch_idx, src_idx]
    target_boxes = tgt_boxes[batch_idx, tgt_idx]
    # num_boxes = sum of t['boxes'].shape[-1] over targets = 4 per image (faithful to original code)
    num_boxes = jnp.asarray(4.0 * box_coords.shape[0], dtype=jnp.float32)
    loss_bbox = jnp.sum(jnp.abs(src_boxes - target_boxes)) / num_boxes
    giou_d = giou_elem(box_cxcywh_to_xyxy(src_boxes), box_cxcywh_to_xyxy(target_boxes))
    loss_giou = jnp.sum(1.0 - giou_d) / num_boxes
    loss_cls = -jnp.sum(box_logits[batch_idx, src_idx])
    return jnp.stack([g_cls_loss, g_regr_loss, loss_bbox, loss_giou, loss_cls])

if __name__ == "__main__":
    import jax
    _d = setup_inputs()
    print(jax.jit(kernel)(*tuple(_d.values())))

</pallas_src>

<mosaic_0001>
#map = affine_map<(d0, d1) -> (0, 0)>
module attributes {stable_mosaic.version = 14 : i64} {
  func.func @_sc_match_body(%arg0: i32, %arg1: i32, %arg2: memref<16x19200xf32, #tpu.memory_space<hbm>>, %arg3: memref<16x19200xf32, #tpu.memory_space<hbm>>, %arg4: memref<16x19200xf32, #tpu.memory_space<hbm>>, %arg5: memref<16x19200xf32, #tpu.memory_space<hbm>>, %arg6: memref<16x64xf32, #tpu.memory_space<hbm>>, %arg7: memref<19200xf32, #tpu.memory_space<vmem>>, %arg8: memref<19200xf32, #tpu.memory_space<vmem>>, %arg9: memref<19200xf32, #tpu.memory_space<vmem>>, %arg10: memref<19200xf32, #tpu.memory_space<vmem>>, %arg11: memref<304xf32, #tpu.memory_space<vmem>>, %arg12: memref<64xf32, #tpu.memory_space<vmem>>, %arg13: memref<64xf32, #tpu.memory_space<vmem>>) attributes {dimension_semantics = [#tpu.dimension_semantics<core_parallel>, #tpu.dimension_semantics<subcore_parallel>], iteration_bounds = array<i64: 2, 16>, scalar_prefetch = 0 : i64, scratch_operands = 7 : i64, tpu.core_type = #tpu.core_type<sc_vector_subcore>, window_params = [{transform_indices = #map}, {transform_indices = #map}, {transform_indices = #map}, {transform_indices = #map}, {transform_indices = #map}]} {
    %mul3A = arith.constant 2 : i32
    %mul3A_0 = arith.muli %arg1, %mul3A : i32
    %add3A = arith.addi %mul3A_0, %arg0 : i32
    %iota3A = tpu.iota {dimensions = array<i32: 0>} : vector<16xi32>
    %eq3A = arith.constant 0 : i32
    %eq3A_1 = vector.broadcast %eq3A : i32 to vector<16xi32>
    %eq3A_2 = arith.cmpi eq, %iota3A, %eq3A_1 : vector<16xi32>
    %lt3A = arith.constant 16 : i32
    %lt3A_3 = arith.cmpi slt, %add3A, %lt3A : i32
    %convert_element_type3A = arith.extui %lt3A_3 : i1 to i32
    %cond3A = arith.constant 1073741824 : i32
    %cond3A_4 = arith.constant 0 : i32
    %cond3A_5 = arith.cmpi ne, %convert_element_type3A, %cond3A_4 : i32
    scf.if %cond3A_5 {
      "tpu.region"() ({
        %run_scoped3A = tpu.sem_alloc : memref<!tpu.dma_semaphore, #tpu.memory_space<semaphore_mem>>
        %dma_start3A = arith.constant 0 : i32
        %dma_start3A_80 = tpu.memref_slice %arg2[%add3A, %dma_start3A] : memref<16x19200xf32, #tpu.memory_space<hbm>> -> memref<1x19200xf32, #tpu.memory_space<hbm>>
        %dma_start3A_81 = tpu.memref_squeeze %dma_start3A_80 : memref<1x19200xf32, #tpu.memory_space<hbm>> -> memref<19200xf32, #tpu.memory_space<hbm>>
        %dma_start3A_82 = arith.constant 0 : i32
        %dma_start3A_83 = tpu.memref_slice %arg2[%add3A, %dma_start3A_82] : memref<16x19200xf32, #tpu.memory_space<hbm>> -> memref<1x19200xf32, #tpu.memory_space<hbm>>
        %dma_start3A_84 = tpu.memref_squeeze %dma_start3A_83 : memref<1x19200xf32, #tpu.memory_space<hbm>> -> memref<19200xf32, #tpu.memory_space<hbm>>
        tpu.enqueue_dma source(%dma_start3A_84 : memref<19200xf32, #tpu.memory_space<hbm>>) target(%arg7 : memref<19200xf32, #tpu.memory_space<vmem>>) target_semaphore(%run_scoped3A : memref<!tpu.dma_semaphore, #tpu.memory_space<semaphore_mem>>)
        %dma_wait3A = arith.constant 0 : i32
        %dma_wait3A_85 = tpu.memref_slice %arg2[%add3A, %dma_wait3A] : memref<16x19200xf32, #tpu.memory_space<hbm>> -> memref<1x19200xf32, #tpu.memory_space<hbm>>
        %dma_wait3A_86 = tpu.memref_squeeze %dma_wait3A_85 : memref<1x19200xf32, #tpu.memory_space<hbm>> -> memref<19200xf32, #tpu.memory_space<hbm>>
        %dma_wait3A_87 = arith.constant 0 : i32
        %dma_wait3A_88 = tpu.memref_slice %arg2[%add3A, %dma_wait3A_87] : memref<16x19200xf32, #tpu.memory_space<hbm>> -> memref<1x19200xf32, #tpu.memory_space<hbm>>
        %dma_wait3A_89 = tpu.memref_squeeze %dma_wait3A_88 : memref<1x19200xf32, #tpu.memory_space<hbm>> -> memref<19200xf32, #tpu.memory_space<hbm>>
        tpu.wait_dma2 semaphore(%run_scoped3A : memref<!tpu.dma_semaphore, #tpu.memory_space<semaphore_mem>>) src(%dma_wait3A_89 : memref<19200xf32, #tpu.memory_space<hbm>>) dst(%arg7 : memref<19200xf32, #tpu.memory_space<vmem>>)
        tpu.yield
      }) : () -> ()
      "tpu.region"() ({
        %run_scoped3A = tpu.sem_alloc : memref<!tpu.dma_semaphore, #tpu.memory_space<semaphore_mem>>
        %dma_start3A = arith.constant 0 : i32
        %dma_start3A_80 = tpu.memref_slice %arg3[%add3A, %dma_start3A] : memref<16x19200xf32, #tpu.memory_space<hbm>> -> memref<1x19200xf32, #tpu.memory_space<hbm>>
        %dma_start3A_81 = tpu.memref_squeeze %dma_start3A_80 : memref<1x19200xf32, #tpu.memory_space<hbm>> -> memref<19200xf32, #tpu.memory_space<hbm>>
        %dma_start3A_82 = arith.constant 0 : i32
        %dma_start3A_83 = tpu.memref_slice %arg3[%add3A, %dma_start3A_82] : memref<16x19200xf32, #tpu.memory_space<hbm>> -> memref<1x19200xf32, #tpu.memory_space<hbm>>
        %dma_start3A_84 = tpu.memref_squeeze %dma_start3A_83 : memref<1x19200xf32, #tpu.memory_space<hbm>> -> memref<19200xf32, #tpu.memory_space<hbm>>
        tpu.enqueue_dma source(%dma_start3A_84 : memref<19200xf32, #tpu.memory_space<hbm>>) target(%arg8 : memref<19200xf32, #tpu.memory_space<vmem>>) target_semaphore(%run_scoped3A : memref<!tpu.dma_semaphore, #tpu.memory_space<semaphore_mem>>)
        %dma_wait3A = arith.constant 0 : i32
        %dma_wait3A_85 = tpu.memref_slice %arg3[%add3A, %dma_wait3A] : memref<16x19200xf32, #tpu.memory_space<hbm>> -> memref<1x19200xf32, #tpu.memory_space<hbm>>
        %dma_wait3A_86 = tpu.memref_squeeze %dma_wait3A_85 : memref<1x19200xf32, #tpu.memory_space<hbm>> -> memref<19200xf32, #tpu.memory_space<hbm>>
        %dma_wait3A_87 = arith.constant 0 : i32
        %dma_wait3A_88 = tpu.memref_slice %arg3[%add3A, %dma_wait3A_87] : memref<16x19200xf32, #tpu.memory_space<hbm>> -> memref<1x19200xf32, #tpu.memory_space<hbm>>
        %dma_wait3A_89 = tpu.memref_squeeze %dma_wait3A_88 : memref<1x19200xf32, #tpu.memory_space<hbm>> -> memref<19200xf32, #tpu.memory_space<hbm>>
        tpu.wait_dma2 semaphore(%run_scoped3A : memref<!tpu.dma_semaphore, #tpu.memory_space<semaphore_mem>>) src(%dma_wait3A_89 : memref<19200xf32, #tpu.memory_space<hbm>>) dst(%arg8 : memref<19200xf32, #tpu.memory_space<vmem>>)
        tpu.yield
      }) : () -> ()
      "tpu.region"() ({
        %run_scoped3A = tpu.sem_alloc : memref<!tpu.dma_semaphore, #tpu.memory_space<semaphore_mem>>
        %dma_start3A = arith.constant 0 : i32
        %dma_start3A_80 = tpu.memref_slice %arg4[%add3A, %dma_start3A] : memref<16x19200xf32, #tpu.memory_space<hbm>> -> memref<1x19200xf32, #tpu.memory_space<hbm>>
        %dma_start3A_81 = tpu.memref_squeeze %dma_start3A_80 : memref<1x19200xf32, #tpu.memory_space<hbm>> -> memref<19200xf32, #tpu.memory_space<hbm>>
        %dma_start3A_82 = arith.constant 0 : i32
        %dma_start3A_83 = tpu.memref_slice %arg4[%add3A, %dma_start3A_82] : memref<16x19200xf32, #tpu.memory_space<hbm>> -> memref<1x19200xf32, #tpu.memory_space<hbm>>
        %dma_start3A_84 = tpu.memref_squeeze %dma_start3A_83 : memref<1x19200xf32, #tpu.memory_space<hbm>> -> memref<19200xf32, #tpu.memory_space<hbm>>
        tpu.enqueue_dma source(%dma_start3A_84 : memref<19200xf32, #tpu.memory_space<hbm>>) target(%arg9 : memref<19200xf32, #tpu.memory_space<vmem>>) target_semaphore(%run_scoped3A : memref<!tpu.dma_semaphore, #tpu.memory_space<semaphore_mem>>)
        %dma_wait3A = arith.constant 0 : i32
        %dma_wait3A_85 = tpu.memref_slice %arg4[%add3A, %dma_wait3A] : memref<16x19200xf32, #tpu.memory_space<hbm>> -> memref<1x19200xf32, #tpu.memory_space<hbm>>
        %dma_wait3A_86 = tpu.memref_squeeze %dma_wait3A_85 : memref<1x19200xf32, #tpu.memory_space<hbm>> -> memref<19200xf32, #tpu.memory_space<hbm>>
        %dma_wait3A_87 = arith.constant 0 : i32
        %dma_wait3A_88 = tpu.memref_slice %arg4[%add3A, %dma_wait3A_87] : memref<16x19200xf32, #tpu.memory_space<hbm>> -> memref<1x19200xf32, #tpu.memory_space<hbm>>
        %dma_wait3A_89 = tpu.memref_squeeze %dma_wait3A_88 : memref<1x19200xf32, #tpu.memory_space<hbm>> -> memref<19200xf32, #tpu.memory_space<hbm>>
        tpu.wait_dma2 semaphore(%run_scoped3A : memref<!tpu.dma_semaphore, #tpu.memory_space<semaphore_mem>>) src(%dma_wait3A_89 : memref<19200xf32, #tpu.memory_space<hbm>>) dst(%arg9 : memref<19200xf32, #tpu.memory_space<vmem>>)
        tpu.yield
      }) : () -> ()
      "tpu.region"() ({
        %run_scoped3A = tpu.sem_alloc : memref<!tpu.dma_semaphore, #tpu.memory_space<semaphore_mem>>
        %dma_start3A = arith.constant 0 : i32
        %dma_start3A_80 = tpu.memref_slice %arg5[%add3A, %dma_start3A] : memref<16x19200xf32, #tpu.memory_space<hbm>> -> memref<1x19200xf32, #tpu.memory_space<hbm>>
        %dma_start3A_81 = tpu.memref_squeeze %dma_start3A_80 : memref<1x19200xf32, #tpu.memory_space<hbm>> -> memref<19200xf32, #tpu.memory_space<hbm>>
        %dma_start3A_82 = arith.constant 0 : i32
        %dma_start3A_83 = tpu.memref_slice %arg5[%add3A, %dma_start3A_82] : memref<16x19200xf32, #tpu.memory_space<hbm>> -> memref<1x19200xf32, #tpu.memory_space<hbm>>
        %dma_start3A_84 = tpu.memref_squeeze %dma_start3A_83 : memref<1x19200xf32, #tpu.memory_space<hbm>> -> memref<19200xf32, #tpu.memory_space<hbm>>
        tpu.enqueue_dma source(%dma_start3A_84 : memref<19200xf32, #tpu.memory_space<hbm>>) target(%arg10 : memref<19200xf32, #tpu.memory_space<vmem>>) target_semaphore(%run_scoped3A : memref<!tpu.dma_semaphore, #tpu.memory_space<semaphore_mem>>)
        %dma_wait3A = arith.constant 0 : i32
        %dma_wait3A_85 = tpu.memref_slice %arg5[%add3A, %dma_wait3A] : memref<16x19200xf32, #tpu.memory_space<hbm>> -> memref<1x19200xf32, #tpu.memory_space<hbm>>
        %dma_wait3A_86 = tpu.memref_squeeze %dma_wait3A_85 : memref<1x19200xf32, #tpu.memory_space<hbm>> -> memref<19200xf32, #tpu.memory_space<hbm>>
        %dma_wait3A_87 = arith.constant 0 : i32
        %dma_wait3A_88 = tpu.memref_slice %arg5[%add3A, %dma_wait3A_87] : memref<16x19200xf32, #tpu.memory_space<hbm>> -> memref<1x19200xf32, #tpu.memory_space<hbm>>
        %dma_wait3A_89 = tpu.memref_squeeze %dma_wait3A_88 : memref<1x19200xf32, #tpu.memory_space<hbm>> -> memref<19200xf32, #tpu.memory_space<hbm>>
        tpu.wait_dma2 semaphore(%run_scoped3A : memref<!tpu.dma_semaphore, #tpu.memory_space<semaphore_mem>>) src(%dma_wait3A_89 : memref<19200xf32, #tpu.memory_space<hbm>>) dst(%arg10 : memref<19200xf32, #tpu.memory_space<vmem>>)
        tpu.yield
      }) : () -> ()
      %add3A_6 = arith.constant 0 : i32
      %add3A_7 = vector.broadcast %add3A_6 : i32 to vector<16xi32>
      %add3A_8 = arith.addi %add3A_7, %iota3A : vector<16xi32>
      %lt3A_9 = arith.constant 50 : i32
      %lt3A_10 = vector.broadcast %lt3A_9 : i32 to vector<16xi32>
      %lt3A_11 = arith.cmpi slt, %add3A_8, %lt3A_10 : vector<16xi32>
      %jit3A = arith.constant 0.000000e+00 : f32
      %jit3A_12 = arith.constant 0x7F800000 : f32
      %broadcast_in_dim3A = vector.broadcast %jit3A : f32 to vector<16xf32>
      %broadcast_in_dim3A_13 = vector.broadcast %jit3A_12 : f32 to vector<16xf32>
      %select_n3A = arith.select %lt3A_11, %broadcast_in_dim3A, %broadcast_in_dim3A_13 : vector<16xi1>, vector<16xf32>
      %swap3A = arith.constant 0 : index
      %swap3A_14 = tpu.vector_load %arg12[%swap3A] {strides = array<i32>} : memref<64xf32, #tpu.memory_space<vmem>>, vector<16xf32>,
      tpu.vector_store %arg12[%swap3A], %select_n3A {strides = array<i32>} : memref<64xf32, #tpu.memory_space<vmem>>, vector<16xf32>,
      %add3A_15 = arith.constant 16 : i32
      %add3A_16 = vector.broadcast %add3A_15 : i32 to vector<16xi32>
      %add3A_17 = arith.addi %add3A_16, %iota3A : vector<16xi32>
      %lt3A_18 = arith.constant 50 : i32
      %lt3A_19 = vector.broadcast %lt3A_18 : i32 to vector<16xi32>
      %lt3A_20 = arith.cmpi slt, %add3A_17, %lt3A_19 : vector<16xi32>
      %jit3A_21 = arith.constant 0.000000e+00 : f32
      %jit3A_22 = arith.constant 0x7F800000 : f32
      %broadcast_in_dim3A_23 = vector.broadcast %jit3A_21 : f32 to vector<16xf32>
      %broadcast_in_dim3A_24 = vector.broadcast %jit3A_22 : f32 to vector<16xf32>
      %select_n3A_25 = arith.select %lt3A_20, %broadcast_in_dim3A_23, %broadcast_in_dim3A_24 : vector<16xi1>, vector<16xf32>
      %swap3A_26 = arith.constant 16 : index
      %swap3A_27 = tpu.vector_load %arg12[%swap3A_26] {strides = array<i32>} : memref<64xf32, #tpu.memory_space<vmem>>, vector<16xf32>,
      tpu.vector_store %arg12[%swap3A_26], %select_n3A_25 {strides = array<i32>} : memref<64xf32, #tpu.memory_space<vmem>>, vector<16xf32>,
      %add3A_28 = arith.constant 32 : i32
      %add3A_29 = vector.broadcast %add3A_28 : i32 to vector<16xi32>
      %add3A_30 = arith.addi %add3A_29, %iota3A : vector<16xi32>
      %lt3A_31 = arith.constant 50 : i32
      %lt3A_32 = vector.broadcast %lt3A_31 : i32 to vector<16xi32>
      %lt3A_33 = arith.cmpi slt, %add3A_30, %lt3A_32 : vector<16xi32>
      %jit3A_34 = arith.constant 0.000000e+00 : f32
      %jit3A_35 = arith.constant 0x7F800000 : f32
      %broadcast_in_dim3A_36 = vector.broadcast %jit3A_34 : f32 to vector<16xf32>
      %broadcast_in_dim3A_37 = vector.broadcast %jit3A_35 : f32 to vector<16xf32>
      %select_n3A_38 = arith.select %lt3A_33, %broadcast_in_dim3A_36, %broadcast_in_dim3A_37 : vector<16xi1>, vector<16xf32>
      %swap3A_39 = arith.constant 32 : index
      %swap3A_40 = tpu.vector_load %arg12[%swap3A_39] {strides = array<i32>} : memref<64xf32, #tpu.memory_space<vmem>>, vector<16xf32>,
      tpu.vector_store %arg12[%swap3A_39], %select_n3A_38 {strides = array<i32>} : memref<64xf32, #tpu.memory_space<vmem>>, vector<16xf32>,
      %add3A_41 = arith.constant 48 : i32
      %add3A_42 = vector.broadcast %add3A_41 : i32 to vector<16xi32>
      %add3A_43 = arith.addi %add3A_42, %iota3A : vector<16xi32>
      %lt3A_44 = arith.constant 50 : i32
      %lt3A_45 = vector.broadcast %lt3A_44 : i32 to vector<16xi32>
      %lt3A_46 = arith.cmpi slt, %add3A_43, %lt3A_45 : vector<16xi32>
      %jit3A_47 = arith.constant 0.000000e+00 : f32
      %jit3A_48 = arith.constant 0x7F800000 : f32
      %broadcast_in_dim3A_49 = vector.broadcast %jit3A_47 : f32 to vector<16xf32>
      %broadcast_in_dim3A_50 = vector.broadcast %jit3A_48 : f32 to vector<16xf32>
      %select_n3A_51 = arith.select %lt3A_46, %broadcast_in_dim3A_49, %broadcast_in_dim3A_50 : vector<16xi1>, vector<16xf32>
      %swap3A_52 = arith.constant 48 : index
      %swap3A_53 = tpu.vector_load %arg12[%swap3A_52] {strides = array<i32>} : memref<64xf32, #tpu.memory_space<vmem>>, vector<16xf32>,
      tpu.vector_store %arg12[%swap3A_52], %select_n3A_51 {strides = array<i32>} : memref<64xf32, #tpu.memory_space<vmem>>, vector<16xf32>,
      %broadcast_in_dim3A_54 = arith.constant 0x7F800000 : f32
      %broadcast_in_dim3A_55 = vector.broadcast %broadcast_in_dim3A_54 : f32 to vector<16xf32>
      %swap3A_56 = arith.constant 288 : index
      %swap3A_57 = tpu.vector_load %arg11[%swap3A_56] {strides = array<i32>} : memref<304xf32, #tpu.memory_space<vmem>>, vector<16xf32>,
      tpu.vector_store %arg11[%swap3A_56], %broadcast_in_dim3A_55 {strides = array<i32>} : memref<304xf32, #tpu.memory_space<vmem>>, vector<16xf32>,
      %scan3A = arith.constant 0 : i32
      %scan3A_58 = arith.constant 0 : i32
      %scan3A_59 = arith.constant 300 : i32
      %scan3A_60 = arith.addi %scan3A_58, %scan3A_59 : i32
      %scan3A_61 = arith.constant 1 : i32
      %scan3A_62 = scf.for %scan3A_80 = %scan3A_58 to %scan3A_60 step %scan3A_61 iter_args(%scan3A_81 = %scan3A) -> (i32)  : i32 {
        %broadcast_in_dim3A_82 = vector.broadcast %scan3A_80 : i32 to vector<16xi32>
        %broadcast_in_dim3A_83 = arith.constant 0x7F800000 : f32
        %broadcast_in_dim3A_84 = vector.broadcast %broadcast_in_dim3A_83 : f32 to vector<16xf32>
        %mul3A_85 = arith.constant 64 : i32
        %mul3A_86 = vector.broadcast %mul3A_85 : i32 to vector<16xi32>
        %mul3A_87 = arith.muli %broadcast_in_dim3A_82, %mul3A_86 : vector<16xi32>
        %add3A_88 = arith.constant 0 : i32
        %add3A_89 = vector.broadcast %add3A_88 : i32 to vector<16xi32>
        %add3A_90 = arith.addi %mul3A_87, %add3A_89 : vector<16xi32>
        %add3A_91 = arith.addi %add3A_90, %iota3A : vector<16xi32>
        %gather3A = tpu.vector_load_idx %arg7[%add3A_91] : memref<19200xf32, #tpu.memory_space<vmem>>[vector<16xi32>], vector<16xf32>,
        %min3A = arith.minimumf %broadcast_in_dim3A_84, %gather3A : vector<16xf32>
        %mul3A_92 = arith.constant 64 : i32
        %mul3A_93 = vector.broadcast %mul3A_92 : i32 to vector<16xi32>
        %mul3A_94 = arith.muli %broadcast_in_dim3A_82, %mul3A_93 : vector<16xi32>
        %add3A_95 = arith.constant 16 : i32
        %add3A_96 = vector.broadcast %add3A_95 : i32 to vector<16xi32>
        %add3A_97 = arith.addi %mul3A_94, %add3A_96 : vector<16xi32>
        %add3A_98 = arith.addi %add3A_97, %iota3A : vector<16xi32>
        %gather3A_99 = tpu.vector_load_idx %arg7[%add3A_98] : memref<19200xf32, #tpu.memory_space<vmem>>[vector<16xi32>], vector<16xf32>,
        %min3A_100 = arith.minimumf %min3A, %gather3A_99 : vector<16xf32>
        %mul3A_101 = arith.constant 64 : i32
        %mul3A_102 = vector.broadcast %mul3A_101 : i32 to vector<16xi32>
        %mul3A_103 = arith.muli %broadcast_in_dim3A_82, %mul3A_102 : vector<16xi32>
        %add3A_104 = arith.constant 32 : i32
        %add3A_105 = vector.broadcast %add3A_104 : i32 to vector<16xi32>
        %add3A_106 = arith.addi %mul3A_103, %add3A_105 : vector<16xi32>
        %add3A_107 = arith.addi %add3A_106, %iota3A : vector<16xi32>
        %gather3A_108 = tpu.vector_load_idx %arg7[%add3A_107] : memref<19200xf32, #tpu.memory_space<vmem>>[vector<16xi32>], vector<16xf32>,
        %min3A_109 = arith.minimumf %min3A_100, %gather3A_108 : vector<16xf32>
        %mul3A_110 = arith.constant 64 : i32
        %mul3A_111 = vector.broadcast %mul3A_110 : i32 to vector<16xi32>
        %mul3A_112 = arith.muli %broadcast_in_dim3A_82, %mul3A_111 : vector<16xi32>
        %add3A_113 = arith.constant 48 : i32
        %add3A_114 = vector.broadcast %add3A_113 : i32 to vector<16xi32>
        %add3A_115 = arith.addi %mul3A_112, %add3A_114 : vector<16xi32>
        %add3A_116 = arith.addi %add3A_115, %iota3A : vector<16xi32>
        %gather3A_117 = tpu.vector_load_idx %arg7[%add3A_116] : memref<19200xf32, #tpu.memory_space<vmem>>[vector<16xi32>], vector<16xf32>,
        %min3A_118 = arith.minimumf %min3A_109, %gather3A_117 : vector<16xf32>
        %reduce_min3A = arith.constant true
        %reduce_min3A_119 = vector.broadcast %reduce_min3A : i1 to vector<16xi1>
        %reduce_min3A_120 = tpu.scan <min>, %min3A_118 masked %reduce_min3A_119 : vector<16xf32>, vector<16xi1> -> vector<16xf32>
        %reduce_min3A_121 = vector.extract %reduce_min3A_120[15] : f32 from vector<16xf32>
        %broadcast_in_dim3A_122 = vector.broadcast %reduce_min3A_121 : f32 to vector<16xf32>
        tpu.vector_store_idx %arg11[%broadcast_in_dim3A_82], %broadcast_in_dim3A_122 masked %eq3A_2 : memref<304xf32, #tpu.memory_space<vmem>>[vector<16xi32>], vector<16xf32>, vector<16xi1>
        %scan3A_123 = arith.constant 0 : i32
        scf.yield %scan3A_123 : i32
      }
      %scan3A_63 = arith.constant 300 : i32
      %broadcast_in_dim3A_64 = arith.constant 0.000000e+00 : f32
      %broadcast_in_dim3A_65 = vector.broadcast %broadcast_in_dim3A_64 : f32 to vector<16xf32>
      %scan3A_66 = arith.constant 0 : i32
      %scan3A_67 = arith.constant 50 : i32
      %scan3A_68 = arith.addi %scan3A_66, %scan3A_67 : i32
      %scan3A_69 = arith.constant 1 : i32
      %scan3A_70:3 = scf.for %scan3A_80 = %scan3A_66 to %scan3A_68 step %scan3A_69 iter_args(%scan3A_81 = %broadcast_in_dim3A_65, %scan3A_82 = %broadcast_in_dim3A_65, %scan3A_83 = %broadcast_in_dim3A_65) -> (vector<16xf32>, vector<16xf32>, vector<16xf32>)  : i32 {
        %while3A = arith.constant 0 : i32
        %while3A_84 = arith.constant 0 : i32
        %while3A_85 = arith.constant 0 : i32
        %while3A_86:3 = scf.while (%while3A_102 = %while3A, %while3A_103 = %while3A_84, %while3A_104 = %while3A_85) : (i32, i32, i32) -> (i32, i32, i32) {
          %eq3A_105 = arith.constant 0 : i32
          %eq3A_106 = arith.cmpi eq, %while3A_102, %eq3A_105 : i32
          scf.condition(%eq3A_106) %while3A_102, %while3A_103, %while3A_104 : i32, i32, i32
        } do {
        ^bb0(%while3A_102: i32, %while3A_103: i32, %while3A_104: i32):
          %broadcast_in_dim3A_105 = arith.constant 0x7F800000 : f32
          %broadcast_in_dim3A_106 = vector.broadcast %broadcast_in_dim3A_105 : f32 to vector<16xf32>
          %broadcast_in_dim3A_107 = arith.constant 0 : i32
          %broadcast_in_dim3A_108 = vector.broadcast %broadcast_in_dim3A_107 : i32 to vector<16xi32>
          %get3A = arith.constant 0 : index
          %get3A_109 = tpu.vector_load %arg11[%get3A] {strides = array<i32>} : memref<304xf32, #tpu.memory_space<vmem>>, vector<16xf32>,
          %lt3A_110 = arith.cmpf olt, %get3A_109, %broadcast_in_dim3A_106 : vector<16xf32>
          %select_n3A_111 = arith.select %lt3A_110, %get3A_109, %broadcast_in_dim3A_106 : vector<16xi1>, vector<16xf32>
          %add3A_112 = arith.constant 0 : i32
          %add3A_113 = vector.broadcast %add3A_112 : i32 to vector<16xi32>
          %add3A_114 = arith.addi %add3A_113, %iota3A : vector<16xi32>
          %select_n3A_115 = arith.select %lt3A_110, %add3A_114, %broadcast_in_dim3A_108 : vector<16xi1>, vector<16xi32>
          %get3A_116 = arith.constant 16 : index
          %get3A_117 = tpu.vector_load %arg11[%get3A_116] {strides = array<i32>} : memref<304xf32, #tpu.memory_space<vmem>>, vector<16xf32>,
          %lt3A_118 = arith.cmpf olt, %get3A_117, %select_n3A_111 : vector<16xf32>
          %select_n3A_119 = arith.select %lt3A_118, %get3A_117, %select_n3A_111 : vector<16xi1>, vector<16xf32>
          %add3A_120 = arith.constant 16 : i32
          %add3A_121 = vector.broadcast %add3A_120 : i32 to vector<16xi32>
          %add3A_122 = arith.addi %add3A_121, %iota3A : vector<16xi32>
          %select_n3A_123 = arith.select %lt3A_118, %add3A_122, %select_n3A_115 : vector<16xi1>, vector<16xi32>
          %get3A_124 = arith.constant 32 : index
          %get3A_125 = tpu.vector_load %arg11[%get3A_124] {strides = array<i32>} : memref<304xf32, #tpu.memory_space<vmem>>, vector<16xf32>,
          %lt3A_126 = arith.cmpf olt, %get3A_125, %select_n3A_119 : vector<16xf32>
          %select_n3A_127 = arith.select %lt3A_126, %get3A_125, %select_n3A_119 : vector<16xi1>, vector<16xf32>
          %add3A_128 = arith.constant 32 : i32
          %add3A_129 = vector.broadcast %add3A_128 : i32 to vector<16xi32>
          %add3A_130 = arith.addi %add3A_129, %iota3A : vector<16xi32>
          %select_n3A_131 = arith.select %lt3A_126, %add3A_130, %select_n3A_123 : vector<16xi1>, vector<16xi32>
          %get3A_132 = arith.constant 48 : index
          %get3A_133 = tpu.vector_load %arg11[%get3A_132] {strides = array<i32>} : memref<304xf32, #tpu.memory_space<vmem>>, vector<16xf32>,
          %lt3A_134 = arith.cmpf olt, %get3A_133, %select_n3A_127 : vector<16xf32>
          %select_n3A_135 = arith.select %lt3A_134, %get3A_133, %select_n3A_127 : vector<16xi1>, vector<16xf32>
          %add3A_136 = arith.constant 48 : i32
          %add3A_137 = vector.broadcast %add3A_136 : i32 to vector<16xi32>
          %add3A_138 = arith.addi %add3A_137, %iota3A : vector<16xi32>
          %select_n3A_139 = arith.select %lt3A_134, %add3A_138, %select_n3A_131 : vector<16xi1>, vector<16xi32>
          %get3A_140 = arith.constant 64 : index
          %get3A_141 = tpu.vector_load %arg11[%get3A_140] {strides = array<i32>} : memref<304xf32, #tpu.memory_space<vmem>>, vector<16xf32>,
          %lt3A_142 = arith.cmpf olt, %get3A_141, %select_n3A_135 : vector<16xf32>
          %select_n3A_143 = arith.select %lt3A_142, %get3A_141, %select_n3A_135 : vector<16xi1>, vector<16xf32>
          %add3A_144 = arith.constant 64 : i32
          %add3A_145 = vector.broadcast %add3A_144 : i32 to vector<16xi32>
          %add3A_146 = arith.addi %add3A_145, %iota3A : vector<16xi32>
          %select_n3A_147 = arith.select %lt3A_142, %add3A_146, %select_n3A_139 : vector<16xi1>, vector<16xi32>
          %get3A_148 = arith.constant 80 : index
          %get3A_149 = tpu.vector_load %arg11[%get3A_148] {strides = array<i32>} : memref<304xf32, #tpu.memory_space<vmem>>, vector<16xf32>,
          %lt3A_150 = arith.cmpf olt, %get3A_149, %select_n3A_143 : vector<16xf32>
          %select_n3A_151 = arith.select %lt3A_150, %get3A_149, %select_n3A_143 : vector<16xi1>, vector<16xf32>
          %add3A_152 = arith.constant 80 : i32
          %add3A_153 = vector.broadcast %add3A_152 : i32 to vector<16xi32>
          %add3A_154 = arith.addi %add3A_153, %iota3A : vector<16xi32>
          %select_n3A_155 = arith.select %lt3A_150, %add3A_154, %select_n3A_147 : vector<16xi1>, vector<16xi32>
          %get3A_156 = arith.constant 96 : index
          %get3A_157 = tpu.vector_load %arg11[%get3A_156] {strides = array<i32>} : memref<304xf32, #tpu.memory_space<vmem>>, vector<16xf32>,
          %lt3A_158 = arith.cmpf olt, %get3A_157, %select_n3A_151 : vector<16xf32>
          %select_n3A_159 = arith.select %lt3A_158, %get3A_157, %select_n3A_151 : vector<16xi1>, vector<16xf32>
          %add3A_160 = arith.constant 96 : i32
          %add3A_161 = vector.broadcast %add3A_160 : i32 to vector<16xi32>
          %add3A_162 = arith.addi %add3A_161, %iota3A : vector<16xi32>
          %select_n3A_163 = arith.select %lt3A_158, %add3A_162, %select_n3A_155 : vector<16xi1>, vector<16xi32>
          %get3A_164 = arith.constant 112 : index
          %get3A_165 = tpu.vector_load %arg11[%get3A_164] {strides = array<i32>} : memref<304xf32, #tpu.memory_space<vmem>>, vector<16xf32>,
          %lt3A_166 = arith.cmpf olt, %get3A_165, %select_n3A_159 : vector<16xf32>
          %select_n3A_167 = arith.select %lt3A_166, %get3A_165, %select_n3A_159 : vector<16xi1>, vector<16xf32>
          %add3A_168 = arith.constant 112 : i32
          %add3A_169 = vector.broadcast %add3A_168 : i32 to vector<16xi32>
          %add3A_170 = arith.addi %add3A_169, %iota3A : vector<16xi32>
          %select_n3A_171 = arith.select %lt3A_166, %add3A_170, %select_n3A_163 : vector<16xi1>, vector<16xi32>
          %get3A_172 = arith.constant 128 : index
          %get3A_173 = tpu.vector_load %arg11[%get3A_172] {strides = array<i32>} : memref<304xf32, #tpu.memory_space<vmem>>, vector<16xf32>,
          %lt3A_174 = arith.cmpf olt, %get3A_173, %select_n3A_167 : vector<16xf32>
          %select_n3A_175 = arith.select %lt3A_174, %get3A_173, %select_n3A_167 : vector<16xi1>, vector<16xf32>
          %add3A_176 = arith.constant 128 : i32
          %add3A_177 = vector.broadcast %add3A_176 : i32 to vector<16xi32>
          %add3A_178 = arith.addi %add3A_177, %iota3A : vector<16xi32>
          %select_n3A_179 = arith.select %lt3A_174, %add3A_178, %select_n3A_171 : vector<16xi1>, vector<16xi32>
          %get3A_180 = arith.constant 144 : index
          %get3A_181 = tpu.vector_load %arg11[%get3A_180] {strides = array<i32>} : memref<304xf32, #tpu.memory_space<vmem>>, vector<16xf32>,
          %lt3A_182 = arith.cmpf olt, %get3A_181, %select_n3A_175 : vector<16xf32>
          %select_n3A_183 = arith.select %lt3A_182, %get3A_181, %select_n3A_175 : vector<16xi1>, vector<16xf32>
          %add3A_184 = arith.constant 144 : i32
          %add3A_185 = vector.broadcast %add3A_184 : i32 to vector<16xi32>
          %add3A_186 = arith.addi %add3A_185, %iota3A : vector<16xi32>
          %select_n3A_187 = arith.select %lt3A_182, %add3A_186, %select_n3A_179 : vector<16xi1>, vector<16xi32>
          %get3A_188 = arith.constant 160 : index
          %get3A_189 = tpu.vector_load %arg11[%get3A_188] {strides = array<i32>} : memref<304xf32, #tpu.memory_space<vmem>>, vector<16xf32>,
          %lt3A_190 = arith.cmpf olt, %get3A_189, %select_n3A_183 : vector<16xf32>
          %select_n3A_191 = arith.select %lt3A_190, %get3A_189, %select_n3A_183 : vector<16xi1>, vector<16xf32>
          %add3A_192 = arith.constant 160 : i32
          %add3A_193 = vector.broadcast %add3A_192 : i32 to vector<16xi32>
          %add3A_194 = arith.addi %add3A_193, %iota3A : vector<16xi32>
          %select_n3A_195 = arith.select %lt3A_190, %add3A_194, %select_n3A_187 : vector<16xi1>, vector<16xi32>
          %get3A_196 = arith.constant 176 : index
          %get3A_197 = tpu.vector_load %arg11[%get3A_196] {strides = array<i32>} : memref<304xf32, #tpu.memory_space<vmem>>, vector<16xf32>,
          %lt3A_198 = arith.cmpf olt, %get3A_197, %select_n3A_191 : vector<16xf32>
          %select_n3A_199 = arith.select %lt3A_198, %get3A_197, %select_n3A_191 : vector<16xi1>, vector<16xf32>
          %add3A_200 = arith.constant 176 : i32
          %add3A_201 = vector.broadcast %add3A_200 : i32 to vector<16xi32>
          %add3A_202 = arith.addi %add3A_201, %iota3A : vector<16xi32>
          %select_n3A_203 = arith.select %lt3A_198, %add3A_202, %select_n3A_195 : vector<16xi1>, vector<16xi32>
          %get3A_204 = arith.constant 192 : index
          %get3A_205 = tpu.vector_load %arg11[%get3A_204] {strides = array<i32>} : memref<304xf32, #tpu.memory_space<vmem>>, vector<16xf32>,
          %lt3A_206 = arith.cmpf olt, %get3A_205, %select_n3A_199 : vector<16xf32>
          %select_n3A_207 = arith.select %lt3A_206, %get3A_205, %select_n3A_199 : vector<16xi1>, vector<16xf32>
          %add3A_208 = arith.constant 192 : i32
          %add3A_209 = vector.broadcast %add3A_208 : i32 to vector<16xi32>
          %add3A_210 = arith.addi %add3A_209, %iota3A : vector<16xi32>
          %select_n3A_211 = arith.select %lt3A_206, %add3A_210, %select_n3A_203 : vector<16xi1>, vector<16xi32>
          %get3A_212 = arith.constant 208 : index
          %get3A_213 = tpu.vector_load %arg11[%get3A_212] {strides = array<i32>} : memref<304xf32, #tpu.memory_space<vmem>>, vector<16xf32>,
          %lt3A_214 = arith.cmpf olt, %get3A_213, %select_n3A_207 : vector<16xf32>
          %select_n3A_215 = arith.select %lt3A_214, %get3A_213, %select_n3A_207 : vector<16xi1>, vector<16xf32>
          %add3A_216 = arith.constant 208 : i32
          %add3A_217 = vector.broadcast %add3A_216 : i32 to vector<16xi32>
          %add3A_218 = arith.addi %add3A_217, %iota3A : vector<16xi32>
          %select_n3A_219 = arith.select %lt3A_214, %add3A_218, %select_n3A_211 : vector<16xi1>, vector<16xi32>
          %get3A_220 = arith.constant 224 : index
          %get3A_221 = tpu.vector_load %arg11[%get3A_220] {strides = array<i32>} : memref<304xf32, #tpu.memory_space<vmem>>, vector<16xf32>,
          %lt3A_222 = arith.cmpf olt, %get3A_221, %select_n3A_215 : vector<16xf32>
          %select_n3A_223 = arith.select %lt3A_222, %get3A_221, %select_n3A_215 : vector<16xi1>, vector<16xf32>
          %add3A_224 = arith.constant 224 : i32
          %add3A_225 = vector.broadcast %add3A_224 : i32 to vector<16xi32>
          %add3A_226 = arith.addi %add3A_225, %iota3A : vector<16xi32>
          %select_n3A_227 = arith.select %lt3A_222, %add3A_226, %select_n3A_219 : vector<16xi1>, vector<16xi32>
          %get3A_228 = arith.constant 240 : index
          %get3A_229 = tpu.vector_load %arg11[%get3A_228] {strides = array<i32>} : memref<304xf32, #tpu.memory_space<vmem>>, vector<16xf32>,
          %lt3A_230 = arith.cmpf olt, %get3A_229, %select_n3A_223 : vector<16xf32>
          %select_n3A_231 = arith.select %lt3A_230, %get3A_229, %select_n3A_223 : vector<16xi1>, vector<16xf32>
          %add3A_232 = arith.constant 240 : i32
          %add3A_233 = vector.broadcast %add3A_232 : i32 to vector<16xi32>
          %add3A_234 = arith.addi %add3A_233, %iota3A : vector<16xi32>
          %select_n3A_235 = arith.select %lt3A_230, %add3A_234, %select_n3A_227 : vector<16xi1>, vector<16xi32>
          %get3A_236 = arith.constant 256 : index
          %get3A_237 = tpu.vector_load %arg11[%get3A_236] {strides = array<i32>} : memref<304xf32, #tpu.memory_space<vmem>>, vector<16xf32>,
          %lt3A_238 = arith.cmpf olt, %get3A_237, %select_n3A_231 : vector<16xf32>
          %select_n3A_239 = arith.select %lt3A_238, %get3A_237, %select_n3A_231 : vector<16xi1>, vector<16xf32>
          %add3A_240 = arith.constant 256 : i32
          %add3A_241 = vector.broadcast %add3A_240 : i32 to vector<16xi32>
          %add3A_242 = arith.addi %add3A_241, %iota3A : vector<16xi32>
          %select_n3A_243 = arith.select %lt3A_238, %add3A_242, %select_n3A_235 : vector<16xi1>, vector<16xi32>
          %get3A_244 = arith.constant 272 : index
          %get3A_245 = tpu.vector_load %arg11[%get3A_244] {strides = array<i32>} : memref<304xf32, #tpu.memory_space<vmem>>, vector<16xf32>,
          %lt3A_246 = arith.cmpf olt, %get3A_245, %select_n3A_239 : vector<16xf32>
          %select_n3A_247 = arith.select %lt3A_246, %get3A_245, %select_n3A_239 : vector<16xi1>, vector<16xf32>
          %add3A_248 = arith.constant 272 : i32
          %add3A_249 = vector.broadcast %add3A_248 : i32 to vector<16xi32>
          %add3A_250 = arith.addi %add3A_249, %iota3A : vector<16xi32>
          %select_n3A_251 = arith.select %lt3A_246, %add3A_250, %select_n3A_243 : vector<16xi1>, vector<16xi32>
          %get3A_252 = arith.constant 288 : index
          %get3A_253 = tpu.vector_load %arg11[%get3A_252] {strides = array<i32>} : memref<304xf32, #tpu.memory_space<vmem>>, vector<16xf32>,
          %lt3A_254 = arith.cmpf olt, %get3A_253, %select_n3A_247 : vector<16xf32>
          %select_n3A_255 = arith.select %lt3A_254, %get3A_253, %select_n3A_247 : vector<16xi1>, vector<16xf32>
          %add3A_256 = arith.constant 288 : i32
          %add3A_257 = vector.broadcast %add3A_256 : i32 to vector<16xi32>
          %add3A_258 = arith.addi %add3A_257, %iota3A : vector<16xi32>
          %select_n3A_259 = arith.select %lt3A_254, %add3A_258, %select_n3A_251 : vector<16xi1>, vector<16xi32>
          %reduce_min3A = arith.constant true
          %reduce_min3A_260 = vector.broadcast %reduce_min3A : i1 to vector<16xi1>
          %reduce_min3A_261 = tpu.scan <min>, %select_n3A_255 masked %reduce_min3A_260 : vector<16xf32>, vector<16xi1> -> vector<16xf32>
          %reduce_min3A_262 = vector.extract %reduce_min3A_261[15] : f32 from vector<16xf32>
          %eq3A_263 = vector.broadcast %reduce_min3A_262 : f32 to vector<16xf32>
          %eq3A_264 = arith.cmpf oeq, %select_n3A_255, %eq3A_263 : vector<16xf32>
          %broadcast_in_dim3A_265 = vector.broadcast %cond3A : i32 to vector<16xi32>
          %select_n3A_266 = arith.select %eq3A_264, %select_n3A_259, %broadcast_in_dim3A_265 : vector<16xi1>, vector<16xi32>
          %reduce_min3A_267 = arith.constant true
          %reduce_min3A_268 = vector.broadcast %reduce_min3A_267 : i1 to vector<16xi1>
          %reduce_min3A_269 = arith.constant -2147483648 : i32
          %reduce_min3A_270 = vector.broadcast %reduce_min3A_269 : i32 to vector<16xi32>
          %reduce_min3A_271 = arith.xori %select_n3A_266, %reduce_min3A_270 : vector<16xi32>
          %reduce_min3A_272 = tpu.scan <min>, %reduce_min3A_271 masked %reduce_min3A_268 : vector<16xi32>, vector<16xi1> -> vector<16xi32>
          %reduce_min3A_273 = arith.xori %reduce_min3A_272, %reduce_min3A_270 : vector<16xi32>
          %reduce_min3A_274 = vector.extract %reduce_min3A_273[15] : i32 from vector<16xi32>
          %broadcast_in_dim3A_275 = vector.broadcast %reduce_min3A_274 : i32 to vector<16xi32>
          %broadcast_in_dim3A_276 = arith.constant 0x7F800000 : f32
          %broadcast_in_dim3A_277 = vector.broadcast %broadcast_in_dim3A_276 : f32 to vector<16xf32>
          %broadcast_in_dim3A_278 = arith.constant 0 : i32
          %broadcast_in_dim3A_279 = vector.broadcast %broadcast_in_dim3A_278 : i32 to vector<16xi32>
          %mul3A_280 = arith.constant 64 : i32
          %mul3A_281 = vector.broadcast %mul3A_280 : i32 to vector<16xi32>
          %mul3A_282 = arith.muli %broadcast_in_dim3A_275, %mul3A_281 : vector<16xi32>
          %add3A_283 = arith.constant 0 : i32
          %add3A_284 = vector.broadcast %add3A_283 : i32 to vector<16xi32>
          %add3A_285 = arith.addi %mul3A_282, %add3A_284 : vector<16xi32>
          %add3A_286 = arith.addi %add3A_285, %iota3A : vector<16xi32>
          %gather3A_287 = tpu.vector_load_idx %arg7[%add3A_286] : memref<19200xf32, #tpu.memory_space<vmem>>[vector<16xi32>], vector<16xf32>,
          %get3A_288 = arith.constant 0 : index
          %get3A_289 = tpu.vector_load %arg12[%get3A_288] {strides = array<i32>} : memref<64xf32, #tpu.memory_space<vmem>>, vector<16xf32>,
          %add3A_290 = arith.addf %gather3A_287, %get3A_289 : vector<16xf32>
          %lt3A_291 = arith.cmpf olt, %add3A_290, %broadcast_in_dim3A_277 : vector<16xf32>
          %select_n3A_292 = arith.select %lt3A_291, %add3A_290, %broadcast_in_dim3A_277 : vector<16xi1>, vector<16xf32>
          %add3A_293 = arith.constant 0 : i32
          %add3A_294 = vector.broadcast %add3A_293 : i32 to vector<16xi32>
          %add3A_295 = arith.addi %add3A_294, %iota3A : vector<16xi32>
          %select_n3A_296 = arith.select %lt3A_291, %add3A_295, %broadcast_in_dim3A_279 : vector<16xi1>, vector<16xi32>
          %mul3A_297 = arith.constant 64 : i32
          %mul3A_298 = vector.broadcast %mul3A_297 : i32 to vector<16xi32>
          %mul3A_299 = arith.muli %broadcast_in_dim3A_275, %mul3A_298 : vector<16xi32>
          %add3A_300 = arith.constant 16 : i32
          %add3A_301 = vector.broadcast %add3A_300 : i32 to vector<16xi32>
          %add3A_302 = arith.addi %mul3A_299, %add3A_301 : vector<16xi32>
          %add3A_303 = arith.addi %add3A_302, %iota3A : vector<16xi32>
          %gather3A_304 = tpu.vector_load_idx %arg7[%add3A_303] : memref<19200xf32, #tpu.memory_space<vmem>>[vector<16xi32>], vector<16xf32>,
          %get3A_305 = arith.constant 16 : index
          %get3A_306 = tpu.vector_load %arg12[%get3A_305] {strides = array<i32>} : memref<64xf32, #tpu.memory_space<vmem>>, vector<16xf32>,
          %add3A_307 = arith.addf %gather3A_304, %get3A_306 : vector<16xf32>
          %lt3A_308 = arith.cmpf olt, %add3A_307, %select_n3A_292 : vector<16xf32>
          %select_n3A_309 = arith.select %lt3A_308, %add3A_307, %select_n3A_292 : vector<16xi1>, vector<16xf32>
          %add3A_310 = arith.constant 16 : i32
          %add3A_311 = vector.broadcast %add3A_310 : i32 to vector<16xi32>
          %add3A_312 = arith.addi %add3A_311, %iota3A : vector<16xi32>
          %select_n3A_313 = arith.select %lt3A_308, %add3A_312, %select_n3A_296 : vector<16xi1>, vector<16xi32>
          %mul3A_314 = arith.constant 64 : i32
          %mul3A_315 = vector.broadcast %mul3A_314 : i32 to vector<16xi32>
          %mul3A_316 = arith.muli %broadcast_in_dim3A_275, %mul3A_315 : vector<16xi32>
          %add3A_317 = arith.constant 32 : i32
          %add3A_318 = vector.broadcast %add3A_317 : i32 to vector<16xi32>
          %add3A_319 = arith.addi %mul3A_316, %add3A_318 : vector<16xi32>
          %add3A_320 = arith.addi %add3A_319, %iota3A : vector<16xi32>
          %gather3A_321 = tpu.vector_load_idx %arg7[%add3A_320] : memref<19200xf32, #tpu.memory_space<vmem>>[vector<16xi32>], vector<16xf32>,
          %get3A_322 = arith.constant 32 : index
          %get3A_323 = tpu.vector_load %arg12[%get3A_322] {strides = array<i32>} : memref<64xf32, #tpu.memory_space<vmem>>, vector<16xf32>,
          %add3A_324 = arith.addf %gather3A_321, %get3A_323 : vector<16xf32>
          %lt3A_325 = arith.cmpf olt, %add3A_324, %select_n3A_309 : vector<16xf32>
          %select_n3A_326 = arith.select %lt3A_325, %add3A_324, %select_n3A_309 : vector<16xi1>, vector<16xf32>
          %add3A_327 = arith.constant 32 : i32
          %add3A_328 = vector.broadcast %add3A_327 : i32 to vector<16xi32>
          %add3A_329 = arith.addi %add3A_328, %iota3A : vector<16xi32>
          %select_n3A_330 = arith.select %lt3A_325, %add3A_329, %select_n3A_313 : vector<16xi1>, vector<16xi32>
          %mul3A_331 = arith.constant 64 : i32
          %mul3A_332 = vector.broadcast %mul3A_331 : i32 to vector<16xi32>
          %mul3A_333 = arith.muli %broadcast_in_dim3A_275, %mul3A_332 : vector<16xi32>
          %add3A_334 = arith.constant 48 : i32
          %add3A_335 = vector.broadcast %add3A_334 : i32 to vector<16xi32>
          %add3A_336 = arith.addi %mul3A_333, %add3A_335 : vector<16xi32>
          %add3A_337 = arith.addi %add3A_336, %iota3A : vector<16xi32>
          %gather3A_338 = tpu.vector_load_idx %arg7[%add3A_337] : memref<19200xf32, #tpu.memory_space<vmem>>[vector<16xi32>], vector<16xf32>,
          %get3A_339 = arith.constant 48 : index
          %get3A_340 = tpu.vector_load %arg12[%get3A_339] {strides = array<i32>} : memref<64xf32, #tpu.memory_space<vmem>>, vector<16xf32>,
          %add3A_341 = arith.addf %gather3A_338, %get3A_340 : vector<16xf32>
          %lt3A_342 = arith.cmpf olt, %add3A_341, %select_n3A_326 : vector<16xf32>
          %select_n3A_343 = arith.select %lt3A_342, %add3A_341, %select_n3A_326 : vector<16xi1>, vector<16xf32>
          %add3A_344 = arith.constant 48 : i32
          %add3A_345 = vector.broadcast %add3A_344 : i32 to vector<16xi32>
          %add3A_346 = arith.addi %add3A_345, %iota3A : vector<16xi32>
          %select_n3A_347 = arith.select %lt3A_342, %add3A_346, %select_n3A_330 : vector<16xi1>, vector<16xi32>
          %reduce_min3A_348 = arith.constant true
          %reduce_min3A_349 = vector.broadcast %reduce_min3A_348 : i1 to vector<16xi1>
          %reduce_min3A_350 = tpu.scan <min>, %select_n3A_343 masked %reduce_min3A_349 : vector<16xf32>, vector<16xi1> -> vector<16xf32>
          %reduce_min3A_351 = vector.extract %reduce_min3A_350[15] : f32 from vector<16xf32>
          %eq3A_352 = vector.broadcast %reduce_min3A_351 : f32 to vector<16xf32>
          %eq3A_353 = arith.cmpf oeq, %select_n3A_343, %eq3A_352 : vector<16xf32>
          %broadcast_in_dim3A_354 = vector.broadcast %cond3A : i32 to vector<16xi32>
          %select_n3A_355 = arith.select %eq3A_353, %select_n3A_347, %broadcast_in_dim3A_354 : vector<16xi1>, vector<16xi32>
          %reduce_min3A_356 = arith.constant true
          %reduce_min3A_357 = vector.broadcast %reduce_min3A_356 : i1 to vector<16xi1>
          %reduce_min3A_358 = arith.constant -2147483648 : i32
          %reduce_min3A_359 = vector.broadcast %reduce_min3A_358 : i32 to vector<16xi32>
          %reduce_min3A_360 = arith.xori %select_n3A_355, %reduce_min3A_359 : vector<16xi32>
          %reduce_min3A_361 = tpu.scan <min>, %reduce_min3A_360 masked %reduce_min3A_357 : vector<16xi32>, vector<16xi1> -> vector<16xi32>
          %reduce_min3A_362 = arith.xori %reduce_min3A_361, %reduce_min3A_359 : vector<16xi32>
          %reduce_min3A_363 = vector.extract %reduce_min3A_362[15] : i32 from vector<16xi32>
          %broadcast_in_dim3A_364 = vector.broadcast %reduce_min3A_274 : i32 to vector<16xi32>
          %gather3A_365 = tpu.vector_load_idx %arg11[%broadcast_in_dim3A_364] : memref<304xf32, #tpu.memory_space<vmem>>[vector<16xi32>], vector<16xf32>,
          %reduce_min3A_366 = arith.constant true
          %reduce_min3A_367 = vector.broadcast %reduce_min3A_366 : i1 to vector<16xi1>
          %reduce_min3A_368 = tpu.scan <min>, %gather3A_365 masked %reduce_min3A_367 : vector<16xf32>, vector<16xi1> -> vector<16xf32>
          %reduce_min3A_369 = vector.extract %reduce_min3A_368[15] : f32 from vector<16xf32>
          %gt3A = arith.cmpf ogt, %reduce_min3A_351, %reduce_min3A_369 : f32
          %convert_element_type3A_370 = arith.extui %gt3A : i1 to i32
          %cond3A_371 = arith.constant 0 : i32
          %cond3A_372 = arith.cmpi ne, %convert_element_type3A_370, %cond3A_371 : i32
          scf.if %cond3A_372 {
            %broadcast_in_dim3A_376 = vector.broadcast %reduce_min3A_351 : f32 to vector<16xf32>
            tpu.vector_store_idx %arg11[%broadcast_in_dim3A_364], %broadcast_in_dim3A_376 masked %eq3A_2 : memref<304xf32, #tpu.memory_space<vmem>>[vector<16xi32>], vector<16xf32>, vector<16xi1>
          } else {
          }
          %jit3A_373 = arith.constant 0 : i32
          %jit3A_374 = arith.constant 1 : i32
          %select_n3A_375 = arith.select %gt3A, %jit3A_373, %jit3A_374 : i32
          scf.yield %select_n3A_375, %reduce_min3A_274, %reduce_min3A_363 : i32, i32, i32
        }
        %broadcast_in_dim3A_87 = vector.broadcast %while3A_86#1 : i32 to vector<16xi32>
        %broadcast_in_dim3A_88 = vector.broadcast %while3A_86#2 : i32 to vector<16xi32>
        %mul3A_89 = arith.constant 64 : i32
        %mul3A_90 = vector.broadcast %mul3A_89 : i32 to vector<16xi32>
        %mul3A_91 = arith.muli %broadcast_in_dim3A_87, %mul3A_90 : vector<16xi32>
        %add3A_92 = arith.addi %mul3A_91, %broadcast_in_dim3A_88 : vector<16xi32>
        %gather3A = tpu.vector_load_idx %arg8[%add3A_92] : memref<19200xf32, #tpu.memory_space<vmem>>[vector<16xi32>], vector<16xf32>,
        %add3A_93 = arith.addf %scan3A_81, %gather3A : vector<16xf32>
        %gather3A_94 = tpu.vector_load_idx %arg9[%add3A_92] : memref<19200xf32, #tpu.memory_space<vmem>>[vector<16xi32>], vector<16xf32>,
        %add3A_95 = arith.addf %scan3A_82, %gather3A_94 : vector<16xf32>
        %gather3A_96 = tpu.vector_load_idx %arg10[%add3A_92] : memref<19200xf32, #tpu.memory_space<vmem>>[vector<16xi32>], vector<16xf32>,
        %add3A_97 = arith.addf %scan3A_83, %gather3A_96 : vector<16xf32>
        %broadcast_in_dim3A_98 = arith.constant 0x7F800000 : f32
        %broadcast_in_dim3A_99 = vector.broadcast %broadcast_in_dim3A_98 : f32 to vector<16xf32>
        tpu.vector_store_idx %arg11[%broadcast_in_dim3A_87], %broadcast_in_dim3A_99 masked %eq3A_2 : memref<304xf32, #tpu.memory_space<vmem>>[vector<16xi32>], vector<16xf32>, vector<16xi1>
        %broadcast_in_dim3A_100 = arith.constant 0x7F800000 : f32
        %broadcast_in_dim3A_101 = vector.broadcast %broadcast_in_dim3A_100 : f32 to vector<16xf32>
        tpu.vector_store_idx %arg12[%broadcast_in_dim3A_88], %broadcast_in_dim3A_101 masked %eq3A_2 : memref<64xf32, #tpu.memory_space<vmem>>[vector<16xi32>], vector<16xf32>, vector<16xi1>
        scf.yield %add3A_93, %add3A_95, %add3A_97 : vector<16xf32>, vector<16xf32>, vector<16xf32>
      }
      %scan3A_71 = arith.constant 50 : i32
      %swap3A_72 = arith.constant 0 : index
      %swap3A_73 = tpu.vector_load %arg13[%swap3A_72] {strides = array<i32>} : memref<64xf32, #tpu.memory_space<vmem>>, vector<16xf32>,
      tpu.vector_store %arg13[%swap3A_72], %scan3A_70#0 {strides = array<i32>} : memref<64xf32, #tpu.memory_space<vmem>>, vector<16xf32>,
      %swap3A_74 = arith.constant 16 : index
      %swap3A_75 = tpu.vector_load %arg13[%swap3A_74] {strides = array<i32>} : memref<64xf32, #tpu.memory_space<vmem>>, vector<16xf32>,
      tpu.vector_store %arg13[%swap3A_74], %scan3A_70#1 {strides = array<i32>} : memref<64xf32, #tpu.memory_space<vmem>>, vector<16xf32>,
      %swap3A_76 = arith.constant 32 : index
      %swap3A_77 = tpu.vector_load %arg13[%swap3A_76] {strides = array<i32>} : memref<64xf32, #tpu.memory_space<vmem>>, vector<16xf32>,
      tpu.vector_store %arg13[%swap3A_76], %scan3A_70#2 {strides = array<i32>} : memref<64xf32, #tpu.memory_space<vmem>>, vector<16xf32>,
      %swap3A_78 = arith.constant 48 : index
      %swap3A_79 = tpu.vector_load %arg13[%swap3A_78] {strides = array<i32>} : memref<64xf32, #tpu.memory_space<vmem>>, vector<16xf32>,
      tpu.vector_store %arg13[%swap3A_78], %broadcast_in_dim3A_65 {strides = array<i32>} : memref<64xf32, #tpu.memory_space<vmem>>, vector<16xf32>,
      "tpu.region"() ({
        %run_scoped3A = tpu.sem_alloc : memref<!tpu.dma_semaphore, #tpu.memory_space<semaphore_mem>>
        %dma_start3A = arith.constant 0 : i32
        %dma_start3A_80 = tpu.memref_slice %arg6[%add3A, %dma_start3A] : memref<16x64xf32, #tpu.memory_space<hbm>> -> memref<1x64xf32, #tpu.memory_space<hbm>>
        %dma_start3A_81 = tpu.memref_squeeze %dma_start3A_80 : memref<1x64xf32, #tpu.memory_space<hbm>> -> memref<64xf32, #tpu.memory_space<hbm>>
        %dma_start3A_82 = arith.constant 0 : i32
        %dma_start3A_83 = tpu.memref_slice %arg6[%add3A, %dma_start3A_82] : memref<16x64xf32, #tpu.memory_space<hbm>> -> memref<1x64xf32, #tpu.memory_space<hbm>>
        %dma_start3A_84 = tpu.memref_squeeze %dma_start3A_83 : memref<1x64xf32, #tpu.memory_space<hbm>> -> memref<64xf32, #tpu.memory_space<hbm>>
        tpu.enqueue_dma source(%arg13 : memref<64xf32, #tpu.memory_space<vmem>>) target(%dma_start3A_84 : memref<64xf32, #tpu.memory_space<hbm>>) target_semaphore(%run_scoped3A : memref<!tpu.dma_semaphore, #tpu.memory_space<semaphore_mem>>)
        %dma_wait3A = arith.constant 0 : i32
        %dma_wait3A_85 = tpu.memref_slice %arg6[%add3A, %dma_wait3A] : memref<16x64xf32, #tpu.memory_space<hbm>> -> memref<1x64xf32, #tpu.memory_space<hbm>>
        %dma_wait3A_86 = tpu.memref_squeeze %dma_wait3A_85 : memref<1x64xf32, #tpu.memory_space<hbm>> -> memref<64xf32, #tpu.memory_space<hbm>>
        %dma_wait3A_87 = arith.constant 0 : i32
        %dma_wait3A_88 = tpu.memref_slice %arg6[%add3A, %dma_wait3A_87] : memref<16x64xf32, #tpu.memory_space<hbm>> -> memref<1x64xf32, #tpu.memory_space<hbm>>
        %dma_wait3A_89 = tpu.memref_squeeze %dma_wait3A_88 : memref<1x64xf32, #tpu.memory_space<hbm>> -> memref<64xf32, #tpu.memory_space<hbm>>
        tpu.wait_dma2 semaphore(%run_scoped3A : memref<!tpu.dma_semaphore, #tpu.memory_space<semaphore_mem>>) src(%arg13 : memref<64xf32, #tpu.memory_space<vmem>>) dst(%dma_wait3A_89 : memref<64xf32, #tpu.memory_space<hbm>>)
        tpu.yield
      }) : () -> ()
    } else {
    }
    return
  }
}

module attributes {stable_mosaic.version = 14 : i64} {
  func.func @_build_body(%arg0: memref<16x300x4xf32, #tpu.memory_space<vmem>>, %arg1: memref<16x300x92xf32, #tpu.memory_space<vmem>>, %arg2: memref<16x4x64xf32, #tpu.memory_space<vmem>>, %arg3: memref<16x1x64xi32, #tpu.memory_space<vmem>>, %arg4: memref<16x300x64xf32, #tpu.memory_space<vmem>>, %arg5: memref<16x300x64xf32, #tpu.memory_space<vmem>>, %arg6: memref<16x300x64xf32, #tpu.memory_space<vmem>>, %arg7: memref<16x300x64xf32, #tpu.memory_space<vmem>>) attributes {dimension_semantics = [], scalar_prefetch = 0 : i64, scratch_operands = 0 : i64, tpu.core_type = #tpu.core_type<tc>} {
    %get3A = arith.constant 0 : index
    %get3A_0 = arith.constant 0 : index
    %get3A_1 = arith.constant 0 : index
    %get3A_2 = vector.load %arg1[%get3A, %get3A_0, %get3A_1] : memref<16x300x92xf32, #tpu.memory_space<vmem>>, vector<16x300x92xf32>
    %reduce_sum3A = arith.constant dense<0.000000e+00> : vector<16x300xf32>
    %reduce_sum3A_3 = vector.multi_reduction <add>, %get3A_2, %reduce_sum3A [2] : vector<16x300x92xf32> to vector<16x300xf32>
    %broadcast_in_dim3A = vector.shape_cast %reduce_sum3A_3 : vector<16x300xf32> to vector<16x300x1xf32>
    %reduce_max3A = arith.constant dense<0xFF800000> : vector<16x300xf32>
    %reduce_max3A_4 = vector.multi_reduction <maximumf>, %get3A_2, %reduce_max3A [2] : vector<16x300x92xf32> to vector<16x300xf32>
    %max3A = arith.constant 0xFF800000 : f32
    %max3A_5 = vector.broadcast %max3A : f32 to vector<16x300xf32>
    %max3A_6 = arith.maximumf %max3A_5, %reduce_max3A_4 : vector<16x300xf32>
    %broadcast_in_dim3A_7 = vector.shape_cast %max3A_6 : vector<16x300xf32> to vector<16x300x1xf32>
    %sub3A = vector.broadcast %broadcast_in_dim3A_7 : vector<16x300x1xf32> to vector<16x300x92xf32>
    %sub3A_8 = arith.subf %get3A_2, %sub3A : vector<16x300x92xf32>
    %exp3A = math.exp %sub3A_8 : vector<16x300x92xf32>
    %reduce_sum3A_9 = arith.constant dense<0.000000e+00> : vector<16x300xf32>
    %reduce_sum3A_10 = vector.multi_reduction <add>, %exp3A, %reduce_sum3A_9 [2] : vector<16x300x92xf32> to vector<16x300xf32>
    %broadcast_in_dim3A_11 = vector.shape_cast %reduce_sum3A_10 : vector<16x300xf32> to vector<16x300x1xf32>
    %div3A = vector.broadcast %broadcast_in_dim3A_11 : vector<16x300x1xf32> to vector<16x300x92xf32>
    %div3A_12 = arith.divf %exp3A, %div3A : vector<16x300x92xf32>
    %iota3A = tpu.iota {dimensions = array<i32: 1>} : vector<300x64xi32>
    %lt3A = arith.constant 50 : i32
    %lt3A_13 = vector.broadcast %lt3A : i32 to vector<300x64xi32>
    %lt3A_14 = arith.cmpi slt, %iota3A, %lt3A_13 : vector<300x64xi32>
    %slice3A = vector.extract_strided_slice %div3A_12 {offsets = [0, 0, 0], sizes = [1, 300, 92], strides = [1, 1, 1]} : vector<16x300x92xf32> to vector<1x300x92xf32>
    %squeeze3A = vector.shape_cast %slice3A : vector<1x300x92xf32> to vector<300x92xf32>
    %get3A_15 = arith.constant 0 : index
    %get3A_16 = arith.constant 0 : index
    %get3A_17 = arith.constant 0 : index
    %get3A_18 = vector.load %arg3[%get3A_15, %get3A_16, %get3A_17] : memref<16x1x64xi32, #tpu.memory_space<vmem>>, vector<1x1x64xi32>
    %get3A_19 = vector.shape_cast %get3A_18 : vector<1x1x64xi32> to vector<1x64xi32>
    %iota3A_20 = tpu.iota {dimensions = array<i32: 0>} : vector<92x64xi32>
    %eq3A = vector.broadcast %get3A_19 : vector<1x64xi32> to vector<92x64xi32>
    %eq3A_21 = arith.cmpi eq, %eq3A, %iota3A_20 : vector<92x64xi32>
    %convert_element_type3A = arith.extui %eq3A_21 : vector<92x64xi1> to vector<92x64xi32>
    %convert_element_type3A_22 = arith.sitofp %convert_element_type3A : vector<92x64xi32> to vector<92x64xf32>
    %dot_general3A = arith.constant dense<0.000000e+00> : vector<300x64xf32>
    %dot_general3A_23 = tpu.matmul %squeeze3A, %convert_element_type3A_22, %dot_general3A {dimension_numbers = #tpu.dot_dimension_numbers<[1], [0], [0], [1], [0, 0, 1, 1], [], []>, precision = #tpu.contract_precision<fp32>, transpose_lhs_hint = false} : vector<300x92xf32>, vector<92x64xf32>, vector<300x64xf32> -> vector<300x64xf32>
    %get3A_24 = arith.constant 0 : index
    %get3A_25 = arith.constant 0 : index
    %get3A_26 = arith.constant 0 : index
    %get3A_27 = vector.load %arg0[%get3A_24, %get3A_25, %get3A_26] : memref<16x300x4xf32, #tpu.memory_space<vmem>>, vector<1x300x4xf32>
    %get3A_28 = vector.shape_cast %get3A_27 : vector<1x300x4xf32> to vector<300x4xf32>
    %slice3A_29 = vector.extract_strided_slice %get3A_28 {offsets = [0, 0], sizes = [300, 1], strides = [1, 1]} : vector<300x4xf32> to vector<300x1xf32>
    %slice3A_30 = vector.extract_strided_slice %get3A_28 {offsets = [0, 1], sizes = [300, 1], strides = [1, 1]} : vector<300x4xf32> to vector<300x1xf32>
    %slice3A_31 = vector.extract_strided_slice %get3A_28 {offsets = [0, 2], sizes = [300, 1], strides = [1, 1]} : vector<300x4xf32> to vector<300x1xf32>
    %slice3A_32 = vector.extract_strided_slice %get3A_28 {offsets = [0, 3], sizes = [300, 1], strides = [1, 1]} : vector<300x4xf32> to vector<300x1xf32>
    %get3A_33 = arith.constant 0 : index
    %get3A_34 = arith.constant 0 : index
    %get3A_35 = arith.constant 0 : index
    %get3A_36 = vector.load %arg2[%get3A_33, %get3A_34, %get3A_35] : memref<16x4x64xf32, #tpu.memory_space<vmem>>, vector<1x4x64xf32>
    %get3A_37 = vector.shape_cast %get3A_36 : vector<1x4x64xf32> to vector<4x64xf32>
    %slice3A_38 = vector.extract_strided_slice %get3A_37 {offsets = [0, 0], sizes = [1, 64], strides = [1, 1]} : vector<4x64xf32> to vector<1x64xf32>
    %slice3A_39 = vector.extract_strided_slice %get3A_37 {offsets = [1, 0], sizes = [1, 64], strides = [1, 1]} : vector<4x64xf32> to vector<1x64xf32>
    %slice3A_40 = vector.extract_strided_slice %get3A_37 {offsets = [2, 0], sizes = [1, 64], strides = [1, 1]} : vector<4x64xf32> to vector<1x64xf32>
    %slice3A_41 = vector.extract_strided_slice %get3A_37 {offsets = [3, 0], sizes = [1, 64], strides = [1, 1]} : vector<4x64xf32> to vector<1x64xf32>
    %sub3A_42 = vector.broadcast %slice3A_29 : vector<300x1xf32> to vector<300x64xf32>
    %sub3A_43 = vector.broadcast %slice3A_38 : vector<1x64xf32> to vector<300x64xf32>
    %sub3A_44 = arith.subf %sub3A_42, %sub3A_43 : vector<300x64xf32>
    %abs3A = math.absf %sub3A_44 : vector<300x64xf32>
    %sub3A_45 = vector.broadcast %slice3A_30 : vector<300x1xf32> to vector<300x64xf32>
    %sub3A_46 = vector.broadcast %slice3A_39 : vector<1x64xf32> to vector<300x64xf32>
    %sub3A_47 = arith.subf %sub3A_45, %sub3A_46 : vector<300x64xf32>
    %abs3A_48 = math.absf %sub3A_47 : vector<300x64xf32>
    %add3A = arith.addf %abs3A, %abs3A_48 : vector<300x64xf32>
    %sub3A_49 = vector.broadcast %slice3A_31 : vector<300x1xf32> to vector<300x64xf32>
    %sub3A_50 = vector.broadcast %slice3A_40 : vector<1x64xf32> to vector<300x64xf32>
    %sub3A_51 = arith.subf %sub3A_49, %sub3A_50 : vector<300x64xf32>
    %abs3A_52 = math.absf %sub3A_51 : vector<300x64xf32>
    %add3A_53 = arith.addf %add3A, %abs3A_52 : vector<300x64xf32>
    %sub3A_54 = vector.broadcast %slice3A_32 : vector<300x1xf32> to vector<300x64xf32>
    %sub3A_55 = vector.broadcast %slice3A_41 : vector<1x64xf32> to vector<300x64xf32>
    %sub3A_56 = arith.subf %sub3A_54, %sub3A_55 : vector<300x64xf32>
    %abs3A_57 = math.absf %sub3A_56 : vector<300x64xf32>
    %add3A_58 = arith.addf %add3A_53, %abs3A_57 : vector<300x64xf32>
    %mul3A = arith.constant 5.000000e-01 : f32
    %mul3A_59 = vector.broadcast %mul3A : f32 to vector<300x1xf32>
    %mul3A_60 = arith.mulf %mul3A_59, %slice3A_31 : vector<300x1xf32>
    %sub3A_61 = arith.subf %slice3A_29, %mul3A_60 : vector<300x1xf32>
    %mul3A_62 = arith.constant 5.000000e-01 : f32
    %mul3A_63 = vector.broadcast %mul3A_62 : f32 to vector<300x1xf32>
    %mul3A_64 = arith.mulf %mul3A_63, %slice3A_32 : vector<300x1xf32>
    %sub3A_65 = arith.subf %slice3A_30, %mul3A_64 : vector<300x1xf32>
    %mul3A_66 = arith.constant 5.000000e-01 : f32
    %mul3A_67 = vector.broadcast %mul3A_66 : f32 to vector<300x1xf32>
    %mul3A_68 = arith.mulf %mul3A_67, %slice3A_31 : vector<300x1xf32>
    %add3A_69 = arith.addf %slice3A_29, %mul3A_68 : vector<300x1xf32>
    %mul3A_70 = arith.constant 5.000000e-01 : f32
    %mul3A_71 = vector.broadcast %mul3A_70 : f32 to vector<300x1xf32>
    %mul3A_72 = arith.mulf %mul3A_71, %slice3A_32 : vector<300x1xf32>
    %add3A_73 = arith.addf %slice3A_30, %mul3A_72 : vector<300x1xf32>
    %mul3A_74 = arith.constant 5.000000e-01 : f32
    %mul3A_75 = vector.broadcast %mul3A_74 : f32 to vector<1x64xf32>
    %mul3A_76 = arith.mulf %mul3A_75, %slice3A_40 : vector<1x64xf32>
    %sub3A_77 = arith.subf %slice3A_38, %mul3A_76 : vector<1x64xf32>
    %mul3A_78 = arith.constant 5.000000e-01 : f32
    %mul3A_79 = vector.broadcast %mul3A_78 : f32 to vector<1x64xf32>
    %mul3A_80 = arith.mulf %mul3A_79, %slice3A_41 : vector<1x64xf32>
    %sub3A_81 = arith.subf %slice3A_39, %mul3A_80 : vector<1x64xf32>
    %mul3A_82 = arith.constant 5.000000e-01 : f32
    %mul3A_83 = vector.broadcast %mul3A_82 : f32 to vector<1x64xf32>
    %mul3A_84 = arith.mulf %mul3A_83, %slice3A_40 : vector<1x64xf32>
    %add3A_85 = arith.addf %slice3A_38, %mul3A_84 : vector<1x64xf32>
    %mul3A_86 = arith.constant 5.000000e-01 : f32
    %mul3A_87 = vector.broadcast %mul3A_86 : f32 to vector<1x64xf32>
    %mul3A_88 = arith.mulf %mul3A_87, %slice3A_41 : vector<1x64xf32>
    %add3A_89 = arith.addf %slice3A_39, %mul3A_88 : vector<1x64xf32>
    %sub3A_90 = arith.subf %add3A_69, %sub3A_61 : vector<300x1xf32>
    %sub3A_91 = arith.subf %add3A_73, %sub3A_65 : vector<300x1xf32>
    %mul3A_92 = arith.mulf %sub3A_90, %sub3A_91 : vector<300x1xf32>
    %sub3A_93 = arith.subf %add3A_85, %sub3A_77 : vector<1x64xf32>
    %sub3A_94 = arith.subf %add3A_89, %sub3A_81 : vector<1x64xf32>
    %mul3A_95 = arith.mulf %sub3A_93, %sub3A_94 : vector<1x64xf32>
    %min3A = vector.broadcast %add3A_69 : vector<300x1xf32> to vector<300x64xf32>
    %min3A_96 = vector.broadcast %add3A_85 : vector<1x64xf32> to vector<300x64xf32>
    %min3A_97 = arith.minimumf %min3A, %min3A_96 : vector<300x64xf32>
    %max3A_98 = vector.broadcast %sub3A_61 : vector<300x1xf32> to vector<300x64xf32>
    %max3A_99 = vector.broadcast %sub3A_77 : vector<1x64xf32> to vector<300x64xf32>
    %max3A_100 = arith.maximumf %max3A_98, %max3A_99 : vector<300x64xf32>
    %sub3A_101 = arith.subf %min3A_97, %max3A_100 : vector<300x64xf32>
    %jit3A = arith.constant 0.000000e+00 : f32
    %max3A_102 = vector.broadcast %jit3A : f32 to vector<300x64xf32>
    %max3A_103 = arith.maximumf %max3A_102, %sub3A_101 : vector<300x64xf32>
    %min3A_104 = vector.broadcast %add3A_73 : vector<300x1xf32> to vector<300x64xf32>
    %min3A_105 = vector.broadcast %add3A_89 : vector<1x64xf32> to vector<300x64xf32>
    %min3A_106 = arith.minimumf %min3A_104, %min3A_105 : vector<300x64xf32>
    %max3A_107 = vector.broadcast %sub3A_65 : vector<300x1xf32> to vector<300x64xf32>
    %max3A_108 = vector.broadcast %sub3A_81 : vector<1x64xf32> to vector<300x64xf32>
    %max3A_109 = arith.maximumf %max3A_107, %max3A_108 : vector<300x64xf32>
    %sub3A_110 = arith.subf %min3A_106, %max3A_109 : vector<300x64xf32>
    %jit3A_111 = arith.constant 0.000000e+00 : f32
    %max3A_112 = vector.broadcast %jit3A_111 : f32 to vector<300x64xf32>
    %max3A_113 = arith.maximumf %max3A_112, %sub3A_110 : vector<300x64xf32>
    %mul3A_114 = arith.mulf %max3A_103, %max3A_113 : vector<300x64xf32>
    %add3A_115 = vector.broadcast %mul3A_92 : vector<300x1xf32> to vector<300x64xf32>
    %add3A_116 = vector.broadcast %mul3A_95 : vector<1x64xf32> to vector<300x64xf32>
    %add3A_117 = arith.addf %add3A_115, %add3A_116 : vector<300x64xf32>
    %sub3A_118 = arith.subf %add3A_117, %mul3A_114 : vector<300x64xf32>
    %div3A_119 = arith.divf %mul3A_114, %sub3A_118 : vector<300x64xf32>
    %max3A_120 = vector.broadcast %add3A_69 : vector<300x1xf32> to vector<300x64xf32>
    %max3A_121 = vector.broadcast %add3A_85 : vector<1x64xf32> to vector<300x64xf32>
    %max3A_122 = arith.maximumf %max3A_120, %max3A_121 : vector<300x64xf32>
    %min3A_123 = vector.broadcast %sub3A_61 : vector<300x1xf32> to vector<300x64xf32>
    %min3A_124 = vector.broadcast %sub3A_77 : vector<1x64xf32> to vector<300x64xf32>
    %min3A_125 = arith.minimumf %min3A_123, %min3A_124 : vector<300x64xf32>
    %sub3A_126 = arith.subf %max3A_122, %min3A_125 : vector<300x64xf32>
    %jit3A_127 = arith.constant 0.000000e+00 : f32
    %max3A_128 = vector.broadcast %jit3A_127 : f32 to vector<300x64xf32>
    %max3A_129 = arith.maximumf %max3A_128, %sub3A_126 : vector<300x64xf32>
    %max3A_130 = vector.broadcast %add3A_73 : vector<300x1xf32> to vector<300x64xf32>
    %max3A_131 = vector.broadcast %add3A_89 : vector<1x64xf32> to vector<300x64xf32>
    %max3A_132 = arith.maximumf %max3A_130, %max3A_131 : vector<300x64xf32>
    %min3A_133 = vector.broadcast %sub3A_65 : vector<300x1xf32> to vector<300x64xf32>
    %min3A_134 = vector.broadcast %sub3A_81 : vector<1x64xf32> to vector<300x64xf32>
    %min3A_135 = arith.minimumf %min3A_133, %min3A_134 : vector<300x64xf32>
    %sub3A_136 = arith.subf %max3A_132, %min3A_135 : vector<300x64xf32>
    %jit3A_137 = arith.constant 0.000000e+00 : f32
    %max3A_138 = vector.broadcast %jit3A_137 : f32 to vector<300x64xf32>
    %max3A_139 = arith.maximumf %max3A_138, %sub3A_136 : vector<300x64xf32>
    %mul3A_140 = arith.mulf %max3A_129, %max3A_139 : vector<300x64xf32>
    %sub3A_141 = arith.subf %mul3A_140, %sub3A_118 : vector<300x64xf32>
    %div3A_142 = arith.divf %sub3A_141, %mul3A_140 : vector<300x64xf32>
    %sub3A_143 = arith.subf %div3A_119, %div3A_142 : vector<300x64xf32>
    %mul3A_144 = arith.constant 5.000000e+00 : f32
    %mul3A_145 = vector.broadcast %mul3A_144 : f32 to vector<300x64xf32>
    %mul3A_146 = arith.mulf %mul3A_145, %add3A_58 : vector<300x64xf32>
    %sub3A_147 = arith.subf %mul3A_146, %dot_general3A_23 : vector<300x64xf32>
    %mul3A_148 = arith.constant 2.000000e+00 : f32
    %mul3A_149 = vector.broadcast %mul3A_148 : f32 to vector<300x64xf32>
    %mul3A_150 = arith.mulf %mul3A_149, %sub3A_143 : vector<300x64xf32>
    %sub3A_151 = arith.subf %sub3A_147, %mul3A_150 : vector<300x64xf32>
    %jit3A_152 = arith.constant 0x7F800000 : f32
    %broadcast_in_dim3A_153 = vector.broadcast %jit3A_152 : f32 to vector<300x64xf32>
    %select_n3A = arith.select %lt3A_14, %sub3A_151, %broadcast_in_dim3A_153 : vector<300x64xi1>, vector<300x64xf32>
    %swap3A = arith.constant 0 : index
    %swap3A_154 = arith.constant 0 : index
    %swap3A_155 = arith.constant 0 : index
    %swap3A_156 = vector.load %arg4[%swap3A, %swap3A_154, %swap3A_155] : memref<16x300x64xf32, #tpu.memory_space<vmem>>, vector<1x300x64xf32>
    %swap3A_157 = vector.shape_cast %swap3A_156 : vector<1x300x64xf32> to vector<300x64xf32>
    %swap3A_158 = vector.shape_cast %select_n3A : vector<300x64xf32> to vector<1x300x64xf32>
    tpu.vector_store %arg4[%swap3A, %swap3A_154, %swap3A_155], %swap3A_158 {strides = array<i32>} : memref<16x300x64xf32, #tpu.memory_space<vmem>>, vector<1x300x64xf32>,
    %jit3A_159 = arith.constant 0.000000e+00 : f32
    %broadcast_in_dim3A_160 = vector.broadcast %jit3A_159 : f32 to vector<300x64xf32>
    %select_n3A_161 = arith.select %lt3A_14, %add3A_58, %broadcast_in_dim3A_160 : vector<300x64xi1>, vector<300x64xf32>
    %swap3A_162 = arith.constant 0 : index
    %swap3A_163 = arith.constant 0 : index
    %swap3A_164 = arith.constant 0 : index
    %swap3A_165 = vector.load %arg5[%swap3A_162, %swap3A_163, %swap3A_164] : memref<16x300x64xf32, #tpu.memory_space<vmem>>, vector<1x300x64xf32>
    %swap3A_166 = vector.shape_cast %swap3A_165 : vector<1x300x64xf32> to vector<300x64xf32>
    %swap3A_167 = vector.shape_cast %select_n3A_161 : vector<300x64xf32> to vector<1x300x64xf32>
    tpu.vector_store %arg5[%swap3A_162, %swap3A_163, %swap3A_164], %swap3A_167 {strides = array<i32>} : memref<16x300x64xf32, #tpu.memory_space<vmem>>, vector<1x300x64xf32>,
    %jit3A_168 = arith.constant 0.000000e+00 : f32
    %broadcast_in_dim3A_169 = vector.broadcast %jit3A_168 : f32 to vector<300x64xf32>
    %select_n3A_170 = arith.select %lt3A_14, %sub3A_143, %broadcast_in_dim3A_169 : vector<300x64xi1>, vector<300x64xf32>
    %swap3A_171 = arith.constant 0 : index
    %swap3A_172 = arith.constant 0 : index
    %swap3A_173 = arith.constant 0 : index
    %swap3A_174 = vector.load %arg6[%swap3A_171, %swap3A_172, %swap3A_173] : memref<16x300x64xf32, #tpu.memory_space<vmem>>, vector<1x300x64xf32>
    %swap3A_175 = vector.shape_cast %swap3A_174 : vector<1x300x64xf32> to vector<300x64xf32>
    %swap3A_176 = vector.shape_cast %select_n3A_170 : vector<300x64xf32> to vector<1x300x64xf32>
    tpu.vector_store %arg6[%swap3A_171, %swap3A_172, %swap3A_173], %swap3A_176 {strides = array<i32>} : memref<16x300x64xf32, #tpu.memory_space<vmem>>, vector<1x300x64xf32>,
    %slice3A_177 = vector.extract_strided_slice %broadcast_in_dim3A {offsets = [0, 0, 0], sizes = [1, 300, 1], strides = [1, 1, 1]} : vector<16x300x1xf32> to vector<1x300x1xf32>
    %squeeze3A_178 = vector.shape_cast %slice3A_177 : vector<1x300x1xf32> to vector<300x1xf32>
    %broadcast_in_dim3A_179 = vector.shape_cast %squeeze3A_178 : vector<300x1xf32> to vector<300x1xf32>
    %broadcast_in_dim3A_180 = vector.broadcast %broadcast_in_dim3A_179 : vector<300x1xf32> to vector<300x64xf32>
    %swap3A_181 = arith.constant 0 : index
    %swap3A_182 = arith.constant 0 : index
    %swap3A_183 = arith.constant 0 : index
    %swap3A_184 = vector.load %arg7[%swap3A_181, %swap3A_182, %swap3A_183] : memref<16x300x64xf32, #tpu.memory_space<vmem>>, vector<1x300x64xf32>
    %swap3A_185 = vector.shape_cast %swap3A_184 : vector<1x300x64xf32> to vector<300x64xf32>
    %swap3A_186 = vector.shape_cast %broadcast_in_dim3A_180 : vector<300x64xf32> to vector<1x300x64xf32>
    tpu.vector_store %arg7[%swap3A_181, %swap3A_182, %swap3A_183], %swap3A_186 {strides = array<i32>} : memref<16x300x64xf32, #tpu.memory_space<vmem>>, vector<1x300x64xf32>,
    %slice3A_187 = vector.extract_strided_slice %div3A_12 {offsets = [1, 0, 0], sizes = [1, 300, 92], strides = [1, 1, 1]} : vector<16x300x92xf32> to vector<1x300x92xf32>
    %squeeze3A_188 = vector.shape_cast %slice3A_187 : vector<1x300x92xf32> to vector<300x92xf32>
    %get3A_189 = arith.constant 1 : index
    %get3A_190 = arith.constant 0 : index
    %get3A_191 = arith.constant 0 : index
    %get3A_192 = vector.load %arg3[%get3A_189, %get3A_190, %get3A_191] : memref<16x1x64xi32, #tpu.memory_space<vmem>>, vector<1x1x64xi32>
    %get3A_193 = vector.shape_cast %get3A_192 : vector<1x1x64xi32> to vector<1x64xi32>
    %iota3A_194 = tpu.iota {dimensions = array<i32: 0>} : vector<92x64xi32>
    %eq3A_195 = vector.broadcast %get3A_193 : vector<1x64xi32> to vector<92x64xi32>
    %eq3A_196 = arith.cmpi eq, %eq3A_195, %iota3A_194 : vector<92x64xi32>
    %convert_element_type3A_197 = arith.extui %eq3A_196 : vector<92x64xi1> to vector<92x64xi32>
    %convert_element_type3A_198 = arith.sitofp %convert_element_type3A_197 : vector<92x64xi32> to vector<92x64xf32>
    %dot_general3A_199 = arith.constant dense<0.000000e+00> : vector<300x64xf32>
    %dot_general3A_200 = tpu.matmul %squeeze3A_188, %convert_element_type3A_198, %dot_general3A_199 {dimension_numbers = #tpu.dot_dimension_numbers<[1], [0], [0], [1], [0, 0, 1, 1], [], []>, precision = #tpu.contract_precision<fp32>, transpose_lhs_hint = false} : vector<300x92xf32>, vector<92x64xf32>, vector<300x64xf32> -> vector<300x64xf32>
    %get3A_201 = arith.constant 1 : index
    %get3A_202 = arith.constant 0 : index
    %get3A_203 = arith.constant 0 : index
    %get3A_204 = vector.load %arg0[%get3A_201, %get3A_202, %get3A_203] : memref<16x300x4xf32, #tpu.memory_space<vmem>>, vector<1x300x4xf32>
    %get3A_205 = vector.shape_cast %get3A_204 : vector<1x300x4xf32> to vector<300x4xf32>
    %slice3A_206 = vector.extract_strided_slice %get3A_205 {offsets = [0, 0], sizes = [300, 1], strides = [1, 1]} : vector<300x4xf32> to vector<300x1xf32>
    %slice3A_207 = vector.extract_strided_slice %get3A_205 {offsets = [0, 1], sizes = [300, 1], strides = [1, 1]} : vector<300x4xf32> to vector<300x1xf32>
    %slice3A_208 = vector.extract_strided_slice %get3A_205 {offsets = [0, 2], sizes = [300, 1], strides = [1, 1]} : vector<300x4xf32> to vector<300x1xf32>
    %slice3A_209 = vector.extract_strided_slice %get3A_205 {offsets = [0, 3], sizes = [300, 1], strides = [1, 1]} : vector<300x4xf32> to vector<300x1xf32>
    %get3A_210 = arith.constant 1 : index
    %get3A_211 = arith.constant 0 : index
    %get3A_212 = arith.constant 0 : index
    %get3A_213 = vector.load %arg2[%get3A_210, %get3A_211, %get3A_212] : memref<16x4x64xf32, #tpu.memory_space<vmem>>, vector<1x4x64xf32>
    %get3A_214 = vector.shape_cast %get3A_213 : vector<1x4x64xf32> to vector<4x64xf32>
    %slice3A_215 = vector.extract_strided_slice %get3A_214 {offsets = [0, 0], sizes = [1, 64], strides = [1, 1]} : vector<4x64xf32> to vector<1x64xf32>
    %slice3A_216 = vector.extract_strided_slice %get3A_214 {offsets = [1, 0], sizes = [1, 64], strides = [1, 1]} : vector<4x64xf32> to vector<1x64xf32>
    %slice3A_217 = vector.extract_strided_slice %get3A_214 {offsets = [2, 0], sizes = [1, 64], strides = [1, 1]} : vector<4x64xf32> to vector<1x64xf32>
    %slice3A_218 = vector.extract_strided_slice %get3A_214 {offsets = [3, 0], sizes = [1, 64], strides = [1, 1]} : vector<4x64xf32> to vector<1x64xf32>
    %sub3A_219 = vector.broadcast %slice3A_206 : vector<300x1xf32> to vector<300x64xf32>
    %sub3A_220 = vector.broadcast %slice3A_215 : vector<1x64xf32> to vector<300x64xf32>
    %sub3A_221 = arith.subf %sub3A_219, %sub3A_220 : vector<300x64xf32>
    %abs3A_222 = math.absf %sub3A_221 : vector<300x64xf32>
    %sub3A_223 = vector.broadcast %slice3A_207 : vector<300x1xf32> to vector<300x64xf32>
    %sub3A_224 = vector.broadcast %slice3A_216 : vector<1x64xf32> to vector<300x64xf32>
    %sub3A_225 = arith.subf %sub3A_223, %sub3A_224 : vector<300x64xf32>
    %abs3A_226 = math.absf %sub3A_225 : vector<300x64xf32>
    %add3A_227 = arith.addf %abs3A_222, %abs3A_226 : vector<300x64xf32>
    %sub3A_228 = vector.broadcast %slice3A_208 : vector<300x1xf32> to vector<300x64xf32>
    %sub3A_229 = vector.broadcast %slice3A_217 : vector<1x64xf32> to vector<300x64xf32>
    %sub3A_230 = arith.subf %sub3A_228, %sub3A_229 : vector<300x64xf32>
    %abs3A_231 = math.absf %sub3A_230 : vector<300x64xf32>
    %add3A_232 = arith.addf %add3A_227, %abs3A_231 : vector<300x64xf32>
    %sub3A_233 = vector.broadcast %slice3A_209 : vector<300x1xf32> to vector<300x64xf32>
    %sub3A_234 = vector.broadcast %slice3A_218 : vector<1x64xf32> to vector<300x64xf32>
    %sub3A_235 = arith.subf %sub3A_233, %sub3A_234 : vector<300x64xf32>
    %abs3A_236 = math.absf %sub3A_235 : vector<300x64xf32>
    %add3A_237 = arith.addf %add3A_232, %abs3A_236 : vector<300x64xf32>
    %mul3A_238 = arith.constant 5.000000e-01 : f32
    %mul3A_239 = vector.broadcast %mul3A_238 : f32 to vector<300x1xf32>
    %mul3A_240 = arith.mulf %mul3A_239, %slice3A_208 : vector<300x1xf32>
    %sub3A_241 = arith.subf %slice3A_206, %mul3A_240 : vector<300x1xf32>
    %mul3A_242 = arith.constant 5.000000e-01 : f32
    %mul3A_243 = vector.broadcast %mul3A_242 : f32 to vector<300x1xf32>
    %mul3A_244 = arith.mulf %mul3A_243, %slice3A_209 : vector<300x1xf32>
    %sub3A_245 = arith.subf %slice3A_207, %mul3A_244 : vector<300x1xf32>
    %mul3A_246 = arith.constant 5.000000e-01 : f32
    %mul3A_247 = vector.broadcast %mul3A_246 : f32 to vector<300x1xf32>
    %mul3A_248 = arith.mulf %mul3A_247, %slice3A_208 : vector<300x1xf32>
    %add3A_249 = arith.addf %slice3A_206, %mul3A_248 : vector<300x1xf32>
    %mul3A_250 = arith.constant 5.000000e-01 : f32
    %mul3A_251 = vector.broadcast %mul3A_250 : f32 to vector<300x1xf32>
    %mul3A_252 = arith.mulf %mul3A_251, %slice3A_209 : vector<300x1xf32>
    %add3A_253 = arith.addf %slice3A_207, %mul3A_252 : vector<300x1xf32>
    %mul3A_254 = arith.constant 5.000000e-01 : f32
    %mul3A_255 = vector.broadcast %mul3A_254 : f32 to vector<1x64xf32>
    %mul3A_256 = arith.mulf %mul3A_255, %slice3A_217 : vector<1x64xf32>
    %sub3A_257 = arith.subf %slice3A_215, %mul3A_256 : vector<1x64xf32>
    %mul3A_258 = arith.constant 5.000000e-01 : f32
    %mul3A_259 = vector.broadcast %mul3A_258 : f32 to vector<1x64xf32>
    %mul3A_260 = arith.mulf %mul3A_259, %slice3A_218 : vector<1x64xf32>
    %sub3A_261 = arith.subf %slice3A_216, %mul3A_260 : vector<1x64xf32>
    %mul3A_262 = arith.constant 5.000000e-01 : f32
    %mul3A_263 = vector.broadcast %mul3A_262 : f32 to vector<1x64xf32>
    %mul3A_264 = arith.mulf %mul3A_263, %slice3A_217 : vector<1x64xf32>
    %add3A_265 = arith.addf %slice3A_215, %mul3A_264 : vector<1x64xf32>
    %mul3A_266 = arith.constant 5.000000e-01 : f32
    %mul3A_267 = vector.broadcast %mul3A_266 : f32 to vector<1x64xf32>
    %mul3A_268 = arith.mulf %mul3A_267, %slice3A_218 : vector<1x64xf32>
    %add3A_269 = arith.addf %slice3A_216, %mul3A_268 : vector<1x64xf32>
    %sub3A_270 = arith.subf %add3A_249, %sub3A_241 : vector<300x1xf32>
    %sub3A_271 = arith.subf %add3A_253, %sub3A_245 : vector<300x1xf32>
    %mul3A_272 = arith.mulf %sub3A_270, %sub3A_271 : vector<300x1xf32>
    %sub3A_273 = arith.subf %add3A_265, %sub3A_257 : vector<1x64xf32>
    %sub3A_274 = arith.subf %add3A_269, %sub3A_261 : vector<1x64xf32>
    %mul3A_275 = arith.mulf %sub3A_273, %sub3A_274 : vector<1x64xf32>
    %min3A_276 = vector.broadcast %add3A_249 : vector<300x1xf32> to vector<300x64xf32>
    %min3A_277 = vector.broadcast %add3A_265 : vector<1x64xf32> to vector<300x64xf32>
    %min3A_278 = arith.minimumf %min3A_276, %min3A_277 : vector<300x64xf32>
    %max3A_279 = vector.broadcast %sub3A_241 : vector<300x1xf32> to vector<300x64xf32>
    %max3A_280 = vector.broadcast %sub3A_257 : vector<1x64xf32> to vector<300x64xf32>
    %max3A_281 = arith.maximumf %max3A_279, %max3A_280 : vector<300x64xf32>
    %sub3A_282 = arith.subf %min3A_278, %max3A_281 : vector<300x64xf32>
    %jit3A_283 = arith.constant 0.000000e+00 : f32
    %max3A_284 = vector.broadcast %jit3A_283 : f32 to vector<300x64xf32>
    %max3A_285 = arith.maximumf %max3A_284, %sub3A_282 : vector<300x64xf32>
    %min3A_286 = vector.broadcast %add3A_253 : vector<300x1xf32> to vector<300x64xf32>
    %min3A_287 = vector.broadcast %add3A_269 : vector<1x64xf32> to vector<300x64xf32>
    %min3A_288 = arith.minimumf %min3A_286, %min3A_287 : vector<300x64xf32>
    %max3A_289 = vector.broadcast %sub3A_245 : vector<300x1xf32> to vector<300x64xf32>
    %max3A_290 = vector.broadcast %sub3A_261 : vector<1x64xf32> to vector<300x64xf32>
    %max3A_291 = arith.maximumf %max3A_289, %max3A_290 : vector<300x64xf32>
    %sub3A_292 = arith.subf %min3A_288, %max3A_291 : vector<300x64xf32>
    %jit3A_293 = arith.constant 0.000000e+00 : f32
    %max3A_294 = vector.broadcast %jit3A_293 : f32 to vector<300x64xf32>
    %max3A_295 = arith.maximumf %max3A_294, %sub3A_292 : vector<300x64xf32>
    %mul3A_296 = arith.mulf %max3A_285, %max3A_295 : vector<300x64xf32>
    %add3A_297 = vector.broadcast %mul3A_272 : vector<300x1xf32> to vector<300x64xf32>
    %add3A_298 = vector.broadcast %mul3A_275 : vector<1x64xf32> to vector<300x64xf32>
    %add3A_299 = arith.addf %add3A_297, %add3A_298 : vector<300x64xf32>
    %sub3A_300 = arith.subf %add3A_299, %mul3A_296 : vector<300x64xf32>
    %div3A_301 = arith.divf %mul3A_296, %sub3A_300 : vector<300x64xf32>
    %max3A_302 = vector.broadcast %add3A_249 : vector<300x1xf32> to vector<300x64xf32>
    %max3A_303 = vector.broadcast %add3A_265 : vector<1x64xf32> to vector<300x64xf32>
    %max3A_304 = arith.maximumf %max3A_302, %max3A_303 : vector<300x64xf32>
    %min3A_305 = vector.broadcast %sub3A_241 : vector<300x1xf32> to vector<300x64xf32>
    %min3A_306 = vector.broadcast %sub3A_257 : vector<1x64xf32> to vector<300x64xf32>
    %min3A_307 = arith.minimumf %min3A_305, %min3A_306 : vector<300x64xf32>
    %sub3A_308 = arith.subf %max3A_304, %min3A_307 : vector<300x64xf32>
    %jit3A_309 = arith.constant 0.000000e+00 : f32
    %max3A_310 = vector.broadcast %jit3A_309 : f32 to vector<300x64xf32>
    %max3A_311 = arith.maximumf %max3A_310, %sub3A_308 : vector<300x64xf32>
    %max3A_312 = vector.broadcast %add3A_253 : vector<300x1xf32> to vector<300x64xf32>
    %max3A_313 = vector.broadcast %add3A_269 : vector<1x64xf32> to vector<300x64xf32>
    %max3A_314 = arith.maximumf %max3A_312, %max3A_313 : vector<300x64xf32>
    %min3A_315 = vector.broadcast %sub3A_245 : vector<300x1xf32> to vector<300x64xf32>
    %min3A_316 = vector.broadcast %sub3A_261 : vector<1x64xf32> to vector<300x64xf32>
    %min3A_317 = arith.minimumf %min3A_315, %min3A_316 : vector<300x64xf32>
    %sub3A_318 = arith.subf %max3A_314, %min3A_317 : vector<300x64xf32>
    %jit3A_319 = arith.constant 0.000000e+00 : f32
    %max3A_320 = vector.broadcast %jit3A_319 : f32 to vector<300x64xf32>
    %max3A_321 = arith.maximumf %max3A_320, %sub3A_318 : vector<300x64xf32>
    %mul3A_322 = arith.mulf %max3A_311, %max3A_321 : vector<300x64xf32>
    %sub3A_323 = arith.subf %mul3A_322, %sub3A_300 : vector<300x64xf32>
    %div3A_324 = arith.divf %sub3A_323, %mul3A_322 : vector<300x64xf32>
    %sub3A_325 = arith.subf %div3A_301, %div3A_324 : vector<300x64xf32>
    %mul3A_326 = arith.constant 5.000000e+00 : f32
    %mul3A_327 = vector.broadcast %mul3A_326 : f32 to vector<300x64xf32>
    %mul3A_328 = arith.mulf %mul3A_327, %add3A_237 : vector<300x64xf32>
    %sub3A_329 = arith.subf %mul3A_328, %dot_general3A_200 : vector<300x64xf32>
    %mul3A_330 = arith.constant 2.000000e+00 : f32
    %mul3A_331 = vector.broadcast %mul3A_330 : f32 to vector<300x64xf32>
    %mul3A_332 = arith.mulf %mul3A_331, %sub3A_325 : vector<300x64xf32>
    %sub3A_333 = arith.subf %sub3A_329, %mul3A_332 : vector<300x64xf32>
    %jit3A_334 = arith.constant 0x7F800000 : f32
    %broadcast_in_dim3A_335 = vector.broadcast %jit3A_334 : f32 to vector<300x64xf32>
    %select_n3A_336 = arith.select %lt3A_14, %sub3A_333, %broadcast_in_dim3A_335 : vector<300x64xi1>, vector<300x64xf32>
    %swap3A_337 = arith.constant 1 : index
    %swap3A_338 = arith.constant 0 : index
    %swap3A_339 = arith.constant 0 : index
    %swap3A_340 = vector.load %arg4[%swap3A_337, %swap3A_338, %swap3A_339] : memref<16x300x64xf32, #tpu.memory_space<vmem>>, vector<1x300x64xf32>
    %swap3A_341 = vector.shape_cast %swap3A_340 : vector<1x300x64xf32> to vector<300x64xf32>
    %swap3A_342 = vector.shape_cast %select_n3A_336 : vector<300x64xf32> to vector<1x300x64xf32>
    tpu.vector_store %arg4[%swap3A_337, %swap3A_338, %swap3A_339], %swap3A_342 {strides = array<i32>} : memref<16x300x64xf32, #tpu.memory_space<vmem>>, vector<1x300x64xf32>,
    %jit3A_343 = arith.constant 0.000000e+00 : f32
    %broadcast_in_dim3A_344 = vector.broadcast %jit3A_343 : f32 to vector<300x64xf32>
    %select_n3A_345 = arith.select %lt3A_14, %add3A_237, %broadcast_in_dim3A_344 : vector<300x64xi1>, vector<300x64xf32>
    %swap3A_346 = arith.constant 1 : index
    %swap3A_347 = arith.constant 0 : index
    %swap3A_348 = arith.constant 0 : index
    %swap3A_349 = vector.load %arg5[%swap3A_346, %swap3A_347, %swap3A_348] : memref<16x300x64xf32, #tpu.memory_space<vmem>>, vector<1x300x64xf32>
    %swap3A_350 = vector.shape_cast %swap3A_349 : vector<1x300x64xf32> to vector<300x64xf32>
    %swap3A_351 = vector.shape_cast %select_n3A_345 : vector<300x64xf32> to vector<1x300x64xf32>
    tpu.vector_store %arg5[%swap3A_346, %swap3A_347, %swap3A_348], %swap3A_351 {strides = array<i32>} : memref<16x300x64xf32, #tpu.memory_space<vmem>>, vector<1x300x64xf32>,
    %jit3A_352 = arith.constant 0.000000e+00 : f32
    %broadcast_in_dim3A_353 = vector.broadcast %jit3A_352 : f32 to vector<300x64xf32>
    %select_n3A_354 = arith.select %lt3A_14, %sub3A_325, %broadcast_in_dim3A_353 : vector<300x64xi1>, vector<300x64xf32>
    %swap3A_355 = arith.constant 1 : index
    %swap3A_356 = arith.constant 0 : index
    %swap3A_357 = arith.constant 0 : index
    %swap3A_358 = vector.load %arg6[%swap3A_355, %swap3A_356, %swap3A_357] : memref<16x300x64xf32, #tpu.memory_space<vmem>>, vector<1x300x64xf32>
    %swap3A_359 = vector.shape_cast %swap3A_358 : vector<1x300x64xf32> to vector<300x64xf32>
    %swap3A_360 = vector.shape_cast %select_n3A_354 : vector<300x64xf32> to vector<1x300x64xf32>
    tpu.vector_store %arg6[%swap3A_355, %swap3A_356, %swap3A_357], %swap3A_360 {strides = array<i32>} : memref<16x300x64xf32, #tpu.memory_space<vmem>>, vector<1x300x64xf32>,
    %slice3A_361 = vector.extract_strided_slice %broadcast_in_dim3A {offsets = [1, 0, 0], sizes = [1, 300, 1], strides = [1, 1, 1]} : vector<16x300x1xf32> to vector<1x300x1xf32>
    %squeeze3A_362 = vector.shape_cast %slice3A_361 : vector<1x300x1xf32> to vector<300x1xf32>
    %broadcast_in_dim3A_363 = vector.shape_cast %squeeze3A_362 : vector<300x1xf32> to vector<300x1xf32>
    %broadcast_in_dim3A_364 = vector.broadcast %broadcast_in_dim3A_363 : vector<300x1xf32> to vector<300x64xf32>
    %swap3A_365 = arith.constant 1 : index
    %swap3A_366 = arith.constant 0 : index
    %swap3A_367 = arith.constant 0 : index
    %swap3A_368 = vector.load %arg7[%swap3A_365, %swap3A_366, %swap3A_367] : memref<16x300x64xf32, #tpu.memory_space<vmem>>, vector<1x300x64xf32>
    %swap3A_369 = vector.shape_cast %swap3A_368 : vector<1x300x64xf32> to vector<300x64xf32>
    %swap3A_370 = vector.shape_cast %broadcast_in_dim3A_364 : vector<300x64xf32> to vector<1x300x64xf32>
    tpu.vector_store %arg7[%swap3A_365, %swap3A_366, %swap3A_367], %swap3A_370 {strides = array<i32>} : memref<16x300x64xf32, #tpu.memory_space<vmem>>, vector<1x300x64xf32>,
    %slice3A_371 = vector.extract_strided_slice %div3A_12 {offsets = [2, 0, 0], sizes = [1, 300, 92], strides = [1, 1, 1]} : vector<16x300x92xf32> to vector<1x300x92xf32>
    %squeeze3A_372 = vector.shape_cast %slice3A_371 : vector<1x300x92xf32> to vector<300x92xf32>
    %get3A_373 = arith.constant 2 : index
    %get3A_374 = arith.constant 0 : index
    %get3A_375 = arith.constant 0 : index
    %get3A_376 = vector.load %arg3[%get3A_373, %get3A_374, %get3A_375] : memref<16x1x64xi32, #tpu.memory_space<vmem>>, vector<1x1x64xi32>
    %get3A_377 = vector.shape_cast %get3A_376 : vector<1x1x64xi32> to vector<1x64xi32>
    %iota3A_378 = tpu.iota {dimensions = array<i32: 0>} : vector<92x64xi32>
    %eq3A_379 = vector.broadcast %get3A_377 : vector<1x64xi32> to vector<92x64xi32>
    %eq3A_380 = arith.cmpi eq, %eq3A_379, %iota3A_378 : vector<92x64xi32>
    %convert_element_type3A_381 = arith.extui %eq3A_380 : vector<92x64xi1> to vector<92x64xi32>
    %convert_element_type3A_382 = arith.sitofp %convert_element_type3A_381 : vector<92x64xi32> to vector<92x64xf32>
    %dot_general3A_383 = arith.constant dense<0.000000e+00> : vector<300x64xf32>
    %dot_general3A_384 = tpu.matmul %squeeze3A_372, %convert_element_type3A_382, %dot_general3A_383 {dimension_numbers = #tpu.dot_dimension_numbers<[1], [0], [0], [1], [0, 0, 1, 1], [], []>, precision = #tpu.contract_precision<fp32>, transpose_lhs_hint = false} : vector<300x92xf32>, vector<92x64xf32>, vector<300x64xf32> -> vector<300x64xf32>
    %get3A_385 = arith.constant 2 : index
    %get3A_386 = arith.constant 0 : index
    %get3A_387 = arith.constant 0 : index
    %get3A_388 = vector.load %arg0[%get3A_385, %get3A_386, %get3A_387] : memref<16x300x4xf32, #tpu.memory_space<vmem>>, vector<1x300x4xf32>
    %get3A_389 = vector.shape_cast %get3A_388 : vector<1x300x4xf32> to vector<300x4xf32>
    %slice3A_390 = vector.extract_strided_slice %get3A_389 {offsets = [0, 0], sizes = [300, 1], strides = [1, 1]} : vector<300x4xf32> to vector<300x1xf32>
    %slice3A_391 = vector.extract_strided_slice %get3A_389 {offsets = [0, 1], sizes = [300, 1], strides = [1, 1]} : vector<300x4xf32> to vector<300x1xf32>
    %slice3A_392 = vector.extract_strided_slice %get3A_389 {offsets = [0, 2], sizes = [300, 1], strides = [1, 1]} : vector<300x4xf32> to vector<300x1xf32>
    %slice3A_393 = vector.extract_strided_slice %get3A_389 {offsets = [0, 3], sizes = [300, 1], strides = [1, 1]} : vector<300x4xf32> to vector<300x1xf32>
    %get3A_394 = arith.constant 2 : index
    %get3A_395 = arith.constant 0 : index
    %get3A_396 = arith.constant 0 : index
    %get3A_397 = vector.load %arg2[%get3A_394, %get3A_395, %get3A_396] : memref<16x4x64xf32, #tpu.memory_space<vmem>>, vector<1x4x64xf32>
    %get3A_398 = vector.shape_cast %get3A_397 : vector<1x4x64xf32> to vector<4x64xf32>
    %slice3A_399 = vector.extract_strided_slice %get3A_398 {offsets = [0, 0], sizes = [1, 64], strides = [1, 1]} : vector<4x64xf32> to vector<1x64xf32>
    %slice3A_400 = vector.extract_strided_slice %get3A_398 {offsets = [1, 0], sizes = [1, 64], strides = [1, 1]} : vector<4x64xf32> to vector<1x64xf32>
    %slice3A_401 = vector.extract_strided_slice %get3A_398 {offsets = [2, 0], sizes = [1, 64], strides = [1, 1]} : vector<4x64xf32> to vector<1x64xf32>
    %slice3A_402 = vector.extract_strided_slice %get3A_398 {offsets = [3, 0], sizes = [1, 64], strides = [1, 1]} : vector<4x64xf32> to vector<1x64xf32>
    %sub3A_403 = vector.broadcast %slice3A_390 : vector<300x1xf32> to vector<300x64xf32>
    %sub3A_404 = vector.broadcast %slice3A_399 : vector<1x64xf32> to vector<300x64xf32>
    %sub3A_405 = arith.subf %sub3A_403, %sub3A_404 : vector<300x64xf32>
    %abs3A_406 = math.absf %sub3A_405 : vector<300x64xf32>
    %sub3A_407 = vector.broadcast %slice3A_391 : vector<300x1xf32> to vector<300x64xf32>
    %sub3A_408 = vector.broadcast %slice3A_400 : vector<1x64xf32> to vector<300x64xf32>
    %sub3A_409 = arith.subf %sub3A_407, %sub3A_408 : vector<300x64xf32>
    %abs3A_410 = math.absf %sub3A_409 : vector<300x64xf32>
    %add3A_411 = arith.addf %abs3A_406, %abs3A_410 : vector<300x64xf32>
    %sub3A_412 = vector.broadcast %slice3A_392 : vector<300x1xf32> to vector<300x64xf32>
    %sub3A_413 = vector.broadcast %slice3A_401 : vector<1x64xf32> to vector<300x64xf32>
    %sub3A_414 = arith.subf %sub3A_412, %sub3A_413 : vector<300x64xf32>
    %abs3A_415 = math.absf %sub3A_414 : vector<300x64xf32>
    %add3A_416 = arith.addf %add3A_411, %abs3A_415 : vector<300x64xf32>
    %sub3A_417 = vector.broadcast %slice3A_393 : vector<300x1xf32> to vector<300x64xf32>
    %sub3A_418 = vector.broadcast %slice3A_402 : vector<1x64xf32> to vector<300x64xf32>
    %sub3A_419 = arith.subf %sub3A_417, %sub3A_418 : vector<300x64xf32>
    %abs3A_420 = math.absf %sub3A_419 : vector<300x64xf32>
    %add3A_421 = arith.addf %add3A_416, %abs3A_420 : vector<300x64xf32>
    %mul3A_422 = arith.constant 5.000000e-01 : f32
    %mul3A_423 = vector.broadcast %mul3A_422 : f32 to vector<300x1xf32>
    %mul3A_424 = arith.mulf %mul3A_423, %slice3A_392 : vector<300x1xf32>
    %sub3A_425 = arith.subf %slice3A_390, %mul3A_424 : vector<300x1xf32>
    %mul3A_426 = arith.constant 5.000000e-01 : f32
    %mul3A_427 = vector.broadcast %mul3A_426 : f32 to vector<300x1xf32>
    %mul3A_428 = arith.mulf %mul3A_427, %slice3A_393 : vector<300x1xf32>
    %sub3A_429 = arith.subf %slice3A_391, %mul3A_428 : vector<300x1xf32>
    %mul3A_430 = arith.constant 5.000000e-01 : f32
    %mul3A_431 = vector.broadcast %mul3A_430 : f32 to vector<300x1xf32>
    %mul3A_432 = arith.mulf %mul3A_431, %slice3A_392 : vector<300x1xf32>
    %add3A_433 = arith.addf %slice3A_390, %mul3A_432 : vector<300x1xf32>
    %mul3A_434 = arith.constant 5.000000e-01 : f32
    %mul3A_435 = vector.broadcast %mul3A_434 : f32 to vector<300x1xf32>
    %mul3A_436 = arith.mulf %mul3A_435, %slice3A_393 : vector<300x1xf32>
    %add3A_437 = arith.addf %slice3A_391, %mul3A_436 : vector<300x1xf32>
    %mul3A_438 = arith.constant 5.000000e-01 : f32
    %mul3A_439 = vector.broadcast %mul3A_438 : f32 to vector<1x64xf32>
    %mul3A_440 = arith.mulf %mul3A_439, %slice3A_401 : vector<1x64xf32>
    %sub3A_441 = arith.subf %slice3A_399, %mul3A_440 : vector<1x64xf32>
    %mul3A_442 = arith.constant 5.000000e-01 : f32
    %mul3A_443 = vector.broadcast %mul3A_442 : f32 to vector<1x64xf32>
    %mul3A_444 = arith.mulf %mul3A_443, %slice3A_402 : vector<1x64xf32>
    %sub3A_445 = arith.subf %slice3A_400, %mul3A_444 : vector<1x64xf32>
    %mul3A_446 = arith.constant 5.000000e-01 : f32
    %mul3A_447 = vector.broadcast %mul3A_446 : f32 to vector<1x64xf32>
    %mul3A_448 = arith.mulf %mul3A_447, %slice3A_401 : vector<1x64xf32>
    %add3A_449 = arith.addf %slice3A_399, %mul3A_448 : vector<1x64xf32>
    %mul3A_450 = arith.constant 5.000000e-01 : f32
    %mul3A_451 = vector.broadcast %mul3A_450 : f32 to vector<1x64xf32>
    %mul3A_452 = arith.mulf %mul3A_451, %slice3A_402 : vector<1x64xf32>
    %add3A_453 = arith.addf %slice3A_400, %mul3A_452 : vector<1x64xf32>
    %sub3A_454 = arith.subf %add3A_433, %sub3A_425 : vector<300x1xf32>
    %sub3A_455 = arith.subf %add3A_437, %sub3A_429 : vector<300x1xf32>
    %mul3A_456 = arith.mulf %sub3A_454, %sub3A_455 : vector<300x1xf32>
    %sub3A_457 = arith.subf %add3A_449, %sub3A_441 : vector<1x64xf32>
    %sub3A_458 = arith.subf %add3A_453, %sub3A_445 : vector<1x64xf32>
    %mul3A_459 = arith.mulf %sub3A_457, %sub3A_458 : vector<1x64xf32>
    %min3A_460 = vector.broadcast %add3A_433 : vector<300x1xf32> to vector<300x64xf32>
    %min3A_461 = vector.broadcast %add3A_449 : vector<1x64xf32> to vector<300x64xf32>
    %min3A_462 = arith.minimumf %min3A_460, %min3A_461 : vector<300x64xf32>
    %max3A_463 = vector.broadcast %sub3A_425 : vector<300x1xf32> to vector<300x64xf32>
    %max3A_464 = vector.broadcast %sub3A_441 : vector<1x64xf32> to vector<300x64xf32>
    %max3A_465 = arith.maximumf %max3A_463, %max3A_464 : vector<300x64xf32>
    %sub3A_466 = arith.subf %min3A_462, %max3A_465 : vector<300x64xf32>
    %jit3A_467 = arith.constant 0.000000e+00 : f32
    %max3A_468 = vector.broadcast %jit3A_467 : f32 to vector<300x64xf32>
    %max3A_469 = arith.maximumf %max3A_468, %sub3A_466 : vector<300x64xf32>
    %min3A_470 = vector.broadcast %add3A_437 : vector<300x1xf32> to vector<300x64xf32>
    %min3A_471 = vector.broadcast %add3A_453 : vector<1x64xf32> to vector<300x64xf32>
    %min3A_472 = arith.minimumf %min3A_470, %min3A_471 : vector<300x64xf32>
    %max3A_473 = vector.broadcast %sub3A_429 : vector<300x1xf32> to vector<300x64xf32>
    %max3A_474 = vector.broadcast %sub3A_445 : vector<1x64xf32> to vector<300x64xf32>
    %max3A_475 = arith.maximumf %max3A_473, %max3A_474 : vector<300x64xf32>
    %sub3A_476 = arith.subf %min3A_472, %max3A_475 : vector<300x64xf32>
    %jit3A_477 = arith.constant 0.000000e+00 : f32
    %max3A_478 = vector.broadcast %jit3A_477 : f32 to vector<300x64xf32>
    %max3A_479 = arith.maximumf %max3A_478, %sub3A_476 : vector<300x64xf32>
    %mul3A_480 = arith.mulf %max3A_469, %max3A_479 : vector<300x64xf32>
    %add3A_481 = vector.broadcast %mul3A_456 : vector<300x1xf32> to vector<300x64xf32>
    %add3A_482 = vector.broadcast %mul3A_459 : vector<1x64xf32> to vector<300x64xf32>
    %add3A_483 = arith.addf %add3A_481, %add3A_482 : vector<300x64xf32>
    %sub3A_484 = arith.subf %add3A_483, %mul3A_480 : vector<300x64xf32>
    %div3A_485 = arith.divf %mul3A_480, %sub3A_484 : vector<300x64xf32>
    %max3A_486 = vector.broadcast %add3A_433 : vector<300x1xf32> to vector<300x64xf32>
    %max3A_487 = vector.broadcast %add3A_449 : vector<1x64xf32> to vector<300x64xf32>
    %max3A_488 = arith.maximumf %max3A_486, %max3A_487 : vector<300x64xf32>
    %min3A_489 = vector.broadcast %sub3A_425 : vector<300x1xf32> to vector<300x64xf32>
    %min3A_490 = vector.broadcast %sub3A_441 : vector<1x64xf32> to vector<300x64xf32>
    %min3A_491 = arith.minimumf %min3A_489, %min3A_490 : vector<300x64xf32>
    %sub3A_492 = arith.subf %max3A_488, %min3A_491 : vector<300x64xf32>
    %jit3A_493 = arith.constant 0.000000e+00 : f32
    %max3A_494 = vector.broadcast %jit3A_493 : f32 to vector<300x64xf32>
    %max3A_495 = arith.maximumf %max3A_494, %sub3A_492 : vector<300x64xf32>
    %max3A_496 = vector.broadcast %add3A_437 : vector<300x1xf32> to vector<300x64xf32>
    %max3A_497 = vector.broadcast %add3A_453 : vector<1x64xf32> to vector<300x64xf32>
    %max3A_498 = arith.maximumf %max3A_496, %max3A_497 : vector<300x64xf32>
    %min3A_499 = vector.broadcast %sub3A_429 : vector<300x1xf32> to vector<300x64xf32>
    %min3A_500 = vector.broadcast %sub3A_445 : vector<1x64xf32> to vector<300x64xf32>
    %min3A_501 = arith.minimumf %min3A_499, %min3A_500 : vector<300x64xf32>
    %sub3A_502 = arith.subf %max3A_498, %min3A_501 : vector<300x64xf32>
    %jit3A_503 = arith.constant 0.000000e+00 : f32
    %max3A_504 = vector.broadcast %jit3A_503 : f32 to vector<300x64xf32>
    %max3A_505 = arith.maximumf %max3A_504, %sub3A_502 : vector<300x64xf32>
    %mul3A_506 = arith.mulf %max3A_495, %max3A_505 : vector<300x64xf32>
    %sub3A_507 = arith.subf %mul3A_506, %sub3A_484 : vector<300x64xf32>
    %div3A_508 = arith.divf %sub3A_507, %mul3A_506 : vector<300x64xf32>
    %sub3A_509 = arith.subf %div3A_485, %div3A_508 : vector<300x64xf32>
    %mul3A_510 = arith.constant 5.000000e+00 : f32
    %mul3A_511 = vector.broadcast %mul3A_510 : f32 to vector<300x64xf32>
    %mul3A_512 = arith.mulf %mul3A_511, %add3A_421 : vector<300x64xf32>
    %sub3A_513 = arith.subf %mul3A_512, %dot_general3A_384 : vector<300x64xf32>
    %mul3A_514 = arith.constant 2.000000e+00 : f32
    %mul3A_515 = vector.broadcast %mul3A_514 : f32 to vector<300x64xf32>
    %mul3A_516 = arith.mulf %mul3A_515, %sub3A_509 : vector<300x64xf32>
    %sub3A_517 = arith.subf %sub3A_513, %mul3A_516 : vector<300x64xf32>
    %jit3A_518 = arith.constant 0x7F800000 : f32
    %broadcast_in_dim3A_519 = vector.broadcast %jit3A_518 : f32 to vector<300x64xf32>
    %select_n3A_520 = arith.select %lt3A_14, %sub3A_517, %broadcast_in_dim3A_519 : vector<300x64xi1>, vector<300x64xf32>
    %swap3A_521 = arith.constant 2 : index
    %swap3A_522 = arith.constant 0 : index
    %swap3A_523 = arith.constant 0 : index
    %swap3A_524 = vector.load %arg4[%swap3A_521, %swap3A_522, %swap3A_523] : memref<16x300x64xf32, #tpu.memory_space<vmem>>, vector<1x300x64xf32>
    %swap3A_525 = vector.shape_cast %swap3A_524 : vector<1x300x64xf32> to vector<300x64xf32>
    %swap3A_526 = vector.shape_cast %select_n3A_520 : vector<300x64xf32> to vector<1x300x64xf32>
    tpu.vector_store %arg4[%swap3A_521, %swap3A_522, %swap3A_523], %swap3A_526 {strides = array<i32>} : memref<16x300x64xf32, #tpu.memory_space<vmem>>, vector<1x300x64xf32>,
    %jit3A_527 = arith.constant 0.000000e+00 : f32
    %broadcast_in_dim3A_528 = vector.broadcast %jit3A_527 : f32 to vector<300x64xf32>
    %select_n3A_529 = arith.select %lt3A_14, %add3A_421, %broadcast_in_dim3A_528 : vector<300x64xi1>, vector<300x64xf32>
    %swap3A_530 = arith.constant 2 : index
    %swap3A_531 = arith.constant 0 : index
    %swap3A_532 = arith.constant 0 : index
    %swap3A_533 = vector.load %arg5[%swap3A_530, %swap3A_531, %swap3A_532] : memref<16x300x64xf32, #tpu.memory_space<vmem>>, vector<1x300x64xf32>
    %swap3A_534 = vector.shape_cast %swap3A_533 : vector<1x300x64xf32> to vector<300x64xf32>
    %swap3A_535 = vector.shape_cast %select_n3A_529 : vector<300x64xf32> to vector<1x300x64xf32>
    tpu.vector_store %arg5[%swap3A_530, %swap3A_531, %swap3A_532], %swap3A_535 {strides = array<i32>} : memref<16x300x64xf32, #tpu.memory_space<vmem>>, vector<1x300x64xf32>,
    %jit3A_536 = arith.constant 0.000000e+00 : f32
    %broadcast_in_dim3A_537 = vector.broadcast %jit3A_536 : f32 to vector<300x64xf32>
    %select_n3A_538 = arith.select %lt3A_14, %sub3A_509, %broadcast_in_dim3A_537 : vector<300x64xi1>, vector<300x64xf32>
    %swap3A_539 = arith.constant 2 : index
    %swap3A_540 = arith.constant 0 : index
    %swap3A_541 = arith.constant 0 : index
    %swap3A_542 = vector.load %arg6[%swap3A_539, %swap3A_540, %swap3A_541] : memref<16x300x64xf32, #tpu.memory_space<vmem>>, vector<1x300x64xf32>
    %swap3A_543 = vector.shape_cast %swap3A_542 : vector<1x300x64xf32> to vector<300x64xf32>
    %swap3A_544 = vector.shape_cast %select_n3A_538 : vector<300x64xf32> to vector<1x300x64xf32>
    tpu.vector_store %arg6[%swap3A_539, %swap3A_540, %swap3A_541], %swap3A_544 {strides = array<i32>} : memref<16x300x64xf32, #tpu.memory_space<vmem>>, vector<1x300x64xf32>,
    %slice3A_545 = vector.extract_strided_slice %broadcast_in_dim3A {offsets = [2, 0, 0], sizes = [1, 300, 1], strides = [1, 1, 1]} : vector<16x300x1xf32> to vector<1x300x1xf32>
    %squeeze3A_546 = vector.shape_cast %slice3A_545 : vector<1x300x1xf32> to vector<300x1xf32>
    %broadcast_in_dim3A_547 = vector.shape_cast %squeeze3A_546 : vector<300x1xf32> to vector<300x1xf32>
    %broadcast_in_dim3A_548 = vector.broadcast %broadcast_in_dim3A_547 : vector<300x1xf32> to vector<300x64xf32>
    %swap3A_549 = arith.constant 2 : index
    %swap3A_550 = arith.constant 0 : index
    %swap3A_551 = arith.constant 0 : index
    %swap3A_552 = vector.load %arg7[%swap3A_549, %swap3A_550, %swap3A_551] : memref<16x300x64xf32, #tpu.memory_space<vmem>>, vector<1x300x64xf32>
    %swap3A_553 = vector.shape_cast %swap3A_552 : vector<1x300x64xf32> to vector<300x64xf32>
    %swap3A_554 = vector.shape_cast %broadcast_in_dim3A_548 : vector<300x64xf32> to vector<1x300x64xf32>
    tpu.vector_store %arg7[%swap3A_549, %swap3A_550, %swap3A_551], %swap3A_554 {strides = array<i32>} : memref<16x300x64xf32, #tpu.memory_space<vmem>>, vector<1x300x64xf32>,
    %slice3A_555 = vector.extract_strided_slice %div3A_12 {offsets = [3, 0, 0], sizes = [1, 300, 92], strides = [1, 1, 1]} : vector<16x300x92xf32> to vector<1x300x92xf32>
    %squeeze3A_556 = vector.shape_cast %slice3A_555 : vector<1x300x92xf32> to vector<300x92xf32>
    %get3A_557 = arith.constant 3 : index
    %get3A_558 = arith.constant 0 : index
    %get3A_559 = arith.constant 0 : index
    %get3A_560 = vector.load %arg3[%get3A_557, %get3A_558, %get3A_559] : memref<16x1x64xi32, #tpu.memory_space<vmem>>, vector<1x1x64xi32>
    %get3A_561 = vector.shape_cast %get3A_560 : vector<1x1x64xi32> to vector<1x64xi32>
    %iota3A_562 = tpu.iota {dimensions = array<i32: 0>} : vector<92x64xi32>
    %eq3A_563 = vector.broadcast %get3A_561 : vector<1x64xi32> to vector<92x64xi32>
    %eq3A_564 = arith.cmpi eq, %eq3A_563, %iota3A_562 : vector<92x64xi32>
    %convert_element_type3A_565 = arith.extui %eq3A_564 : vector<92x64xi1> to vector<92x64xi32>
    %convert_element_type3A_566 = arith.sitofp %convert_element_type3A_565 : vector<92x64xi32> to vector<92x64xf32>
    %dot_general3A_567 = arith.constant dense<0.000000e+00> : vector<300x64xf32>
    %dot_general3A_568 = tpu.matmul %squeeze3A_556, %convert_element_type3A_566, %dot_general3A_567 {dimension_numbers = #tpu.dot_dimension_numbers<[1], [0], [0], [1], [0, 0, 1, 1], [], []>, precision = #tpu.contract_precision<fp32>, transpose_lhs_hint = false} : vector<300x92xf32>, vector<92x64xf32>, vector<300x64xf32> -> vector<300x64xf32>
    %get3A_569 = arith.constant 3 : index
    %get3A_570 = arith.constant 0 : index
    %get3A_571 = arith.constant 0 : index
    %get3A_572 = vector.load %arg0[%get3A_569, %get3A_570, %get3A_571] : memref<16x300x4xf32, #tpu.memory_space<vmem>>, vector<1x300x4xf32>
    %get3A_573 = vector.shape_cast %get3A_572 : vector<1x300x4xf32> to vector<300x4xf32>
    %slice3A_574 = vector.extract_strided_slice %get3A_573 {offsets = [0, 0], sizes = [300, 1], strides = [1, 1]} : vector<300x4xf32> to vector<300x1xf32>
    %slice3A_575 = vector.extract_strided_slice %get3A_573 {offsets = [0, 1], sizes = [300, 1], strides = [1, 1]} : vector<300x4xf32> to vector<300x1xf32>
    %slice3A_576 = vector.extract_strided_slice %get3A_573 {offsets = [0, 2], sizes = [300, 1], strides = [1, 1]} : vector<300x4xf32> to vector<300x1xf32>
    %slice3A_577 = vector.extract_strided_slice %get3A_573 {offsets = [0, 3], sizes = [300, 1], strides = [1, 1]} : vector<300x4xf32> to vector<300x1xf32>
    %get3A_578 = arith.constant 3 : index
    %get3A_579 = arith.constant 0 : index
    %get3A_580 = arith.constant 0 : index
    %get3A_581 = vector.load %arg2[%get3A_578, %get3A_579, %get3A_580] : memref<16x4x64xf32, #tpu.memory_space<vmem>>, vector<1x4x64xf32>
    %get3A_582 = vector.shape_cast %get3A_581 : vector<1x4x64xf32> to vector<4x64xf32>
    %slice3A_583 = vector.extract_strided_slice %get3A_582 {offsets = [0, 0], sizes = [1, 64], strides = [1, 1]} : vector<4x64xf32> to vector<1x64xf32>
    %slice3A_584 = vector.extract_strided_slice %get3A_582 {offsets = [1, 0], sizes = [1, 64], strides = [1, 1]} : vector<4x64xf32> to vector<1x64xf32>
    %slice3A_585 = vector.extract_strided_slice %get3A_582 {offsets = [2, 0], sizes = [1, 64], strides = [1, 1]} : vector<4x64xf32> to vector<1x64xf32>
    %slice3A_586 = vector.extract_strided_slice %get3A_582 {offsets = [3, 0], sizes = [1, 64], strides = [1, 1]} : vector<4x64xf32> to vector<1x64xf32>
    %sub3A_587 = vector.broadcast %slice3A_574 : vector<300x1xf32> to vector<300x64xf32>
    %sub3A_588 = vector.broadcast %slice3A_583 : vector<1x64xf32> to vector<300x64xf32>
    %sub3A_589 = arith.subf %sub3A_587, %sub3A_588 : vector<300x64xf32>
    %abs3A_590 = math.absf %sub3A_589 : vector<300x64xf32>
    %sub3A_591 = vector.broadcast %slice3A_575 : vector<300x1xf32> to vector<300x64xf32>
    %sub3A_592 = vector.broadcast %slice3A_584 : vector<1x64xf32> to vector<300x64xf32>
    %sub3A_593 = arith.subf %sub3A_591, %sub3A_592 : vector<300x64xf32>
    %abs3A_594 = math.absf %sub3A_593 : vector<300x64xf32>
    %add3A_595 = arith.addf %abs3A_590, %abs3A_594 : vector<300x64xf32>
    %sub3A_596 = vector.broadcast %slice3A_576 : vector<300x1xf32> to vector<300x64xf32>
    %sub3A_597 = vector.broadcast %slice3A_585 : vector<1x64xf32> to vector<300x64xf32>
    %sub3A_598 = arith.subf %sub3A_596, %sub3A_597 : vector<300x64xf32>
    %abs3A_599 = math.absf %sub3A_598 : vector<300x64xf32>
    %add3A_600 = arith.addf %add3A_595, %abs3A_599 : vector<300x64xf32>
    %sub3A_601 = vector.broadcast %slice3A_577 : vector<300x1xf32> to vector<300x64xf32>
    %sub3A_602 = vector.broadcast %slice3A_586 : vector<1x64xf32> to vector<300x64xf32>
    %sub3A_603 = arith.subf %sub3A_601, %sub3A_602 : vector<300x64xf32>
    %abs3A_604 = math.absf %sub3A_603 : vector<300x64xf32>
    %add3A_605 = arith.addf %add3A_600, %abs3A_604 : vector<300x64xf32>
    %mul3A_606 = arith.constant 5.000000e-01 : f32
    %mul3A_607 = vector.broadcast %mul3A_606 : f32 to vector<300x1xf32>
    %mul3A_608 = arith.mulf %mul3A_607, %slice3A_576 : vector<300x1xf32>
    %sub3A_609 = arith.subf %slice3A_574, %mul3A_608 : vector<300x1xf32>
    %mul3A_610 = arith.constant 5.000000e-01 : f32
    %mul3A_611 = vector.broadcast %mul3A_610 : f32 to vector<300x1xf32>
    %mul3A_612 = arith.mulf %mul3A_611, %slice3A_577 : vector<300x1xf32>
    %sub3A_613 = arith.subf %slice3A_575, %mul3A_612 : vector<300x1xf32>
    %mul3A_614 = arith.constant 5.000000e-01 : f32
    %mul3A_615 = vector.broadcast %mul3A_614 : f32 to vector<300x1xf32>
    %mul3A_616 = arith.mulf %mul3A_615, %slice3A_576 : vector<300x1xf32>
    %add3A_617 = arith.addf %slice3A_574, %mul3A_616 : vector<300x1xf32>
    %mul3A_618 = arith.constant 5.000000e-01 : f32
    %mul3A_619 = vector.broadcast %mul3A_618 : f32 to vector<300x1xf32>
    %mul3A_620 = arith.mulf %mul3A_619, %slice3A_577 : vector<300x1xf32>
    %add3A_621 = arith.addf %slice3A_575, %mul3A_620 : vector<300x1xf32>
    %mul3A_622 = arith.constant 5.000000e-01 : f32
    %mul3A_623 = vector.broadcast %mul3A_622 : f32 to vector<1x64xf32>
    %mul3A_624 = arith.mulf %mul3A_623, %slice3A_585 : vector<1x64xf32>
    %sub3A_625 = arith.subf %slice3A_583, %mul3A_624 : vector<1x64xf32>
    %mul3A_626 = arith.constant 5.000000e-01 : f32
    %mul3A_627 = vector.broadcast %mul3A_626 : f32 to vector<1x64xf32>
    %mul3A_628 = arith.mulf %mul3A_627, %slice3A_586 : vector<1x64xf32>
    %sub3A_629 = arith.subf %slice3A_584, %mul3A_628 : vector<1x64xf32>
    %mul3A_630 = arith.constant 5.000000e-01 : f32
    %mul3A_631 = vector.broadcast %mul3A_630 : f32 to vector<1x64xf32>
    %mul3A_632 = arith.mulf %mul3A_631, %slice3A_585 : vector<1x64xf32>
    %add3A_633 = arith.addf %slice3A_583, %mul3A_632 : vector<1x64xf32>
    %mul3A_634 = arith.constant 5.000000e-01 : f32
    %mul3A_635 = vector.broadcast %mul3A_634 : f32 to vector<1x64xf32>
    %mul3A_636 = arith.mulf %mul3A_635, %slice3A_586 : vector<1x64xf32>
    %add3A_637 = arith.addf %slice3A_584, %mul3A_636 : vector<1x64xf32>
    %sub3A_638 = arith.subf %add3A_617, %sub3A_609 : vector<300x1xf32>
    %sub3A_639 = arith.subf %add3A_621, %sub3A_613 : vector<300x1xf32>
    %mul3A_640 = arith.mulf %sub3A_638, %sub3A_639 : vector<300x1xf32>
    %sub3A_641 = arith.subf %add3A_633, %sub3A_625 : vector<1x64xf32>
    %sub3A_642 = arith.subf %add3A_637, %sub3A_629 : vector<1x64xf32>
    %mul3A_643 = arith.mulf %sub3A_641, %sub3A_642 : vector<1x64xf32>
    %min3A_644 = vector.broadcast %add3A_617 : vector<300x1xf32> to vector<300x64xf32>
    %min3A_645 = vector.broadcast %add3A_633 : vector<1x64xf32> to vector<300x64xf32>
    %min3A_646 = arith.minimumf %min3A_644, %min3A_645 : vector<300x64xf32>
    %max3A_647 = vector.broadcast %sub3A_609 : vector<300x1xf32> to vector<300x64xf32>
    %max3A_648 = vector.broadcast %sub3A_625 : vector<1x64xf32> to vector<300x64xf32>
    %max3A_649 = arith.maximumf %max3A_647, %max3A_648 : vector<300x64xf32>
    %sub3A_650 = arith.subf %min3A_646, %max3A_649 : vector<300x64xf32>
    %jit3A_651 = arith.constant 0.000000e+00 : f32
    %max3A_652 = vector.broadcast %jit3A_651 : f32 to vector<300x64xf32>
    %max3A_653 = arith.maximumf %max3A_652, %sub3A_650 : vector<300x64xf32>
    %min3A_654 = vector.broadcast %add3A_621 : vector<300x1xf32> to vector<300x64xf32>
    %min3A_655 = vector.broadcast %add3A_637 : vector<1x64xf32> to vector<300x64xf32>
    %min3A_656 = arith.minimumf %min3A_654, %min3A_655 : vector<300x64xf32>
    %max3A_657 = vector.broadcast %sub3A_613 : vector<300x1xf32> to vector<300x64xf32>
    %max3A_658 = vector.broadcast %sub3A_629 : vector<1x64xf32> to vector<300x64xf32>
    %max3A_659 = arith.maximumf %max3A_657, %max3A_658 : vector<300x64xf32>
    %sub3A_660 = arith.subf %min3A_656, %max3A_659 : vector<300x64xf32>
    %jit3A_661 = arith.constant 0.000000e+00 : f32
    %max3A_662 = vector.broadcast %jit3A_661 : f32 to vector<300x64xf32>
    %max3A_663 = arith.maximumf %max3A_662, %sub3A_660 : vector<300x64xf32>
    %mul3A_664 = arith.mulf %max3A_653, %max3A_663 : vector<300x64xf32>
    %add3A_665 = vector.broadcast %mul3A_640 : vector<300x1xf32> to vector<300x64xf32>
    %add3A_666 = vector.broadcast %mul3A_643 : vector<1x64xf32> to vector<300x64xf32>
    %add3A_667 = arith.addf %add3A_665, %add3A_666 : vector<300x64xf32>
    %sub3A_668 = arith.subf %add3A_667, %mul3A_664 : vector<300x64xf32>
    %div3A_669 = arith.divf %mul3A_664, %sub3A_668 : vector<300x64xf32>
    %max3A_670 = vector.broadcast %add3A_617 : vector<300x1xf32> to vector<300x64xf32>
    %max3A_671 = vector.broadcast %add3A_633 : vector<1x64xf32> to vector<300x64xf32>
    %max3A_672 = arith.maximumf %max3A_670, %max3A_671 : vector<300x64xf32>
    %min3A_673 = vector.broadcast %sub3A_609 : vector<300x1xf32> to vector<300x64xf32>
    %min3A_674 = vector.broadcast %sub3A_625 : vector<1x64xf32> to vector<300x64xf32>
    %min3A_675 = arith.minimumf %min3A_673, %min3A_674 : vector<300x64xf32>
    %sub3A_676 = arith.subf %max3A_672, %min3A_675 : vector<300x64xf32>
    %jit3A_677 = arith.constant 0.000000e+00 : f32
    %max3A_678 = vector.broadcast %jit3A_677 : f32 to vector<300x64xf32>
    %max3A_679 = arith.maximumf %max3A_678, %sub3A_676 : vector<300x64xf32>
    %max3A_680 = vector.broadcast %add3A_621 : vector<300x1xf32> to vector<300x64xf32>
    %max3A_681 = vector.broadcast %add3A_637 : vector<1x64xf32> to vector<300x64xf32>
    %max3A_682 = arith.maximumf %max3A_680, %max3A_681 : vector<300x64xf32>
    %min3A_683 = vector.broadcast %sub3A_613 : vector<300x1xf32> to vector<300x64xf32>
    %min3A_684 = vector.broadcast %sub3A_629 : vector<1x64xf32> to vector<300x64xf32>
    %min3A_685 = arith.minimumf %min3A_683, %min3A_684 : vector<300x64xf32>
    %sub3A_686 = arith.subf %max3A_682, %min3A_685 : vector<300x64xf32>
    %jit3A_687 = arith.constant 0.000000e+00 : f32
    %max3A_688 = vector.broadcast %jit3A_687 : f32 to vector<300x64xf32>
    %max3A_689 = arith.maximumf %max3A_688, %sub3A_686 : vector<300x64xf32>
    %mul3A_690 = arith.mulf %max3A_679, %max3A_689 : vector<300x64xf32>
    %sub3A_691 = arith.subf %mul3A_690, %sub3A_668 : vector<300x64xf32>
    %div3A_692 = arith.divf %sub3A_691, %mul3A_690 : vector<300x64xf32>
    %sub3A_693 = arith.subf %div3A_669, %div3A_692 : vector<300x64xf32>
    %mul3A_694 = arith.constant 5.000000e+00 : f32
    %mul3A_695 = vector.broadcast %mul3A_694 : f32 to vector<300x64xf32>
    %mul3A_696 = arith.mulf %mul3A_695, %add3A_605 : vector<300x64xf32>
    %sub3A_697 = arith.subf %mul3A_696, %dot_general3A_568 : vector<300x64xf32>
    %mul3A_698 = arith.constant 2.000000e+00 : f32
    %mul3A_699 = vector.broadcast %mul3A_698 : f32 to vector<300x64xf32>
    %mul3A_700 = arith.mulf %mul3A_699, %sub3A_693 : vector<300x64xf32>
    %sub3A_701 = arith.subf %sub3A_697, %mul3A_700 : vector<300x64xf32>
    %jit3A_702 = arith.constant 0x7F800000 : f32
    %broadcast_in_dim3A_703 = vector.broadcast %jit3A_702 : f32 to vector<300x64xf32>
    %select_n3A_704 = arith.select %lt3A_14, %sub3A_701, %broadcast_in_dim3A_703 : vector<300x64xi1>, vector<300x64xf32>
    %swap3A_705 = arith.constant 3 : index
    %swap3A_706 = arith.constant 0 : index
    %swap3A_707 = arith.constant 0 : index
    %swap3A_708 = vector.load %arg4[%swap3A_705, %swap3A_706, %swap3A_707] : memref<16x300x64xf32, #tpu.memory_space<vmem>>, vector<1x300x64xf32>
    %swap3A_709 = vector.shape_cast %swap3A_708 : vector<1x300x64xf32> to vector<300x64xf32>
    %swap3A_710 = vector.shape_cast %select_n3A_704 : vector<300x64xf32> to vector<1x300x64xf32>
    tpu.vector_store %arg4[%swap3A_705, %swap3A_706, %swap3A_707], %swap3A_710 {strides = array<i32>} : memref<16x300x64xf32, #tpu.memory_space<vmem>>, vector<1x300x64xf32>,
    %jit3A_711 = arith.constant 0.000000e+00 : f32
    %broadcast_in_dim3A_712 = vector.broadcast %jit3A_711 : f32 to vector<300x64xf32>
    %select_n3A_713 = arith.select %lt3A_14, %add3A_605, %broadcast_in_dim3A_712 : vector<300x64xi1>, vector<300x64xf32>
    %swap3A_714 = arith.constant 3 : index
    %swap3A_715 = arith.constant 0 : index
    %swap3A_716 = arith.constant 0 : index
    %swap3A_717 = vector.load %arg5[%swap3A_714, %swap3A_715, %swap3A_716] : memref<16x300x64xf32, #tpu.memory_space<vmem>>, vector<1x300x64xf32>
    %swap3A_718 = vector.shape_cast %swap3A_717 : vector<1x300x64xf32> to vector<300x64xf32>
    %swap3A_719 = vector.shape_cast %select_n3A_713 : vector<300x64xf32> to vector<1x300x64xf32>
    tpu.vector_store %arg5[%swap3A_714, %swap3A_715, %swap3A_716], %swap3A_719 {strides = array<i32>} : memref<16x300x64xf32, #tpu.memory_space<vmem>>, vector<1x300x64xf32>,
    %jit3A_720 = arith.constant 0.000000e+00 : f32
    %broadcast_in_dim3A_721 = vector.broadcast %jit3A_720 : f32 to vector<300x64xf32>
    %select_n3A_722 = arith.select %lt3A_14, %sub3A_693, %broadcast_in_dim3A_721 : vector<300x64xi1>, vector<300x64xf32>
    %swap3A_723 = arith.constant 3 : index
    %swap3A_724 = arith.constant 0 : index
    %swap3A_725 = arith.constant 0 : index
    %swap3A_726 = vector.load %arg6[%swap3A_723, %swap3A_724, %swap3A_725] : memref<16x300x64xf32, #tpu.memory_space<vmem>>, vector<1x300x64xf32>
    %swap3A_727 = vector.shape_cast %swap3A_726 : vector<1x300x64xf32> to vector<300x64xf32>
    %swap3A_728 = vector.shape_cast %select_n3A_722 : vector<300x64xf32> to vector<1x300x64xf32>
    tpu.vector_store %arg6[%swap3A_723, %swap3A_724, %swap3A_725], %swap3A_728 {strides = array<i32>} : memref<16x300x64xf32, #tpu.memory_space<vmem>>, vector<1x300x64xf32>,
    %slice3A_729 = vector.extract_strided_slice %broadcast_in_dim3A {offsets = [3, 0, 0], sizes = [1, 300, 1], strides = [1, 1, 1]} : vector<16x300x1xf32> to vector<1x300x1xf32>
    %squeeze3A_730 = vector.shape_cast %slice3A_729 : vector<1x300x1xf32> to vector<300x1xf32>
    %broadcast_in_dim3A_731 = vector.shape_cast %squeeze3A_730 : vector<300x1xf32> to vector<300x1xf32>
    %broadcast_in_dim3A_732 = vector.broadcast %broadcast_in_dim3A_731 : vector<300x1xf32> to vector<300x64xf32>
    %swap3A_733 = arith.constant 3 : index
    %swap3A_734 = arith.constant 0 : index
    %swap3A_735 = arith.constant 0 : index
    %swap3A_736 = vector.load %arg7[%swap3A_733, %swap3A_734, %swap3A_735] : memref<16x300x64xf32, #tpu.memory_space<vmem>>, vector<1x300x64xf32>
    %swap3A_737 = vector.shape_cast %swap3A_736 : vector<1x300x64xf32> to vector<300x64xf32>
    %swap3A_738 = vector.shape_cast %broadcast_in_dim3A_732 : vector<300x64xf32> to vector<1x300x64xf32>
    tpu.vector_store %arg7[%swap3A_733, %swap3A_734, %swap3A_735], %swap3A_738 {strides = array<i32>} : memref<16x300x64xf32, #tpu.memory_space<vmem>>, vector<1x300x64xf32>,
    %slice3A_739 = vector.extract_strided_slice %div3A_12 {offsets = [4, 0, 0], sizes = [1, 300, 92], strides = [1, 1, 1]} : vector<16x300x92xf32> to vector<1x300x92xf32>
    %squeeze3A_740 = vector.shape_cast %slice3A_739 : vector<1x300x92xf32> to vector<300x92xf32>
    %get3A_741 = arith.constant 4 : index
    %get3A_742 = arith.constant 0 : index
    %get3A_743 = arith.constant 0 : index
    %get3A_744 = vector.load %arg3[%get3A_741, %get3A_742, %get3A_743] : memref<16x1x64xi32, #tpu.memory_space<vmem>>, vector<1x1x64xi32>
    %get3A_745 = vector.shape_cast %get3A_744 : vector<1x1x64xi32> to vector<1x64xi32>
    %iota3A_746 = tpu.iota {dimensions = array<i32: 0>} : vector<92x64xi32>
    %eq3A_747 = vector.broadcast %get3A_745 : vector<1x64xi32> to vector<92x64xi32>
    %eq3A_748 = arith.cmpi eq, %eq3A_747, %iota3A_746 : vector<92x64xi32>
    %convert_element_type3A_749 = arith.extui %eq3A_748 : vector<92x64xi1> to vector<92x64xi32>
    %convert_element_type3A_750 = arith.sitofp %convert_element_type3A_749 : vector<92x64xi32> to vector<92x64xf32>
    %dot_general3A_751 = arith.constant dense<0.000000e+00> : vector<300x64xf32>
    %dot_general3A_752 = tpu.matmul %squeeze3A_740, %convert_element_type3A_750, %dot_general3A_751 {dimension_numbers = #tpu.dot_dimension_numbers<[1], [0], [0], [1], [0, 0, 1, 1], [], []>, precision = #tpu.contract_precision<fp32>, transpose_lhs_hint = false} : vector<300x92xf32>, vector<92x64xf32>, vector<300x64xf32> -> vector<300x64xf32>
    %get3A_753 = arith.constant 4 : index
    %get3A_754 = arith.constant 0 : index
    %get3A_755 = arith.constant 0 : index
    %get3A_756 = vector.load %arg0[%get3A_753, %get3A_754, %get3A_755] : memref<16x300x4xf32, #tpu.memory_space<vmem>>, vector<1x300x4xf32>
    %get3A_757 = vector.shape_cast %get3A_756 : vector<1x300x4xf32> to vector<300x4xf32>
    %slice3A_758 = vector.extract_strided_slice %get3A_757 {offsets = [0, 0], sizes = [300, 1], strides = [1, 1]} : vector<300x4xf32> to vector<300x1xf32>
    %slice3A_759 = vector.extract_strided_slice %get3A_757 {offsets = [0, 1], sizes = [300, 1], strides = [1, 1]} : vector<300x4xf32> to vector<300x1xf32>
    %slice3A_760 = vector.extract_strided_slice %get3A_757 {offsets = [0, 2], sizes = [300, 1], strides = [1, 1]} : vector<300x4xf32> to vector<300x1xf32>
    %slice3A_761 = vector.extract_strided_slice %get3A_757 {offsets = [0, 3], sizes = [300, 1], strides = [1, 1]} : vector<300x4xf32> to vector<300x1xf32>
    %get3A_762 = arith.constant 4 : index
    %get3A_763 = arith.constant 0 : index
    %get3A_764 = arith.constant 0 : index
    %get3A_765 = vector.load %arg2[%get3A_762, %get3A_763, %get3A_764] : memref<16x4x64xf32, #tpu.memory_space<vmem>>, vector<1x4x64xf32>
    %get3A_766 = vector.shape_cast %get3A_765 : vector<1x4x64xf32> to vector<4x64xf32>
    %slice3A_767 = vector.extract_strided_slice %get3A_766 {offsets = [0, 0], sizes = [1, 64], strides = [1, 1]} : vector<4x64xf32> to vector<1x64xf32>
    %slice3A_768 = vector.extract_strided_slice %get3A_766 {offsets = [1, 0], sizes = [1, 64], strides = [1, 1]} : vector<4x64xf32> to vector<1x64xf32>
    %slice3A_769 = vector.extract_strided_slice %get3A_766 {offsets = [2, 0], sizes = [1, 64], strides = [1, 1]} : vector<4x64xf32> to vector<1x64xf32>
    %slice3A_770 = vector.extract_strided_slice %get3A_766 {offsets = [3, 0], sizes = [1, 64], strides = [1, 1]} : vector<4x64xf32> to vector<1x64xf32>
    %sub3A_771 = vector.broadcast %slice3A_758 : vector<300x1xf32> to vector<300x64xf32>
    %sub3A_772 = vector.broadcast %slice3A_767 : vector<1x64xf32> to vector<300x64xf32>
    %sub3A_773 = arith.subf %sub3A_771, %sub3A_772 : vector<300x64xf32>
    %abs3A_774 = math.absf %sub3A_773 : vector<300x64xf32>
    %sub3A_775 = vector.broadcast %slice3A_759 : vector<300x1xf32> to vector<300x64xf32>
    %sub3A_776 = vector.broadcast %slice3A_768 : vector<1x64xf32> to vector<300x64xf32>
    %sub3A_777 = arith.subf %sub3A_775, %sub3A_776 : vector<300x64xf32>
    %abs3A_778 = math.absf %sub3A_777 : vector<300x64xf32>
    %add3A_779 = arith.addf %abs3A_774, %abs3A_778 : vector<300x64xf32>
    %sub3A_780 = vector.broadcast %slice3A_760 : vector<300x1xf32> to vector<300x64xf32>
    %sub3A_781 = vector.broadcast %slice3A_769 : vector<1x64xf32> to vector<300x64xf32>
    %sub3A_782 = arith.subf %sub3A_780, %sub3A_781 : vector<300x64xf32>
    %abs3A_783 = math.absf %sub3A_782 : vector<300x64xf32>
    %add3A_784 = arith.addf %add3A_779, %abs3A_783 : vector<300x64xf32>
    %sub3A_785 = vector.broadcast %slice3A_761 : vector<300x1xf32> to vector<300x64xf32>
    %sub3A_786 = vector.broadcast %slice3A_770 : vector<1x64xf32> to vector<300x64xf32>
    %sub3A_787 = arith.subf %sub3A_785, %sub3A_786 : vector<300x64xf32>
    %abs3A_788 = math.absf %sub3A_787 : vector<300x64xf32>
    %add3A_789 = arith.addf %add3A_784, %abs3A_788 : vector<300x64xf32>
    %mul3A_790 = arith.constant 5.000000e-01 : f32
    %mul3A_791 = vector.broadcast %mul3A_790 : f32 to vector<300x1xf32>
    %mul3A_792 = arith.mulf %mul3A_791, %slice3A_760 : vector<300x1xf32>
    %sub3A_793 = arith.subf %slice3A_758, %mul3A_792 : vector<300x1xf32>
    %mul3A_794 = arith.constant 5.000000e-01 : f32
    %mul3A_795 = vector.broadcast %mul3A_794 : f32 to vector<300x1xf32>
    %mul3A_796 = arith.mulf %mul3A_795, %slice3A_761 : vector<300x1xf32>
    %sub3A_797 = arith.subf %slice3A_759, %mul3A_796 : vector<300x1xf32>
    %mul3A_798 = arith.constant 5.000000e-01 : f32
    %mul3A_799 = vector.broadcast %mul3A_798 : f32 to vector<300x1xf32>
    %mul3A_800 = arith.mulf %mul3A_799, %slice3A_760 : vector<300x1xf32>
    %add3A_801 = arith.addf %slice3A_758, %mul3A_800 : vector<300x1xf32>
    %mul3A_802 = arith.constant 5.000000e-01 : f32
    %mul3A_803 = vector.broadcast %mul3A_802 : f32 to vector<300x1xf32>
    %mul3A_804 = arith.mulf %mul3A_803, %slice3A_761 : vector<300x1xf32>
    %add3A_805 = arith.addf %slice3A_759, %mul3A_804 : vector<300x1xf32>
    %mul3A_806 = arith.constant 5.000000e-01 : f32
    %mul3A_807 = vector.broadcast %mul3A_806 : f32 to vector<1x64xf32>
    %mul3A_808 = arith.mulf %mul3A_807, %slice3A_769 : vector<1x64xf32>
    %sub3A_809 = arith.subf %slice3A_767, %mul3A_808 : vector<1x64xf32>
    %mul3A_810 = arith.constant 5.000000e-01 : f32
    %mul3A_811 = vector.broadcast %mul3A_810 : f32 to vector<1x64xf32>
    %mul3A_812 = arith.mulf %mul3A_811, %slice3A_770 : vector<1x64xf32>
    %sub3A_813 = arith.subf %slice3A_768, %mul3A_812 : vector<1x64xf32>
    %mul3A_814 = arith.constant 5.000000e-01 : f32
    %mul3A_815 = vector.broadcast %mul3A_814 : f32 to vector<1x64xf32>
    %mul3A_816 = arith.mulf %mul3A_815, %slice3A_769 : vector<1x64xf32>
    %add3A_817 = arith.addf %slice3A_767, %mul3A_816 : vector<1x64xf32>
    %mul3A_818 = arith.constant 5.000000e-01 : f32
    %mul3A_819 = vector.broadcast %mul3A_818 : f32 to vector<1x64xf32>
    %mul3A_820 = arith.mulf %mul3A_819, %slice3A_770 : vector<1x64xf32>
    %add3A_821 = arith.addf %slice3A_768, %mul3A_820 : vector<1x64xf32>
    %sub3A_822 = arith.subf %add3A_801, %sub3A_793 : vector<300x1xf32>
    %sub3A_823 = arith.subf %add3A_805, %sub3A_797 : vector<300x1xf32>
    %mul3A_824 = arith.mulf %sub3A_822, %sub3A_823 : vector<300x1xf32>
    %sub3A_825 = arith.subf %add3A_817, %sub3A_809 : vector<1x64xf32>
    %sub3A_826 = arith.subf %add3A_821, %sub3A_813 : vector<1x64xf32>
    %mul3A_827 = arith.mulf %sub3A_825, %sub3A_826 : vector<1x64xf32>
    %min3A_828 = vector.broadcast %add3A_801 : vector<300x1xf32> to vector<300x64xf32>
    %min3A_829 = vector.broadcast %add3A_817 : vector<1x64xf32> to vector<300x64xf32>
    %min3A_830 = arith.minimumf %min3A_828, %min3A_829 : vector<300x64xf32>
    %max3A_831 = vector.broadcast %sub3A_793 : vector<300x1xf32> to vector<300x64xf32>
    %max3A_832 = vector.broadcast %sub3A_809 : vector<1x64xf32> to vector<300x64xf32>
    %max3A_833 = arith.maximumf %max3A_831, %max3A_832 : vector<300x64xf32>
    %sub3A_834 = arith.subf %min3A_830, %max3A_833 : vector<300x64xf32>
    %jit3A_835 = arith.constant 0.000000e+00 : f32
    %max3A_836 = vector.broadcast %jit3A_835 : f32 to vector<300x64xf32>
    %max3A_837 = arith.maximumf %max3A_836, %sub3A_834 : vector<300x64xf32>
    %min3A_838 = vector.broadcast %add3A_805 : vector<300x1xf32> to vector<300x64xf32>
    %min3A_839 = vector.broadcast %add3A_821 : vector<1x64xf32> to vector<300x64xf32>
    %min3A_840 = arith.minimumf %min3A_838, %min3A_839 : vector<300x64xf32>
    %max3A_841 = vector.broadcast %sub3A_797 : vector<300x1xf32> to vector<300x64xf32>
    %max3A_842 = vector.broadcast %sub3A_813 : vector<1x64xf32> to vector<300x64xf32>
    %max3A_843 = arith.maximumf %max3A_841, %max3A_842 : vector<300x64xf32>
    %sub3A_844 = arith.subf %min3A_840, %max3A_843 : vector<300x64xf32>
    %jit3A_845 = arith.constant 0.000000e+00 : f32
    %max3A_846 = vector.broadcast %jit3A_845 : f32 to vector<300x64xf32>
    %max3A_847 = arith.maximumf %max3A_846, %sub3A_844 : vector<300x64xf32>
    %mul3A_848 = arith.mulf %max3A_837, %max3A_847 : vector<300x64xf32>
    %add3A_849 = vector.broadcast %mul3A_824 : vector<300x1xf32> to vector<300x64xf32>
    %add3A_850 = vector.broadcast %mul3A_827 : vector<1x64xf32> to vector<300x64xf32>
    %add3A_851 = arith.addf %add3A_849, %add3A_850 : vector<300x64xf32>
    %sub3A_852 = arith.subf %add3A_851, %mul3A_848 : vector<300x64xf32>
    %div3A_853 = arith.divf %mul3A_848, %sub3A_852 : vector<300x64xf32>
    %max3A_854 = vector.broadcast %add3A_801 : vector<300x1xf32> to vector<300x64xf32>
    %max3A_855 = vector.broadcast %add3A_817 : vector<1x64xf32> to vector<300x64xf32>
    %max3A_856 = arith.maximumf %max3A_854, %max3A_855 : vector<300x64xf32>
    %min3A_857 = vector.broadcast %sub3A_793 : vector<300x1xf32> to vector<300x64xf32>
    %min3A_858 = vector.broadcast %sub3A_809 : vector<1x64xf32> to vector<300x64xf32>
    %min3A_859 = arith.minimumf %min3A_857, %min3A_858 : vector<300x64xf32>
    %sub3A_860 = arith.subf %max3A_856, %min3A_859 : vector<300x64xf32>
    %jit3A_861 = arith.constant 0.000000e+00 : f32
    %max3A_862 = vector.broadcast %jit3A_861 : f32 to vector<300x64xf32>
    %max3A_863 = arith.maximumf %max3A_862, %sub3A_860 : vector<300x64xf32>
    %max3A_864 = vector.broadcast %add3A_805 : vector<300x1xf32> to vector<300x64xf32>
    %max3A_865 = vector.broadcast %add3A_821 : vector<1x64xf32> to vector<300x64xf32>
    %max3A_866 = arith.maximumf %max3A_864, %max3A_865 : vector<300x64xf32>
    %min3A_867 = vector.broadcast %sub3A_797 : vector<300x1xf32> to vector<300x64xf32>
    %min3A_868 = vector.broadcast %sub3A_813 : vector<1x64xf32> to vector<300x64xf32>
    %min3A_869 = arith.minimumf %min3A_867, %min3A_868 : vector<300x64xf32>
    %sub3A_870 = arith.subf %max3A_866, %min3A_869 : vector<300x64xf32>
    %jit3A_871 = arith.constant 0.000000e+00 : f32
    %max3A_872 = vector.broadcast %jit3A_871 : f32 to vector<300x64xf32>
    %max3A_873 = arith.maximumf %max3A_872, %sub3A_870 : vector<300x64xf32>
    %mul3A_874 = arith.mulf %max3A_863, %max3A_873 : vector<300x64xf32>
    %sub3A_875 = arith.subf %mul3A_874, %sub3A_852 : vector<300x64xf32>
    %div3A_876 = arith.divf %sub3A_875, %mul3A_874 : vector<300x64xf32>
    %sub3A_877 = arith.subf %div3A_853, %div3A_876 : vector<300x64xf32>
    %mul3A_878 = arith.constant 5.000000e+00 : f32
    %mul3A_879 = vector.broadcast %mul3A_878 : f32 to vector<300x64xf32>
    %mul3A_880 = arith.mulf %mul3A_879, %add3A_789 : vector<300x64xf32>
    %sub3A_881 = arith.subf %mul3A_880, %dot_general3A_752 : vector<300x64xf32>
    %mul3A_882 = arith.constant 2.000000e+00 : f32
    %mul3A_883 = vector.broadcast %mul3A_882 : f32 to vector<300x64xf32>
    %mul3A_884 = arith.mulf %mul3A_883, %sub3A_877 : vector<300x64xf32>
    %sub3A_885 = arith.subf %sub3A_881, %mul3A_884 : vector<300x64xf32>
    %jit3A_886 = arith.constant 0x7F800000 : f32
    %broadcast_in_dim3A_887 = vector.broadcast %jit3A_886 : f32 to vector<300x64xf32>
    %select_n3A_888 = arith.select %lt3A_14, %sub3A_885, %broadcast_in_dim3A_887 : vector<300x64xi1>, vector<300x64xf32>
    %swap3A_889 = arith.constant 4 : index
    %swap3A_890 = arith.constant 0 : index
    %swap3A_891 = arith.constant 0 : index
    %swap3A_892 = vector.load %arg4[%swap3A_889, %swap3A_890, %swap3A_891] : memref<16x300x64xf32, #tpu.memory_space<vmem>>, vector<1x300x64xf32>
    %swap3A_893 = vector.shape_cast %swap3A_892 : vector<1x300x64xf32> to vector<300x64xf32>
    %swap3A_894 = vector.shape_cast %select_n3A_888 : vector<300x64xf32> to vector<1x300x64xf32>
    tpu.vector_store %arg4[%swap3A_889, %swap3A_890, %swap3A_891], %swap3A_894 {strides = array<i32>} : memref<16x300x64xf32, #tpu.memory_space<vmem>>, vector<1x300x64xf32>,
    %jit3A_895 = arith.constant 0.000000e+00 : f32
    %broadcast_in_dim3A_896 = vector.broadcast %jit3A_895 : f32 to vector<300x64xf32>
    %select_n3A_897 = arith.select %lt3A_14, %add3A_789, %broadcast_in_dim3A_896 : vector<300x64xi1>, vector<300x64xf32>
    %swap3A_898 = arith.constant 4 : index
    %swap3A_899 = arith.constant 0 : index
    %swap3A_900 = arith.constant 0 : index
    %swap3A_901 = vector.load %arg5[%swap3A_898, %swap3A_899, %swap3A_900] : memref<16x300x64xf32, #tpu.memory_space<vmem>>, vector<1x300x64xf32>
    %swap3A_902 = vector.shape_cast %swap3A_901 : vector<1x300x64xf32> to vector<300x64xf32>
    %swap3A_903 = vector.shape_cast %select_n3A_897 : vector<300x64xf32> to vector<1x300x64xf32>
    tpu.vector_store %arg5[%swap3A_898, %swap3A_899, %swap3A_900], %swap3A_903 {strides = array<i32>} : memref<16x300x64xf32, #tpu.memory_space<vmem>>, vector<1x300x64xf32>,
    %jit3A_904 = arith.constant 0.000000e+00 : f32
    %broadcast_in_dim3A_905 = vector.broadcast %jit3A_904 : f32 to vector<300x64xf32>
    %select_n3A_906 = arith.select %lt3A_14, %sub3A_877, %broadcast_in_dim3A_905 : vector<300x64xi1>, vector<300x64xf32>
    %swap3A_907 = arith.constant 4 : index
    %swap3A_908 = arith.constant 0 : index
    %swap3A_909 = arith.constant 0 : index
    %swap3A_910 = vector.load %arg6[%swap3A_907, %swap3A_908, %swap3A_909] : memref<16x300x64xf32, #tpu.memory_space<vmem>>, vector<1x300x64xf32>
    %swap3A_911 = vector.shape_cast %swap3A_910 : vector<1x300x64xf32> to vector<300x64xf32>
    %swap3A_912 = vector.shape_cast %select_n3A_906 : vector<300x64xf32> to vector<1x300x64xf32>
    tpu.vector_store %arg6[%swap3A_907, %swap3A_908, %swap3A_909], %swap3A_912 {strides = array<i32>} : memref<16x300x64xf32, #tpu.memory_space<vmem>>, vector<1x300x64xf32>,
    %slice3A_913 = vector.extract_strided_slice %broadcast_in_dim3A {offsets = [4, 0, 0], sizes = [1, 300, 1], strides = [1, 1, 1]} : vector<16x300x1xf32> to vector<1x300x1xf32>
    %squeeze3A_914 = vector.shape_cast %slice3A_913 : vector<1x300x1xf32> to vector<300x1xf32>
    %broadcast_in_dim3A_915 = vector.shape_cast %squeeze3A_914 : vector<300x1xf32> to vector<300x1xf32>
    %broadcast_in_dim3A_916 = vector.broadcast %broadcast_in_dim3A_915 : vector<300x1xf32> to vector<300x64xf32>
    %swap3A_917 = arith.constant 4 : index
    %swap3A_918 = arith.constant 0 : index
    %swap3A_919 = arith.constant 0 : index
    %swap3A_920 = vector.load %arg7[%swap3A_917, %swap3A_918, %swap3A_919] : memref<16x300x64xf32, #tpu.memory_space<vmem>>, vector<1x300x64xf32>
    %swap3A_921 = vector.shape_cast %swap3A_920 : vector<1x300x64xf32> to vector<300x64xf32>
    %swap3A_922 = vector.shape_cast %broadcast_in_dim3A_916 : vector<300x64xf32> to vector<1x300x64xf32>
    tpu.vector_store %arg7[%swap3A_917, %swap3A_918, %swap3A_919], %swap3A_922 {strides = array<i32>} : memref<16x300x64xf32, #tpu.memory_space<vmem>>, vector<1x300x64xf32>,
    %slice3A_923 = vector.extract_strided_slice %div3A_12 {offsets = [5, 0, 0], sizes = [1, 300, 92], strides = [1, 1, 1]} : vector<16x300x92xf32> to vector<1x300x92xf32>
    %squeeze3A_924 = vector.shape_cast %slice3A_923 : vector<1x300x92xf32> to vector<300x92xf32>
    %get3A_925 = arith.constant 5 : index
    %get3A_926 = arith.constant 0 : index
    %get3A_927 = arith.constant 0 : index
    %get3A_928 = vector.load %arg3[%get3A_925, %get3A_926, %get3A_927] : memref<16x1x64xi32, #tpu.memory_space<vmem>>, vector<1x1x64xi32>
    %get3A_929 = vector.shape_cast %get3A_928 : vector<1x1x64xi32> to vector<1x64xi32>
    %iota3A_930 = tpu.iota {dimensions = array<i32: 0>} : vector<92x64xi32>
    %eq3A_931 = vector.broadcast %get3A_929 : vector<1x64xi32> to vector<92x64xi32>
    %eq3A_932 = arith.cmpi eq, %eq3A_931, %iota3A_930 : vector<92x64xi32>
    %convert_element_type3A_933 = arith.extui %eq3A_932 : vector<92x64xi1> to vector<92x64xi32>
    %convert_element_type3A_934 = arith.sitofp %convert_element_type3A_933 : vector<92x64xi32> to vector<92x64xf32>
    %dot_general3A_935 = arith.constant dense<0.000000e+00> : vector<300x64xf32>
    %dot_general3A_936 = tpu.matmul %squeeze3A_924, %convert_element_type3A_934, %dot_general3A_935 {dimension_numbers = #tpu.dot_dimension_numbers<[1], [0], [0], [1], [0, 0, 1, 1], [], []>, precision = #tpu.contract_precision<fp32>, transpose_lhs_hint = false} : vector<300x92xf32>, vector<92x64xf32>, vector<300x64xf32> -> vector<300x64xf32>
    %get3A_937 = arith.constant 5 : index
    %get3A_938 = arith.constant 0 : index
    %get3A_939 = arith.constant 0 : index
    %get3A_940 = vector.load %arg0[%get3A_937, %get3A_938, %get3A_939] : memref<16x300x4xf32, #tpu.memory_space<vmem>>, vector<1x300x4xf32>
    %get3A_941 = vector.shape_cast %get3A_940 : vector<1x300x4xf32> to vector<300x4xf32>
    %slice3A_942 = vector.extract_strided_slice %get3A_941 {offsets = [0, 0], sizes = [300, 1], strides = [1, 1]} : vector<300x4xf32> to vector<300x1xf32>
    %slice3A_943 = vector.extract_strided_slice %get3A_941 {offsets = [0, 1], sizes = [300, 1], strides = [1, 1]} : vector<300x4xf32> to vector<300x1xf32>
    %slice3A_944 = vector.extract_strided_slice %get3A_941 {offsets = [0, 2], sizes = [300, 1], strides = [1, 1]} : vector<300x4xf32> to vector<300x1xf32>
    %slice3A_945 = vector.extract_strided_slice %get3A_941 {offsets = [0, 3], sizes = [300, 1], strides = [1, 1]} : vector<300x4xf32> to vector<300x1xf32>
    %get3A_946 = arith.constant 5 : index
    %get3A_947 = arith.constant 0 : index
    %get3A_948 = arith.constant 0 : index
    %get3A_949 = vector.load %arg2[%get3A_946, %get3A_947, %get3A_948] : memref<16x4x64xf32, #tpu.memory_space<vmem>>, vector<1x4x64xf32>
    %get3A_950 = vector.shape_cast %get3A_949 : vector<1x4x64xf32> to vector<4x64xf32>
    %slice3A_951 = vector.extract_strided_slice %get3A_950 {offsets = [0, 0], sizes = [1, 64], strides = [1, 1]} : vector<4x64xf32> to vector<1x64xf32>
    %slice3A_952 = vector.extract_strided_slice %get3A_950 {offsets = [1, 0], sizes = [1, 64], strides = [1, 1]} : vector<4x64xf32> to vector<1x64xf32>
    %slice3A_953 = vector.extract_strided_slice %get3A_950 {offsets = [2, 0], sizes = [1, 64], strides = [1, 1]} : vector<4x64xf32> to vector<1x64xf32>
    %slice3A_954 = vector.extract_strided_slice %get3A_950 {offsets = [3, 0], sizes = [1, 64], strides = [1, 1]} : vector<4x64xf32> to vector<1x64xf32>
    %sub3A_955 = vector.broadcast %slice3A_942 : vector<300x1xf32> to vector<300x64xf32>
    %sub3A_956 = vector.broadcast %slice3A_951 : vector<1x64xf32> to vector<300x64xf32>
    %sub3A_957 = arith.subf %sub3A_955, %sub3A_956 : vector<300x64xf32>
    %abs3A_958 = math.absf %sub3A_957 : vector<300x64xf32>
    %sub3A_959 = vector.broadcast %slice3A_943 : vector<300x1xf32> to vector<300x64xf32>
    %sub3A_960 = vector.broadcast %slice3A_952 : vector<1x64xf32> to vector<300x64xf32>
    %sub3A_961 = arith.subf %sub3A_959, %sub3A_960 : vector<300x64xf32>
    %abs3A_962 = math.absf %sub3A_961 : vector<300x64xf32>
    %add3A_963 = arith.addf %abs3A_958, %abs3A_962 : vector<300x64xf32>
    %sub3A_964 = vector.broadcast %slice3A_944 : vector<300x1xf32> to vector<300x64xf32>
    %sub3A_965 = vector.broadcast %slice3A_953 : vector<1x64xf32> to vector<300x64xf32>
    %sub3A_966 = arith.subf %sub3A_964, %sub3A_965 : vector<300x64xf32>
    %abs3A_967 = math.absf %sub3A_966 : vector<300x64xf32>
    %add3A_968 = arith.addf %add3A_963, %abs3A_967 : vector<300x64xf32>
    %sub3A_969 = vector.broadcast %slice3A_945 : vector<300x1xf32> to vector<300x64xf32>
    %sub3A_970 = vector.broadcast %slice3A_954 : vector<1x64xf32> to vector<300x64xf32>
    %sub3A_971 = arith.subf %sub3A_969, %sub3A_970 : vector<300x64xf32>
    %abs3A_972 = math.absf %sub3A_971 : vector<300x64xf32>
    %add3A_973 = arith.addf %add3A_968, %abs3A_972 : vector<300x64xf32>
    %mul3A_974 = arith.constant 5.000000e-01 : f32
    %mul3A_975 = vector.broadcast %mul3A_974 : f32 to vector<300x1xf32>
    %mul3A_976 = arith.mulf %mul3A_975, %slice3A_944 : vector<300x1xf32>
    %sub3A_977 = arith.subf %slice3A_942, %mul3A_976 : vector<300x1xf32>
    %mul3A_978 = arith.constant 5.000000e-01 : f32
    %mul3A_979 = vector.broadcast %mul3A_978 : f32 to vector<300x1xf32>
    %mul3A_980 = arith.mulf %mul3A_979, %slice3A_945 : vector<300x1xf32>
    %sub3A_981 = arith.subf %slice3A_943, %mul3A_980 : vector<300x1xf32>
    %mul3A_982 = arith.constant 5.000000e-01 : f32
    %mul3A_983 = vector.broadcast %mul3A_982 : f32 to vector<300x1xf32>
    %mul3A_984 = arith.mulf %mul3A_983, %slice3A_944 : vector<300x1xf32>
    %add3A_985 = arith.addf %slice3A_942, %mul3A_984 : vector<300x1xf32>
    %mul3A_986 = arith.constant 5.000000e-01 : f32
    %mul3A_987 = vector.broadcast %mul3A_986 : f32 to vector<300x1xf32>
    %mul3A_988 = arith.mulf %mul3A_987, %slice3A_945 : vector<300x1xf32>
    %add3A_989 = arith.addf %slice3A_943, %mul3A_988 : vector<300x1xf32>
    %mul3A_990 = arith.constant 5.000000e-01 : f32
    %mul3A_991 = vector.broadcast %mul3A_990 : f32 to vector<1x64xf32>
    %mul3A_992 = arith.mulf %mul3A_991, %slice3A_953 : vector<1x64xf32>
    %sub3A_993 = arith.subf %slice3A_951, %mul3A_992 : vector<1x64xf32>
    %mul3A_994 = arith.constant 5.000000e-01 : f32
    %mul3A_995 = vector.broadcast %mul3A_994 : f32 to vector<1x64xf32>
    %mul3A_996 = arith.mulf %mul3A_995, %slice3A_954 : vector<1x64xf32>
    %sub3A_997 = arith.subf %slice3A_952, %mul3A_996 : vector<1x64xf32>
    %mul3A_998 = arith.constant 5.000000e-01 : f32
    %mul3A_999 = vector.broadcast %mul3A_998 : f32 to vector<1x64xf32>
    %mul3A_1000 = arith.mulf %mul3A_999, %slice3A_953 : vector<1x64xf32>
    %add3A_1001 = arith.addf %slice3A_951, %mul3A_1000 : vector<1x64xf32>
    %mul3A_1002 = arith.constant 5.000000e-01 : f32
    %mul3A_1003 = vector.broadcast %mul3A_1002 : f32 to vector<1x64xf32>
    %mul3A_1004 = arith.mulf %mul3A_1003, %slice3A_954 : vector<1x64xf32>
    %add3A_1005 = arith.addf %slice3A_952, %mul3A_1004 : vector<1x64xf32>
    %sub3A_1006 = arith.subf %add3A_985, %sub3A_977 : vector<300x1xf32>
    %sub3A_1007 = arith.subf %add3A_989, %sub3A_981 : vector<300x1xf32>
    %mul3A_1008 = arith.mulf %sub3A_1006, %sub3A_1007 : vector<300x1xf32>
    %sub3A_1009 = arith.subf %add3A_1001, %sub3A_993 : vector<1x64xf32>
    %sub3A_1010 = arith.subf %add3A_1005, %sub3A_997 : vector<1x64xf32>
    %mul3A_1011 = arith.mulf %sub3A_1009, %sub3A_1010 : vector<1x64xf32>
    %min3A_1012 = vector.broadcast %add3A_985 : vector<300x1xf32> to vector<300x64xf32>
    %min3A_1013 = vector.broadcast %add3A_1001 : vector<1x64xf32> to vector<300x64xf32>
    %min3A_1014 = arith.minimumf %min3A_1012, %min3A_1013 : vector<300x64xf32>
    %max3A_1015 = vector.broadcast %sub3A_977 : vector<300x1xf32> to vector<300x64xf32>
    %max3A_1016 = vector.broadcast %sub3A_993 : vector<1x64xf32> to vector<300x64xf32>
    %max3A_1017 = arith.maximumf %max3A_1015, %max3A_1016 : vector<300x64xf32>
    %sub3A_1018 = arith.subf %min3A_1014, %max3A_1017 : vector<300x64xf32>
    %jit3A_1019 = arith.constant 0.000000e+00 : f32
    %max3A_1020 = vector.broadcast %jit3A_1019 : f32 to vector<300x64xf32>
    %max3A_1021 = arith.maximumf %max3A_1020, %sub3A_1018 : vector<300x64xf32>
    %min3A_1022 = vector.broadcast %add3A_989 : vector<300x1xf32> to vector<300x64xf32>
    %min3A_1023 = vector.broadcast %add3A_1005 : vector<1x64xf32> to vector<300x64xf32>
    %min3A_1024 = arith.minimumf %min3A_1022, %min3A_1023 : vector<300x64xf32>
    %max3A_1025 = vector.broadcast %sub3A_981 : vector<300x1xf32> to vector<300x64xf32>
    %max3A_1026 = vector.broadcast %sub3A_997 : vector<1x64xf32> to vector<300x64xf32>
    %max3A_1027 = arith.maximumf %max3A_1025, %max3A_1026 : vector<300x64xf32>
    %sub3A_1028 = arith.subf %min3A_1024, %max3A_1027 : vector<300x64xf32>
    %jit3A_1029 = arith.constant 0.000000e+00 : f32
    %max3A_1030 = vector.broadcast %jit3A_1029 : f32 to vector<300x64xf32>
    %max3A_1031 = arith.maximumf %max3A_1030, %sub3A_1028 : vector<300x64xf32>
    %mul3A_1032 = arith.mulf %max3A_1021, %max3A_1031 : vector<300x64xf32>
    %add3A_1033 = vector.broadcast %mul3A_1008 : vector<300x1xf32> to vector<300x64xf32>
    %add3A_1034 = vector.broadcast %mul3A_1011 : vector<1x64xf32> to vector<300x64xf32>
    %add3A_1035 = arith.addf %add3A_1033, %add3A_1034 : vector<300x64xf32>
    %sub3A_1036 = arith.subf %add3A_1035, %mul3A_1032 : vector<300x64xf32>
    %div3A_1037 = arith.divf %mul3A_1032, %sub3A_1036 : vector<300x64xf32>
    %max3A_1038 = vector.broadcast %add3A_985 : vector<300x1xf32> to vector<300x64xf32>
    %max3A_1039 = vector.broadcast %add3A_1001 : vector<1x64xf32> to vector<300x64xf32>
    %max3A_1040 = arith.maximumf %max3A_1038, %max3A_1039 : vector<300x64xf32>
    %min3A_1041 = vector.broadcast %sub3A_977 : vector<300x1xf32> to vector<300x64xf32>
    %min3A_1042 = vector.broadcast %sub3A_993 : vector<1x64xf32> to vector<300x64xf32>
    %min3A_1043 = arith.minimumf %min3A_1041, %min3A_1042 : vector<300x64xf32>
    %sub3A_1044 = arith.subf %max3A_1040, %min3A_1043 : vector<300x64xf32>
    %jit3A_1045 = arith.constant 0.000000e+00 : f32
    %max3A_1046 = vector.broadcast %jit3A_1045 : f32 to vector<300x64xf32>
    %max3A_1047 = arith.maximumf %max3A_1046, %sub3A_1044 : vector<300x64xf32>
    %max3A_1048 = vector.broadcast %add3A_989 : vector<300x1xf32> to vector<300x64xf32>
    %max3A_1049 = vector.broadcast %add3A_1005 : vector<1x64xf32> to vector<300x64xf32>
    %max3A_1050 = arith.maximumf %max3A_1048, %max3A_1049 : vector<300x64xf32>
    %min3A_1051 = vector.broadcast %sub3A_981 : vector<300x1xf32> to vector<300x64xf32>
    %min3A_1052 = vector.broadcast %sub3A_997 : vector<1x64xf32> to vector<300x64xf32>
    %min3A_1053 = arith.minimumf %min3A_1051, %min3A_1052 : vector<300x64xf32>
    %sub3A_1054 = arith.subf %max3A_1050, %min3A_1053 : vector<300x64xf32>
    %jit3A_1055 = arith.constant 0.000000e+00 : f32
    %max3A_1056 = vector.broadcast %jit3A_1055 : f32 to vector<300x64xf32>
    %max3A_1057 = arith.maximumf %max3A_1056, %sub3A_1054 : vector<300x64xf32>
    %mul3A_1058 = arith.mulf %max3A_1047, %max3A_1057 : vector<300x64xf32>
    %sub3A_1059 = arith.subf %mul3A_1058, %sub3A_1036 : vector<300x64xf32>
    %div3A_1060 = arith.divf %sub3A_1059, %mul3A_1058 : vector<300x64xf32>
    %sub3A_1061 = arith.subf %div3A_1037, %div3A_1060 : vector<300x64xf32>
    %mul3A_1062 = arith.constant 5.000000e+00 : f32
    %mul3A_1063 = vector.broadcast %mul3A_1062 : f32 to vector<300x64xf32>
    %mul3A_1064 = arith.mulf %mul3A_1063, %add3A_973 : vector<300x64xf32>
    %sub3A_1065 = arith.subf %mul3A_1064, %dot_general3A_936 : vector<300x64xf32>
    %mul3A_1066 = arith.constant 2.000000e+00 : f32
    %mul3A_1067 = vector.broadcast %mul3A_1066 : f32 to vector<300x64xf32>
    %mul3A_1068 = arith.mulf %mul3A_1067, %sub3A_1061 : vector<300x64xf32>
    %sub3A_1069 = arith.subf %sub3A_1065, %mul3A_1068 : vector<300x64xf32>
    %jit3A_1070 = arith.constant 0x7F800000 : f32
    %broadcast_in_dim3A_1071 = vector.broadcast %jit3A_1070 : f32 to vector<300x64xf32>
    %select_n3A_1072 = arith.select %lt3A_14, %sub3A_1069, %broadcast_in_dim3A_1071 : vector<300x64xi1>, vector<300x64xf32>
    %swap3A_1073 = arith.constant 5 : index
    %swap3A_1074 = arith.constant 0 : index
    %swap3A_1075 = arith.constant 0 : index
    %swap3A_1076 = vector.load %arg4[%swap3A_1073, %swap3A_1074, %swap3A_1075] : memref<16x300x64xf32, #tpu.memory_space<vmem>>, vector<1x300x64xf32>
    %swap3A_1077 = vector.shape_cast %swap3A_1076 : vector<1x300x64xf32> to vector<300x64xf32>
    %swap3A_1078 = vector.shape_cast %select_n3A_1072 : vector<300x64xf32> to vector<1x300x64xf32>
    tpu.vector_store %arg4[%swap3A_1073, %swap3A_1074, %swap3A_1075], %swap3A_1078 {strides = array<i32>} : memref<16x300x64xf32, #tpu.memory_space<vmem>>, vector<1x300x64xf32>,
    %jit3A_1079 = arith.constant 0.000000e+00 : f32
    %broadcast_in_dim3A_1080 = vector.broadcast %jit3A_1079 : f32 to vector<300x64xf32>
    %select_n3A_1081 = arith.select %lt3A_14, %add3A_973, %broadcast_in_dim3A_1080 : vector<300x64xi1>, vector<300x64xf32>
    %swap3A_1082 = arith.constant 5 : index
    %swap3A_1083 = arith.constant 0 : index
    %swap3A_1084 = arith.constant 0 : index
    %swap3A_1085 = vector.load %arg5[%swap3A_1082, %swap3A_1083, %swap3A_1084] : memref<16x300x64xf32, #tpu.memory_space<vmem>>, vector<1x300x64xf32>
    %swap3A_1086 = vector.shape_cast %swap3A_1085 : vector<1x300x64xf32> to vector<300x64xf32>
    %swap3A_1087 = vector.shape_cast %select_n3A_1081 : vector<300x64xf32> to vector<1x300x64xf32>
    tpu.vector_store %arg5[%swap3A_1082, %swap3A_1083, %swap3A_1084], %swap3A_1087 {strides = array<i32>} : memref<16x300x64xf32, #tpu.memory_space<vmem>>, vector<1x300x64xf32>,
    %jit3A_1088 = arith.constant 0.000000e+00 : f32
    %broadcast_in_dim3A_1089 = vector.broadcast %jit3A_1088 : f32 to vector<300x64xf32>
    %select_n3A_1090 = arith.select %lt3A_14, %sub3A_1061, %broadcast_in_dim3A_1089 : vector<300x64xi1>, vector<300x64xf32>
    %swap3A_1091 = arith.constant 5 : index
    %swap3A_1092 = arith.constant 0 : index
    %swap3A_1093 = arith.constant 0 : index
    %swap3A_1094 = vector.load %arg6[%swap3A_1091, %swap3A_1092, %swap3A_1093] : memref<16x300x64xf32, #tpu.memory_space<vmem>>, vector<1x300x64xf32>
    %swap3A_1095 = vector.shape_cast %swap3A_1094 : vector<1x300x64xf32> to vector<300x64xf32>
    %swap3A_1096 = vector.shape_cast %select_n3A_1090 : vector<300x64xf32> to vector<1x300x64xf32>
    tpu.vector_store %arg6[%swap3A_1091, %swap3A_1092, %swap3A_1093], %swap3A_1096 {strides = array<i32>} : memref<16x300x64xf32, #tpu.memory_space<vmem>>, vector<1x300x64xf32>,
    %slice3A_1097 = vector.extract_strided_slice %broadcast_in_dim3A {offsets = [5, 0, 0], sizes = [1, 300, 1], strides = [1, 1, 1]} : vector<16x300x1xf32> to vector<1x300x1xf32>
    %squeeze3A_1098 = vector.shape_cast %slice3A_1097 : vector<1x300x1xf32> to vector<300x1xf32>
    %broadcast_in_dim3A_1099 = vector.shape_cast %squeeze3A_1098 : vector<300x1xf32> to vector<300x1xf32>
    %broadcast_in_dim3A_1100 = vector.broadcast %broadcast_in_dim3A_1099 : vector<300x1xf32> to vector<300x64xf32>
    %swap3A_1101 = arith.constant 5 : index
    %swap3A_1102 = arith.constant 0 : index
    %swap3A_1103 = arith.constant 0 : index
    %swap3A_1104 = vector.load %arg7[%swap3A_1101, %swap3A_1102, %swap3A_1103] : memref<16x300x64xf32, #tpu.memory_space<vmem>>, vector<1x300x64xf32>
    %swap3A_1105 = vector.shape_cast %swap3A_1104 : vector<1x300x64xf32> to vector<300x64xf32>
    %swap3A_1106 = vector.shape_cast %broadcast_in_dim3A_1100 : vector<300x64xf32> to vector<1x300x64xf32>
    tpu.vector_store %arg7[%swap3A_1101, %swap3A_1102, %swap3A_1103], %swap3A_1106 {strides = array<i32>} : memref<16x300x64xf32, #tpu.memory_space<vmem>>, vector<1x300x64xf32>,
    %slice3A_1107 = vector.extract_strided_slice %div3A_12 {offsets = [6, 0, 0], sizes = [1, 300, 92], strides = [1, 1, 1]} : vector<16x300x92xf32> to vector<1x300x92xf32>
    %squeeze3A_1108 = vector.shape_cast %slice3A_1107 : vector<1x300x92xf32> to vector<300x92xf32>
    %get3A_1109 = arith.constant 6 : index
    %get3A_1110 = arith.constant 0 : index
    %get3A_1111 = arith.constant 0 : index
    %get3A_1112 = vector.load %arg3[%get3A_1109, %get3A_1110, %get3A_1111] : memref<16x1x64xi32, #tpu.memory_space<vmem>>, vector<1x1x64xi32>
    %get3A_1113 = vector.shape_cast %get3A_1112 : vector<1x1x64xi32> to vector<1x64xi32>
    %iota3A_1114 = tpu.iota {dimensions = array<i32: 0>} : vector<92x64xi32>
    %eq3A_1115 = vector.broadcast %get3A_1113 : vector<1x64xi32> to vector<92x64xi32>
    %eq3A_1116 = arith.cmpi eq, %eq3A_1115, %iota3A_1114 : vector<92x64xi32>
    %convert_element_type3A_1117 = arith.extui %eq3A_1116 : vector<92x64xi1> to vector<92x64xi32>
    %convert_element_type3A_1118 = arith.sitofp %convert_element_type3A_1117 : vector<92x64xi32> to vector<92x64xf32>
    %dot_general3A_1119 = arith.constant dense<0.000000e+00> : vector<300x64xf32>
    %dot_general3A_1120 = tpu.matmul %squeeze3A_1108, %convert_element_type3A_1118, %dot_general3A_1119 {dimension_numbers = #tpu.dot_dimension_numbers<[1], [0], [0], [1], [0, 0, 1, 1], [], []>, precision = #tpu.contract_precision<fp32>, transpose_lhs_hint = false} : vector<300x92xf32>, vector<92x64xf32>, vector<300x64xf32> -> vector<300x64xf32>
    %get3A_1121 = arith.constant 6 : index
    %get3A_1122 = arith.constant 0 : index
    %get3A_1123 = arith.constant 0 : index
    %get3A_1124 = vector.load %arg0[%get3A_1121, %get3A_1122, %get3A_1123] : memref<16x300x4xf32, #tpu.memory_space<vmem>>, vector<1x300x4xf32>
    %get3A_1125 = vector.shape_cast %get3A_1124 : vector<1x300x4xf32> to vector<300x4xf32>
    %slice3A_1126 = vector.extract_strided_slice %get3A_1125 {offsets = [0, 0], sizes = [300, 1], strides = [1, 1]} : vector<300x4xf32> to vector<300x1xf32>
    %slice3A_1127 = vector.extract_strided_slice %get3A_1125 {offsets = [0, 1], sizes = [300, 1], strides = [1, 1]} : vector<300x4xf32> to vector<300x1xf32>
    %slice3A_1128 = vector.extract_strided_slice %get3A_1125 {offsets = [0, 2], sizes = [300, 1], strides = [1, 1]} : vector<300x4xf32> to vector<300x1xf32>
    %slice3A_1129 = vector.extract_strided_slice %get3A_1125 {offsets = [0, 3], sizes = [300, 1], strides = [1, 1]} : vector<300x4xf32> to vector<300x1xf32>
    %get3A_1130 = arith.constant 6 : index
    %get3A_1131 = arith.constant 0 : index
    %get3A_1132 = arith.constant 0 : index
    %get3A_1133 = vector.load %arg2[%get3A_1130, %get3A_1131, %get3A_1132] : memref<16x4x64xf32, #tpu.memory_space<vmem>>, vector<1x4x64xf32>
    %get3A_1134 = vector.shape_cast %get3A_1133 : vector<1x4x64xf32> to vector<4x64xf32>
    %slice3A_1135 = vector.extract_strided_slice %get3A_1134 {offsets = [0, 0], sizes = [1, 64], strides = [1, 1]} : vector<4x64xf32> to vector<1x64xf32>
    %slice3A_1136 = vector.extract_strided_slice %get3A_1134 {offsets = [1, 0], sizes = [1, 64], strides = [1, 1]} : vector<4x64xf32> to vector<1x64xf32>
    %slice3A_1137 = vector.extract_strided_slice %get3A_1134 {offsets = [2, 0], sizes = [1, 64], strides = [1, 1]} : vector<4x64xf32> to vector<1x64xf32>
    %slice3A_1138 = vector.extract_strided_slice %get3A_1134 {offsets = [3, 0], sizes = [1, 64], strides = [1, 1]} : vector<4x64xf32> to vector<1x64xf32>
    %sub3A_1139 = vector.broadcast %slice3A_1126 : vector<300x1xf32> to vector<300x64xf32>
    %sub3A_1140 = vector.broadcast %slice3A_1135 : vector<1x64xf32> to vector<300x64xf32>
    %sub3A_1141 = arith.subf %sub3A_1139, %sub3A_1140 : vector<300x64xf32>
    %abs3A_1142 = math.absf %sub3A_1141 : vector<300x64xf32>
    %sub3A_1143 = vector.broadcast %slice3A_1127 : vector<300x1xf32> to vector<300x64xf32>
    %sub3A_1144 = vector.broadcast %slice3A_1136 : vector<1x64xf32> to vector<300x64xf32>
    %sub3A_1145 = arith.subf %sub3A_1143, %sub3A_1144 : vector<300x64xf32>
    %abs3A_1146 = math.absf %sub3A_1145 : vector<300x64xf32>
    %add3A_1147 = arith.addf %abs3A_1142, %abs3A_1146 : vector<300x64xf32>
    %sub3A_1148 = vector.broadcast %slice3A_1128 : vector<300x1xf32> to vector<300x64xf32>
    %sub3A_1149 = vector.broadcast %slice3A_1137 : vector<1x64xf32> to vector<300x64xf32>
    %sub3A_1150 = arith.subf %sub3A_1148, %sub3A_1149 : vector<300x64xf32>
    %abs3A_1151 = math.absf %sub3A_1150 : vector<300x64xf32>
    %add3A_1152 = arith.addf %add3A_1147, %abs3A_1151 : vector<300x64xf32>
    %sub3A_1153 = vector.broadcast %slice3A_1129 : vector<300x1xf32> to vector<300x64xf32>
    %sub3A_1154 = vector.broadcast %slice3A_1138 : vector<1x64xf32> to vector<300x64xf32>
    %sub3A_1155 = arith.subf %sub3A_1153, %sub3A_1154 : vector<300x64xf32>
    %abs3A_1156 = math.absf %sub3A_1155 : vector<300x64xf32>
    %add3A_1157 = arith.addf %add3A_1152, %abs3A_1156 : vector<300x64xf32>
    %mul3A_1158 = arith.constant 5.000000e-01 : f32
    %mul3A_1159 = vector.broadcast %mul3A_1158 : f32 to vector<300x1xf32>
    %mul3A_1160 = arith.mulf %mul3A_1159, %slice3A_1128 : vector<300x1xf32>
    %sub3A_1161 = arith.subf %slice3A_1126, %mul3A_1160 : vector<300x1xf32>
    %mul3A_1162 = arith.constant 5.000000e-01 : f32
    %mul3A_1163 = vector.broadcast %mul3A_1162 : f32 to vector<300x1xf32>
    %mul3A_1164 = arith.mulf %mul3A_1163, %slice3A_1129 : vector<300x1xf32>
    %sub3A_1165 = arith.subf %slice3A_1127, %mul3A_1164 : vector<300x1xf32>
    %mul3A_1166 = arith.constant 5.000000e-01 : f32
    %mul3A_1167 = vector.broadcast %mul3A_1166 : f32 to vector<300x1xf32>
    %mul3A_1168 = arith.mulf %mul3A_1167, %slice3A_1128 : vector<300x1xf32>
    %add3A_1169 = arith.addf %slice3A_1126, %mul3A_1168 : vector<300x1xf32>
    %mul3A_1170 = arith.constant 5.000000e-01 : f32
    %mul3A_1171 = vector.broadcast %mul3A_1170 : f32 to vector<300x1xf32>
    %mul3A_1172 = arith.mulf %mul3A_1171, %slice3A_1129 : vector<300x1xf32>
    %add3A_1173 = arith.addf %slice3A_1127, %mul3A_1172 : vector<300x1xf32>
    %mul3A_1174 = arith.constant 5.000000e-01 : f32
    %mul3A_1175 = vector.broadcast %mul3A_1174 : f32 to vector<1x64xf32>
    %mul3A_1176 = arith.mulf %mul3A_1175, %slice3A_1137 : vector<1x64xf32>
    %sub3A_1177 = arith.subf %slice3A_1135, %mul3A_1176 : vector<1x64xf32>
    %mul3A_1178 = arith.constant 5.000000e-01 : f32
    %mul3A_1179 = vector.broadcast %mul3A_1178 : f32 to vector<1x64xf32>
    %mul3A_1180 = arith.mulf %mul3A_1179, %slice3A_1138 : vector<1x64xf32>
    %sub3A_1181 = arith.subf %slice3A_1136, %mul3A_1180 : vector<1x64xf32>
    %mul3A_1182 = arith.constant 5.000000e-01 : f32
    %mul3A_1183 = vector.broadcast %mul3A_1182 : f32 to vector<1x64xf32>
    %mul3A_1184 = arith.mulf %mul3A_1183, %slice3A_1137 : vector<1x64xf32>
    %add3A_1185 = arith.addf %slice3A_1135, %mul3A_1184 : vector<1x64xf32>
    %mul3A_1186 = arith.constant 5.000000e-01 : f32
    %mul3A_1187 = vector.broadcast %mul3A_1186 : f32 to vector<1x64xf32>
    %mul3A_1188 = arith.mulf %mul3A_1187, %slice3A_1138 : vector<1x64xf32>
    %add3A_1189 = arith.addf %slice3A_1136, %mul3A_1188 : vector<1x64xf32>
    %sub3A_1190 = arith.subf %add3A_1169, %sub3A_1161 : vector<300x1xf32>
    %sub3A_1191 = arith.subf %add3A_1173, %sub3A_1165 : vector<300x1xf32>
    %mul3A_1192 = arith.mulf %sub3A_1190, %sub3A_1191 : vector<300x1xf32>
    %sub3A_1193 = arith.subf %add3A_1185, %sub3A_1177 : vector<1x64xf32>
    %sub3A_1194 = arith.subf %add3A_1189, %sub3A_1181 : vector<1x64xf32>
    %mul3A_1195 = arith.mulf %sub3A_1193, %sub3A_1194 : vector<1x64xf32>
    %min3A_1196 = vector.broadcast %add3A_1169 : vector<300x1xf32> to vector<300x64xf32>
    %min3A_1197 = vector.broadcast %add3A_1185 : vector<1x64xf32> to vector<300x64xf32>
    %min3A_1198 = arith.minimumf %min3A_1196, %min3A_1197 : vector<300x64xf32>
    %max3A_1199 = vector.broadcast %sub3A_1161 : vector<300x1xf32> to vector<300x64xf32>
    %max3A_1200 = vector.broadcast %sub3A_1177 : vector<1x64xf32> to vector<300x64xf32>
    %max3A_1201 = arith.maximumf %max3A_1199, %max3A_1200 : vector<300x64xf32>
    %sub3A_1202 = arith.subf %min3A_1198, %max3A_1201 : vector<300x64xf32>
    %jit3A_1203 = arith.constant 0.000000e+00 : f32
    %max3A_1204 = vector.broadcast %jit3A_1203 : f32 to vector<300x64xf32>
    %max3A_1205 = arith.maximumf %max3A_1204, %sub3A_1202 : vector<300x64xf32>
    %min3A_1206 = vector.broadcast %add3A_1173 : vector<300x1xf32> to vector<300x64xf32>
    %min3A_1207 = vector.broadcast %add3A_1189 : vector<1x64xf32> to vector<300x64xf32>
    %min3A_1208 = arith.minimumf %min3A_1206, %min3A_1207 : vector<300x64xf32>
    %max3A_1209 = vector.broadcast %sub3A_1165 : vector<300x1xf32> to vector<300x64xf32>
    %max3A_1210 = vector.broadcast %sub3A_1181 : vector<1x64xf32> to vector<300x64xf32>
    %max3A_1211 = arith.maximumf %max3A_1209, %max3A_1210 : vector<300x64xf32>
    %sub3A_1212 = arith.subf %min3A_1208, %max3A_1211 : vector<300x64xf32>
    %jit3A_1213 = arith.constant 0.000000e+00 : f32
    %max3A_1214 = vector.broadcast %jit3A_1213 : f32 to vector<300x64xf32>
    %max3A_1215 = arith.maximumf %max3A_1214, %sub3A_1212 : vector<300x64xf32>
    %mul3A_1216 = arith.mulf %max3A_1205, %max3A_1215 : vector<300x64xf32>
    %add3A_1217 = vector.broadcast %mul3A_1192 : vector<300x1xf32> to vector<300x64xf32>
    %add3A_1218 = vector.broadcast %mul3A_1195 : vector<1x64xf32> to vector<300x64xf32>
    %add3A_1219 = arith.addf %add3A_1217, %add3A_1218 : vector<300x64xf32>
    %sub3A_1220 = arith.subf %add3A_1219, %mul3A_1216 : vector<300x64xf32>
    %div3A_1221 = arith.divf %mul3A_1216, %sub3A_1220 : vector<300x64xf32>
    %max3A_1222 = vector.broadcast %add3A_1169 : vector<300x1xf32> to vector<300x64xf32>
    %max3A_1223 = vector.broadcast %add3A_1185 : vector<1x64xf32> to vector<300x64xf32>
    %max3A_1224 = arith.maximumf %max3A_1222, %max3A_1223 : vector<300x64xf32>
    %min3A_1225 = vector.broadcast %sub3A_1161 : vector<300x1xf32> to vector<300x64xf32>
    %min3A_1226 = vector.broadcast %sub3A_1177 : vector<1x64xf32> to vector<300x64xf32>
    %min3A_1227 = arith.minimumf %min3A_1225, %min3A_1226 : vector<300x64xf32>
    %sub3A_1228 = arith.subf %max3A_1224, %min3A_1227 : vector<300x64xf32>
    %jit3A_1229 = arith.constant 0.000000e+00 : f32
    %max3A_1230 = vector.broadcast %jit3A_1229 : f32 to vector<300x64xf32>
    %max3A_1231 = arith.maximumf %max3A_1230, %sub3A_1228 : vector<300x64xf32>
    %max3A_1232 = vector.broadcast %add3A_1173 : vector<300x1xf32> to vector<300x64xf32>
    %max3A_1233 = vector.broadcast %add3A_1189 : vector<1x64xf32> to vector<300x64xf32>
    %max3A_1234 = arith.maximumf %max3A_1232, %max3A_1233 : vector<300x64xf32>
    %min3A_1235 = vector.broadcast %sub3A_1165 : vector<300x1xf32> to vector<300x64xf32>
    %min3A_1236 = vector.broadcast %sub3A_1181 : vector<1x64xf32> to vector<300x64xf32>
    %min3A_1237 = arith.minimumf %min3A_1235, %min3A_1236 : vector<300x64xf32>
    %sub3A_1238 = arith.subf %max3A_1234, %min3A_1237 : vector<300x64xf32>
    %jit3A_1239 = arith.constant 0.000000e+00 : f32
    %max3A_1240 = vector.broadcast %jit3A_1239 : f32 to vector<300x64xf32>
    %max3A_1241 = arith.maximumf %max3A_1240, %sub3A_1238 : vector<300x64xf32>
    %mul3A_1242 = arith.mulf %max3A_1231, %max3A_1241 : vector<300x64xf32>
    %sub3A_1243 = arith.subf %mul3A_1242, %sub3A_1220 : vector<300x64xf32>
    %div3A_1244 = arith.divf %sub3A_1243, %mul3A_1242 : vector<300x64xf32>
    %sub3A_1245 = arith.subf %div3A_1221, %div3A_1244 : vector<300x64xf32>
    %mul3A_1246 = arith.constant 5.000000e+00 : f32
    %mul3A_1247 = vector.broadcast %mul3A_1246 : f32 to vector<300x64xf32>
    %mul3A_1248 = arith.mulf %mul3A_1247, %add3A_1157 : vector<300x64xf32>
    %sub3A_1249 = arith.subf %mul3A_1248, %dot_general3A_1120 : vector<300x64xf32>
    %mul3A_1250 = arith.constant 2.000000e+00 : f32
    %mul3A_1251 = vector.broadcast %mul3A_1250 : f32 to vector<300x64xf32>
    %mul3A_1252 = arith.mulf %mul3A_1251, %sub3A_1245 : vector<300x64xf32>
    %sub3A_1253 = arith.subf %sub3A_1249, %mul3A_1252 : vector<300x64xf32>
    %jit3A_1254 = arith.constant 0x7F800000 : f32
    %broadcast_in_dim3A_1255 = vector.broadcast %jit3A_1254 : f32 to vector<300x64xf32>
    %select_n3A_1256 = arith.select %lt3A_14, %sub3A_1253, %broadcast_in_dim3A_1255 : vector<300x64xi1>, vector<300x64xf32>
    %swap3A_1257 = arith.constant 6 : index
    %swap3A_1258 = arith.constant 0 : index
    %swap3A_1259 = arith.constant 0 : index
    %swap3A_1260 = vector.load %arg4[%swap3A_1257, %swap3A_1258, %swap3A_1259] : memref<16x300x64xf32, #tpu.memory_space<vmem>>, vector<1x300x64xf32>
    %swap3A_1261 = vector.shape_cast %swap3A_1260 : vector<1x300x64xf32> to vector<300x64xf32>
    %swap3A_1262 = vector.shape_cast %select_n3A_1256 : vector<300x64xf32> to vector<1x300x64xf32>
    tpu.vector_store %arg4[%swap3A_1257, %swap3A_1258, %swap3A_1259], %swap3A_1262 {strides = array<i32>} : memref<16x300x64xf32, #tpu.memory_space<vmem>>, vector<1x300x64xf32>,
    %jit3A_1263 = arith.constant 0.000000e+00 : f32
    %broadcast_in_dim3A_1264 = vector.broadcast %jit3A_1263 : f32 to vector<300x64xf32>
    %select_n3A_1265 = arith.select %lt3A_14, %add3A_1157, %broadcast_in_dim3A_1264 : vector<300x64xi1>, vector<300x64xf32>
    %swap3A_1266 = arith.constant 6 : index
    %swap3A_1267 = arith.constant 0 : index
    %swap3A_1268 = arith.constant 0 : index
    %swap3A_1269 = vector.load %arg5[%swap3A_1266, %swap3A_1267, %swap3A_1268] : memref<16x300x64xf32, #tpu.memory_space<vmem>>, vector<1x300x64xf32>
    %swap3A_1270 = vector.shape_cast %swap3A_1269 : vector<1x300x64xf32> to vector<300x64xf32>
    %swap3A_1271 = vector.shape_cast %select_n3A_1265 : vector<300x64xf32> to vector<1x300x64xf32>
    tpu.vector_store %arg5[%swap3A_1266, %swap3A_1267, %swap3A_1268], %swap3A_1271 {strides = array<i32>} : memref<16x300x64xf32, #tpu.memory_space<vmem>>, vector<1x300x64xf32>,
    %jit3A_1272 = arith.constant 0.000000e+00 : f32
    %broadcast_in_dim3A_1273 = vector.broadcast %jit3A_1272 : f32 to vector<300x64xf32>
    %select_n3A_1274 = arith.select %lt3A_14, %sub3A_1245, %broadcast_in_dim3A_1273 : vector<300x64xi1>, vector<300x64xf32>
    %swap3A_1275 = arith.constant 6 : index
    %swap3A_1276 = arith.constant 0 : index
    %swap3A_1277 = arith.constant 0 : index
    %swap3A_1278 = vector.load %arg6[%swap3A_1275, %swap3A_1276, %swap3A_1277] : memref<16x300x64xf32, #tpu.memory_space<vmem>>, vector<1x300x64xf32>
    %swap3A_1279 = vector.shape_cast %swap3A_1278 : vector<1x300x64xf32> to vector<300x64xf32>
    %swap3A_1280 = vector.shape_cast %select_n3A_1274 : vector<300x64xf32> to vector<1x300x64xf32>
    tpu.vector_store %arg6[%swap3A_1275, %swap3A_1276, %swap3A_1277], %swap3A_1280 {strides = array<i32>} : memref<16x300x64xf32, #tpu.memory_space<vmem>>, vector<1x300x64xf32>,
    %slice3A_1281 = vector.extract_strided_slice %broadcast_in_dim3A {offsets = [6, 0, 0], sizes = [1, 300, 1], strides = [1, 1, 1]} : vector<16x300x1xf32> to vector<1x300x1xf32>
    %squeeze3A_1282 = vector.shape_cast %slice3A_1281 : vector<1x300x1xf32> to vector<300x1xf32>
    %broadcast_in_dim3A_1283 = vector.shape_cast %squeeze3A_1282 : vector<300x1xf32> to vector<300x1xf32>
    %broadcast_in_dim3A_1284 = vector.broadcast %broadcast_in_dim3A_1283 : vector<300x1xf32> to vector<300x64xf32>
    %swap3A_1285 = arith.constant 6 : index
    %swap3A_1286 = arith.constant 0 : index
    %swap3A_1287 = arith.constant 0 : index
    %swap3A_1288 = vector.load %arg7[%swap3A_1285, %swap3A_1286, %swap3A_1287] : memref<16x300x64xf32, #tpu.memory_space<vmem>>, vector<1x300x64xf32>
    %swap3A_1289 = vector.shape_cast %swap3A_1288 : vector<1x300x64xf32> to vector<300x64xf32>
    %swap3A_1290 = vector.shape_cast %broadcast_in_dim3A_1284 : vector<300x64xf32> to vector<1x300x64xf32>
    tpu.vector_store %arg7[%swap3A_1285, %swap3A_1286, %swap3A_1287], %swap3A_1290 {strides = array<i32>} : memref<16x300x64xf32, #tpu.memory_space<vmem>>, vector<1x300x64xf32>,
    %slice3A_1291 = vector.extract_strided_slice %div3A_12 {offsets = [7, 0, 0], sizes = [1, 300, 92], strides = [1, 1, 1]} : vector<16x300x92xf32> to vector<1x300x92xf32>
    %squeeze3A_1292 = vector.shape_cast %slice3A_1291 : vector<1x300x92xf32> to vector<300x92xf32>
    %get3A_1293 = arith.constant 7 : index
    %get3A_1294 = arith.constant 0 : index
    %get3A_1295 = arith.constant 0 : index
    %get3A_1296 = vector.load %arg3[%get3A_1293, %get3A_1294, %get3A_1295] : memref<16x1x64xi32, #tpu.memory_space<vmem>>, vector<1x1x64xi32>
    %get3A_1297 = vector.shape_cast %get3A_1296 : vector<1x1x64xi32> to vector<1x64xi32>
    %iota3A_1298 = tpu.iota {dimensions = array<i32: 0>} : vector<92x64xi32>
    %eq3A_1299 = vector.broadcast %get3A_1297 : vector<1x64xi32> to vector<92x64xi32>
    %eq3A_1300 = arith.cmpi eq, %eq3A_1299, %iota3A_1298 : vector<92x64xi32>
    %convert_element_type3A_1301 = arith.extui %eq3A_1300 : vector<92x64xi1> to vector<92x64xi32>
    %convert_element_type3A_1302 = arith.sitofp %convert_element_type3A_1301 : vector<92x64xi32> to vector<92x64xf32>
    %dot_general3A_1303 = arith.constant dense<0.000000e+00> : vector<300x64xf32>
    %dot_general3A_1304 = tpu.matmul %squeeze3A_1292, %convert_element_type3A_1302, %dot_general3A_1303 {dimension_numbers = #tpu.dot_dimension_numbers<[1], [0], [0], [1], [0, 0, 1, 1], [], []>, precision = #tpu.contract_precision<fp32>, transpose_lhs_hint = false} : vector<300x92xf32>, vector<92x64xf32>, vector<300x64xf32> -> vector<300x64xf32>
    %get3A_1305 = arith.constant 7 : index
    %get3A_1306 = arith.constant 0 : index
    %get3A_1307 = arith.constant 0 : index
    %get3A_1308 = vector.load %arg0[%get3A_1305, %get3A_1306, %get3A_1307] : memref<16x300x4xf32, #tpu.memory_space<vmem>>, vector<1x300x4xf32>
    %get3A_1309 = vector.shape_cast %get3A_1308 : vector<1x300x4xf32> to vector<300x4xf32>
    %slice3A_1310 = vector.extract_strided_slice %get3A_1309 {offsets = [0, 0], sizes = [300, 1], strides = [1, 1]} : vector<300x4xf32> to vector<300x1xf32>
    %slice3A_1311 = vector.extract_strided_slice %get3A_1309 {offsets = [0, 1], sizes = [300, 1], strides = [1, 1]} : vector<300x4xf32> to vector<300x1xf32>
    %slice3A_1312 = vector.extract_strided_slice %get3A_1309 {offsets = [0, 2], sizes = [300, 1], strides = [1, 1]} : vector<300x4xf32> to vector<300x1xf32>
    %slice3A_1313 = vector.extract_strided_slice %get3A_1309 {offsets = [0, 3], sizes = [300, 1], strides = [1, 1]} : vector<300x4xf32> to vector<300x1xf32>
    %get3A_1314 = arith.constant 7 : index
    %get3A_1315 = arith.constant 0 : index
    %get3A_1316 = arith.constant 0 : index
    %get3A_1317 = vector.load %arg2[%get3A_1314, %get3A_1315, %get3A_1316] : memref<16x4x64xf32, #tpu.memory_space<vmem>>, vector<1x4x64xf32>
    %get3A_1318 = vector.shape_cast %get3A_1317 : vector<1x4x64xf32> to vector<4x64xf32>
    %slice3A_1319 = vector.extract_strided_slice %get3A_1318 {offsets = [0, 0], sizes = [1, 64], strides = [1, 1]} : vector<4x64xf32> to vector<1x64xf32>
    %slice3A_1320 = vector.extract_strided_slice %get3A_1318 {offsets = [1, 0], sizes = [1, 64], strides = [1, 1]} : vector<4x64xf32> to vector<1x64xf32>
    %slice3A_1321 = vector.extract_strided_slice %get3A_1318 {offsets = [2, 0], sizes = [1, 64], strides = [1, 1]} : vector<4x64xf32> to vector<1x64xf32>
    %slice3A_1322 = vector.extract_strided_slice %get3A_1318 {offsets = [3, 0], sizes = [1, 64], strides = [1, 1]} : vector<4x64xf32> to vector<1x64xf32>
    %sub3A_1323 = vector.broadcast %slice3A_1310 : vector<300x1xf32> to vector<300x64xf32>
    %sub3A_1324 = vector.broadcast %slice3A_1319 : vector<1x64xf32> to vector<300x64xf32>
    %sub3A_1325 = arith.subf %sub3A_1323, %sub3A_1324 : vector<300x64xf32>
    %abs3A_1326 = math.absf %sub3A_1325 : vector<300x64xf32>
    %sub3A_1327 = vector.broadcast %slice3A_1311 : vector<300x1xf32> to vector<300x64xf32>
    %sub3A_1328 = vector.broadcast %slice3A_1320 : vector<1x64xf32> to vector<300x64xf32>
    %sub3A_1329 = arith.subf %sub3A_1327, %sub3A_1328 : vector<300x64xf32>
    %abs3A_1330 = math.absf %sub3A_1329 : vector<300x64xf32>
    %add3A_1331 = arith.addf %abs3A_1326, %abs3A_1330 : vector<300x64xf32>
    %sub3A_1332 = vector.broadcast %slice3A_1312 : vector<300x1xf32> to vector<300x64xf32>
    %sub3A_1333 = vector.broadcast %slice3A_1321 : vector<1x64xf32> to vector<300x64xf32>
    %sub3A_1334 = arith.subf %sub3A_1332, %sub3A_1333 : vector<300x64xf32>
    %abs3A_1335 = math.absf %sub3A_1334 : vector<300x64xf32>
    %add3A_1336 = arith.addf %add3A_1331, %abs3A_1335 : vector<300x64xf32>
    %sub3A_1337 = vector.broadcast %slice3A_1313 : vector<300x1xf32> to vector<300x64xf32>
    %sub3A_1338 = vector.broadcast %slice3A_1322 : vector<1x64xf32> to vector<300x64xf32>
    %sub3A_1339 = arith.subf %sub3A_1337, %sub3A_1338 : vector<300x64xf32>
    %abs3A_1340 = math.absf %sub3A_1339 : vector<300x64xf32>
    %add3A_1341 = arith.addf %add3A_1336, %abs3A_1340 : vector<300x64xf32>
    %mul3A_1342 = arith.constant 5.000000e-01 : f32
    %mul3A_1343 = vector.broadcast %mul3A_1342 : f32 to vector<300x1xf32>
    %mul3A_1344 = arith.mulf %mul3A_1343, %slice3A_1312 : vector<300x1xf32>
    %sub3A_1345 = arith.subf %slice3A_1310, %mul3A_1344 : vector<300x1xf32>
    %mul3A_1346 = arith.constant 5.000000e-01 : f32
    %mul3A_1347 = vector.broadcast %mul3A_1346 : f32 to vector<300x1xf32>
    %mul3A_1348 = arith.mulf %mul3A_1347, %slice3A_1313 : vector<300x1xf32>
    %sub3A_1349 = arith.subf %slice3A_1311, %mul3A_1348 : vector<300x1xf32>
    %mul3A_1350 = arith.constant 5.000000e-01 : f32
    %mul3A_1351 = vector.broadcast %mul3A_1350 : f32 to vector<300x1xf32>
    %mul3A_1352 = arith.mulf %mul3A_1351, %slice3A_1312 : vector<300x1xf32>
    %add3A_1353 = arith.addf %slice3A_1310, %mul3A_1352 : vector<300x1xf32>
    %mul3A_1354 = arith.constant 5.000000e-01 : f32
    %mul3A_1355 = vector.broadcast %mul3A_1354 : f32 to vector<300x1xf32>
    %mul3A_1356 = arith.mulf %mul3A_1355, %slice3A_1313 : vector<300x1xf32>
    %add3A_1357 = arith.addf %slice3A_1311, %mul3A_1356 : vector<300x1xf32>
    %mul3A_1358 = arith.constant 5.000000e-01 : f32
    %mul3A_1359 = vector.broadcast %mul3A_1358 : f32 to vector<1x64xf32>
    %mul3A_1360 = arith.mulf %mul3A_1359, %slice3A_1321 : vector<1x64xf32>
    %sub3A_1361 = arith.subf %slice3A_1319, %mul3A_1360 : vector<1x64xf32>
    %mul3A_1362 = arith.constant 5.000000e-01 : f32
    %mul3A_1363 = vector.broadcast %mul3A_1362 : f32 to vector<1x64xf32>
    %mul3A_1364 = arith.mulf %mul3A_1363, %slice3A_1322 : vector<1x64xf32>
    %sub3A_1365 = arith.subf %slice3A_1320, %mul3A_1364 : vector<1x64xf32>
    %mul3A_1366 = arith.constant 5.000000e-01 : f32
    %mul3A_1367 = vector.broadcast %mul3A_1366 : f32 to vector<1x64xf32>
    %mul3A_1368 = arith.mulf %mul3A_1367, %slice3A_1321 : vector<1x64xf32>
    %add3A_1369 = arith.addf %slice3A_1319, %mul3A_1368 : vector<1x64xf32>
    %mul3A_1370 = arith.constant 5.000000e-01 : f32
    %mul3A_1371 = vector.broadcast %mul3A_1370 : f32 to vector<1x64xf32>
    %mul3A_1372 = arith.mulf %mul3A_1371, %slice3A_1322 : vector<1x64xf32>
    %add3A_1373 = arith.addf %slice3A_1320, %mul3A_1372 : vector<1x64xf32>
    %sub3A_1374 = arith.subf %add3A_1353, %sub3A_1345 : vector<300x1xf32>
    %sub3A_1375 = arith.subf %add3A_1357, %sub3A_1349 : vector<300x1xf32>
    %mul3A_1376 = arith.mulf %sub3A_1374, %sub3A_1375 : vector<300x1xf32>
    %sub3A_1377 = arith.subf %add3A_1369, %sub3A_1361 : vector<1x64xf32>
    %sub3A_1378 = arith.subf %add3A_1373, %sub3A_1365 : vector<1x64xf32>
    %mul3A_1379 = arith.mulf %sub3A_1377, %sub3A_1378 : vector<1x64xf32>
    %min3A_1380 = vector.broadcast %add3A_1353 : vector<300x1xf32> to vector<300x64xf32>
    %min3A_1381 = vector.broadcast %add3A_1369 : vector<1x64xf32> to vector<300x64xf32>
    %min3A_1382 = arith.minimumf %min3A_1380, %min3A_1381 : vector<300x64xf32>
    %max3A_1383 = vector.broadcast %sub3A_1345 : vector<300x1xf32> to vector<300x64xf32>
    %max3A_1384 = vector.broadcast %sub3A_1361 : vector<1x64xf32> to vector<300x64xf32>
    %max3A_1385 = arith.maximumf %max3A_1383, %max3A_1384 : vector<300x64xf32>
    %sub3A_1386 = arith.subf %min3A_1382, %max3A_1385 : vector<300x64xf32>
    %jit3A_1387 = arith.constant 0.000000e+00 : f32
    %max3A_1388 = vector.broadcast %jit3A_1387 : f32 to vector<300x64xf32>
    %max3A_1389 = arith.maximumf %max3A_1388, %sub3A_1386 : vector<300x64xf32>
    %min3A_1390 = vector.broadcast %add3A_1357 : vector<300x1xf32> to vector<300x64xf32>
    %min3A_1391 = vector.broadcast %add3A_1373 : vector<1x64xf32> to vector<300x64xf32>
    %min3A_1392 = arith.minimumf %min3A_1390, %min3A_1391 : vector<300x64xf32>
    %max3A_1393 = vector.broadcast %sub3A_1349 : vector<300x1xf32> to vector<300x64xf32>
    %max3A_1394 = vector.broadcast %sub3A_1365 : vector<1x64xf32> to vector<300x64xf32>
    %max3A_1395 = arith.maximumf %max3A_1393, %max3A_1394 : vector<300x64xf32>
    %sub3A_1396 = arith.subf %min3A_1392, %max3A_1395 : vector<300x64xf32>
    %jit3A_1397 = arith.constant 0.000000e+00 : f32
    %max3A_1398 = vector.broadcast %jit3A_1397 : f32 to vector<300x64xf32>
    %max3A_1399 = arith.maximumf %max3A_1398, %sub3A_1396 : vector<300x64xf32>
    %mul3A_1400 = arith.mulf %max3A_1389, %max3A_1399 : vector<300x64xf32>
    %add3A_1401 = vector.broadcast %mul3A_1376 : vector<300x1xf32> to vector<300x64xf32>
    %add3A_1402 = vector.broadcast %mul3A_1379 : vector<1x64xf32> to vector<300x64xf32>
    %add3A_1403 = arith.addf %add3A_1401, %add3A_1402 : vector<300x64xf32>
    %sub3A_1404 = arith.subf %add3A_1403, %mul3A_1400 : vector<300x64xf32>
    %div3A_1405 = arith.divf %mul3A_1400, %sub3A_1404 : vector<300x64xf32>
    %max3A_1406 = vector.broadcast %add3A_1353 : vector<300x1xf32> to vector<300x64xf32>
    %max3A_1407 = vector.broadcast %add3A_1369 : vector<1x64xf32> to vector<300x64xf32>
    %max3A_1408 = arith.maximumf %max3A_1406, %max3A_1407 : vector<300x64xf32>
    %min3A_1409 = vector.broadcast %sub3A_1345 : vector<300x1xf32> to vector<300x64xf32>
    %min3A_1410 = vector.broadcast %sub3A_1361 : vector<1x64xf32> to vector<300x64xf32>
    %min3A_1411 = arith.minimumf %min3A_1409, %min3A_1410 : vector<300x64xf32>
    %sub3A_1412 = arith.subf %max3A_1408, %min3A_1411 : vector<300x64xf32>
    %jit3A_1413 = arith.constant 0.000000e+00 : f32
    %max3A_1414 = vector.broadcast %jit3A_1413 : f32 to vector<300x64xf32>
    %max3A_1415 = arith.maximumf %max3A_1414, %sub3A_1412 : vector<300x64xf32>
    %max3A_1416 = vector.broadcast %add3A_1357 : vector<300x1xf32> to vector<300x64xf32>
    %max3A_1417 = vector.broadcast %add3A_1373 : vector<1x64xf32> to vector<300x64xf32>
    %max3A_1418 = arith.maximumf %max3A_1416, %max3A_1417 : vector<300x64xf32>
    %min3A_1419 = vector.broadcast %sub3A_1349 : vector<300x1xf32> to vector<300x64xf32>
    %min3A_1420 = vector.broadcast %sub3A_1365 : vector<1x64xf32> to vector<300x64xf32>
    %min3A_1421 = arith.minimumf %min3A_1419, %min3A_1420 : vector<300x64xf32>
    %sub3A_1422 = arith.subf %max3A_1418, %min3A_1421 : vector<300x64xf32>
    %jit3A_1423 = arith.constant 0.000000e+00 : f32
    %max3A_1424 = vector.broadcast %jit3A_1423 : f32 to vector<300x64xf32>
    %max3A_1425 = arith.maximumf %max3A_1424, %sub3A_1422 : vector<300x64xf32>
    %mul3A_1426 = arith.mulf %max3A_1415, %max3A_1425 : vector<300x64xf32>
    %sub3A_1427 = arith.subf %mul3A_1426, %sub3A_1404 : vector<300x64xf32>
    %div3A_1428 = arith.divf %sub3A_1427, %mul3A_1426 : vector<300x64xf32>
    %sub3A_1429 = arith.subf %div3A_1405, %div3A_1428 : vector<300x64xf32>
    %mul3A_1430 = arith.constant 5.000000e+00 : f32
    %mul3A_1431 = vector.broadcast %mul3A_1430 : f32 to vector<300x64xf32>
    %mul3A_1432 = arith.mulf %mul3A_1431, %add3A_1341 : vector<300x64xf32>
    %sub3A_1433 = arith.subf %mul3A_1432, %dot_general3A_1304 : vector<300x64xf32>
    %mul3A_1434 = arith.constant 2.000000e+00 : f32
    %mul3A_1435 = vector.broadcast %mul3A_1434 : f32 to vector<300x64xf32>
    %mul3A_1436 = arith.mulf %mul3A_1435, %sub3A_1429 : vector<300x64xf32>
    %sub3A_1437 = arith.subf %sub3A_1433, %mul3A_1436 : vector<300x64xf32>
    %jit3A_1438 = arith.constant 0x7F800000 : f32
    %broadcast_in_dim3A_1439 = vector.broadcast %jit3A_1438 : f32 to vector<300x64xf32>
    %select_n3A_1440 = arith.select %lt3A_14, %sub3A_1437, %broadcast_in_dim3A_1439 : vector<300x64xi1>, vector<300x64xf32>
    %swap3A_1441 = arith.constant 7 : index
    %swap3A_1442 = arith.constant 0 : index
    %swap3A_1443 = arith.constant 0 : index
    %swap3A_1444 = vector.load %arg4[%swap3A_1441, %swap3A_1442, %swap3A_1443] : memref<16x300x64xf32, #tpu.memory_space<vmem>>, vector<1x300x64xf32>
    %swap3A_1445 = vector.shape_cast %swap3A_1444 : vector<1x300x64xf32> to vector<300x64xf32>
    %swap3A_1446 = vector.shape_cast %select_n3A_1440 : vector<300x64xf32> to vector<1x300x64xf32>
    tpu.vector_store %arg4[%swap3A_1441, %swap3A_1442, %swap3A_1443], %swap3A_1446 {strides = array<i32>} : memref<16x300x64xf32, #tpu.memory_space<vmem>>, vector<1x300x64xf32>,
    %jit3A_1447 = arith.constant 0.000000e+00 : f32
    %broadcast_in_dim3A_1448 = vector.broadcast %jit3A_1447 : f32 to vector<300x64xf32>
    %select_n3A_1449 = arith.select %lt3A_14, %add3A_1341, %broadcast_in_dim3A_1448 : vector<300x64xi1>, vector<300x64xf32>
    %swap3A_1450 = arith.constant 7 : index
    %swap3A_1451 = arith.constant 0 : index
    %swap3A_1452 = arith.constant 0 : index
    %swap3A_1453 = vector.load %arg5[%swap3A_1450, %swap3A_1451, %swap3A_1452] : memref<16x300x64xf32, #tpu.memory_space<vmem>>, vector<1x300x64xf32>
    %swap3A_1454 = vector.shape_cast %swap3A_1453 : vector<1x300x64xf32> to vector<300x64xf32>
    %swap3A_1455 = vector.shape_cast %select_n3A_1449 : vector<300x64xf32> to vector<1x300x64xf32>
    tpu.vector_store %arg5[%swap3A_1450, %swap3A_1451, %swap3A_1452], %swap3A_1455 {strides = array<i32>} : memref<16x300x64xf32, #tpu.memory_space<vmem>>, vector<1x300x64xf32>,
    %jit3A_1456 = arith.constant 0.000000e+00 : f32
    %broadcast_in_dim3A_1457 = vector.broadcast %jit3A_1456 : f32 to vector<300x64xf32>
    %select_n3A_1458 = arith.select %lt3A_14, %sub3A_1429, %broadcast_in_dim3A_1457 : vector<300x64xi1>, vector<300x64xf32>
    %swap3A_1459 = arith.constant 7 : index
    %swap3A_1460 = arith.constant 0 : index
    %swap3A_1461 = arith.constant 0 : index
    %swap3A_1462 = vector.load %arg6[%swap3A_1459, %swap3A_1460, %swap3A_1461] : memref<16x300x64xf32, #tpu.memory_space<vmem>>, vector<1x300x64xf32>
    %swap3A_1463 = vector.shape_cast %swap3A_1462 : vector<1x300x64xf32> to vector<300x64xf32>
    %swap3A_1464 = vector.shape_cast %select_n3A_1458 : vector<300x64xf32> to vector<1x300x64xf32>
    tpu.vector_store %arg6[%swap3A_1459, %swap3A_1460, %swap3A_1461], %swap3A_1464 {strides = array<i32>} : memref<16x300x64xf32, #tpu.memory_space<vmem>>, vector<1x300x64xf32>,
    %slice3A_1465 = vector.extract_strided_slice %broadcast_in_dim3A {offsets = [7, 0, 0], sizes = [1, 300, 1], strides = [1, 1, 1]} : vector<16x300x1xf32> to vector<1x300x1xf32>
    %squeeze3A_1466 = vector.shape_cast %slice3A_1465 : vector<1x300x1xf32> to vector<300x1xf32>
    %broadcast_in_dim3A_1467 = vector.shape_cast %squeeze3A_1466 : vector<300x1xf32> to vector<300x1xf32>
    %broadcast_in_dim3A_1468 = vector.broadcast %broadcast_in_dim3A_1467 : vector<300x1xf32> to vector<300x64xf32>
    %swap3A_1469 = arith.constant 7 : index
    %swap3A_1470 = arith.constant 0 : index
    %swap3A_1471 = arith.constant 0 : index
    %swap3A_1472 = vector.load %arg7[%swap3A_1469, %swap3A_1470, %swap3A_1471] : memref<16x300x64xf32, #tpu.memory_space<vmem>>, vector<1x300x64xf32>
    %swap3A_1473 = vector.shape_cast %swap3A_1472 : vector<1x300x64xf32> to vector<300x64xf32>
    %swap3A_1474 = vector.shape_cast %broadcast_in_dim3A_1468 : vector<300x64xf32> to vector<1x300x64xf32>
    tpu.vector_store %arg7[%swap3A_1469, %swap3A_1470, %swap3A_1471], %swap3A_1474 {strides = array<i32>} : memref<16x300x64xf32, #tpu.memory_space<vmem>>, vector<1x300x64xf32>,
    %slice3A_1475 = vector.extract_strided_slice %div3A_12 {offsets = [8, 0, 0], sizes = [1, 300, 92], strides = [1, 1, 1]} : vector<16x300x92xf32> to vector<1x300x92xf32>
    %squeeze3A_1476 = vector.shape_cast %slice3A_1475 : vector<1x300x92xf32> to vector<300x92xf32>
    %get3A_1477 = arith.constant 8 : index
    %get3A_1478 = arith.constant 0 : index
    %get3A_1479 = arith.constant 0 : index
    %get3A_1480 = vector.load %arg3[%get3A_1477, %get3A_1478, %get3A_1479] : memref<16x1x64xi32, #tpu.memory_space<vmem>>, vector<1x1x64xi32>
    %get3A_1481 = vector.shape_cast %get3A_1480 : vector<1x1x64xi32> to vector<1x64xi32>
    %iota3A_1482 = tpu.iota {dimensions = array<i32: 0>} : vector<92x64xi32>
    %eq3A_1483 = vector.broadcast %get3A_1481 : vector<1x64xi32> to vector<92x64xi32>
    %eq3A_1484 = arith.cmpi eq, %eq3A_1483, %iota3A_1482 : vector<92x64xi32>
    %convert_element_type3A_1485 = arith.extui %eq3A_1484 : vector<92x64xi1> to vector<92x64xi32>
    %convert_element_type3A_1486 = arith.sitofp %convert_element_type3A_1485 : vector<92x64xi32> to vector<92x64xf32>
    %dot_general3A_1487 = arith.constant dense<0.000000e+00> : vector<300x64xf32>
    %dot_general3A_1488 = tpu.matmul %squeeze3A_1476, %convert_element_type3A_1486, %dot_general3A_1487 {dimension_numbers = #tpu.dot_dimension_numbers<[1], [0], [0], [1], [0, 0, 1, 1], [], []>, precision = #tpu.contract_precision<fp32>, transpose_lhs_hint = false} : vector<300x92xf32>, vector<92x64xf32>, vector<300x64xf32> -> vector<300x64xf32>
    %get3A_1489 = arith.constant 8 : index
    %get3A_1490 = arith.constant 0 : index
    %get3A_1491 = arith.constant 0 : index
    %get3A_1492 = vector.load %arg0[%get3A_1489, %get3A_1490, %get3A_1491] : memref<16x300x4xf32, #tpu.memory_space<vmem>>, vector<1x300x4xf32>
    %get3A_1493 = vector.shape_cast %get3A_1492 : vector<1x300x4xf32> to vector<300x4xf32>
    %slice3A_1494 = vector.extract_strided_slice %get3A_1493 {offsets = [0, 0], sizes = [300, 1], strides = [1, 1]} : vector<300x4xf32> to vector<300x1xf32>
    %slice3A_1495 = vector.extract_strided_slice %get3A_1493 {offsets = [0, 1], sizes = [300, 1], strides = [1, 1]} : vector<300x4xf32> to vector<300x1xf32>
    %slice3A_1496 = vector.extract_strided_slice %get3A_1493 {offsets = [0, 2], sizes = [300, 1], strides = [1, 1]} : vector<300x4xf32> to vector<300x1xf32>
    %slice3A_1497 = vector.extract_strided_slice %get3A_1493 {offsets = [0, 3], sizes = [300, 1], strides = [1, 1]} : vector<300x4xf32> to vector<300x1xf32>
    %get3A_1498 = arith.constant 8 : index
    %get3A_1499 = arith.constant 0 : index
    %get3A_1500 = arith.constant 0 : index
    %get3A_1501 = vector.load %arg2[%get3A_1498, %get3A_1499, %get3A_1500] : memref<16x4x64xf32, #tpu.memory_space<vmem>>, vector<1x4x64xf32>
    %get3A_1502 = vector.shape_cast %get3A_1501 : vector<1x4x64xf32> to vector<4x64xf32>
    %slice3A_1503 = vector.extract_strided_slice %get3A_1502 {offsets = [0, 0], sizes = [1, 64], strides = [1, 1]} : vector<4x64xf32> to vector<1x64xf32>
    %slice3A_1504 = vector.extract_strided_slice %get3A_1502 {offsets = [1, 0], sizes = [1, 64], strides = [1, 1]} : vector<4x64xf32> to vector<1x64xf32>
    %slice3A_1505 = vector.extract_strided_slice %get3A_1502 {offsets = [2, 0], sizes = [1, 64], strides = [1, 1]} : vector<4x64xf32> to vector<1x64xf32>
    %slice3A_1506 = vector.extract_strided_slice %get3A_1502 {offsets = [3, 0], sizes = [1, 64], strides = [1, 1]} : vector<4x64xf32> to vector<1x64xf32>
    %sub3A_1507 = vector.broadcast %slice3A_1494 : vector<300x1xf32> to vector<300x64xf32>
    %sub3A_1508 = vector.broadcast %slice3A_1503 : vector<1x64xf32> to vector<300x64xf32>
    %sub3A_1509 = arith.subf %sub3A_1507, %sub3A_1508 : vector<300x64xf32>
    %abs3A_1510 = math.absf %sub3A_1509 : vector<300x64xf32>
    %sub3A_1511 = vector.broadcast %slice3A_1495 : vector<300x1xf32> to vector<300x64xf32>
    %sub3A_1512 = vector.broadcast %slice3A_1504 : vector<1x64xf32> to vector<300x64xf32>
    %sub3A_1513 = arith.subf %sub3A_1511, %sub3A_1512 : vector<300x64xf32>
    %abs3A_1514 = math.absf %sub3A_1513 : vector<300x64xf32>
    %add3A_1515 = arith.addf %abs3A_1510, %abs3A_1514 : vector<300x64xf32>
    %sub3A_1516 = vector.broadcast %slice3A_1496 : vector<300x1xf32> to vector<300x64xf32>
    %sub3A_1517 = vector.broadcast %slice3A_1505 : vector<1x64xf32> to vector<300x64xf32>
    %sub3A_1518 = arith.subf %sub3A_1516, %sub3A_1517 : vector<300x64xf32>
    %abs3A_1519 = math.absf %sub3A_1518 : vector<300x64xf32>
    %add3A_1520 = arith.addf %add3A_1515, %abs3A_1519 : vector<300x64xf32>
    %sub3A_1521 = vector.broadcast %slice3A_1497 : vector<300x1xf32> to vector<300x64xf32>
    %sub3A_1522 = vector.broadcast %slice3A_1506 : vector<1x64xf32> to vector<300x64xf32>
    %sub3A_1523 = arith.subf %sub3A_1521, %sub3A_1522 : vector<300x64xf32>
    %abs3A_1524 = math.absf %sub3A_1523 : vector<300x64xf32>
    %add3A_1525 = arith.addf %add3A_1520, %abs3A_1524 : vector<300x64xf32>
    %mul3A_1526 = arith.constant 5.000000e-01 : f32
    %mul3A_1527 = vector.broadcast %mul3A_1526 : f32 to vector<300x1xf32>
    %mul3A_1528 = arith.mulf %mul3A_1527, %slice3A_1496 : vector<300x1xf32>
    %sub3A_1529 = arith.subf %slice3A_1494, %mul3A_1528 : vector<300x1xf32>
    %mul3A_1530 = arith.constant 5.000000e-01 : f32
    %mul3A_1531 = vector.broadcast %mul3A_1530 : f32 to vector<300x1xf32>
    %mul3A_1532 = arith.mulf %mul3A_1531, %slice3A_1497 : vector<300x1xf32>
    %sub3A_1533 = arith.subf %slice3A_1495, %mul3A_1532 : vector<300x1xf32>
    %mul3A_1534 = arith.constant 5.000000e-01 : f32
    %mul3A_1535 = vector.broadcast %mul3A_1534 : f32 to vector<300x1xf32>
    %mul3A_1536 = arith.mulf %mul3A_1535, %slice3A_1496 : vector<300x1xf32>
    %add3A_1537 = arith.addf %slice3A_1494, %mul3A_1536 : vector<300x1xf32>
    %mul3A_1538 = arith.constant 5.000000e-01 : f32
    %mul3A_1539 = vector.broadcast %mul3A_1538 : f32 to vector<300x1xf32>
    %mul3A_1540 = arith.mulf %mul3A_1539, %slice3A_1497 : vector<300x1xf32>
    %add3A_1541 = arith.addf %slice3A_1495, %mul3A_1540 : vector<300x1xf32>
    %mul3A_1542 = arith.constant 5.000000e-01 : f32
    %mul3A_1543 = vector.broadcast %mul3A_1542 : f32 to vector<1x64xf32>
    %mul3A_1544 = arith.mulf %mul3A_1543, %slice3A_1505 : vector<1x64xf32>
    %sub3A_1545 = arith.subf %slice3A_1503, %mul3A_1544 : vector<1x64xf32>
    %mul3A_1546 = arith.constant 5.000000e-01 : f32
    %mul3A_1547 = vector.broadcast %mul3A_1546 : f32 to vector<1x64xf32>
    %mul3A_1548 = arith.mulf %mul3A_1547, %slice3A_1506 : vector<1x64xf32>
    %sub3A_1549 = arith.subf %slice3A_1504, %mul3A_1548 : vector<1x64xf32>
    %mul3A_1550 = arith.constant 5.000000e-01 : f32
    %mul3A_1551 = vector.broadcast %mul3A_1550 : f32 to vector<1x64xf32>
    %mul3A_1552 = arith.mulf %mul3A_1551, %slice3A_1505 : vector<1x64xf32>
    %add3A_1553 = arith.addf %slice3A_1503, %mul3A_1552 : vector<1x64xf32>
    %mul3A_1554 = arith.constant 5.000000e-01 : f32
    %mul3A_1555 = vector.broadcast %mul3A_1554 : f32 to vector<1x64xf32>
    %mul3A_1556 = arith.mulf %mul3A_1555, %slice3A_1506 : vector<1x64xf32>
    %add3A_1557 = arith.addf %slice3A_1504, %mul3A_1556 : vector<1x64xf32>
    %sub3A_1558 = arith.subf %add3A_1537, %sub3A_1529 : vector<300x1xf32>
    %sub3A_1559 = arith.subf %add3A_1541, %sub3A_1533 : vector<300x1xf32>
    %mul3A_1560 = arith.mulf %sub3A_1558, %sub3A_1559 : vector<300x1xf32>
    %sub3A_1561 = arith.subf %add3A_1553, %sub3A_1545 : vector<1x64xf32>
    %sub3A_1562 = arith.subf %add3A_1557, %sub3A_1549 : vector<1x64xf32>
    %mul3A_1563 = arith.mulf %sub3A_1561, %sub3A_1562 : vector<1x64xf32>
    %min3A_1564 = vector.broadcast %add3A_1537 : vector<300x1xf32> to vector<300x64xf32>
    %min3A_1565 = vector.broadcast %add3A_1553 : vector<1x64xf32> to vector<300x64xf32>
    %min3A_1566 = arith.minimumf %min3A_1564, %min3A_1565 : vector<300x64xf32>
    %max3A_1567 = vector.broadcast %sub3A_1529 : vector<300x1xf32> to vector<300x64xf32>
    %max3A_1568 = vector.broadcast %sub3A_1545 : vector<1x64xf32> to vector<300x64xf32>
    %max3A_1569 = arith.maximumf %max3A_1567, %max3A_1568 : vector<300x64xf32>
    %sub3A_1570 = arith.subf %min3A_1566, %max3A_1569 : vector<300x64xf32>
    %jit3A_1571 = arith.constant 0.000000e+00 : f32
    %max3A_1572 = vector.broadcast %jit3A_1571 : f32 to vector<300x64xf32>
    %max3A_1573 = arith.maximumf %max3A_1572, %sub3A_1570 : vector<300x64xf32>
    %min3A_1574 = vector.broadcast %add3A_1541 : vector<300x1xf32> to vector<300x64xf32>
    %min3A_1575 = vector.broadcast %add3A_1557 : vector<1x64xf32> to vector<300x64xf32>
    %min3A_1576 = arith.minimumf %min3A_1574, %min3A_1575 : vector<300x64xf32>
    %max3A_1577 = vector.broadcast %sub3A_1533 : vector<300x1xf32> to vector<300x64xf32>
    %max3A_1578 = vector.broadcast %sub3A_1549 : vector<1x64xf32> to vector<300x64xf32>
    %max3A_1579 = arith.maximumf %max3A_1577, %max3A_1578 : vector<300x64xf32>
    %sub3A_1580 = arith.subf %min3A_1576, %max3A_1579 : vector<300x64xf32>
    %jit3A_1581 = arith.constant 0.000000e+00 : f32
    %max3A_1582 = vector.broadcast %jit3A_1581 : f32 to vector<300x64xf32>
    %max3A_1583 = arith.maximumf %max3A_1582, %sub3A_1580 : vector<300x64xf32>
    %mul3A_1584 = arith.mulf %max3A_1573, %max3A_1583 : vector<300x64xf32>
    %add3A_1585 = vector.broadcast %mul3A_1560 : vector<300x1xf32> to vector<300x64xf32>
    %add3A_1586 = vector.broadcast %mul3A_1563 : vector<1x64xf32> to vector<300x64xf32>
    %add3A_1587 = arith.addf %add3A_1585, %add3A_1586 : vector<300x64xf32>
    %sub3A_1588 = arith.subf %add3A_1587, %mul3A_1584 : vector<300x64xf32>
    %div3A_1589 = arith.divf %mul3A_1584, %sub3A_1588 : vector<300x64xf32>
    %max3A_1590 = vector.broadcast %add3A_1537 : vector<300x1xf32> to vector<300x64xf32>
    %max3A_1591 = vector.broadcast %add3A_1553 : vector<1x64xf32> to vector<300x64xf32>
    %max3A_1592 = arith.maximumf %max3A_1590, %max3A_1591 : vector<300x64xf32>
    %min3A_1593 = vector.broadcast %sub3A_1529 : vector<300x1xf32> to vector<300x64xf32>
    %min3A_1594 = vector.broadcast %sub3A_1545 : vector<1x64xf32> to vector<300x64xf32>
    %min3A_1595 = arith.minimumf %min3A_1593, %min3A_1594 : vector<300x64xf32>
    %sub3A_1596 = arith.subf %max3A_1592, %min3A_1595 : vector<300x64xf32>
    %jit3A_1597 = arith.constant 0.000000e+00 : f32
    %max3A_1598 = vector.broadcast %jit3A_1597 : f32 to vector<300x64xf32>
    %max3A_1599 = arith.maximumf %max3A_1598, %sub3A_1596 : vector<300x64xf32>
    %max3A_1600 = vector.broadcast %add3A_1541 : vector<300x1xf32> to vector<300x64xf32>
    %max3A_1601 = vector.broadcast %add3A_1557 : vector<1x64xf32> to vector<300x64xf32>
    %max3A_1602 = arith.maximumf %max3A_1600, %max3A_1601 : vector<300x64xf32>
    %min3A_1603 = vector.broadcast %sub3A_1533 : vector<300x1xf32> to vector<300x64xf32>
    %min3A_1604 = vector.broadcast %sub3A_1549 : vector<1x64xf32> to vector<300x64xf32>
    %min3A_1605 = arith.minimumf %min3A_1603, %min3A_1604 : vector<300x64xf32>
    %sub3A_1606 = arith.subf %max3A_1602, %min3A_1605 : vector<300x64xf32>
    %jit3A_1607 = arith.constant 0.000000e+00 : f32
    %max3A_1608 = vector.broadcast %jit3A_1607 : f32 to vector<300x64xf32>
    %max3A_1609 = arith.maximumf %max3A_1608, %sub3A_1606 : vector<300x64xf32>
    %mul3A_1610 = arith.mulf %max3A_1599, %max3A_1609 : vector<300x64xf32>
    %sub3A_1611 = arith.subf %mul3A_1610, %sub3A_1588 : vector<300x64xf32>
    %div3A_1612 = arith.divf %sub3A_1611, %mul3A_1610 : vector<300x64xf32>
    %sub3A_1613 = arith.subf %div3A_1589, %div3A_1612 : vector<300x64xf32>
    %mul3A_1614 = arith.constant 5.000000e+00 : f32
    %mul3A_1615 = vector.broadcast %mul3A_1614 : f32 to vector<300x64xf32>
    %mul3A_1616 = arith.mulf %mul3A_1615, %add3A_1525 : vector<300x64xf32>
    %sub3A_1617 = arith.subf %mul3A_1616, %dot_general3A_1488 : vector<300x64xf32>
    %mul3A_1618 = arith.constant 2.000000e+00 : f32
    %mul3A_1619 = vector.broadcast %mul3A_1618 : f32 to vector<300x64xf32>
    %mul3A_1620 = arith.mulf %mul3A_1619, %sub3A_1613 : vector<300x64xf32>
    %sub3A_1621 = arith.subf %sub3A_1617, %mul3A_1620 : vector<300x64xf32>
    %jit3A_1622 = arith.constant 0x7F800000 : f32
    %broadcast_in_dim3A_1623 = vector.broadcast %jit3A_1622 : f32 to vector<300x64xf32>
    %select_n3A_1624 = arith.select %lt3A_14, %sub3A_1621, %broadcast_in_dim3A_1623 : vector<300x64xi1>, vector<300x64xf32>
    %swap3A_1625 = arith.constant 8 : index
    %swap3A_1626 = arith.constant 0 : index
    %swap3A_1627 = arith.constant 0 : index
    %swap3A_1628 = vector.load %arg4[%swap3A_1625, %swap3A_1626, %swap3A_1627] : memref<16x300x64xf32, #tpu.memory_space<vmem>>, vector<1x300x64xf32>
    %swap3A_1629 = vector.shape_cast %swap3A_1628 : vector<1x300x64xf32> to vector<300x64xf32>
    %swap3A_1630 = vector.shape_cast %select_n3A_1624 : vector<300x64xf32> to vector<1x300x64xf32>
    tpu.vector_store %arg4[%swap3A_1625, %swap3A_1626, %swap3A_1627], %swap3A_1630 {strides = array<i32>} : memref<16x300x64xf32, #tpu.memory_space<vmem>>, vector<1x300x64xf32>,
    %jit3A_1631 = arith.constant 0.000000e+00 : f32
    %broadcast_in_dim3A_1632 = vector.broadcast %jit3A_1631 : f32 to vector<300x64xf32>
    %select_n3A_1633 = arith.select %lt3A_14, %add3A_1525, %broadcast_in_dim3A_1632 : vector<300x64xi1>, vector<300x64xf32>
    %swap3A_1634 = arith.constant 8 : index
    %swap3A_1635 = arith.constant 0 : index
    %swap3A_1636 = arith.constant 0 : index
    %swap3A_1637 = vector.load %arg5[%swap3A_1634, %swap3A_1635, %swap3A_1636] : memref<16x300x64xf32, #tpu.memory_space<vmem>>, vector<1x300x64xf32>
    %swap3A_1638 = vector.shape_cast %swap3A_1637 : vector<1x300x64xf32> to vector<300x64xf32>
    %swap3A_1639 = vector.shape_cast %select_n3A_1633 : vector<300x64xf32> to vector<1x300x64xf32>
    tpu.vector_store %arg5[%swap3A_1634, %swap3A_1635, %swap3A_1636], %swap3A_1639 {strides = array<i32>} : memref<16x300x64xf32, #tpu.memory_space<vmem>>, vector<1x300x64xf32>,
    %jit3A_1640 = arith.constant 0.000000e+00 : f32
    %broadcast_in_dim3A_1641 = vector.broadcast %jit3A_1640 : f32 to vector<300x64xf32>
    %select_n3A_1642 = arith.select %lt3A_14, %sub3A_1613, %broadcast_in_dim3A_1641 : vector<300x64xi1>, vector<300x64xf32>
    %swap3A_1643 = arith.constant 8 : index
    %swap3A_1644 = arith.constant 0 : index
    %swap3A_1645 = arith.constant 0 : index
    %swap3A_1646 = vector.load %arg6[%swap3A_1643, %swap3A_1644, %swap3A_1645] : memref<16x300x64xf32, #tpu.memory_space<vmem>>, vector<1x300x64xf32>
    %swap3A_1647 = vector.shape_cast %swap3A_1646 : vector<1x300x64xf32> to vector<300x64xf32>
    %swap3A_1648 = vector.shape_cast %select_n3A_1642 : vector<300x64xf32> to vector<1x300x64xf32>
    tpu.vector_store %arg6[%swap3A_1643, %swap3A_1644, %swap3A_1645], %swap3A_1648 {strides = array<i32>} : memref<16x300x64xf32, #tpu.memory_space<vmem>>, vector<1x300x64xf32>,
    %slice3A_1649 = vector.extract_strided_slice %broadcast_in_dim3A {offsets = [8, 0, 0], sizes = [1, 300, 1], strides = [1, 1, 1]} : vector<16x300x1xf32> to vector<1x300x1xf32>
    %squeeze3A_1650 = vector.shape_cast %slice3A_1649 : vector<1x300x1xf32> to vector<300x1xf32>
    %broadcast_in_dim3A_1651 = vector.shape_cast %squeeze3A_1650 : vector<300x1xf32> to vector<300x1xf32>
    %broadcast_in_dim3A_1652 = vector.broadcast %broadcast_in_dim3A_1651 : vector<300x1xf32> to vector<300x64xf32>
    %swap3A_1653 = arith.constant 8 : index
    %swap3A_1654 = arith.constant 0 : index
    %swap3A_1655 = arith.constant 0 : index
    %swap3A_1656 = vector.load %arg7[%swap3A_1653, %swap3A_1654, %swap3A_1655] : memref<16x300x64xf32, #tpu.memory_space<vmem>>, vector<1x300x64xf32>
    %swap3A_1657 = vector.shape_cast %swap3A_1656 : vector<1x300x64xf32> to vector<300x64xf32>
    %swap3A_1658 = vector.shape_cast %broadcast_in_dim3A_1652 : vector<300x64xf32> to vector<1x300x64xf32>
    tpu.vector_store %arg7[%swap3A_1653, %swap3A_1654, %swap3A_1655], %swap3A_1658 {strides = array<i32>} : memref<16x300x64xf32, #tpu.memory_space<vmem>>, vector<1x300x64xf32>,
    %slice3A_1659 = vector.extract_strided_slice %div3A_12 {offsets = [9, 0, 0], sizes = [1, 300, 92], strides = [1, 1, 1]} : vector<16x300x92xf32> to vector<1x300x92xf32>
    %squeeze3A_1660 = vector.shape_cast %slice3A_1659 : vector<1x300x92xf32> to vector<300x92xf32>
    %get3A_1661 = arith.constant 9 : index
    %get3A_1662 = arith.constant 0 : index
    %get3A_1663 = arith.constant 0 : index
    %get3A_1664 = vector.load %arg3[%get3A_1661, %get3A_1662, %get3A_1663] : memref<16x1x64xi32, #tpu.memory_space<vmem>>, vector<1x1x64xi32>
    %get3A_1665 = vector.shape_cast %get3A_1664 : vector<1x1x64xi32> to vector<1x64xi32>
    %iota3A_1666 = tpu.iota {dimensions = array<i32: 0>} : vector<92x64xi32>
    %eq3A_1667 = vector.broadcast %get3A_1665 : vector<1x64xi32> to vector<92x64xi32>
    %eq3A_1668 = arith.cmpi eq, %eq3A_1667, %iota3A_1666 : vector<92x64xi32>
    %convert_element_type3A_1669 = arith.extui %eq3A_1668 : vector<92x64xi1> to vector<92x64xi32>
    %convert_element_type3A_1670 = arith.sitofp %convert_element_type3A_1669 : vector<92x64xi32> to vector<92x64xf32>
    %dot_general3A_1671 = arith.constant dense<0.000000e+00> : vector<300x64xf32>
    %dot_general3A_1672 = tpu.matmul %squeeze3A_1660, %convert_element_type3A_1670, %dot_general3A_1671 {dimension_numbers = #tpu.dot_dimension_numbers<[1], [0], [0], [1], [0, 0, 1, 1], [], []>, precision = #tpu.contract_precision<fp32>, transpose_lhs_hint = false} : vector<300x92xf32>, vector<92x64xf32>, vector<300x64xf32> -> vector<300x64xf32>
    %get3A_1673 = arith.constant 9 : index
    %get3A_1674 = arith.constant 0 : index
    %get3A_1675 = arith.constant 0 : index
    %get3A_1676 = vector.load %arg0[%get3A_1673, %get3A_1674, %get3A_1675] : memref<16x300x4xf32, #tpu.memory_space<vmem>>, vector<1x300x4xf32>
    %get3A_1677 = vector.shape_cast %get3A_1676 : vector<1x300x4xf32> to vector<300x4xf32>
    %slice3A_1678 = vector.extract_strided_slice %get3A_1677 {offsets = [0, 0], sizes = [300, 1], strides = [1, 1]} : vector<300x4xf32> to vector<300x1xf32>
    %slice3A_1679 = vector.extract_strided_slice %get3A_1677 {offsets = [0, 1], sizes = [300, 1], strides = [1, 1]} : vector<300x4xf32> to vector<300x1xf32>
    %slice3A_1680 = vector.extract_strided_slice %get3A_1677 {offsets = [0, 2], sizes = [300, 1], strides = [1, 1]} : vector<300x4xf32> to vector<300x1xf32>
    %slice3A_1681 = vector.extract_strided_slice %get3A_1677 {offsets = [0, 3], sizes = [300, 1], strides = [1, 1]} : vector<300x4xf32> to vector<300x1xf32>
    %get3A_1682 = arith.constant 9 : index
    %get3A_1683 = arith.constant 0 : index
    %get3A_1684 = arith.constant 0 : index
    %get3A_1685 = vector.load %arg2[%get3A_1682, %get3A_1683, %get3A_1684] : memref<16x4x64xf32, #tpu.memory_space<vmem>>, vector<1x4x64xf32>
    %get3A_1686 = vector.shape_cast %get3A_1685 : vector<1x4x64xf32> to vector<4x64xf32>
    %slice3A_1687 = vector.extract_strided_slice %get3A_1686 {offsets = [0, 0], sizes = [1, 64], strides = [1, 1]} : vector<4x64xf32> to vector<1x64xf32>
    %slice3A_1688 = vector.extract_strided_slice %get3A_1686 {offsets = [1, 0], sizes = [1, 64], strides = [1, 1]} : vector<4x64xf32> to vector<1x64xf32>
    %slice3A_1689 = vector.extract_strided_slice %get3A_1686 {offsets = [2, 0], sizes = [1, 64], strides = [1, 1]} : vector<4x64xf32> to vector<1x64xf32>
    %slice3A_1690 = vector.extract_strided_slice %get3A_1686 {offsets = [3, 0], sizes = [1, 64], strides = [1, 1]} : vector<4x64xf32> to vector<1x64xf32>
    %sub3A_1691 = vector.broadcast %slice3A_1678 : vector<300x1xf32> to vector<300x64xf32>
    %sub3A_1692 = vector.broadcast %slice3A_1687 : vector<1x64xf32> to vector<300x64xf32>
    %sub3A_1693 = arith.subf %sub3A_1691, %sub3A_1692 : vector<300x64xf32>
    %abs3A_1694 = math.absf %sub3A_1693 : vector<300x64xf32>
    %sub3A_1695 = vector.broadcast %slice3A_1679 : vector<300x1xf32> to vector<300x64xf32>
    %sub3A_1696 = vector.broadcast %slice3A_1688 : vector<1x64xf32> to vector<300x64xf32>
    %sub3A_1697 = arith.subf %sub3A_1695, %sub3A_1696 : vector<300x64xf32>
    %abs3A_1698 = math.absf %sub3A_1697 : vector<300x64xf32>
    %add3A_1699 = arith.addf %abs3A_1694, %abs3A_1698 : vector<300x64xf32>
    %sub3A_1700 = vector.broadcast %slice3A_1680 : vector<300x1xf32> to vector<300x64xf32>
    %sub3A_1701 = vector.broadcast %slice3A_1689 : vector<1x64xf32> to vector<300x64xf32>
    %sub3A_1702 = arith.subf %sub3A_1700, %sub3A_1701 : vector<300x64xf32>
    %abs3A_1703 = math.absf %sub3A_1702 : vector<300x64xf32>
    %add3A_1704 = arith.addf %add3A_1699, %abs3A_1703 : vector<300x64xf32>
    %sub3A_1705 = vector.broadcast %slice3A_1681 : vector<300x1xf32> to vector<300x64xf32>
    %sub3A_1706 = vector.broadcast %slice3A_1690 : vector<1x64xf32> to vector<300x64xf32>
    %sub3A_1707 = arith.subf %sub3A_1705, %sub3A_1706 : vector<300x64xf32>
    %abs3A_1708 = math.absf %sub3A_1707 : vector<300x64xf32>
    %add3A_1709 = arith.addf %add3A_1704, %abs3A_1708 : vector<300x64xf32>
    %mul3A_1710 = arith.constant 5.000000e-01 : f32
    %mul3A_1711 = vector.broadcast %mul3A_1710 : f32 to vector<300x1xf32>
    %mul3A_1712 = arith.mulf %mul3A_1711, %slice3A_1680 : vector<300x1xf32>
    %sub3A_1713 = arith.subf %slice3A_1678, %mul3A_1712 : vector<300x1xf32>
    %mul3A_1714 = arith.constant 5.000000e-01 : f32
    %mul3A_1715 = vector.broadcast %mul3A_1714 : f32 to vector<300x1xf32>
    %mul3A_1716 = arith.mulf %mul3A_1715, %slice3A_1681 : vector<300x1xf32>
    %sub3A_1717 = arith.subf %slice3A_1679, %mul3A_1716 : vector<300x1xf32>
    %mul3A_1718 = arith.constant 5.000000e-01 : f32
    %mul3A_1719 = vector.broadcast %mul3A_1718 : f32 to vector<300x1xf32>
    %mul3A_1720 = arith.mulf %mul3A_1719, %slice3A_1680 : vector<300x1xf32>
    %add3A_1721 = arith.addf %slice3A_1678, %mul3A_1720 : vector<300x1xf32>
    %mul3A_1722 = arith.constant 5.000000e-01 : f32
    %mul3A_1723 = vector.broadcast %mul3A_1722 : f32 to vector<300x1xf32>
    %mul3A_1724 = arith.mulf %mul3A_1723, %slice3A_1681 : vector<300x1xf32>
    %add3A_1725 = arith.addf %slice3A_1679, %mul3A_1724 : vector<300x1xf32>
    %mul3A_1726 = arith.constant 5.000000e-01 : f32
    %mul3A_1727 = vector.broadcast %mul3A_1726 : f32 to vector<1x64xf32>
    %mul3A_1728 = arith.mulf %mul3A_1727, %slice3A_1689 : vector<1x64xf32>
    %sub3A_1729 = arith.subf %slice3A_1687, %mul3A_1728 : vector<1x64xf32>
    %mul3A_1730 = arith.constant 5.000000e-01 : f32
    %mul3A_1731 = vector.broadcast %mul3A_1730 : f32 to vector<1x64xf32>
    %mul3A_1732 = arith.mulf %mul3A_1731, %slice3A_1690 : vector<1x64xf32>
    %sub3A_1733 = arith.subf %slice3A_1688, %mul3A_1732 : vector<1x64xf32>
    %mul3A_1734 = arith.constant 5.000000e-01 : f32
    %mul3A_1735 = vector.broadcast %mul3A_1734 : f32 to vector<1x64xf32>
    %mul3A_1736 = arith.mulf %mul3A_1735, %slice3A_1689 : vector<1x64xf32>
    %add3A_1737 = arith.addf %slice3A_1687, %mul3A_1736 : vector<1x64xf32>
    %mul3A_1738 = arith.constant 5.000000e-01 : f32
    %mul3A_1739 = vector.broadcast %mul3A_1738 : f32 to vector<1x64xf32>
    %mul3A_1740 = arith.mulf %mul3A_1739, %slice3A_1690 : vector<1x64xf32>
    %add3A_1741 = arith.addf %slice3A_1688, %mul3A_1740 : vector<1x64xf32>
    %sub3A_1742 = arith.subf %add3A_1721, %sub3A_1713 : vector<300x1xf32>
    %sub3A_1743 = arith.subf %add3A_1725, %sub3A_1717 : vector<300x1xf32>
    %mul3A_1744 = arith.mulf %sub3A_1742, %sub3A_1743 : vector<300x1xf32>
    %sub3A_1745 = arith.subf %add3A_1737, %sub3A_1729 : vector<1x64xf32>
    %sub3A_1746 = arith.subf %add3A_1741, %sub3A_1733 : vector<1x64xf32>
    %mul3A_1747 = arith.mulf %sub3A_1745, %sub3A_1746 : vector<1x64xf32>
    %min3A_1748 = vector.broadcast %add3A_1721 : vector<300x1xf32> to vector<300x64xf32>
    %min3A_1749 = vector.broadcast %add3A_1737 : vector<1x64xf32> to vector<300x64xf32>
    %min3A_1750 = arith.minimumf %min3A_1748, %min3A_1749 : vector<300x64xf32>
    %max3A_1751 = vector.broadcast %sub3A_1713 : vector<300x1xf32> to vector<300x64xf32>
    %max3A_1752 = vector.broadcast %sub3A_1729 : vector<1x64xf32> to vector<300x64xf32>
    %max3A_1753 = arith.maximumf %max3A_1751, %max3A_1752 : vector<300x64xf32>
    %sub3A_1754 = arith.subf %min3A_1750, %max3A_1753 : vector<300x64xf32>
    %jit3A_1755 = arith.constant 0.000000e+00 : f32
    %max3A_1756 = vector.broadcast %jit3A_1755 : f32 to vector<300x64xf32>
    %max3A_1757 = arith.maximumf %max3A_1756, %sub3A_1754 : vector<300x64xf32>
    %min3A_1758 = vector.broadcast %add3A_1725 : vector<300x1xf32> to vector<300x64xf32>
    %min3A_1759 = vector.broadcast %add3A_1741 : vector<1x64xf32> to vector<300x64xf32>
    %min3A_1760 = arith.minimumf %min3A_1758, %min3A_1759 : vector<300x64xf32>
    %max3A_1761 = vector.broadcast %sub3A_1717 : vector<300x1xf32> to vector<300x64xf32>
    %max3A_1762 = vector.broadcast %sub3A_1733 : vector<1x64xf32> to vector<300x64xf32>
    %max3A_1763 = arith.maximumf %max3A_1761, %max3A_1762 : vector<300x64xf32>
    %sub3A_1764 = arith.subf %min3A_1760, %max3A_1763 : vector<300x64xf32>
    %jit3A_1765 = arith.constant 0.000000e+00 : f32
    %max3A_1766 = vector.broadcast %jit3A_1765 : f32 to vector<300x64xf32>
    %max3A_1767 = arith.maximumf %max3A_1766, %sub3A_1764 : vector<300x64xf32>
    %mul3A_1768 = arith.mulf %max3A_1757, %max3A_1767 : vector<300x64xf32>
    %add3A_1769 = vector.broadcast %mul3A_1744 : vector<300x1xf32> to vector<300x64xf32>
    %add3A_1770 = vector.broadcast %mul3A_1747 : vector<1x64xf32> to vector<300x64xf32>
    %add3A_1771 = arith.addf %add3A_1769, %add3A_1770 : vector<300x64xf32>
    %sub3A_1772 = arith.subf %add3A_1771, %mul3A_1768 : vector<300x64xf32>
    %div3A_1773 = arith.divf %mul3A_1768, %sub3A_1772 : vector<300x64xf32>
    %max3A_1774 = vector.broadcast %add3A_1721 : vector<300x1xf32> to vector<300x64xf32>
    %max3A_1775 = vector.broadcast %add3A_1737 : vector<1x64xf32> to vector<300x64xf32>
    %max3A_1776 = arith.maximumf %max3A_1774, %max3A_1775 : vector<300x64xf32>
    %min3A_1777 = vector.broadcast %sub3A_1713 : vector<300x1xf32> to vector<300x64xf32>
    %min3A_1778 = vector.broadcast %sub3A_1729 : vector<1x64xf32> to vector<300x64xf32>
    %min3A_1779 = arith.minimumf %min3A_1777, %min3A_1778 : vector<300x64xf32>
    %sub3A_1780 = arith.subf %max3A_1776, %min3A_1779 : vector<300x64xf32>
    %jit3A_1781 = arith.constant 0.000000e+00 : f32
    %max3A_1782 = vector.broadcast %jit3A_1781 : f32 to vector<300x64xf32>
    %max3A_1783 = arith.maximumf %max3A_1782, %sub3A_1780 : vector<300x64xf32>
    %max3A_1784 = vector.broadcast %add3A_1725 : vector<300x1xf32> to vector<300x64xf32>
    %max3A_1785 = vector.broadcast %add3A_1741 : vector<1x64xf32> to vector<300x64xf32>
    %max3A_1786 = arith.maximumf %max3A_1784, %max3A_1785 : vector<300x64xf32>
    %min3A_1787 = vector.broadcast %sub3A_1717 : vector<300x1xf32> to vector<300x64xf32>
    %min3A_1788 = vector.broadcast %sub3A_1733 : vector<1x64xf32> to vector<300x64xf32>
    %min3A_1789 = arith.minimumf %min3A_1787, %min3A_1788 : vector<300x64xf32>
    %sub3A_1790 = arith.subf %max3A_1786, %min3A_1789 : vector<300x64xf32>
    %jit3A_1791 = arith.constant 0.000000e+00 : f32
    %max3A_1792 = vector.broadcast %jit3A_1791 : f32 to vector<300x64xf32>
    %max3A_1793 = arith.maximumf %max3A_1792, %sub3A_1790 : vector<300x64xf32>
    %mul3A_1794 = arith.mulf %max3A_1783, %max3A_1793 : vector<300x64xf32>
    %sub3A_1795 = arith.subf %mul3A_1794, %sub3A_1772 : vector<300x64xf32>
    %div3A_1796 = arith.divf %sub3A_1795, %mul3A_1794 : vector<300x64xf32>
    %sub3A_1797 = arith.subf %div3A_1773, %div3A_1796 : vector<300x64xf32>
    %mul3A_1798 = arith.constant 5.000000e+00 : f32
    %mul3A_1799 = vector.broadcast %mul3A_1798 : f32 to vector<300x64xf32>
    %mul3A_1800 = arith.mulf %mul3A_1799, %add3A_1709 : vector<300x64xf32>
    %sub3A_1801 = arith.subf %mul3A_1800, %dot_general3A_1672 : vector<300x64xf32>
    %mul3A_1802 = arith.constant 2.000000e+00 : f32
    %mul3A_1803 = vector.broadcast %mul3A_1802 : f32 to vector<300x64xf32>
    %mul3A_1804 = arith.mulf %mul3A_1803, %sub3A_1797 : vector<300x64xf32>
    %sub3A_1805 = arith.subf %sub3A_1801, %mul3A_1804 : vector<300x64xf32>
    %jit3A_1806 = arith.constant 0x7F800000 : f32
    %broadcast_in_dim3A_1807 = vector.broadcast %jit3A_1806 : f32 to vector<300x64xf32>
    %select_n3A_1808 = arith.select %lt3A_14, %sub3A_1805, %broadcast_in_dim3A_1807 : vector<300x64xi1>, vector<300x64xf32>
    %swap3A_1809 = arith.constant 9 : index
    %swap3A_1810 = arith.constant 0 : index
    %swap3A_1811 = arith.constant 0 : index
    %swap3A_1812 = vector.load %arg4[%swap3A_1809, %swap3A_1810, %swap3A_1811] : memref<16x300x64xf32, #tpu.memory_space<vmem>>, vector<1x300x64xf32>
    %swap3A_1813 = vector.shape_cast %swap3A_1812 : vector<1x300x64xf32> to vector<300x64xf32>
    %swap3A_1814 = vector.shape_cast %select_n3A_1808 : vector<300x64xf32> to vector<1x300x64xf32>
    tpu.vector_store %arg4[%swap3A_1809, %swap3A_1810, %swap3A_1811], %swap3A_1814 {strides = array<i32>} : memref<16x300x64xf32, #tpu.memory_space<vmem>>, vector<1x300x64xf32>,
    %jit3A_1815 = arith.constant 0.000000e+00 : f32
    %broadcast_in_dim3A_1816 = vector.broadcast %jit3A_1815 : f32 to vector<300x64xf32>
    %select_n3A_1817 = arith.select %lt3A_14, %add3A_1709, %broadcast_in_dim3A_1816 : vector<300x64xi1>, vector<300x64xf32>
    %swap3A_1818 = arith.constant 9 : index
    %swap3A_1819 = arith.constant 0 : index
    %swap3A_1820 = arith.constant 0 : index
    %swap3A_1821 = vector.load %arg5[%swap3A_1818, %swap3A_1819, %swap3A_1820] : memref<16x300x64xf32, #tpu.memory_space<vmem>>, vector<1x300x64xf32>
    %swap3A_1822 = vector.shape_cast %swap3A_1821 : vector<1x300x64xf32> to vector<300x64xf32>
    %swap3A_1823 = vector.shape_cast %select_n3A_1817 : vector<300x64xf32> to vector<1x300x64xf32>
    tpu.vector_store %arg5[%swap3A_1818, %swap3A_1819, %swap3A_1820], %swap3A_1823 {strides = array<i32>} : memref<16x300x64xf32, #tpu.memory_space<vmem>>, vector<1x300x64xf32>,
    %jit3A_1824 = arith.constant 0.000000e+00 : f32
    %broadcast_in_dim3A_1825 = vector.broadcast %jit3A_1824 : f32 to vector<300x64xf32>
    %select_n3A_1826 = arith.select %lt3A_14, %sub3A_1797, %broadcast_in_dim3A_1825 : vector<300x64xi1>, vector<300x64xf32>
    %swap3A_1827 = arith.constant 9 : index
    %swap3A_1828 = arith.constant 0 : index
    %swap3A_1829 = arith.constant 0 : index
    %swap3A_1830 = vector.load %arg6[%swap3A_1827, %swap3A_1828, %swap3A_1829] : memref<16x300x64xf32, #tpu.memory_space<vmem>>, vector<1x300x64xf32>
    %swap3A_1831 = vector.shape_cast %swap3A_1830 : vector<1x300x64xf32> to vector<300x64xf32>
    %swap3A_1832 = vector.shape_cast %select_n3A_1826 : vector<300x64xf32> to vector<1x300x64xf32>
    tpu.vector_store %arg6[%swap3A_1827, %swap3A_1828, %swap3A_1829], %swap3A_1832 {strides = array<i32>} : memref<16x300x64xf32, #tpu.memory_space<vmem>>, vector<1x300x64xf32>,
    %slice3A_1833 = vector.extract_strided_slice %broadcast_in_dim3A {offsets = [9, 0, 0], sizes = [1, 300, 1], strides = [1, 1, 1]} : vector<16x300x1xf32> to vector<1x300x1xf32>
    %squeeze3A_1834 = vector.shape_cast %slice3A_1833 : vector<1x300x1xf32> to vector<300x1xf32>
    %broadcast_in_dim3A_1835 = vector.shape_cast %squeeze3A_1834 : vector<300x1xf32> to vector<300x1xf32>
    %broadcast_in_dim3A_1836 = vector.broadcast %broadcast_in_dim3A_1835 : vector<300x1xf32> to vector<300x64xf32>
    %swap3A_1837 = arith.constant 9 : index
    %swap3A_1838 = arith.constant 0 : index
    %swap3A_1839 = arith.constant 0 : index
    %swap3A_1840 = vector.load %arg7[%swap3A_1837, %swap3A_1838, %swap3A_1839] : memref<16x300x64xf32, #tpu.memory_space<vmem>>, vector<1x300x64xf32>
    %swap3A_1841 = vector.shape_cast %swap3A_1840 : vector<1x300x64xf32> to vector<300x64xf32>
    %swap3A_1842 = vector.shape_cast %broadcast_in_dim3A_1836 : vector<300x64xf32> to vector<1x300x64xf32>
    tpu.vector_store %arg7[%swap3A_1837, %swap3A_1838, %swap3A_1839], %swap3A_1842 {strides = array<i32>} : memref<16x300x64xf32, #tpu.memory_space<vmem>>, vector<1x300x64xf32>,
    %slice3A_1843 = vector.extract_strided_slice %div3A_12 {offsets = [10, 0, 0], sizes = [1, 300, 92], strides = [1, 1, 1]} : vector<16x300x92xf32> to vector<1x300x92xf32>
    %squeeze3A_1844 = vector.shape_cast %slice3A_1843 : vector<1x300x92xf32> to vector<300x92xf32>
    %get3A_1845 = arith.constant 10 : index
    %get3A_1846 = arith.constant 0 : index
    %get3A_1847 = arith.constant 0 : index
    %get3A_1848 = vector.load %arg3[%get3A_1845, %get3A_1846, %get3A_1847] : memref<16x1x64xi32, #tpu.memory_space<vmem>>, vector<1x1x64xi32>
    %get3A_1849 = vector.shape_cast %get3A_1848 : vector<1x1x64xi32> to vector<1x64xi32>
    %iota3A_1850 = tpu.iota {dimensions = array<i32: 0>} : vector<92x64xi32>
    %eq3A_1851 = vector.broadcast %get3A_1849 : vector<1x64xi32> to vector<92x64xi32>
    %eq3A_1852 = arith.cmpi eq, %eq3A_1851, %iota3A_1850 : vector<92x64xi32>
    %convert_element_type3A_1853 = arith.extui %eq3A_1852 : vector<92x64xi1> to vector<92x64xi32>
    %convert_element_type3A_1854 = arith.sitofp %convert_element_type3A_1853 : vector<92x64xi32> to vector<92x64xf32>
    %dot_general3A_1855 = arith.constant dense<0.000000e+00> : vector<300x64xf32>
    %dot_general3A_1856 = tpu.matmul %squeeze3A_1844, %convert_element_type3A_1854, %dot_general3A_1855 {dimension_numbers = #tpu.dot_dimension_numbers<[1], [0], [0], [1], [0, 0, 1, 1], [], []>, precision = #tpu.contract_precision<fp32>, transpose_lhs_hint = false} : vector<300x92xf32>, vector<92x64xf32>, vector<300x64xf32> -> vector<300x64xf32>
    %get3A_1857 = arith.constant 10 : index
    %get3A_1858 = arith.constant 0 : index
    %get3A_1859 = arith.constant 0 : index
    %get3A_1860 = vector.load %arg0[%get3A_1857, %get3A_1858, %get3A_1859] : memref<16x300x4xf32, #tpu.memory_space<vmem>>, vector<1x300x4xf32>
    %get3A_1861 = vector.shape_cast %get3A_1860 : vector<1x300x4xf32> to vector<300x4xf32>
    %slice3A_1862 = vector.extract_strided_slice %get3A_1861 {offsets = [0, 0], sizes = [300, 1], strides = [1, 1]} : vector<300x4xf32> to vector<300x1xf32>
    %slice3A_1863 = vector.extract_strided_slice %get3A_1861 {offsets = [0, 1], sizes = [300, 1], strides = [1, 1]} : vector<300x4xf32> to vector<300x1xf32>
    %slice3A_1864 = vector.extract_strided_slice %get3A_1861 {offsets = [0, 2], sizes = [300, 1], strides = [1, 1]} : vector<300x4xf32> to vector<300x1xf32>
    %slice3A_1865 = vector.extract_strided_slice %get3A_1861 {offsets = [0, 3], sizes = [300, 1], strides = [1, 1]} : vector<300x4xf32> to vector<300x1xf32>
    %get3A_1866 = arith.constant 10 : index
    %get3A_1867 = arith.constant 0 : index
    %get3A_1868 = arith.constant 0 : index
    %get3A_1869 = vector.load %arg2[%get3A_1866, %get3A_1867, %get3A_1868] : memref<16x4x64xf32, #tpu.memory_space<vmem>>, vector<1x4x64xf32>
    %get3A_1870 = vector.shape_cast %get3A_1869 : vector<1x4x64xf32> to vector<4x64xf32>
    %slice3A_1871 = vector.extract_strided_slice %get3A_1870 {offsets = [0, 0], sizes = [1, 64], strides = [1, 1]} : vector<4x64xf32> to vector<1x64xf32>
    %slice3A_1872 = vector.extract_strided_slice %get3A_1870 {offsets = [1, 0], sizes = [1, 64], strides = [1, 1]} : vector<4x64xf32> to vector<1x64xf32>
    %slice3A_1873 = vector.extract_strided_slice %get3A_1870 {offsets = [2, 0], sizes = [1, 64], strides = [1, 1]} : vector<4x64xf32> to vector<1x64xf32>
    %slice3A_1874 = vector.extract_strided_slice %get3A_1870 {offsets = [3, 0], sizes = [1, 64], strides = [1, 1]} : vector<4x64xf32> to vector<1x64xf32>
    %sub3A_1875 = vector.broadcast %slice3A_1862 : vector<300x1xf32> to vector<300x64xf32>
    %sub3A_1876 = vector.broadcast %slice3A_1871 : vector<1x64xf32> to vector<300x64xf32>
    %sub3A_1877 = arith.subf %sub3A_1875, %sub3A_1876 : vector<300x64xf32>
    %abs3A_1878 = math.absf %sub3A_1877 : vector<300x64xf32>
    %sub3A_1879 = vector.broadcast %slice3A_1863 : vector<300x1xf32> to vector<300x64xf32>
    %sub3A_1880 = vector.broadcast %slice3A_1872 : vector<1x64xf32> to vector<300x64xf32>
    %sub3A_1881 = arith.subf %sub3A_1879, %sub3A_1880 : vector<300x64xf32>
    %abs3A_1882 = math.absf %sub3A_1881 : vector<300x64xf32>
    %add3A_1883 = arith.addf %abs3A_1878, %abs3A_1882 : vector<300x64xf32>
    %sub3A_1884 = vector.broadcast %slice3A_1864 : vector<300x1xf32> to vector<300x64xf32>
    %sub3A_1885 = vector.broadcast %slice3A_1873 : vector<1x64xf32> to vector<300x64xf32>
    %sub3A_1886 = arith.subf %sub3A_1884, %sub3A_1885 : vector<300x64xf32>
    %abs3A_1887 = math.absf %sub3A_1886 : vector<300x64xf32>
    %add3A_1888 = arith.addf %add3A_1883, %abs3A_1887 : vector<300x64xf32>
    %sub3A_1889 = vector.broadcast %slice3A_1865 : vector<300x1xf32> to vector<300x64xf32>
    %sub3A_1890 = vector.broadcast %slice3A_1874 : vector<1x64xf32> to vector<300x64xf32>
    %sub3A_1891 = arith.subf %sub3A_1889, %sub3A_1890 : vector<300x64xf32>
    %abs3A_1892 = math.absf %sub3A_1891 : vector<300x64xf32>
    %add3A_1893 = arith.addf %add3A_1888, %abs3A_1892 : vector<300x64xf32>
    %mul3A_1894 = arith.constant 5.000000e-01 : f32
    %mul3A_1895 = vector.broadcast %mul3A_1894 : f32 to vector<300x1xf32>
    %mul3A_1896 = arith.mulf %mul3A_1895, %slice3A_1864 : vector<300x1xf32>
    %sub3A_1897 = arith.subf %slice3A_1862, %mul3A_1896 : vector<300x1xf32>
    %mul3A_1898 = arith.constant 5.000000e-01 : f32
    %mul3A_1899 = vector.broadcast %mul3A_1898 : f32 to vector<300x1xf32>
    %mul3A_1900 = arith.mulf %mul3A_1899, %slice3A_1865 : vector<300x1xf32>
    %sub3A_1901 = arith.subf %slice3A_1863, %mul3A_1900 : vector<300x1xf32>
    %mul3A_1902 = arith.constant 5.000000e-01 : f32
    %mul3A_1903 = vector.broadcast %mul3A_1902 : f32 to vector<300x1xf32>
    %mul3A_1904 = arith.mulf %mul3A_1903, %slice3A_1864 : vector<300x1xf32>
    %add3A_1905 = arith.addf %slice3A_1862, %mul3A_1904 : vector<300x1xf32>
    %mul3A_1906 = arith.constant 5.000000e-01 : f32
    %mul3A_1907 = vector.broadcast %mul3A_1906 : f32 to vector<300x1xf32>
    %mul3A_1908 = arith.mulf %mul3A_1907, %slice3A_1865 : vector<300x1xf32>
    %add3A_1909 = arith.addf %slice3A_1863, %mul3A_1908 : vector<300x1xf32>
    %mul3A_1910 = arith.constant 5.000000e-01 : f32
    %mul3A_1911 = vector.broadcast %mul3A_1910 : f32 to vector<1x64xf32>
    %mul3A_1912 = arith.mulf %mul3A_1911, %slice3A_1873 : vector<1x64xf32>
    %sub3A_1913 = arith.subf %slice3A_1871, %mul3A_1912 : vector<1x64xf32>
    %mul3A_1914 = arith.constant 5.000000e-01 : f32
    %mul3A_1915 = vector.broadcast %mul3A_1914 : f32 to vector<1x64xf32>
    %mul3A_1916 = arith.mulf %mul3A_1915, %slice3A_1874 : vector<1x64xf32>
    %sub3A_1917 = arith.subf %slice3A_1872, %mul3A_1916 : vector<1x64xf32>
    %mul3A_1918 = arith.constant 5.000000e-01 : f32
    %mul3A_1919 = vector.broadcast %mul3A_1918 : f32 to vector<1x64xf32>
    %mul3A_1920 = arith.mulf %mul3A_1919, %slice3A_1873 : vector<1x64xf32>
    %add3A_1921 = arith.addf %slice3A_1871, %mul3A_1920 : vector<1x64xf32>
    %mul3A_1922 = arith.constant 5.000000e-01 : f32
    %mul3A_1923 = vector.broadcast %mul3A_1922 : f32 to vector<1x64xf32>
    %mul3A_1924 = arith.mulf %mul3A_1923, %slice3A_1874 : vector<1x64xf32>
    %add3A_1925 = arith.addf %slice3A_1872, %mul3A_1924 : vector<1x64xf32>
    %sub3A_1926 = arith.subf %add3A_1905, %sub3A_1897 : vector<300x1xf32>
    %sub3A_1927 = arith.subf %add3A_1909, %sub3A_1901 : vector<300x1xf32>
    %mul3A_1928 = arith.mulf %sub3A_1926, %sub3A_1927 : vector<300x1xf32>
    %sub3A_1929 = arith.subf %add3A_1921, %sub3A_1913 : vector<1x64xf32>
    %sub3A_1930 = arith.subf %add3A_1925, %sub3A_1917 : vector<1x64xf32>
    %mul3A_1931 = arith.mulf %sub3A_1929, %sub3A_1930 : vector<1x64xf32>
    %min3A_1932 = vector.broadcast %add3A_1905 : vector<300x1xf32> to vector<300x64xf32>
    %min3A_1933 = vector.broadcast %add3A_1921 : vector<1x64xf32> to vector<300x64xf32>
    %min3A_1934 = arith.minimumf %min3A_1932, %min3A_1933 : vector<300x64xf32>
    %max3A_1935 = vector.broadcast %sub3A_1897 : vector<300x1xf32> to vector<300x64xf32>
    %max3A_1936 = vector.broadcast %sub3A_1913 : vector<1x64xf32> to vector<300x64xf32>
    %max3A_1937 = arith.maximumf %max3A_1935, %max3A_1936 : vector<300x64xf32>
    %sub3A_1938 = arith.subf %min3A_1934, %max3A_1937 : vector<300x64xf32>
    %jit3A_1939 = arith.constant 0.000000e+00 : f32
    %max3A_1940 = vector.broadcast %jit3A_1939 : f32 to vector<300x64xf32>
    %max3A_1941 = arith.maximumf %max3A_1940, %sub3A_1938 : vector<300x64xf32>
    %min3A_1942 = vector.broadcast %add3A_1909 : vector<300x1xf32> to vector<300x64xf32>
    %min3A_1943 = vector.broadcast %add3A_1925 : vector<1x64xf32> to vector<300x64xf32>
    %min3A_1944 = arith.minimumf %min3A_1942, %min3A_1943 : vector<300x64xf32>
    %max3A_1945 = vector.broadcast %sub3A_1901 : vector<300x1xf32> to vector<300x64xf32>
    %max3A_1946 = vector.broadcast %sub3A_1917 : vector<1x64xf32> to vector<300x64xf32>
    %max3A_1947 = arith.maximumf %max3A_1945, %max3A_1946 : vector<300x64xf32>
    %sub3A_1948 = arith.subf %min3A_1944, %max3A_1947 : vector<300x64xf32>
    %jit3A_1949 = arith.constant 0.000000e+00 : f32
    %max3A_1950 = vector.broadcast %jit3A_1949 : f32 to vector<300x64xf32>
    %max3A_1951 = arith.maximumf %max3A_1950, %sub3A_1948 : vector<300x64xf32>
    %mul3A_1952 = arith.mulf %max3A_1941, %max3A_1951 : vector<300x64xf32>
    %add3A_1953 = vector.broadcast %mul3A_1928 : vector<300x1xf32> to vector<300x64xf32>
    %add3A_1954 = vector.broadcast %mul3A_1931 : vector<1x64xf32> to vector<300x64xf32>
    %add3A_1955 = arith.addf %add3A_1953, %add3A_1954 : vector<300x64xf32>
    %sub3A_1956 = arith.subf %add3A_1955, %mul3A_1952 : vector<300x64xf32>
    %div3A_1957 = arith.divf %mul3A_1952, %sub3A_1956 : vector<300x64xf32>
    %max3A_1958 = vector.broadcast %add3A_1905 : vector<300x1xf32> to vector<300x64xf32>
    %max3A_1959 = vector.broadcast %add3A_1921 : vector<1x64xf32> to vector<300x64xf32>
    %max3A_1960 = arith.maximumf %max3A_1958, %max3A_1959 : vector<300x64xf32>
    %min3A_1961 = vector.broadcast %sub3A_1897 : vector<300x1xf32> to vector<300x64xf32>
    %min3A_1962 = vector.broadcast %sub3A_1913 : vector<1x64xf32> to vector<300x64xf32>
    %min3A_1963 = arith.minimumf %min3A_1961, %min3A_1962 : vector<300x64xf32>
    %sub3A_1964 = arith.subf %max3A_1960, %min3A_1963 : vector<300x64xf32>
    %jit3A_1965 = arith.constant 0.000000e+00 : f32
    %max3A_1966 = vector.broadcast %jit3A_1965 : f32 to vector<300x64xf32>
    %max3A_1967 = arith.maximumf %max3A_1966, %sub3A_1964 : vector<300x64xf32>
    %max3A_1968 = vector.broadcast %add3A_1909 : vector<300x1xf32> to vector<300x64xf32>
    %max3A_1969 = vector.broadcast %add3A_1925 : vector<1x64xf32> to vector<300x64xf32>
    %max3A_1970 = arith.maximumf %max3A_1968, %max3A_1969 : vector<300x64xf32>
    %min3A_1971 = vector.broadcast %sub3A_1901 : vector<300x1xf32> to vector<300x64xf32>
    %min3A_1972 = vector.broadcast %sub3A_1917 : vector<1x64xf32> to vector<300x64xf32>
    %min3A_1973 = arith.minimumf %min3A_1971, %min3A_1972 : vector<300x64xf32>
    %sub3A_1974 = arith.subf %max3A_1970, %min3A_1973 : vector<300x64xf32>
    %jit3A_1975 = arith.constant 0.000000e+00 : f32
    %max3A_1976 = vector.broadcast %jit3A_1975 : f32 to vector<300x64xf32>
    %max3A_1977 = arith.maximumf %max3A_1976, %sub3A_1974 : vector<300x64xf32>
    %mul3A_1978 = arith.mulf %max3A_1967, %max3A_1977 : vector<300x64xf32>
    %sub3A_1979 = arith.subf %mul3A_1978, %sub3A_1956 : vector<300x64xf32>
    %div3A_1980 = arith.divf %sub3A_1979, %mul3A_1978 : vector<300x64xf32>
    %sub3A_1981 = arith.subf %div3A_1957, %div3A_1980 : vector<300x64xf32>
    %mul3A_1982 = arith.constant 5.000000e+00 : f32
    %mul3A_1983 = vector.broadcast %mul3A_1982 : f32 to vector<300x64xf32>
    %mul3A_1984 = arith.mulf %mul3A_1983, %add3A_1893 : vector<300x64xf32>
    %sub3A_1985 = arith.subf %mul3A_1984, %dot_general3A_1856 : vector<300x64xf32>
    %mul3A_1986 = arith.constant 2.000000e+00 : f32
    %mul3A_1987 = vector.broadcast %mul3A_1986 : f32 to vector<300x64xf32>
    %mul3A_1988 = arith.mulf %mul3A_1987, %sub3A_1981 : vector<300x64xf32>
    %sub3A_1989 = arith.subf %sub3A_1985, %mul3A_1988 : vector<300x64xf32>
    %jit3A_1990 = arith.constant 0x7F800000 : f32
    %broadcast_in_dim3A_1991 = vector.broadcast %jit3A_1990 : f32 to vector<300x64xf32>
    %select_n3A_1992 = arith.select %lt3A_14, %sub3A_1989, %broadcast_in_dim3A_1991 : vector<300x64xi1>, vector<300x64xf32>
    %swap3A_1993 = arith.constant 10 : index
    %swap3A_1994 = arith.constant 0 : index
    %swap3A_1995 = arith.constant 0 : index
    %swap3A_1996 = vector.load %arg4[%swap3A_1993, %swap3A_1994, %swap3A_1995] : memref<16x300x64xf32, #tpu.memory_space<vmem>>, vector<1x300x64xf32>
    %swap3A_1997 = vector.shape_cast %swap3A_1996 : vector<1x300x64xf32> to vector<300x64xf32>
    %swap3A_1998 = vector.shape_cast %select_n3A_1992 : vector<300x64xf32> to vector<1x300x64xf32>
    tpu.vector_store %arg4[%swap3A_1993, %swap3A_1994, %swap3A_1995], %swap3A_1998 {strides = array<i32>} : memref<16x300x64xf32, #tpu.memory_space<vmem>>, vector<1x300x64xf32>,
    %jit3A_1999 = arith.constant 0.000000e+00 : f32
    %broadcast_in_dim3A_2000 = vector.broadcast %jit3A_1999 : f32 to vector<300x64xf32>
    %select_n3A_2001 = arith.select %lt3A_14, %add3A_1893, %broadcast_in_dim3A_2000 : vector<300x64xi1>, vector<300x64xf32>
    %swap3A_2002 = arith.constant 10 : index
    %swap3A_2003 = arith.constant 0 : index
    %swap3A_2004 = arith.constant 0 : index
    %swap3A_2005 = vector.load %arg5[%swap3A_2002, %swap3A_2003, %swap3A_2004] : memref<16x300x64xf32, #tpu.memory_space<vmem>>, vector<1x300x64xf32>
    %swap3A_2006 = vector.shape_cast %swap3A_2005 : vector<1x300x64xf32> to vector<300x64xf32>
    %swap3A_2007 = vector.shape_cast %select_n3A_2001 : vector<300x64xf32> to vector<1x300x64xf32>
    tpu.vector_store %arg5[%swap3A_2002, %swap3A_2003, %swap3A_2004], %swap3A_2007 {strides = array<i32>} : memref<16x300x64xf32, #tpu.memory_space<vmem>>, vector<1x300x64xf32>,
    %jit3A_2008 = arith.constant 0.000000e+00 : f32
    %broadcast_in_dim3A_2009 = vector.broadcast %jit3A_2008 : f32 to vector<300x64xf32>
    %select_n3A_2010 = arith.select %lt3A_14, %sub3A_1981, %broadcast_in_dim3A_2009 : vector<300x64xi1>, vector<300x64xf32>
    %swap3A_2011 = arith.constant 10 : index
    %swap3A_2012 = arith.constant 0 : index
    %swap3A_2013 = arith.constant 0 : index
    %swap3A_2014 = vector.load %arg6[%swap3A_2011, %swap3A_2012, %swap3A_2013] : memref<16x300x64xf32, #tpu.memory_space<vmem>>, vector<1x300x64xf32>
    %swap3A_2015 = vector.shape_cast %swap3A_2014 : vector<1x300x64xf32> to vector<300x64xf32>
    %swap3A_2016 = vector.shape_cast %select_n3A_2010 : vector<300x64xf32> to vector<1x300x64xf32>
    tpu.vector_store %arg6[%swap3A_2011, %swap3A_2012, %swap3A_2013], %swap3A_2016 {strides = array<i32>} : memref<16x300x64xf32, #tpu.memory_space<vmem>>, vector<1x300x64xf32>,
    %slice3A_2017 = vector.extract_strided_slice %broadcast_in_dim3A {offsets = [10, 0, 0], sizes = [1, 300, 1], strides = [1, 1, 1]} : vector<16x300x1xf32> to vector<1x300x1xf32>
    %squeeze3A_2018 = vector.shape_cast %slice3A_2017 : vector<1x300x1xf32> to vector<300x1xf32>
    %broadcast_in_dim3A_2019 = vector.shape_cast %squeeze3A_2018 : vector<300x1xf32> to vector<300x1xf32>
    %broadcast_in_dim3A_2020 = vector.broadcast %broadcast_in_dim3A_2019 : vector<300x1xf32> to vector<300x64xf32>
    %swap3A_2021 = arith.constant 10 : index
    %swap3A_2022 = arith.constant 0 : index
    %swap3A_2023 = arith.constant 0 : index
    %swap3A_2024 = vector.load %arg7[%swap3A_2021, %swap3A_2022, %swap3A_2023] : memref<16x300x64xf32, #tpu.memory_space<vmem>>, vector<1x300x64xf32>
    %swap3A_2025 = vector.shape_cast %swap3A_2024 : vector<1x300x64xf32> to vector<300x64xf32>
    %swap3A_2026 = vector.shape_cast %broadcast_in_dim3A_2020 : vector<300x64xf32> to vector<1x300x64xf32>
    tpu.vector_store %arg7[%swap3A_2021, %swap3A_2022, %swap3A_2023], %swap3A_2026 {strides = array<i32>} : memref<16x300x64xf32, #tpu.memory_space<vmem>>, vector<1x300x64xf32>,
    %slice3A_2027 = vector.extract_strided_slice %div3A_12 {offsets = [11, 0, 0], sizes = [1, 300, 92], strides = [1, 1, 1]} : vector<16x300x92xf32> to vector<1x300x92xf32>
    %squeeze3A_2028 = vector.shape_cast %slice3A_2027 : vector<1x300x92xf32> to vector<300x92xf32>
    %get3A_2029 = arith.constant 11 : index
    %get3A_2030 = arith.constant 0 : index
    %get3A_2031 = arith.constant 0 : index
    %get3A_2032 = vector.load %arg3[%get3A_2029, %get3A_2030, %get3A_2031] : memref<16x1x64xi32, #tpu.memory_space<vmem>>, vector<1x1x64xi32>
    %get3A_2033 = vector.shape_cast %get3A_2032 : vector<1x1x64xi32> to vector<1x64xi32>
    %iota3A_2034 = tpu.iota {dimensions = array<i32: 0>} : vector<92x64xi32>
    %eq3A_2035 = vector.broadcast %get3A_2033 : vector<1x64xi32> to vector<92x64xi32>
    %eq3A_2036 = arith.cmpi eq, %eq3A_2035, %iota3A_2034 : vector<92x64xi32>
    %convert_element_type3A_2037 = arith.extui %eq3A_2036 : vector<92x64xi1> to vector<92x64xi32>
    %convert_element_type3A_2038 = arith.sitofp %convert_element_type3A_2037 : vector<92x64xi32> to vector<92x64xf32>
    %dot_general3A_2039 = arith.constant dense<0.000000e+00> : vector<300x64xf32>
    %dot_general3A_2040 = tpu.matmul %squeeze3A_2028, %convert_element_type3A_2038, %dot_general3A_2039 {dimension_numbers = #tpu.dot_dimension_numbers<[1], [0], [0], [1], [0, 0, 1, 1], [], []>, precision = #tpu.contract_precision<fp32>, transpose_lhs_hint = false} : vector<300x92xf32>, vector<92x64xf32>, vector<300x64xf32> -> vector<300x64xf32>
    %get3A_2041 = arith.constant 11 : index
    %get3A_2042 = arith.constant 0 : index
    %get3A_2043 = arith.constant 0 : index
    %get3A_2044 = vector.load %arg0[%get3A_2041, %get3A_2042, %get3A_2043] : memref<16x300x4xf32, #tpu.memory_space<vmem>>, vector<1x300x4xf32>
    %get3A_2045 = vector.shape_cast %get3A_2044 : vector<1x300x4xf32> to vector<300x4xf32>
    %slice3A_2046 = vector.extract_strided_slice %get3A_2045 {offsets = [0, 0], sizes = [300, 1], strides = [1, 1]} : vector<300x4xf32> to vector<300x1xf32>
    %slice3A_2047 = vector.extract_strided_slice %get3A_2045 {offsets = [0, 1], sizes = [300, 1], strides = [1, 1]} : vector<300x4xf32> to vector<300x1xf32>
    %slice3A_2048 = vector.extract_strided_slice %get3A_2045 {offsets = [0, 2], sizes = [300, 1], strides = [1, 1]} : vector<300x4xf32> to vector<300x1xf32>
    %slice3A_2049 = vector.extract_strided_slice %get3A_2045 {offsets = [0, 3], sizes = [300, 1], strides = [1, 1]} : vector<300x4xf32> to vector<300x1xf32>
    %get3A_2050 = arith.constant 11 : index
    %get3A_2051 = arith.constant 0 : index
    %get3A_2052 = arith.constant 0 : index
    %get3A_2053 = vector.load %arg2[%get3A_2050, %get3A_2051, %get3A_2052] : memref<16x4x64xf32, #tpu.memory_space<vmem>>, vector<1x4x64xf32>
    %get3A_2054 = vector.shape_cast %get3A_2053 : vector<1x4x64xf32> to vector<4x64xf32>
    %slice3A_2055 = vector.extract_strided_slice %get3A_2054 {offsets = [0, 0], sizes = [1, 64], strides = [1, 1]} : vector<4x64xf32> to vector<1x64xf32>
    %slice3A_2056 = vector.extract_strided_slice %get3A_2054 {offsets = [1, 0], sizes = [1, 64], strides = [1, 1]} : vector<4x64xf32> to vector<1x64xf32>
    %slice3A_2057 = vector.extract_strided_slice %get3A_2054 {offsets = [2, 0], sizes = [1, 64], strides = [1, 1]} : vector<4x64xf32> to vector<1x64xf32>
    %slice3A_2058 = vector.extract_strided_slice %get3A_2054 {offsets = [3, 0], sizes = [1, 64], strides = [1, 1]} : vector<4x64xf32> to vector<1x64xf32>
    %sub3A_2059 = vector.broadcast %slice3A_2046 : vector<300x1xf32> to vector<300x64xf32>
    %sub3A_2060 = vector.broadcast %slice3A_2055 : vector<1x64xf32> to vector<300x64xf32>
    %sub3A_2061 = arith.subf %sub3A_2059, %sub3A_2060 : vector<300x64xf32>
    %abs3A_2062 = math.absf %sub3A_2061 : vector<300x64xf32>
    %sub3A_2063 = vector.broadcast %slice3A_2047 : vector<300x1xf32> to vector<300x64xf32>
    %sub3A_2064 = vector.broadcast %slice3A_2056 : vector<1x64xf32> to vector<300x64xf32>
    %sub3A_2065 = arith.subf %sub3A_2063, %sub3A_2064 : vector<300x64xf32>
    %abs3A_2066 = math.absf %sub3A_2065 : vector<300x64xf32>
    %add3A_2067 = arith.addf %abs3A_2062, %abs3A_2066 : vector<300x64xf32>
    %sub3A_2068 = vector.broadcast %slice3A_2048 : vector<300x1xf32> to vector<300x64xf32>
    %sub3A_2069 = vector.broadcast %slice3A_2057 : vector<1x64xf32> to vector<300x64xf32>
    %sub3A_2070 = arith.subf %sub3A_2068, %sub3A_2069 : vector<300x64xf32>
    %abs3A_2071 = math.absf %sub3A_2070 : vector<300x64xf32>
    %add3A_2072 = arith.addf %add3A_2067, %abs3A_2071 : vector<300x64xf32>
    %sub3A_2073 = vector.broadcast %slice3A_2049 : vector<300x1xf32> to vector<300x64xf32>
    %sub3A_2074 = vector.broadcast %slice3A_2058 : vector<1x64xf32> to vector<300x64xf32>
    %sub3A_2075 = arith.subf %sub3A_2073, %sub3A_2074 : vector<300x64xf32>
    %abs3A_2076 = math.absf %sub3A_2075 : vector<300x64xf32>
    %add3A_2077 = arith.addf %add3A_2072, %abs3A_2076 : vector<300x64xf32>
    %mul3A_2078 = arith.constant 5.000000e-01 : f32
    %mul3A_2079 = vector.broadcast %mul3A_2078 : f32 to vector<300x1xf32>
    %mul3A_2080 = arith.mulf %mul3A_2079, %slice3A_2048 : vector<300x1xf32>
    %sub3A_2081 = arith.subf %slice3A_2046, %mul3A_2080 : vector<300x1xf32>
    %mul3A_2082 = arith.constant 5.000000e-01 : f32
    %mul3A_2083 = vector.broadcast %mul3A_2082 : f32 to vector<300x1xf32>
    %mul3A_2084 = arith.mulf %mul3A_2083, %slice3A_2049 : vector<300x1xf32>
    %sub3A_2085 = arith.subf %slice3A_2047, %mul3A_2084 : vector<300x1xf32>
    %mul3A_2086 = arith.constant 5.000000e-01 : f32
    %mul3A_2087 = vector.broadcast %mul3A_2086 : f32 to vector<300x1xf32>
    %mul3A_2088 = arith.mulf %mul3A_2087, %slice3A_2048 : vector<300x1xf32>
    %add3A_2089 = arith.addf %slice3A_2046, %mul3A_2088 : vector<300x1xf32>
    %mul3A_2090 = arith.constant 5.000000e-01 : f32
    %mul3A_2091 = vector.broadcast %mul3A_2090 : f32 to vector<300x1xf32>
    %mul3A_2092 = arith.mulf %mul3A_2091, %slice3A_2049 : vector<300x1xf32>
    %add3A_2093 = arith.addf %slice3A_2047, %mul3A_2092 : vector<300x1xf32>
    %mul3A_2094 = arith.constant 5.000000e-01 : f32
    %mul3A_2095 = vector.broadcast %mul3A_2094 : f32 to vector<1x64xf32>
    %mul3A_2096 = arith.mulf %mul3A_2095, %slice3A_2057 : vector<1x64xf32>
    %sub3A_2097 = arith.subf %slice3A_2055, %mul3A_2096 : vector<1x64xf32>
    %mul3A_2098 = arith.constant 5.000000e-01 : f32
    %mul3A_2099 = vector.broadcast %mul3A_2098 : f32 to vector<1x64xf32>
    %mul3A_2100 = arith.mulf %mul3A_2099, %slice3A_2058 : vector<1x64xf32>
    %sub3A_2101 = arith.subf %slice3A_2056, %mul3A_2100 : vector<1x64xf32>
    %mul3A_2102 = arith.constant 5.000000e-01 : f32
    %mul3A_2103 = vector.broadcast %mul3A_2102 : f32 to vector<1x64xf32>
    %mul3A_2104 = arith.mulf %mul3A_2103, %slice3A_2057 : vector<1x64xf32>
    %add3A_2105 = arith.addf %slice3A_2055, %mul3A_2104 : vector<1x64xf32>
    %mul3A_2106 = arith.constant 5.000000e-01 : f32
    %mul3A_2107 = vector.broadcast %mul3A_2106 : f32 to vector<1x64xf32>
    %mul3A_2108 = arith.mulf %mul3A_2107, %slice3A_2058 : vector<1x64xf32>
    %add3A_2109 = arith.addf %slice3A_2056, %mul3A_2108 : vector<1x64xf32>
    %sub3A_2110 = arith.subf %add3A_2089, %sub3A_2081 : vector<300x1xf32>
    %sub3A_2111 = arith.subf %add3A_2093, %sub3A_2085 : vector<300x1xf32>
    %mul3A_2112 = arith.mulf %sub3A_2110, %sub3A_2111 : vector<300x1xf32>
    %sub3A_2113 = arith.subf %add3A_2105, %sub3A_2097 : vector<1x64xf32>
    %sub3A_2114 = arith.subf %add3A_2109, %sub3A_2101 : vector<1x64xf32>
    %mul3A_2115 = arith.mulf %sub3A_2113, %sub3A_2114 : vector<1x64xf32>
    %min3A_2116 = vector.broadcast %add3A_2089 : vector<300x1xf32> to vector<300x64xf32>
    %min3A_2117 = vector.broadcast %add3A_2105 : vector<1x64xf32> to vector<300x64xf32>
    %min3A_2118 = arith.minimumf %min3A_2116, %min3A_2117 : vector<300x64xf32>
    %max3A_2119 = vector.broadcast %sub3A_2081 : vector<300x1xf32> to vector<300x64xf32>
    %max3A_2120 = vector.broadcast %sub3A_2097 : vector<1x64xf32> to vector<300x64xf32>
    %max3A_2121 = arith.maximumf %max3A_2119, %max3A_2120 : vector<300x64xf32>
    %sub3A_2122 = arith.subf %min3A_2118, %max3A_2121 : vector<300x64xf32>
    %jit3A_2123 = arith.constant 0.000000e+00 : f32
    %max3A_2124 = vector.broadcast %jit3A_2123 : f32 to vector<300x64xf32>
    %max3A_2125 = arith.maximumf %max3A_2124, %sub3A_2122 : vector<300x64xf32>
    %min3A_2126 = vector.broadcast %add3A_2093 : vector<300x1xf32> to vector<300x64xf32>
    %min3A_2127 = vector.broadcast %add3A_2109 : vector<1x64xf32> to vector<300x64xf32>
    %min3A_2128 = arith.minimumf %min3A_2126, %min3A_2127 : vector<300x64xf32>
    %max3A_2129 = vector.broadcast %sub3A_2085 : vector<300x1xf32> to vector<300x64xf32>
    %max3A_2130 = vector.broadcast %sub3A_2101 : vector<1x64xf32> to vector<300x64xf32>
    %max3A_2131 = arith.maximumf %max3A_2129, %max3A_2130 : vector<300x64xf32>
    %sub3A_2132 = arith.subf %min3A_2128, %max3A_2131 : vector<300x64xf32>
    %jit3A_2133 = arith.constant 0.000000e+00 : f32
    %max3A_2134 = vector.broadcast %jit3A_2133 : f32 to vector<300x64xf32>
    %max3A_2135 = arith.maximumf %max3A_2134, %sub3A_2132 : vector<300x64xf32>
    %mul3A_2136 = arith.mulf %max3A_2125, %max3A_2135 : vector<300x64xf32>
    %add3A_2137 = vector.broadcast %mul3A_2112 : vector<300x1xf32> to vector<300x64xf32>
    %add3A_2138 = vector.broadcast %mul3A_2115 : vector<1x64xf32> to vector<300x64xf32>
    %add3A_2139 = arith.addf %add3A_2137, %add3A_2138 : vector<300x64xf32>
    %sub3A_2140 = arith.subf %add3A_2139, %mul3A_2136 : vector<300x64xf32>
    %div3A_2141 = arith.divf %mul3A_2136, %sub3A_2140 : vector<300x64xf32>
    %max3A_2142 = vector.broadcast %add3A_2089 : vector<300x1xf32> to vector<300x64xf32>
    %max3A_2143 = vector.broadcast %add3A_2105 : vector<1x64xf32> to vector<300x64xf32>
    %max3A_2144 = arith.maximumf %max3A_2142, %max3A_2143 : vector<300x64xf32>
    %min3A_2145 = vector.broadcast %sub3A_2081 : vector<300x1xf32> to vector<300x64xf32>
    %min3A_2146 = vector.broadcast %sub3A_2097 : vector<1x64xf32> to vector<300x64xf32>
    %min3A_2147 = arith.minimumf %min3A_2145, %min3A_2146 : vector<300x64xf32>
    %sub3A_2148 = arith.subf %max3A_2144, %min3A_2147 : vector<300x64xf32>
    %jit3A_2149 = arith.constant 0.000000e+00 : f32
    %max3A_2150 = vector.broadcast %jit3A_2149 : f32 to vector<300x64xf32>
    %max3A_2151 = arith.maximumf %max3A_2150, %sub3A_2148 : vector<300x64xf32>
    %max3A_2152 = vector.broadcast %add3A_2093 : vector<300x1xf32> to vector<300x64xf32>
    %max3A_2153 = vector.broadcast %add3A_2109 : vector<1x64xf32> to vector<300x64xf32>
    %max3A_2154 = arith.maximumf %max3A_2152, %max3A_2153 : vector<300x64xf32>
    %min3A_2155 = vector.broadcast %sub3A_2085 : vector<300x1xf32> to vector<300x64xf32>
    %min3A_2156 = vector.broadcast %sub3A_2101 : vector<1x64xf32> to vector<300x64xf32>
    %min3A_2157 = arith.minimumf %min3A_2155, %min3A_2156 : vector<300x64xf32>
    %sub3A_2158 = arith.subf %max3A_2154, %min3A_2157 : vector<300x64xf32>
    %jit3A_2159 = arith.constant 0.000000e+00 : f32
    %max3A_2160 = vector.broadcast %jit3A_2159 : f32 to vector<300x64xf32>
    %max3A_2161 = arith.maximumf %max3A_2160, %sub3A_2158 : vector<300x64xf32>
    %mul3A_2162 = arith.mulf %max3A_2151, %max3A_2161 : vector<300x64xf32>
    %sub3A_2163 = arith.subf %mul3A_2162, %sub3A_2140 : vector<300x64xf32>
    %div3A_2164 = arith.divf %sub3A_2163, %mul3A_2162 : vector<300x64xf32>
    %sub3A_2165 = arith.subf %div3A_2141, %div3A_2164 : vector<300x64xf32>
    %mul3A_2166 = arith.constant 5.000000e+00 : f32
    %mul3A_2167 = vector.broadcast %mul3A_2166 : f32 to vector<300x64xf32>
    %mul3A_2168 = arith.mulf %mul3A_2167, %add3A_2077 : vector<300x64xf32>
    %sub3A_2169 = arith.subf %mul3A_2168, %dot_general3A_2040 : vector<300x64xf32>
    %mul3A_2170 = arith.constant 2.000000e+00 : f32
    %mul3A_2171 = vector.broadcast %mul3A_2170 : f32 to vector<300x64xf32>
    %mul3A_2172 = arith.mulf %mul3A_2171, %sub3A_2165 : vector<300x64xf32>
    %sub3A_2173 = arith.subf %sub3A_2169, %mul3A_2172 : vector<300x64xf32>
    %jit3A_2174 = arith.constant 0x7F800000 : f32
    %broadcast_in_dim3A_2175 = vector.broadcast %jit3A_2174 : f32 to vector<300x64xf32>
    %select_n3A_2176 = arith.select %lt3A_14, %sub3A_2173, %broadcast_in_dim3A_2175 : vector<300x64xi1>, vector<300x64xf32>
    %swap3A_2177 = arith.constant 11 : index
    %swap3A_2178 = arith.constant 0 : index
    %swap3A_2179 = arith.constant 0 : index
    %swap3A_2180 = vector.load %arg4[%swap3A_2177, %swap3A_2178, %swap3A_2179] : memref<16x300x64xf32, #tpu.memory_space<vmem>>, vector<1x300x64xf32>
    %swap3A_2181 = vector.shape_cast %swap3A_2180 : vector<1x300x64xf32> to vector<300x64xf32>
    %swap3A_2182 = vector.shape_cast %select_n3A_2176 : vector<300x64xf32> to vector<1x300x64xf32>
    tpu.vector_store %arg4[%swap3A_2177, %swap3A_2178, %swap3A_2179], %swap3A_2182 {strides = array<i32>} : memref<16x300x64xf32, #tpu.memory_space<vmem>>, vector<1x300x64xf32>,
    %jit3A_2183 = arith.constant 0.000000e+00 : f32
    %broadcast_in_dim3A_2184 = vector.broadcast %jit3A_2183 : f32 to vector<300x64xf32>
    %select_n3A_2185 = arith.select %lt3A_14, %add3A_2077, %broadcast_in_dim3A_2184 : vector<300x64xi1>, vector<300x64xf32>
    %swap3A_2186 = arith.constant 11 : index
    %swap3A_2187 = arith.constant 0 : index
    %swap3A_2188 = arith.constant 0 : index
    %swap3A_2189 = vector.load %arg5[%swap3A_2186, %swap3A_2187, %swap3A_2188] : memref<16x300x64xf32, #tpu.memory_space<vmem>>, vector<1x300x64xf32>
    %swap3A_2190 = vector.shape_cast %swap3A_2189 : vector<1x300x64xf32> to vector<300x64xf32>
    %swap3A_2191 = vector.shape_cast %select_n3A_2185 : vector<300x64xf32> to vector<1x300x64xf32>
    tpu.vector_store %arg5[%swap3A_2186, %swap3A_2187, %swap3A_2188], %swap3A_2191 {strides = array<i32>} : memref<16x300x64xf32, #tpu.memory_space<vmem>>, vector<1x300x64xf32>,
    %jit3A_2192 = arith.constant 0.000000e+00 : f32
    %broadcast_in_dim3A_2193 = vector.broadcast %jit3A_2192 : f32 to vector<300x64xf32>
    %select_n3A_2194 = arith.select %lt3A_14, %sub3A_2165, %broadcast_in_dim3A_2193 : vector<300x64xi1>, vector<300x64xf32>
    %swap3A_2195 = arith.constant 11 : index
    %swap3A_2196 = arith.constant 0 : index
    %swap3A_2197 = arith.constant 0 : index
    %swap3A_2198 = vector.load %arg6[%swap3A_2195, %swap3A_2196, %swap3A_2197] : memref<16x300x64xf32, #tpu.memory_space<vmem>>, vector<1x300x64xf32>
    %swap3A_2199 = vector.shape_cast %swap3A_2198 : vector<1x300x64xf32> to vector<300x64xf32>
    %swap3A_2200 = vector.shape_cast %select_n3A_2194 : vector<300x64xf32> to vector<1x300x64xf32>
    tpu.vector_store %arg6[%swap3A_2195, %swap3A_2196, %swap3A_2197], %swap3A_2200 {strides = array<i32>} : memref<16x300x64xf32, #tpu.memory_space<vmem>>, vector<1x300x64xf32>,
    %slice3A_2201 = vector.extract_strided_slice %broadcast_in_dim3A {offsets = [11, 0, 0], sizes = [1, 300, 1], strides = [1, 1, 1]} : vector<16x300x1xf32> to vector<1x300x1xf32>
    %squeeze3A_2202 = vector.shape_cast %slice3A_2201 : vector<1x300x1xf32> to vector<300x1xf32>
    %broadcast_in_dim3A_2203 = vector.shape_cast %squeeze3A_2202 : vector<300x1xf32> to vector<300x1xf32>
    %broadcast_in_dim3A_2204 = vector.broadcast %broadcast_in_dim3A_2203 : vector<300x1xf32> to vector<300x64xf32>
    %swap3A_2205 = arith.constant 11 : index
    %swap3A_2206 = arith.constant 0 : index
    %swap3A_2207 = arith.constant 0 : index
    %swap3A_2208 = vector.load %arg7[%swap3A_2205, %swap3A_2206, %swap3A_2207] : memref<16x300x64xf32, #tpu.memory_space<vmem>>, vector<1x300x64xf32>
    %swap3A_2209 = vector.shape_cast %swap3A_2208 : vector<1x300x64xf32> to vector<300x64xf32>
    %swap3A_2210 = vector.shape_cast %broadcast_in_dim3A_2204 : vector<300x64xf32> to vector<1x300x64xf32>
    tpu.vector_store %arg7[%swap3A_2205, %swap3A_2206, %swap3A_2207], %swap3A_2210 {strides = array<i32>} : memref<16x300x64xf32, #tpu.memory_space<vmem>>, vector<1x300x64xf32>,
    %slice3A_2211 = vector.extract_strided_slice %div3A_12 {offsets = [12, 0, 0], sizes = [1, 300, 92], strides = [1, 1, 1]} : vector<16x300x92xf32> to vector<1x300x92xf32>
    %squeeze3A_2212 = vector.shape_cast %slice3A_2211 : vector<1x300x92xf32> to vector<300x92xf32>
    %get3A_2213 = arith.constant 12 : index
    %get3A_2214 = arith.constant 0 : index
    %get3A_2215 = arith.constant 0 : index
    %get3A_2216 = vector.load %arg3[%get3A_2213, %get3A_2214, %get3A_2215] : memref<16x1x64xi32, #tpu.memory_space<vmem>>, vector<1x1x64xi32>
    %get3A_2217 = vector.shape_cast %get3A_2216 : vector<1x1x64xi32> to vector<1x64xi32>
    %iota3A_2218 = tpu.iota {dimensions = array<i32: 0>} : vector<92x64xi32>
    %eq3A_2219 = vector.broadcast %get3A_2217 : vector<1x64xi32> to vector<92x64xi32>
    %eq3A_2220 = arith.cmpi eq, %eq3A_2219, %iota3A_2218 : vector<92x64xi32>
    %convert_element_type3A_2221 = arith.extui %eq3A_2220 : vector<92x64xi1> to vector<92x64xi32>
    %convert_element_type3A_2222 = arith.sitofp %convert_element_type3A_2221 : vector<92x64xi32> to vector<92x64xf32>
    %dot_general3A_2223 = arith.constant dense<0.000000e+00> : vector<300x64xf32>
    %dot_general3A_2224 = tpu.matmul %squeeze3A_2212, %convert_element_type3A_2222, %dot_general3A_2223 {dimension_numbers = #tpu.dot_dimension_numbers<[1], [0], [0], [1], [0, 0, 1, 1], [], []>, precision = #tpu.contract_precision<fp32>, transpose_lhs_hint = false} : vector<300x92xf32>, vector<92x64xf32>, vector<300x64xf32> -> vector<300x64xf32>
    %get3A_2225 = arith.constant 12 : index
    %get3A_2226 = arith.constant 0 : index
    %get3A_2227 = arith.constant 0 : index
    %get3A_2228 = vector.load %arg0[%get3A_2225, %get3A_2226, %get3A_2227] : memref<16x300x4xf32, #tpu.memory_space<vmem>>, vector<1x300x4xf32>
    %get3A_2229 = vector.shape_cast %get3A_2228 : vector<1x300x4xf32> to vector<300x4xf32>
    %slice3A_2230 = vector.extract_strided_slice %get3A_2229 {offsets = [0, 0], sizes = [300, 1], strides = [1, 1]} : vector<300x4xf32> to vector<300x1xf32>
    %slice3A_2231 = vector.extract_strided_slice %get3A_2229 {offsets = [0, 1], sizes = [300, 1], strides = [1, 1]} : vector<300x4xf32> to vector<300x1xf32>
    %slice3A_2232 = vector.extract_strided_slice %get3A_2229 {offsets = [0, 2], sizes = [300, 1], strides = [1, 1]} : vector<300x4xf32> to vector<300x1xf32>
    %slice3A_2233 = vector.extract_strided_slice %get3A_2229 {offsets = [0, 3], sizes = [300, 1], strides = [1, 1]} : vector<300x4xf32> to vector<300x1xf32>
    %get3A_2234 = arith.constant 12 : index
    %get3A_2235 = arith.constant 0 : index
    %get3A_2236 = arith.constant 0 : index
    %get3A_2237 = vector.load %arg2[%get3A_2234, %get3A_2235, %get3A_2236] : memref<16x4x64xf32, #tpu.memory_space<vmem>>, vector<1x4x64xf32>
    %get3A_2238 = vector.shape_cast %get3A_2237 : vector<1x4x64xf32> to vector<4x64xf32>
    %slice3A_2239 = vector.extract_strided_slice %get3A_2238 {offsets = [0, 0], sizes = [1, 64], strides = [1, 1]} : vector<4x64xf32> to vector<1x64xf32>
    %slice3A_2240 = vector.extract_strided_slice %get3A_2238 {offsets = [1, 0], sizes = [1, 64], strides = [1, 1]} : vector<4x64xf32> to vector<1x64xf32>
    %slice3A_2241 = vector.extract_strided_slice %get3A_2238 {offsets = [2, 0], sizes = [1, 64], strides = [1, 1]} : vector<4x64xf32> to vector<1x64xf32>
    %slice3A_2242 = vector.extract_strided_slice %get3A_2238 {offsets = [3, 0], sizes = [1, 64], strides = [1, 1]} : vector<4x64xf32> to vector<1x64xf32>
    %sub3A_2243 = vector.broadcast %slice3A_2230 : vector<300x1xf32> to vector<300x64xf32>
    %sub3A_2244 = vector.broadcast %slice3A_2239 : vector<1x64xf32> to vector<300x64xf32>
    %sub3A_2245 = arith.subf %sub3A_2243, %sub3A_2244 : vector<300x64xf32>
    %abs3A_2246 = math.absf %sub3A_2245 : vector<300x64xf32>
    %sub3A_2247 = vector.broadcast %slice3A_2231 : vector<300x1xf32> to vector<300x64xf32>
    %sub3A_2248 = vector.broadcast %slice3A_2240 : vector<1x64xf32> to vector<300x64xf32>
    %sub3A_2249 = arith.subf %sub3A_2247, %sub3A_2248 : vector<300x64xf32>
    %abs3A_2250 = math.absf %sub3A_2249 : vector<300x64xf32>
    %add3A_2251 = arith.addf %abs3A_2246, %abs3A_2250 : vector<300x64xf32>
    %sub3A_2252 = vector.broadcast %slice3A_2232 : vector<300x1xf32> to vector<300x64xf32>
    %sub3A_2253 = vector.broadcast %slice3A_2241 : vector<1x64xf32> to vector<300x64xf32>
    %sub3A_2254 = arith.subf %sub3A_2252, %sub3A_2253 : vector<300x64xf32>
    %abs3A_2255 = math.absf %sub3A_2254 : vector<300x64xf32>
    %add3A_2256 = arith.addf %add3A_2251, %abs3A_2255 : vector<300x64xf32>
    %sub3A_2257 = vector.broadcast %slice3A_2233 : vector<300x1xf32> to vector<300x64xf32>
    %sub3A_2258 = vector.broadcast %slice3A_2242 : vector<1x64xf32> to vector<300x64xf32>
    %sub3A_2259 = arith.subf %sub3A_2257, %sub3A_2258 : vector<300x64xf32>
    %abs3A_2260 = math.absf %sub3A_2259 : vector<300x64xf32>
    %add3A_2261 = arith.addf %add3A_2256, %abs3A_2260 : vector<300x64xf32>
    %mul3A_2262 = arith.constant 5.000000e-01 : f32
    %mul3A_2263 = vector.broadcast %mul3A_2262 : f32 to vector<300x1xf32>
    %mul3A_2264 = arith.mulf %mul3A_2263, %slice3A_2232 : vector<300x1xf32>
    %sub3A_2265 = arith.subf %slice3A_2230, %mul3A_2264 : vector<300x1xf32>
    %mul3A_2266 = arith.constant 5.000000e-01 : f32
    %mul3A_2267 = vector.broadcast %mul3A_2266 : f32 to vector<300x1xf32>
    %mul3A_2268 = arith.mulf %mul3A_2267, %slice3A_2233 : vector<300x1xf32>
    %sub3A_2269 = arith.subf %slice3A_2231, %mul3A_2268 : vector<300x1xf32>
    %mul3A_2270 = arith.constant 5.000000e-01 : f32
    %mul3A_2271 = vector.broadcast %mul3A_2270 : f32 to vector<300x1xf32>
    %mul3A_2272 = arith.mulf %mul3A_2271, %slice3A_2232 : vector<300x1xf32>
    %add3A_2273 = arith.addf %slice3A_2230, %mul3A_2272 : vector<300x1xf32>
    %mul3A_2274 = arith.constant 5.000000e-01 : f32
    %mul3A_2275 = vector.broadcast %mul3A_2274 : f32 to vector<300x1xf32>
    %mul3A_2276 = arith.mulf %mul3A_2275, %slice3A_2233 : vector<300x1xf32>
    %add3A_2277 = arith.addf %slice3A_2231, %mul3A_2276 : vector<300x1xf32>
    %mul3A_2278 = arith.constant 5.000000e-01 : f32
    %mul3A_2279 = vector.broadcast %mul3A_2278 : f32 to vector<1x64xf32>
    %mul3A_2280 = arith.mulf %mul3A_2279, %slice3A_2241 : vector<1x64xf32>
    %sub3A_2281 = arith.subf %slice3A_2239, %mul3A_2280 : vector<1x64xf32>
    %mul3A_2282 = arith.constant 5.000000e-01 : f32
    %mul3A_2283 = vector.broadcast %mul3A_2282 : f32 to vector<1x64xf32>
    %mul3A_2284 = arith.mulf %mul3A_2283, %slice3A_2242 : vector<1x64xf32>
    %sub3A_2285 = arith.subf %slice3A_2240, %mul3A_2284 : vector<1x64xf32>
    %mul3A_2286 = arith.constant 5.000000e-01 : f32
    %mul3A_2287 = vector.broadcast %mul3A_2286 : f32 to vector<1x64xf32>
    %mul3A_2288 = arith.mulf %mul3A_2287, %slice3A_2241 : vector<1x64xf32>
    %add3A_2289 = arith.addf %slice3A_2239, %mul3A_2288 : vector<1x64xf32>
    %mul3A_2290 = arith.constant 5.000000e-01 : f32
    %mul3A_2291 = vector.broadcast %mul3A_2290 : f32 to vector<1x64xf32>
    %mul3A_2292 = arith.mulf %mul3A_2291, %slice3A_2242 : vector<1x64xf32>
    %add3A_2293 = arith.addf %slice3A_2240, %mul3A_2292 : vector<1x64xf32>
    %sub3A_2294 = arith.subf %add3A_2273, %sub3A_2265 : vector<300x1xf32>
    %sub3A_2295 = arith.subf %add3A_2277, %sub3A_2269 : vector<300x1xf32>
    %mul3A_2296 = arith.mulf %sub3A_2294, %sub3A_2295 : vector<300x1xf32>
    %sub3A_2297 = arith.subf %add3A_2289, %sub3A_2281 : vector<1x64xf32>
    %sub3A_2298 = arith.subf %add3A_2293, %sub3A_2285 : vector<1x64xf32>
    %mul3A_2299 = arith.mulf %sub3A_2297, %sub3A_2298 : vector<1x64xf32>
    %min3A_2300 = vector.broadcast %add3A_2273 : vector<300x1xf32> to vector<300x64xf32>
    %min3A_2301 = vector.broadcast %add3A_2289 : vector<1x64xf32> to vector<300x64xf32>
    %min3A_2302 = arith.minimumf %min3A_2300, %min3A_2301 : vector<300x64xf32>
    %max3A_2303 = vector.broadcast %sub3A_2265 : vector<300x1xf32> to vector<300x64xf32>
    %max3A_2304 = vector.broadcast %sub3A_2281 : vector<1x64xf32> to vector<300x64xf32>
    %max3A_2305 = arith.maximumf %max3A_2303, %max3A_2304 : vector<300x64xf32>
    %sub3A_2306 = arith.subf %min3A_2302, %max3A_2305 : vector<300x64xf32>
    %jit3A_2307 = arith.constant 0.000000e+00 : f32
    %max3A_2308 = vector.broadcast %jit3A_2307 : f32 to vector<300x64xf32>
    %max3A_2309 = arith.maximumf %max3A_2308, %sub3A_2306 : vector<300x64xf32>
    %min3A_2310 = vector.broadcast %add3A_2277 : vector<300x1xf32> to vector<300x64xf32>
    %min3A_2311 = vector.broadcast %add3A_2293 : vector<1x64xf32> to vector<300x64xf32>
    %min3A_2312 = arith.minimumf %min3A_2310, %min3A_2311 : vector<300x64xf32>
    %max3A_2313 = vector.broadcast %sub3A_2269 : vector<300x1xf32> to vector<300x64xf32>
    %max3A_2314 = vector.broadcast %sub3A_2285 : vector<1x64xf32> to vector<300x64xf32>
    %max3A_2315 = arith.maximumf %max3A_2313, %max3A_2314 : vector<300x64xf32>
    %sub3A_2316 = arith.subf %min3A_2312, %max3A_2315 : vector<300x64xf32>
    %jit3A_2317 = arith.constant 0.000000e+00 : f32
    %max3A_2318 = vector.broadcast %jit3A_2317 : f32 to vector<300x64xf32>
    %max3A_2319 = arith.maximumf %max3A_2318, %sub3A_2316 : vector<300x64xf32>
    %mul3A_2320 = arith.mulf %max3A_2309, %max3A_2319 : vector<300x64xf32>
    %add3A_2321 = vector.broadcast %mul3A_2296 : vector<300x1xf32> to vector<300x64xf32>
    %add3A_2322 = vector.broadcast %mul3A_2299 : vector<1x64xf32> to vector<300x64xf32>
    %add3A_2323 = arith.addf %add3A_2321, %add3A_2322 : vector<300x64xf32>
    %sub3A_2324 = arith.subf %add3A_2323, %mul3A_2320 : vector<300x64xf32>
    %div3A_2325 = arith.divf %mul3A_2320, %sub3A_2324 : vector<300x64xf32>
    %max3A_2326 = vector.broadcast %add3A_2273 : vector<300x1xf32> to vector<300x64xf32>
    %max3A_2327 = vector.broadcast %add3A_2289 : vector<1x64xf32> to vector<300x64xf32>
    %max3A_2328 = arith.maximumf %max3A_2326, %max3A_2327 : vector<300x64xf32>
    %min3A_2329 = vector.broadcast %sub3A_2265 : vector<300x1xf32> to vector<300x64xf32>
    %min3A_2330 = vector.broadcast %sub3A_2281 : vector<1x64xf32> to vector<300x64xf32>
    %min3A_2331 = arith.minimumf %min3A_2329, %min3A_2330 : vector<300x64xf32>
    %sub3A_2332 = arith.subf %max3A_2328, %min3A_2331 : vector<300x64xf32>
    %jit3A_2333 = arith.constant 0.000000e+00 : f32
    %max3A_2334 = vector.broadcast %jit3A_2333 : f32 to vector<300x64xf32>
    %max3A_2335 = arith.maximumf %max3A_2334, %sub3A_2332 : vector<300x64xf32>
    %max3A_2336 = vector.broadcast %add3A_2277 : vector<300x1xf32> to vector<300x64xf32>
    %max3A_2337 = vector.broadcast %add3A_2293 : vector<1x64xf32> to vector<300x64xf32>
    %max3A_2338 = arith.maximumf %max3A_2336, %max3A_2337 : vector<300x64xf32>
    %min3A_2339 = vector.broadcast %sub3A_2269 : vector<300x1xf32> to vector<300x64xf32>
    %min3A_2340 = vector.broadcast %sub3A_2285 : vector<1x64xf32> to vector<300x64xf32>
    %min3A_2341 = arith.minimumf %min3A_2339, %min3A_2340 : vector<300x64xf32>
    %sub3A_2342 = arith.subf %max3A_2338, %min3A_2341 : vector<300x64xf32>
    %jit3A_2343 = arith.constant 0.000000e+00 : f32
    %max3A_2344 = vector.broadcast %jit3A_2343 : f32 to vector<300x64xf32>
    %max3A_2345 = arith.maximumf %max3A_2344, %sub3A_2342 : vector<300x64xf32>
    %mul3A_2346 = arith.mulf %max3A_2335, %max3A_2345 : vector<300x64xf32>
    %sub3A_2347 = arith.subf %mul3A_2346, %sub3A_2324 : vector<300x64xf32>
    %div3A_2348 = arith.divf %sub3A_2347, %mul3A_2346 : vector<300x64xf32>
    %sub3A_2349 = arith.subf %div3A_2325, %div3A_2348 : vector<300x64xf32>
    %mul3A_2350 = arith.constant 5.000000e+00 : f32
    %mul3A_2351 = vector.broadcast %mul3A_2350 : f32 to vector<300x64xf32>
    %mul3A_2352 = arith.mulf %mul3A_2351, %add3A_2261 : vector<300x64xf32>
    %sub3A_2353 = arith.subf %mul3A_2352, %dot_general3A_2224 : vector<300x64xf32>
    %mul3A_2354 = arith.constant 2.000000e+00 : f32
    %mul3A_2355 = vector.broadcast %mul3A_2354 : f32 to vector<300x64xf32>
    %mul3A_2356 = arith.mulf %mul3A_2355, %sub3A_2349 : vector<300x64xf32>
    %sub3A_2357 = arith.subf %sub3A_2353, %mul3A_2356 : vector<300x64xf32>
    %jit3A_2358 = arith.constant 0x7F800000 : f32
    %broadcast_in_dim3A_2359 = vector.broadcast %jit3A_2358 : f32 to vector<300x64xf32>
    %select_n3A_2360 = arith.select %lt3A_14, %sub3A_2357, %broadcast_in_dim3A_2359 : vector<300x64xi1>, vector<300x64xf32>
    %swap3A_2361 = arith.constant 12 : index
    %swap3A_2362 = arith.constant 0 : index
    %swap3A_2363 = arith.constant 0 : index
    %swap3A_2364 = vector.load %arg4[%swap3A_2361, %swap3A_2362, %swap3A_2363] : memref<16x300x64xf32, #tpu.memory_space<vmem>>, vector<1x300x64xf32>
    %swap3A_2365 = vector.shape_cast %swap3A_2364 : vector<1x300x64xf32> to vector<300x64xf32>
    %swap3A_2366 = vector.shape_cast %select_n3A_2360 : vector<300x64xf32> to vector<1x300x64xf32>
    tpu.vector_store %arg4[%swap3A_2361, %swap3A_2362, %swap3A_2363], %swap3A_2366 {strides = array<i32>} : memref<16x300x64xf32, #tpu.memory_space<vmem>>, vector<1x300x64xf32>,
    %jit3A_2367 = arith.constant 0.000000e+00 : f32
    %broadcast_in_dim3A_2368 = vector.broadcast %jit3A_2367 : f32 to vector<300x64xf32>
    %select_n3A_2369 = arith.select %lt3A_14, %add3A_2261, %broadcast_in_dim3A_2368 : vector<300x64xi1>, vector<300x64xf32>
    %swap3A_2370 = arith.constant 12 : index
    %swap3A_2371 = arith.constant 0 : index
    %swap3A_2372 = arith.constant 0 : index
    %swap3A_2373 = vector.load %arg5[%swap3A_2370, %swap3A_2371, %swap3A_2372] : memref<16x300x64xf32, #tpu.memory_space<vmem>>, vector<1x300x64xf32>
    %swap3A_2374 = vector.shape_cast %swap3A_2373 : vector<1x300x64xf32> to vector<300x64xf32>
    %swap3A_2375 = vector.shape_cast %select_n3A_2369 : vector<300x64xf32> to vector<1x300x64xf32>
    tpu.vector_store %arg5[%swap3A_2370, %swap3A_2371, %swap3A_2372], %swap3A_2375 {strides = array<i32>} : memref<16x300x64xf32, #tpu.memory_space<vmem>>, vector<1x300x64xf32>,
    %jit3A_2376 = arith.constant 0.000000e+00 : f32
    %broadcast_in_dim3A_2377 = vector.broadcast %jit3A_2376 : f32 to vector<300x64xf32>
    %select_n3A_2378 = arith.select %lt3A_14, %sub3A_2349, %broadcast_in_dim3A_2377 : vector<300x64xi1>, vector<300x64xf32>
    %swap3A_2379 = arith.constant 12 : index
    %swap3A_2380 = arith.constant 0 : index
    %swap3A_2381 = arith.constant 0 : index
    %swap3A_2382 = vector.load %arg6[%swap3A_2379, %swap3A_2380, %swap3A_2381] : memref<16x300x64xf32, #tpu.memory_space<vmem>>, vector<1x300x64xf32>
    %swap3A_2383 = vector.shape_cast %swap3A_2382 : vector<1x300x64xf32> to vector<300x64xf32>
    %swap3A_2384 = vector.shape_cast %select_n3A_2378 : vector<300x64xf32> to vector<1x300x64xf32>
    tpu.vector_store %arg6[%swap3A_2379, %swap3A_2380, %swap3A_2381], %swap3A_2384 {strides = array<i32>} : memref<16x300x64xf32, #tpu.memory_space<vmem>>, vector<1x300x64xf32>,
    %slice3A_2385 = vector.extract_strided_slice %broadcast_in_dim3A {offsets = [12, 0, 0], sizes = [1, 300, 1], strides = [1, 1, 1]} : vector<16x300x1xf32> to vector<1x300x1xf32>
    %squeeze3A_2386 = vector.shape_cast %slice3A_2385 : vector<1x300x1xf32> to vector<300x1xf32>
    %broadcast_in_dim3A_2387 = vector.shape_cast %squeeze3A_2386 : vector<300x1xf32> to vector<300x1xf32>
    %broadcast_in_dim3A_2388 = vector.broadcast %broadcast_in_dim3A_2387 : vector<300x1xf32> to vector<300x64xf32>
    %swap3A_2389 = arith.constant 12 : index
    %swap3A_2390 = arith.constant 0 : index
    %swap3A_2391 = arith.constant 0 : index
    %swap3A_2392 = vector.load %arg7[%swap3A_2389, %swap3A_2390, %swap3A_2391] : memref<16x300x64xf32, #tpu.memory_space<vmem>>, vector<1x300x64xf32>
    %swap3A_2393 = vector.shape_cast %swap3A_2392 : vector<1x300x64xf32> to vector<300x64xf32>
    %swap3A_2394 = vector.shape_cast %broadcast_in_dim3A_2388 : vector<300x64xf32> to vector<1x300x64xf32>
    tpu.vector_store %arg7[%swap3A_2389, %swap3A_2390, %swap3A_2391], %swap3A_2394 {strides = array<i32>} : memref<16x300x64xf32, #tpu.memory_space<vmem>>, vector<1x300x64xf32>,
    %slice3A_2395 = vector.extract_strided_slice %div3A_12 {offsets = [13, 0, 0], sizes = [1, 300, 92], strides = [1, 1, 1]} : vector<16x300x92xf32> to vector<1x300x92xf32>
    %squeeze3A_2396 = vector.shape_cast %slice3A_2395 : vector<1x300x92xf32> to vector<300x92xf32>
    %get3A_2397 = arith.constant 13 : index
    %get3A_2398 = arith.constant 0 : index
    %get3A_2399 = arith.constant 0 : index
    %get3A_2400 = vector.load %arg3[%get3A_2397, %get3A_2398, %get3A_2399] : memref<16x1x64xi32, #tpu.memory_space<vmem>>, vector<1x1x64xi32>
    %get3A_2401 = vector.shape_cast %get3A_2400 : vector<1x1x64xi32> to vector<1x64xi32>
    %iota3A_2402 = tpu.iota {dimensions = array<i32: 0>} : vector<92x64xi32>
    %eq3A_2403 = vector.broadcast %get3A_2401 : vector<1x64xi32> to vector<92x64xi32>
    %eq3A_2404 = arith.cmpi eq, %eq3A_2403, %iota3A_2402 : vector<92x64xi32>
    %convert_element_type3A_2405 = arith.extui %eq3A_2404 : vector<92x64xi1> to vector<92x64xi32>
    %convert_element_type3A_2406 = arith.sitofp %convert_element_type3A_2405 : vector<92x64xi32> to vector<92x64xf32>
    %dot_general3A_2407 = arith.constant dense<0.000000e+00> : vector<300x64xf32>
    %dot_general3A_2408 = tpu.matmul %squeeze3A_2396, %convert_element_type3A_2406, %dot_general3A_2407 {dimension_numbers = #tpu.dot_dimension_numbers<[1], [0], [0], [1], [0, 0, 1, 1], [], []>, precision = #tpu.contract_precision<fp32>, transpose_lhs_hint = false} : vector<300x92xf32>, vector<92x64xf32>, vector<300x64xf32> -> vector<300x64xf32>
    %get3A_2409 = arith.constant 13 : index
    %get3A_2410 = arith.constant 0 : index
    %get3A_2411 = arith.constant 0 : index
    %get3A_2412 = vector.load %arg0[%get3A_2409, %get3A_2410, %get3A_2411] : memref<16x300x4xf32, #tpu.memory_space<vmem>>, vector<1x300x4xf32>
    %get3A_2413 = vector.shape_cast %get3A_2412 : vector<1x300x4xf32> to vector<300x4xf32>
    %slice3A_2414 = vector.extract_strided_slice %get3A_2413 {offsets = [0, 0], sizes = [300, 1], strides = [1, 1]} : vector<300x4xf32> to vector<300x1xf32>
    %slice3A_2415 = vector.extract_strided_slice %get3A_2413 {offsets = [0, 1], sizes = [300, 1], strides = [1, 1]} : vector<300x4xf32> to vector<300x1xf32>
    %slice3A_2416 = vector.extract_strided_slice %get3A_2413 {offsets = [0, 2], sizes = [300, 1], strides = [1, 1]} : vector<300x4xf32> to vector<300x1xf32>
    %slice3A_2417 = vector.extract_strided_slice %get3A_2413 {offsets = [0, 3], sizes = [300, 1], strides = [1, 1]} : vector<300x4xf32> to vector<300x1xf32>
    %get3A_2418 = arith.constant 13 : index
    %get3A_2419 = arith.constant 0 : index
    %get3A_2420 = arith.constant 0 : index
    %get3A_2421 = vector.load %arg2[%get3A_2418, %get3A_2419, %get3A_2420] : memref<16x4x64xf32, #tpu.memory_space<vmem>>, vector<1x4x64xf32>
    %get3A_2422 = vector.shape_cast %get3A_2421 : vector<1x4x64xf32> to vector<4x64xf32>
    %slice3A_2423 = vector.extract_strided_slice %get3A_2422 {offsets = [0, 0], sizes = [1, 64], strides = [1, 1]} : vector<4x64xf32> to vector<1x64xf32>
    %slice3A_2424 = vector.extract_strided_slice %get3A_2422 {offsets = [1, 0], sizes = [1, 64], strides = [1, 1]} : vector<4x64xf32> to vector<1x64xf32>
    %slice3A_2425 = vector.extract_strided_slice %get3A_2422 {offsets = [2, 0], sizes = [1, 64], strides = [1, 1]} : vector<4x64xf32> to vector<1x64xf32>
    %slice3A_2426 = vector.extract_strided_slice %get3A_2422 {offsets = [3, 0], sizes = [1, 64], strides = [1, 1]} : vector<4x64xf32> to vector<1x64xf32>
    %sub3A_2427 = vector.broadcast %slice3A_2414 : vector<300x1xf32> to vector<300x64xf32>
    %sub3A_2428 = vector.broadcast %slice3A_2423 : vector<1x64xf32> to vector<300x64xf32>
    %sub3A_2429 = arith.subf %sub3A_2427, %sub3A_2428 : vector<300x64xf32>
    %abs3A_2430 = math.absf %sub3A_2429 : vector<300x64xf32>
    %sub3A_2431 = vector.broadcast %slice3A_2415 : vector<300x1xf32> to vector<300x64xf32>
    %sub3A_2432 = vector.broadcast %slice3A_2424 : vector<1x64xf32> to vector<300x64xf32>
    %sub3A_2433 = arith.subf %sub3A_2431, %sub3A_2432 : vector<300x64xf32>
    %abs3A_2434 = math.absf %sub3A_2433 : vector<300x64xf32>
    %add3A_2435 = arith.addf %abs3A_2430, %abs3A_2434 : vector<300x64xf32>
    %sub3A_2436 = vector.broadcast %slice3A_2416 : vector<300x1xf32> to vector<300x64xf32>
    %sub3A_2437 = vector.broadcast %slice3A_2425 : vector<1x64xf32> to vector<300x64xf32>
    %sub3A_2438 = arith.subf %sub3A_2436, %sub3A_2437 : vector<300x64xf32>
    %abs3A_2439 = math.absf %sub3A_2438 : vector<300x64xf32>
    %add3A_2440 = arith.addf %add3A_2435, %abs3A_2439 : vector<300x64xf32>
    %sub3A_2441 = vector.broadcast %slice3A_2417 : vector<300x1xf32> to vector<300x64xf32>
    %sub3A_2442 = vector.broadcast %slice3A_2426 : vector<1x64xf32> to vector<300x64xf32>
    %sub3A_2443 = arith.subf %sub3A_2441, %sub3A_2442 : vector<300x64xf32>
    %abs3A_2444 = math.absf %sub3A_2443 : vector<300x64xf32>
    %add3A_2445 = arith.addf %add3A_2440, %abs3A_2444 : vector<300x64xf32>
    %mul3A_2446 = arith.constant 5.000000e-01 : f32
    %mul3A_2447 = vector.broadcast %mul3A_2446 : f32 to vector<300x1xf32>
    %mul3A_2448 = arith.mulf %mul3A_2447, %slice3A_2416 : vector<300x1xf32>
    %sub3A_2449 = arith.subf %slice3A_2414, %mul3A_2448 : vector<300x1xf32>
    %mul3A_2450 = arith.constant 5.000000e-01 : f32
    %mul3A_2451 = vector.broadcast %mul3A_2450 : f32 to vector<300x1xf32>
    %mul3A_2452 = arith.mulf %mul3A_2451, %slice3A_2417 : vector<300x1xf32>
    %sub3A_2453 = arith.subf %slice3A_2415, %mul3A_2452 : vector<300x1xf32>
    %mul3A_2454 = arith.constant 5.000000e-01 : f32
    %mul3A_2455 = vector.broadcast %mul3A_2454 : f32 to vector<300x1xf32>
    %mul3A_2456 = arith.mulf %mul3A_2455, %slice3A_2416 : vector<300x1xf32>
    %add3A_2457 = arith.addf %slice3A_2414, %mul3A_2456 : vector<300x1xf32>
    %mul3A_2458 = arith.constant 5.000000e-01 : f32
    %mul3A_2459 = vector.broadcast %mul3A_2458 : f32 to vector<300x1xf32>
    %mul3A_2460 = arith.mulf %mul3A_2459, %slice3A_2417 : vector<300x1xf32>
    %add3A_2461 = arith.addf %slice3A_2415, %mul3A_2460 : vector<300x1xf32>
    %mul3A_2462 = arith.constant 5.000000e-01 : f32
    %mul3A_2463 = vector.broadcast %mul3A_2462 : f32 to vector<1x64xf32>
    %mul3A_2464 = arith.mulf %mul3A_2463, %slice3A_2425 : vector<1x64xf32>
    %sub3A_2465 = arith.subf %slice3A_2423, %mul3A_2464 : vector<1x64xf32>
    %mul3A_2466 = arith.constant 5.000000e-01 : f32
    %mul3A_2467 = vector.broadcast %mul3A_2466 : f32 to vector<1x64xf32>
    %mul3A_2468 = arith.mulf %mul3A_2467, %slice3A_2426 : vector<1x64xf32>
    %sub3A_2469 = arith.subf %slice3A_2424, %mul3A_2468 : vector<1x64xf32>
    %mul3A_2470 = arith.constant 5.000000e-01 : f32
    %mul3A_2471 = vector.broadcast %mul3A_2470 : f32 to vector<1x64xf32>
    %mul3A_2472 = arith.mulf %mul3A_2471, %slice3A_2425 : vector<1x64xf32>
    %add3A_2473 = arith.addf %slice3A_2423, %mul3A_2472 : vector<1x64xf32>
    %mul3A_2474 = arith.constant 5.000000e-01 : f32
    %mul3A_2475 = vector.broadcast %mul3A_2474 : f32 to vector<1x64xf32>
    %mul3A_2476 = arith.mulf %mul3A_2475, %slice3A_2426 : vector<1x64xf32>
    %add3A_2477 = arith.addf %slice3A_2424, %mul3A_2476 : vector<1x64xf32>
    %sub3A_2478 = arith.subf %add3A_2457, %sub3A_2449 : vector<300x1xf32>
    %sub3A_2479 = arith.subf %add3A_2461, %sub3A_2453 : vector<300x1xf32>
    %mul3A_2480 = arith.mulf %sub3A_2478, %sub3A_2479 : vector<300x1xf32>
    %sub3A_2481 = arith.subf %add3A_2473, %sub3A_2465 : vector<1x64xf32>
    %sub3A_2482 = arith.subf %add3A_2477, %sub3A_2469 : vector<1x64xf32>
    %mul3A_2483 = arith.mulf %sub3A_2481, %sub3A_2482 : vector<1x64xf32>
    %min3A_2484 = vector.broadcast %add3A_2457 : vector<300x1xf32> to vector<300x64xf32>
    %min3A_2485 = vector.broadcast %add3A_2473 : vector<1x64xf32> to vector<300x64xf32>
    %min3A_2486 = arith.minimumf %min3A_2484, %min3A_2485 : vector<300x64xf32>
    %max3A_2487 = vector.broadcast %sub3A_2449 : vector<300x1xf32> to vector<300x64xf32>
    %max3A_2488 = vector.broadcast %sub3A_2465 : vector<1x64xf32> to vector<300x64xf32>
    %max3A_2489 = arith.maximumf %max3A_2487, %max3A_2488 : vector<300x64xf32>
    %sub3A_2490 = arith.subf %min3A_2486, %max3A_2489 : vector<300x64xf32>
    %jit3A_2491 = arith.constant 0.000000e+00 : f32
    %max3A_2492 = vector.broadcast %jit3A_2491 : f32 to vector<300x64xf32>
    %max3A_2493 = arith.maximumf %max3A_2492, %sub3A_2490 : vector<300x64xf32>
    %min3A_2494 = vector.broadcast %add3A_2461 : vector<300x1xf32> to vector<300x64xf32>
    %min3A_2495 = vector.broadcast %add3A_2477 : vector<1x64xf32> to vector<300x64xf32>
    %min3A_2496 = arith.minimumf %min3A_2494, %min3A_2495 : vector<300x64xf32>
    %max3A_2497 = vector.broadcast %sub3A_2453 : vector<300x1xf32> to vector<300x64xf32>
    %max3A_2498 = vector.broadcast %sub3A_2469 : vector<1x64xf32> to vector<300x64xf32>
    %max3A_2499 = arith.maximumf %max3A_2497, %max3A_2498 : vector<300x64xf32>
    %sub3A_2500 = arith.subf %min3A_2496, %max3A_2499 : vector<300x64xf32>
    %jit3A_2501 = arith.constant 0.000000e+00 : f32
    %max3A_2502 = vector.broadcast %jit3A_2501 : f32 to vector<300x64xf32>
    %max3A_2503 = arith.maximumf %max3A_2502, %sub3A_2500 : vector<300x64xf32>
    %mul3A_2504 = arith.mulf %max3A_2493, %max3A_2503 : vector<300x64xf32>
    %add3A_2505 = vector.broadcast %mul3A_2480 : vector<300x1xf32> to vector<300x64xf32>
    %add3A_2506 = vector.broadcast %mul3A_2483 : vector<1x64xf32> to vector<300x64xf32>
    %add3A_2507 = arith.addf %add3A_2505, %add3A_2506 : vector<300x64xf32>
    %sub3A_2508 = arith.subf %add3A_2507, %mul3A_2504 : vector<300x64xf32>
    %div3A_2509 = arith.divf %mul3A_2504, %sub3A_2508 : vector<300x64xf32>
    %max3A_2510 = vector.broadcast %add3A_2457 : vector<300x1xf32> to vector<300x64xf32>
    %max3A_2511 = vector.broadcast %add3A_2473 : vector<1x64xf32> to vector<300x64xf32>
    %max3A_2512 = arith.maximumf %max3A_2510, %max3A_2511 : vector<300x64xf32>
    %min3A_2513 = vector.broadcast %sub3A_2449 : vector<300x1xf32> to vector<300x64xf32>
    %min3A_2514 = vector.broadcast %sub3A_2465 : vector<1x64xf32> to vector<300x64xf32>
    %min3A_2515 = arith.minimumf %min3A_2513, %min3A_2514 : vector<300x64xf32>
    %sub3A_2516 = arith.subf %max3A_2512, %min3A_2515 : vector<300x64xf32>
    %jit3A_2517 = arith.constant 0.000000e+00 : f32
    %max3A_2518 = vector.broadcast %jit3A_2517 : f32 to vector<300x64xf32>
    %max3A_2519 = arith.maximumf %max3A_2518, %sub3A_2516 : vector<300x64xf32>
    %max3A_2520 = vector.broadcast %add3A_2461 : vector<300x1xf32> to vector<300x64xf32>
    %max3A_2521 = vector.broadcast %add3A_2477 : vector<1x64xf32> to vector<300x64xf32>
    %max3A_2522 = arith.maximumf %max3A_2520, %max3A_2521 : vector<300x64xf32>
    %min3A_2523 = vector.broadcast %sub3A_2453 : vector<300x1xf32> to vector<300x64xf32>
    %min3A_2524 = vector.broadcast %sub3A_2469 : vector<1x64xf32> to vector<300x64xf32>
    %min3A_2525 = arith.minimumf %min3A_2523, %min3A_2524 : vector<300x64xf32>
    %sub3A_2526 = arith.subf %max3A_2522, %min3A_2525 : vector<300x64xf32>
    %jit3A_2527 = arith.constant 0.000000e+00 : f32
    %max3A_2528 = vector.broadcast %jit3A_2527 : f32 to vector<300x64xf32>
    %max3A_2529 = arith.maximumf %max3A_2528, %sub3A_2526 : vector<300x64xf32>
    %mul3A_2530 = arith.mulf %max3A_2519, %max3A_2529 : vector<300x64xf32>
    %sub3A_2531 = arith.subf %mul3A_2530, %sub3A_2508 : vector<300x64xf32>
    %div3A_2532 = arith.divf %sub3A_2531, %mul3A_2530 : vector<300x64xf32>
    %sub3A_2533 = arith.subf %div3A_2509, %div3A_2532 : vector<300x64xf32>
    %mul3A_2534 = arith.constant 5.000000e+00 : f32
    %mul3A_2535 = vector.broadcast %mul3A_2534 : f32 to vector<300x64xf32>
    %mul3A_2536 = arith.mulf %mul3A_2535, %add3A_2445 : vector<300x64xf32>
    %sub3A_2537 = arith.subf %mul3A_2536, %dot_general3A_2408 : vector<300x64xf32>
    %mul3A_2538 = arith.constant 2.000000e+00 : f32
    %mul3A_2539 = vector.broadcast %mul3A_2538 : f32 to vector<300x64xf32>
    %mul3A_2540 = arith.mulf %mul3A_2539, %sub3A_2533 : vector<300x64xf32>
    %sub3A_2541 = arith.subf %sub3A_2537, %mul3A_2540 : vector<300x64xf32>
    %jit3A_2542 = arith.constant 0x7F800000 : f32
    %broadcast_in_dim3A_2543 = vector.broadcast %jit3A_2542 : f32 to vector<300x64xf32>
    %select_n3A_2544 = arith.select %lt3A_14, %sub3A_2541, %broadcast_in_dim3A_2543 : vector<300x64xi1>, vector<300x64xf32>
    %swap3A_2545 = arith.constant 13 : index
    %swap3A_2546 = arith.constant 0 : index
    %swap3A_2547 = arith.constant 0 : index
    %swap3A_2548 = vector.load %arg4[%swap3A_2545, %swap3A_2546, %swap3A_2547] : memref<16x300x64xf32, #tpu.memory_space<vmem>>, vector<1x300x64xf32>
    %swap3A_2549 = vector.shape_cast %swap3A_2548 : vector<1x300x64xf32> to vector<300x64xf32>
    %swap3A_2550 = vector.shape_cast %select_n3A_2544 : vector<300x64xf32> to vector<1x300x64xf32>
    tpu.vector_store %arg4[%swap3A_2545, %swap3A_2546, %swap3A_2547], %swap3A_2550 {strides = array<i32>} : memref<16x300x64xf32, #tpu.memory_space<vmem>>, vector<1x300x64xf32>,
    %jit3A_2551 = arith.constant 0.000000e+00 : f32
    %broadcast_in_dim3A_2552 = vector.broadcast %jit3A_2551 : f32 to vector<300x64xf32>
    %select_n3A_2553 = arith.select %lt3A_14, %add3A_2445, %broadcast_in_dim3A_2552 : vector<300x64xi1>, vector<300x64xf32>
    %swap3A_2554 = arith.constant 13 : index
    %swap3A_2555 = arith.constant 0 : index
    %swap3A_2556 = arith.constant 0 : index
    %swap3A_2557 = vector.load %arg5[%swap3A_2554, %swap3A_2555, %swap3A_2556] : memref<16x300x64xf32, #tpu.memory_space<vmem>>, vector<1x300x64xf32>
    %swap3A_2558 = vector.shape_cast %swap3A_2557 : vector<1x300x64xf32> to vector<300x64xf32>
    %swap3A_2559 = vector.shape_cast %select_n3A_2553 : vector<300x64xf32> to vector<1x300x64xf32>
    tpu.vector_store %arg5[%swap3A_2554, %swap3A_2555, %swap3A_2556], %swap3A_2559 {strides = array<i32>} : memref<16x300x64xf32, #tpu.memory_space<vmem>>, vector<1x300x64xf32>,
    %jit3A_2560 = arith.constant 0.000000e+00 : f32
    %broadcast_in_dim3A_2561 = vector.broadcast %jit3A_2560 : f32 to vector<300x64xf32>
    %select_n3A_2562 = arith.select %lt3A_14, %sub3A_2533, %broadcast_in_dim3A_2561 : vector<300x64xi1>, vector<300x64xf32>
    %swap3A_2563 = arith.constant 13 : index
    %swap3A_2564 = arith.constant 0 : index
    %swap3A_2565 = arith.constant 0 : index
    %swap3A_2566 = vector.load %arg6[%swap3A_2563, %swap3A_2564, %swap3A_2565] : memref<16x300x64xf32, #tpu.memory_space<vmem>>, vector<1x300x64xf32>
    %swap3A_2567 = vector.shape_cast %swap3A_2566 : vector<1x300x64xf32> to vector<300x64xf32>
    %swap3A_2568 = vector.shape_cast %select_n3A_2562 : vector<300x64xf32> to vector<1x300x64xf32>
    tpu.vector_store %arg6[%swap3A_2563, %swap3A_2564, %swap3A_2565], %swap3A_2568 {strides = array<i32>} : memref<16x300x64xf32, #tpu.memory_space<vmem>>, vector<1x300x64xf32>,
    %slice3A_2569 = vector.extract_strided_slice %broadcast_in_dim3A {offsets = [13, 0, 0], sizes = [1, 300, 1], strides = [1, 1, 1]} : vector<16x300x1xf32> to vector<1x300x1xf32>
    %squeeze3A_2570 = vector.shape_cast %slice3A_2569 : vector<1x300x1xf32> to vector<300x1xf32>
    %broadcast_in_dim3A_2571 = vector.shape_cast %squeeze3A_2570 : vector<300x1xf32> to vector<300x1xf32>
    %broadcast_in_dim3A_2572 = vector.broadcast %broadcast_in_dim3A_2571 : vector<300x1xf32> to vector<300x64xf32>
    %swap3A_2573 = arith.constant 13 : index
    %swap3A_2574 = arith.constant 0 : index
    %swap3A_2575 = arith.constant 0 : index
    %swap3A_2576 = vector.load %arg7[%swap3A_2573, %swap3A_2574, %swap3A_2575] : memref<16x300x64xf32, #tpu.memory_space<vmem>>, vector<1x300x64xf32>
    %swap3A_2577 = vector.shape_cast %swap3A_2576 : vector<1x300x64xf32> to vector<300x64xf32>
    %swap3A_2578 = vector.shape_cast %broadcast_in_dim3A_2572 : vector<300x64xf32> to vector<1x300x64xf32>
    tpu.vector_store %arg7[%swap3A_2573, %swap3A_2574, %swap3A_2575], %swap3A_2578 {strides = array<i32>} : memref<16x300x64xf32, #tpu.memory_space<vmem>>, vector<1x300x64xf32>,
    %slice3A_2579 = vector.extract_strided_slice %div3A_12 {offsets = [14, 0, 0], sizes = [1, 300, 92], strides = [1, 1, 1]} : vector<16x300x92xf32> to vector<1x300x92xf32>
    %squeeze3A_2580 = vector.shape_cast %slice3A_2579 : vector<1x300x92xf32> to vector<300x92xf32>
    %get3A_2581 = arith.constant 14 : index
    %get3A_2582 = arith.constant 0 : index
    %get3A_2583 = arith.constant 0 : index
    %get3A_2584 = vector.load %arg3[%get3A_2581, %get3A_2582, %get3A_2583] : memref<16x1x64xi32, #tpu.memory_space<vmem>>, vector<1x1x64xi32>
    %get3A_2585 = vector.shape_cast %get3A_2584 : vector<1x1x64xi32> to vector<1x64xi32>
    %iota3A_2586 = tpu.iota {dimensions = array<i32: 0>} : vector<92x64xi32>
    %eq3A_2587 = vector.broadcast %get3A_2585 : vector<1x64xi32> to vector<92x64xi32>
    %eq3A_2588 = arith.cmpi eq, %eq3A_2587, %iota3A_2586 : vector<92x64xi32>
    %convert_element_type3A_2589 = arith.extui %eq3A_2588 : vector<92x64xi1> to vector<92x64xi32>
    %convert_element_type3A_2590 = arith.sitofp %convert_element_type3A_2589 : vector<92x64xi32> to vector<92x64xf32>
    %dot_general3A_2591 = arith.constant dense<0.000000e+00> : vector<300x64xf32>
    %dot_general3A_2592 = tpu.matmul %squeeze3A_2580, %convert_element_type3A_2590, %dot_general3A_2591 {dimension_numbers = #tpu.dot_dimension_numbers<[1], [0], [0], [1], [0, 0, 1, 1], [], []>, precision = #tpu.contract_precision<fp32>, transpose_lhs_hint = false} : vector<300x92xf32>, vector<92x64xf32>, vector<300x64xf32> -> vector<300x64xf32>
    %get3A_2593 = arith.constant 14 : index
    %get3A_2594 = arith.constant 0 : index
    %get3A_2595 = arith.constant 0 : index
    %get3A_2596 = vector.load %arg0[%get3A_2593, %get3A_2594, %get3A_2595] : memref<16x300x4xf32, #tpu.memory_space<vmem>>, vector<1x300x4xf32>
    %get3A_2597 = vector.shape_cast %get3A_2596 : vector<1x300x4xf32> to vector<300x4xf32>
    %slice3A_2598 = vector.extract_strided_slice %get3A_2597 {offsets = [0, 0], sizes = [300, 1], strides = [1, 1]} : vector<300x4xf32> to vector<300x1xf32>
    %slice3A_2599 = vector.extract_strided_slice %get3A_2597 {offsets = [0, 1], sizes = [300, 1], strides = [1, 1]} : vector<300x4xf32> to vector<300x1xf32>
    %slice3A_2600 = vector.extract_strided_slice %get3A_2597 {offsets = [0, 2], sizes = [300, 1], strides = [1, 1]} : vector<300x4xf32> to vector<300x1xf32>
    %slice3A_2601 = vector.extract_strided_slice %get3A_2597 {offsets = [0, 3], sizes = [300, 1], strides = [1, 1]} : vector<300x4xf32> to vector<300x1xf32>
    %get3A_2602 = arith.constant 14 : index
    %get3A_2603 = arith.constant 0 : index
    %get3A_2604 = arith.constant 0 : index
    %get3A_2605 = vector.load %arg2[%get3A_2602, %get3A_2603, %get3A_2604] : memref<16x4x64xf32, #tpu.memory_space<vmem>>, vector<1x4x64xf32>
    %get3A_2606 = vector.shape_cast %get3A_2605 : vector<1x4x64xf32> to vector<4x64xf32>
    %slice3A_2607 = vector.extract_strided_slice %get3A_2606 {offsets = [0, 0], sizes = [1, 64], strides = [1, 1]} : vector<4x64xf32> to vector<1x64xf32>
    %slice3A_2608 = vector.extract_strided_slice %get3A_2606 {offsets = [1, 0], sizes = [1, 64], strides = [1, 1]} : vector<4x64xf32> to vector<1x64xf32>
    %slice3A_2609 = vector.extract_strided_slice %get3A_2606 {offsets = [2, 0], sizes = [1, 64], strides = [1, 1]} : vector<4x64xf32> to vector<1x64xf32>
    %slice3A_2610 = vector.extract_strided_slice %get3A_2606 {offsets = [3, 0], sizes = [1, 64], strides = [1, 1]} : vector<4x64xf32> to vector<1x64xf32>
    %sub3A_2611 = vector.broadcast %slice3A_2598 : vector<300x1xf32> to vector<300x64xf32>
    %sub3A_2612 = vector.broadcast %slice3A_2607 : vector<1x64xf32> to vector<300x64xf32>
    %sub3A_2613 = arith.subf %sub3A_2611, %sub3A_2612 : vector<300x64xf32>
    %abs3A_2614 = math.absf %sub3A_2613 : vector<300x64xf32>
    %sub3A_2615 = vector.broadcast %slice3A_2599 : vector<300x1xf32> to vector<300x64xf32>
    %sub3A_2616 = vector.broadcast %slice3A_2608 : vector<1x64xf32> to vector<300x64xf32>
    %sub3A_2617 = arith.subf %sub3A_2615, %sub3A_2616 : vector<300x64xf32>
    %abs3A_2618 = math.absf %sub3A_2617 : vector<300x64xf32>
    %add3A_2619 = arith.addf %abs3A_2614, %abs3A_2618 : vector<300x64xf32>
    %sub3A_2620 = vector.broadcast %slice3A_2600 : vector<300x1xf32> to vector<300x64xf32>
    %sub3A_2621 = vector.broadcast %slice3A_2609 : vector<1x64xf32> to vector<300x64xf32>
    %sub3A_2622 = arith.subf %sub3A_2620, %sub3A_2621 : vector<300x64xf32>
    %abs3A_2623 = math.absf %sub3A_2622 : vector<300x64xf32>
    %add3A_2624 = arith.addf %add3A_2619, %abs3A_2623 : vector<300x64xf32>
    %sub3A_2625 = vector.broadcast %slice3A_2601 : vector<300x1xf32> to vector<300x64xf32>
    %sub3A_2626 = vector.broadcast %slice3A_2610 : vector<1x64xf32> to vector<300x64xf32>
    %sub3A_2627 = arith.subf %sub3A_2625, %sub3A_2626 : vector<300x64xf32>
    %abs3A_2628 = math.absf %sub3A_2627 : vector<300x64xf32>
    %add3A_2629 = arith.addf %add3A_2624, %abs3A_2628 : vector<300x64xf32>
    %mul3A_2630 = arith.constant 5.000000e-01 : f32
    %mul3A_2631 = vector.broadcast %mul3A_2630 : f32 to vector<300x1xf32>
    %mul3A_2632 = arith.mulf %mul3A_2631, %slice3A_2600 : vector<300x1xf32>
    %sub3A_2633 = arith.subf %slice3A_2598, %mul3A_2632 : vector<300x1xf32>
    %mul3A_2634 = arith.constant 5.000000e-01 : f32
    %mul3A_2635 = vector.broadcast %mul3A_2634 : f32 to vector<300x1xf32>
    %mul3A_2636 = arith.mulf %mul3A_2635, %slice3A_2601 : vector<300x1xf32>
    %sub3A_2637 = arith.subf %slice3A_2599, %mul3A_2636 : vector<300x1xf32>
    %mul3A_2638 = arith.constant 5.000000e-01 : f32
    %mul3A_2639 = vector.broadcast %mul3A_2638 : f32 to vector<300x1xf32>
    %mul3A_2640 = arith.mulf %mul3A_2639, %slice3A_2600 : vector<300x1xf32>
    %add3A_2641 = arith.addf %slice3A_2598, %mul3A_2640 : vector<300x1xf32>
    %mul3A_2642 = arith.constant 5.000000e-01 : f32
    %mul3A_2643 = vector.broadcast %mul3A_2642 : f32 to vector<300x1xf32>
    %mul3A_2644 = arith.mulf %mul3A_2643, %slice3A_2601 : vector<300x1xf32>
    %add3A_2645 = arith.addf %slice3A_2599, %mul3A_2644 : vector<300x1xf32>
    %mul3A_2646 = arith.constant 5.000000e-01 : f32
    %mul3A_2647 = vector.broadcast %mul3A_2646 : f32 to vector<1x64xf32>
    %mul3A_2648 = arith.mulf %mul3A_2647, %slice3A_2609 : vector<1x64xf32>
    %sub3A_2649 = arith.subf %slice3A_2607, %mul3A_2648 : vector<1x64xf32>
    %mul3A_2650 = arith.constant 5.000000e-01 : f32
    %mul3A_2651 = vector.broadcast %mul3A_2650 : f32 to vector<1x64xf32>
    %mul3A_2652 = arith.mulf %mul3A_2651, %slice3A_2610 : vector<1x64xf32>
    %sub3A_2653 = arith.subf %slice3A_2608, %mul3A_2652 : vector<1x64xf32>
    %mul3A_2654 = arith.constant 5.000000e-01 : f32
    %mul3A_2655 = vector.broadcast %mul3A_2654 : f32 to vector<1x64xf32>
    %mul3A_2656 = arith.mulf %mul3A_2655, %slice3A_2609 : vector<1x64xf32>
    %add3A_2657 = arith.addf %slice3A_2607, %mul3A_2656 : vector<1x64xf32>
    %mul3A_2658 = arith.constant 5.000000e-01 : f32
    %mul3A_2659 = vector.broadcast %mul3A_2658 : f32 to vector<1x64xf32>
    %mul3A_2660 = arith.mulf %mul3A_2659, %slice3A_2610 : vector<1x64xf32>
    %add3A_2661 = arith.addf %slice3A_2608, %mul3A_2660 : vector<1x64xf32>
    %sub3A_2662 = arith.subf %add3A_2641, %sub3A_2633 : vector<300x1xf32>
    %sub3A_2663 = arith.subf %add3A_2645, %sub3A_2637 : vector<300x1xf32>
    %mul3A_2664 = arith.mulf %sub3A_2662, %sub3A_2663 : vector<300x1xf32>
    %sub3A_2665 = arith.subf %add3A_2657, %sub3A_2649 : vector<1x64xf32>
    %sub3A_2666 = arith.subf %add3A_2661, %sub3A_2653 : vector<1x64xf32>
    %mul3A_2667 = arith.mulf %sub3A_2665, %sub3A_2666 : vector<1x64xf32>
    %min3A_2668 = vector.broadcast %add3A_2641 : vector<300x1xf32> to vector<300x64xf32>
    %min3A_2669 = vector.broadcast %add3A_2657 : vector<1x64xf32> to vector<300x64xf32>
    %min3A_2670 = arith.minimumf %min3A_2668, %min3A_2669 : vector<300x64xf32>
    %max3A_2671 = vector.broadcast %sub3A_2633 : vector<300x1xf32> to vector<300x64xf32>
    %max3A_2672 = vector.broadcast %sub3A_2649 : vector<1x64xf32> to vector<300x64xf32>
    %max3A_2673 = arith.maximumf %max3A_2671, %max3A_2672 : vector<300x64xf32>
    %sub3A_2674 = arith.subf %min3A_2670, %max3A_2673 : vector<300x64xf32>
    %jit3A_2675 = arith.constant 0.000000e+00 : f32
    %max3A_2676 = vector.broadcast %jit3A_2675 : f32 to vector<300x64xf32>
    %max3A_2677 = arith.maximumf %max3A_2676, %sub3A_2674 : vector<300x64xf32>
    %min3A_2678 = vector.broadcast %add3A_2645 : vector<300x1xf32> to vector<300x64xf32>
    %min3A_2679 = vector.broadcast %add3A_2661 : vector<1x64xf32> to vector<300x64xf32>
    %min3A_2680 = arith.minimumf %min3A_2678, %min3A_2679 : vector<300x64xf32>
    %max3A_2681 = vector.broadcast %sub3A_2637 : vector<300x1xf32> to vector<300x64xf32>
    %max3A_2682 = vector.broadcast %sub3A_2653 : vector<1x64xf32> to vector<300x64xf32>
    %max3A_2683 = arith.maximumf %max3A_2681, %max3A_2682 : vector<300x64xf32>
    %sub3A_2684 = arith.subf %min3A_2680, %max3A_2683 : vector<300x64xf32>
    %jit3A_2685 = arith.constant 0.000000e+00 : f32
    %max3A_2686 = vector.broadcast %jit3A_2685 : f32 to vector<300x64xf32>
    %max3A_2687 = arith.maximumf %max3A_2686, %sub3A_2684 : vector<300x64xf32>
    %mul3A_2688 = arith.mulf %max3A_2677, %max3A_2687 : vector<300x64xf32>
    %add3A_2689 = vector.broadcast %mul3A_2664 : vector<300x1xf32> to vector<300x64xf32>
    %add3A_2690 = vector.broadcast %mul3A_2667 : vector<1x64xf32> to vector<300x64xf32>
    %add3A_2691 = arith.addf %add3A_2689, %add3A_2690 : vector<300x64xf32>
    %sub3A_2692 = arith.subf %add3A_2691, %mul3A_2688 : vector<300x64xf32>
    %div3A_2693 = arith.divf %mul3A_2688, %sub3A_2692 : vector<300x64xf32>
    %max3A_2694 = vector.broadcast %add3A_2641 : vector<300x1xf32> to vector<300x64xf32>
    %max3A_2695 = vector.broadcast %add3A_2657 : vector<1x64xf32> to vector<300x64xf32>
    %max3A_2696 = arith.maximumf %max3A_2694, %max3A_2695 : vector<300x64xf32>
    %min3A_2697 = vector.broadcast %sub3A_2633 : vector<300x1xf32> to vector<300x64xf32>
    %min3A_2698 = vector.broadcast %sub3A_2649 : vector<1x64xf32> to vector<300x64xf32>
    %min3A_2699 = arith.minimumf %min3A_2697, %min3A_2698 : vector<300x64xf32>
    %sub3A_2700 = arith.subf %max3A_2696, %min3A_2699 : vector<300x64xf32>
    %jit3A_2701 = arith.constant 0.000000e+00 : f32
    %max3A_2702 = vector.broadcast %jit3A_2701 : f32 to vector<300x64xf32>
    %max3A_2703 = arith.maximumf %max3A_2702, %sub3A_2700 : vector<300x64xf32>
    %max3A_2704 = vector.broadcast %add3A_2645 : vector<300x1xf32> to vector<300x64xf32>
    %max3A_2705 = vector.broadcast %add3A_2661 : vector<1x64xf32> to vector<300x64xf32>
    %max3A_2706 = arith.maximumf %max3A_2704, %max3A_2705 : vector<300x64xf32>
    %min3A_2707 = vector.broadcast %sub3A_2637 : vector<300x1xf32> to vector<300x64xf32>
    %min3A_2708 = vector.broadcast %sub3A_2653 : vector<1x64xf32> to vector<300x64xf32>
    %min3A_2709 = arith.minimumf %min3A_2707, %min3A_2708 : vector<300x64xf32>
    %sub3A_2710 = arith.subf %max3A_2706, %min3A_2709 : vector<300x64xf32>
    %jit3A_2711 = arith.constant 0.000000e+00 : f32
    %max3A_2712 = vector.broadcast %jit3A_2711 : f32 to vector<300x64xf32>
    %max3A_2713 = arith.maximumf %max3A_2712, %sub3A_2710 : vector<300x64xf32>
    %mul3A_2714 = arith.mulf %max3A_2703, %max3A_2713 : vector<300x64xf32>
    %sub3A_2715 = arith.subf %mul3A_2714, %sub3A_2692 : vector<300x64xf32>
    %div3A_2716 = arith.divf %sub3A_2715, %mul3A_2714 : vector<300x64xf32>
    %sub3A_2717 = arith.subf %div3A_2693, %div3A_2716 : vector<300x64xf32>
    %mul3A_2718 = arith.constant 5.000000e+00 : f32
    %mul3A_2719 = vector.broadcast %mul3A_2718 : f32 to vector<300x64xf32>
    %mul3A_2720 = arith.mulf %mul3A_2719, %add3A_2629 : vector<300x64xf32>
    %sub3A_2721 = arith.subf %mul3A_2720, %dot_general3A_2592 : vector<300x64xf32>
    %mul3A_2722 = arith.constant 2.000000e+00 : f32
    %mul3A_2723 = vector.broadcast %mul3A_2722 : f32 to vector<300x64xf32>
    %mul3A_2724 = arith.mulf %mul3A_2723, %sub3A_2717 : vector<300x64xf32>
    %sub3A_2725 = arith.subf %sub3A_2721, %mul3A_2724 : vector<300x64xf32>
    %jit3A_2726 = arith.constant 0x7F800000 : f32
    %broadcast_in_dim3A_2727 = vector.broadcast %jit3A_2726 : f32 to vector<300x64xf32>
    %select_n3A_2728 = arith.select %lt3A_14, %sub3A_2725, %broadcast_in_dim3A_2727 : vector<300x64xi1>, vector<300x64xf32>
    %swap3A_2729 = arith.constant 14 : index
    %swap3A_2730 = arith.constant 0 : index
    %swap3A_2731 = arith.constant 0 : index
    %swap3A_2732 = vector.load %arg4[%swap3A_2729, %swap3A_2730, %swap3A_2731] : memref<16x300x64xf32, #tpu.memory_space<vmem>>, vector<1x300x64xf32>
    %swap3A_2733 = vector.shape_cast %swap3A_2732 : vector<1x300x64xf32> to vector<300x64xf32>
    %swap3A_2734 = vector.shape_cast %select_n3A_2728 : vector<300x64xf32> to vector<1x300x64xf32>
    tpu.vector_store %arg4[%swap3A_2729, %swap3A_2730, %swap3A_2731], %swap3A_2734 {strides = array<i32>} : memref<16x300x64xf32, #tpu.memory_space<vmem>>, vector<1x300x64xf32>,
    %jit3A_2735 = arith.constant 0.000000e+00 : f32
    %broadcast_in_dim3A_2736 = vector.broadcast %jit3A_2735 : f32 to vector<300x64xf32>
    %select_n3A_2737 = arith.select %lt3A_14, %add3A_2629, %broadcast_in_dim3A_2736 : vector<300x64xi1>, vector<300x64xf32>
    %swap3A_2738 = arith.constant 14 : index
    %swap3A_2739 = arith.constant 0 : index
    %swap3A_2740 = arith.constant 0 : index
    %swap3A_2741 = vector.load %arg5[%swap3A_2738, %swap3A_2739, %swap3A_2740] : memref<16x300x64xf32, #tpu.memory_space<vmem>>, vector<1x300x64xf32>
    %swap3A_2742 = vector.shape_cast %swap3A_2741 : vector<1x300x64xf32> to vector<300x64xf32>
    %swap3A_2743 = vector.shape_cast %select_n3A_2737 : vector<300x64xf32> to vector<1x300x64xf32>
    tpu.vector_store %arg5[%swap3A_2738, %swap3A_2739, %swap3A_2740], %swap3A_2743 {strides = array<i32>} : memref<16x300x64xf32, #tpu.memory_space<vmem>>, vector<1x300x64xf32>,
    %jit3A_2744 = arith.constant 0.000000e+00 : f32
    %broadcast_in_dim3A_2745 = vector.broadcast %jit3A_2744 : f32 to vector<300x64xf32>
    %select_n3A_2746 = arith.select %lt3A_14, %sub3A_2717, %broadcast_in_dim3A_2745 : vector<300x64xi1>, vector<300x64xf32>
    %swap3A_2747 = arith.constant 14 : index
    %swap3A_2748 = arith.constant 0 : index
    %swap3A_2749 = arith.constant 0 : index
    %swap3A_2750 = vector.load %arg6[%swap3A_2747, %swap3A_2748, %swap3A_2749] : memref<16x300x64xf32, #tpu.memory_space<vmem>>, vector<1x300x64xf32>
    %swap3A_2751 = vector.shape_cast %swap3A_2750 : vector<1x300x64xf32> to vector<300x64xf32>
    %swap3A_2752 = vector.shape_cast %select_n3A_2746 : vector<300x64xf32> to vector<1x300x64xf32>
    tpu.vector_store %arg6[%swap3A_2747, %swap3A_2748, %swap3A_2749], %swap3A_2752 {strides = array<i32>} : memref<16x300x64xf32, #tpu.memory_space<vmem>>, vector<1x300x64xf32>,
    %slice3A_2753 = vector.extract_strided_slice %broadcast_in_dim3A {offsets = [14, 0, 0], sizes = [1, 300, 1], strides = [1, 1, 1]} : vector<16x300x1xf32> to vector<1x300x1xf32>
    %squeeze3A_2754 = vector.shape_cast %slice3A_2753 : vector<1x300x1xf32> to vector<300x1xf32>
    %broadcast_in_dim3A_2755 = vector.shape_cast %squeeze3A_2754 : vector<300x1xf32> to vector<300x1xf32>
    %broadcast_in_dim3A_2756 = vector.broadcast %broadcast_in_dim3A_2755 : vector<300x1xf32> to vector<300x64xf32>
    %swap3A_2757 = arith.constant 14 : index
    %swap3A_2758 = arith.constant 0 : index
    %swap3A_2759 = arith.constant 0 : index
    %swap3A_2760 = vector.load %arg7[%swap3A_2757, %swap3A_2758, %swap3A_2759] : memref<16x300x64xf32, #tpu.memory_space<vmem>>, vector<1x300x64xf32>
    %swap3A_2761 = vector.shape_cast %swap3A_2760 : vector<1x300x64xf32> to vector<300x64xf32>
    %swap3A_2762 = vector.shape_cast %broadcast_in_dim3A_2756 : vector<300x64xf32> to vector<1x300x64xf32>
    tpu.vector_store %arg7[%swap3A_2757, %swap3A_2758, %swap3A_2759], %swap3A_2762 {strides = array<i32>} : memref<16x300x64xf32, #tpu.memory_space<vmem>>, vector<1x300x64xf32>,
    %slice3A_2763 = vector.extract_strided_slice %div3A_12 {offsets = [15, 0, 0], sizes = [1, 300, 92], strides = [1, 1, 1]} : vector<16x300x92xf32> to vector<1x300x92xf32>
    %squeeze3A_2764 = vector.shape_cast %slice3A_2763 : vector<1x300x92xf32> to vector<300x92xf32>
    %get3A_2765 = arith.constant 15 : index
    %get3A_2766 = arith.constant 0 : index
    %get3A_2767 = arith.constant 0 : index
    %get3A_2768 = vector.load %arg3[%get3A_2765, %get3A_2766, %get3A_2767] : memref<16x1x64xi32, #tpu.memory_space<vmem>>, vector<1x1x64xi32>
    %get3A_2769 = vector.shape_cast %get3A_2768 : vector<1x1x64xi32> to vector<1x64xi32>
    %iota3A_2770 = tpu.iota {dimensions = array<i32: 0>} : vector<92x64xi32>
    %eq3A_2771 = vector.broadcast %get3A_2769 : vector<1x64xi32> to vector<92x64xi32>
    %eq3A_2772 = arith.cmpi eq, %eq3A_2771, %iota3A_2770 : vector<92x64xi32>
    %convert_element_type3A_2773 = arith.extui %eq3A_2772 : vector<92x64xi1> to vector<92x64xi32>
    %convert_element_type3A_2774 = arith.sitofp %convert_element_type3A_2773 : vector<92x64xi32> to vector<92x64xf32>
    %dot_general3A_2775 = arith.constant dense<0.000000e+00> : vector<300x64xf32>
    %dot_general3A_2776 = tpu.matmul %squeeze3A_2764, %convert_element_type3A_2774, %dot_general3A_2775 {dimension_numbers = #tpu.dot_dimension_numbers<[1], [0], [0], [1], [0, 0, 1, 1], [], []>, precision = #tpu.contract_precision<fp32>, transpose_lhs_hint = false} : vector<300x92xf32>, vector<92x64xf32>, vector<300x64xf32> -> vector<300x64xf32>
    %get3A_2777 = arith.constant 15 : index
    %get3A_2778 = arith.constant 0 : index
    %get3A_2779 = arith.constant 0 : index
    %get3A_2780 = vector.load %arg0[%get3A_2777, %get3A_2778, %get3A_2779] : memref<16x300x4xf32, #tpu.memory_space<vmem>>, vector<1x300x4xf32>
    %get3A_2781 = vector.shape_cast %get3A_2780 : vector<1x300x4xf32> to vector<300x4xf32>
    %slice3A_2782 = vector.extract_strided_slice %get3A_2781 {offsets = [0, 0], sizes = [300, 1], strides = [1, 1]} : vector<300x4xf32> to vector<300x1xf32>
    %slice3A_2783 = vector.extract_strided_slice %get3A_2781 {offsets = [0, 1], sizes = [300, 1], strides = [1, 1]} : vector<300x4xf32> to vector<300x1xf32>
    %slice3A_2784 = vector.extract_strided_slice %get3A_2781 {offsets = [0, 2], sizes = [300, 1], strides = [1, 1]} : vector<300x4xf32> to vector<300x1xf32>
    %slice3A_2785 = vector.extract_strided_slice %get3A_2781 {offsets = [0, 3], sizes = [300, 1], strides = [1, 1]} : vector<300x4xf32> to vector<300x1xf32>
    %get3A_2786 = arith.constant 15 : index
    %get3A_2787 = arith.constant 0 : index
    %get3A_2788 = arith.constant 0 : index
    %get3A_2789 = vector.load %arg2[%get3A_2786, %get3A_2787, %get3A_2788] : memref<16x4x64xf32, #tpu.memory_space<vmem>>, vector<1x4x64xf32>
    %get3A_2790 = vector.shape_cast %get3A_2789 : vector<1x4x64xf32> to vector<4x64xf32>
    %slice3A_2791 = vector.extract_strided_slice %get3A_2790 {offsets = [0, 0], sizes = [1, 64], strides = [1, 1]} : vector<4x64xf32> to vector<1x64xf32>
    %slice3A_2792 = vector.extract_strided_slice %get3A_2790 {offsets = [1, 0], sizes = [1, 64], strides = [1, 1]} : vector<4x64xf32> to vector<1x64xf32>
    %slice3A_2793 = vector.extract_strided_slice %get3A_2790 {offsets = [2, 0], sizes = [1, 64], strides = [1, 1]} : vector<4x64xf32> to vector<1x64xf32>
    %slice3A_2794 = vector.extract_strided_slice %get3A_2790 {offsets = [3, 0], sizes = [1, 64], strides = [1, 1]} : vector<4x64xf32> to vector<1x64xf32>
    %sub3A_2795 = vector.broadcast %slice3A_2782 : vector<300x1xf32> to vector<300x64xf32>
    %sub3A_2796 = vector.broadcast %slice3A_2791 : vector<1x64xf32> to vector<300x64xf32>
    %sub3A_2797 = arith.subf %sub3A_2795, %sub3A_2796 : vector<300x64xf32>
    %abs3A_2798 = math.absf %sub3A_2797 : vector<300x64xf32>
    %sub3A_2799 = vector.broadcast %slice3A_2783 : vector<300x1xf32> to vector<300x64xf32>
    %sub3A_2800 = vector.broadcast %slice3A_2792 : vector<1x64xf32> to vector<300x64xf32>
    %sub3A_2801 = arith.subf %sub3A_2799, %sub3A_2800 : vector<300x64xf32>
    %abs3A_2802 = math.absf %sub3A_2801 : vector<300x64xf32>
    %add3A_2803 = arith.addf %abs3A_2798, %abs3A_2802 : vector<300x64xf32>
    %sub3A_2804 = vector.broadcast %slice3A_2784 : vector<300x1xf32> to vector<300x64xf32>
    %sub3A_2805 = vector.broadcast %slice3A_2793 : vector<1x64xf32> to vector<300x64xf32>
    %sub3A_2806 = arith.subf %sub3A_2804, %sub3A_2805 : vector<300x64xf32>
    %abs3A_2807 = math.absf %sub3A_2806 : vector<300x64xf32>
    %add3A_2808 = arith.addf %add3A_2803, %abs3A_2807 : vector<300x64xf32>
    %sub3A_2809 = vector.broadcast %slice3A_2785 : vector<300x1xf32> to vector<300x64xf32>
    %sub3A_2810 = vector.broadcast %slice3A_2794 : vector<1x64xf32> to vector<300x64xf32>
    %sub3A_2811 = arith.subf %sub3A_2809, %sub3A_2810 : vector<300x64xf32>
    %abs3A_2812 = math.absf %sub3A_2811 : vector<300x64xf32>
    %add3A_2813 = arith.addf %add3A_2808, %abs3A_2812 : vector<300x64xf32>
    %mul3A_2814 = arith.constant 5.000000e-01 : f32
    %mul3A_2815 = vector.broadcast %mul3A_2814 : f32 to vector<300x1xf32>
    %mul3A_2816 = arith.mulf %mul3A_2815, %slice3A_2784 : vector<300x1xf32>
    %sub3A_2817 = arith.subf %slice3A_2782, %mul3A_2816 : vector<300x1xf32>
    %mul3A_2818 = arith.constant 5.000000e-01 : f32
    %mul3A_2819 = vector.broadcast %mul3A_2818 : f32 to vector<300x1xf32>
    %mul3A_2820 = arith.mulf %mul3A_2819, %slice3A_2785 : vector<300x1xf32>
    %sub3A_2821 = arith.subf %slice3A_2783, %mul3A_2820 : vector<300x1xf32>
    %mul3A_2822 = arith.constant 5.000000e-01 : f32
    %mul3A_2823 = vector.broadcast %mul3A_2822 : f32 to vector<300x1xf32>
    %mul3A_2824 = arith.mulf %mul3A_2823, %slice3A_2784 : vector<300x1xf32>
    %add3A_2825 = arith.addf %slice3A_2782, %mul3A_2824 : vector<300x1xf32>
    %mul3A_2826 = arith.constant 5.000000e-01 : f32
    %mul3A_2827 = vector.broadcast %mul3A_2826 : f32 to vector<300x1xf32>
    %mul3A_2828 = arith.mulf %mul3A_2827, %slice3A_2785 : vector<300x1xf32>
    %add3A_2829 = arith.addf %slice3A_2783, %mul3A_2828 : vector<300x1xf32>
    %mul3A_2830 = arith.constant 5.000000e-01 : f32
    %mul3A_2831 = vector.broadcast %mul3A_2830 : f32 to vector<1x64xf32>
    %mul3A_2832 = arith.mulf %mul3A_2831, %slice3A_2793 : vector<1x64xf32>
    %sub3A_2833 = arith.subf %slice3A_2791, %mul3A_2832 : vector<1x64xf32>
    %mul3A_2834 = arith.constant 5.000000e-01 : f32
    %mul3A_2835 = vector.broadcast %mul3A_2834 : f32 to vector<1x64xf32>
    %mul3A_2836 = arith.mulf %mul3A_2835, %slice3A_2794 : vector<1x64xf32>
    %sub3A_2837 = arith.subf %slice3A_2792, %mul3A_2836 : vector<1x64xf32>
    %mul3A_2838 = arith.constant 5.000000e-01 : f32
    %mul3A_2839 = vector.broadcast %mul3A_2838 : f32 to vector<1x64xf32>
    %mul3A_2840 = arith.mulf %mul3A_2839, %slice3A_2793 : vector<1x64xf32>
    %add3A_2841 = arith.addf %slice3A_2791, %mul3A_2840 : vector<1x64xf32>
    %mul3A_2842 = arith.constant 5.000000e-01 : f32
    %mul3A_2843 = vector.broadcast %mul3A_2842 : f32 to vector<1x64xf32>
    %mul3A_2844 = arith.mulf %mul3A_2843, %slice3A_2794 : vector<1x64xf32>
    %add3A_2845 = arith.addf %slice3A_2792, %mul3A_2844 : vector<1x64xf32>
    %sub3A_2846 = arith.subf %add3A_2825, %sub3A_2817 : vector<300x1xf32>
    %sub3A_2847 = arith.subf %add3A_2829, %sub3A_2821 : vector<300x1xf32>
    %mul3A_2848 = arith.mulf %sub3A_2846, %sub3A_2847 : vector<300x1xf32>
    %sub3A_2849 = arith.subf %add3A_2841, %sub3A_2833 : vector<1x64xf32>
    %sub3A_2850 = arith.subf %add3A_2845, %sub3A_2837 : vector<1x64xf32>
    %mul3A_2851 = arith.mulf %sub3A_2849, %sub3A_2850 : vector<1x64xf32>
    %min3A_2852 = vector.broadcast %add3A_2825 : vector<300x1xf32> to vector<300x64xf32>
    %min3A_2853 = vector.broadcast %add3A_2841 : vector<1x64xf32> to vector<300x64xf32>
    %min3A_2854 = arith.minimumf %min3A_2852, %min3A_2853 : vector<300x64xf32>
    %max3A_2855 = vector.broadcast %sub3A_2817 : vector<300x1xf32> to vector<300x64xf32>
    %max3A_2856 = vector.broadcast %sub3A_2833 : vector<1x64xf32> to vector<300x64xf32>
    %max3A_2857 = arith.maximumf %max3A_2855, %max3A_2856 : vector<300x64xf32>
    %sub3A_2858 = arith.subf %min3A_2854, %max3A_2857 : vector<300x64xf32>
    %jit3A_2859 = arith.constant 0.000000e+00 : f32
    %max3A_2860 = vector.broadcast %jit3A_2859 : f32 to vector<300x64xf32>
    %max3A_2861 = arith.maximumf %max3A_2860, %sub3A_2858 : vector<300x64xf32>
    %min3A_2862 = vector.broadcast %add3A_2829 : vector<300x1xf32> to vector<300x64xf32>
    %min3A_2863 = vector.broadcast %add3A_2845 : vector<1x64xf32> to vector<300x64xf32>
    %min3A_2864 = arith.minimumf %min3A_2862, %min3A_2863 : vector<300x64xf32>
    %max3A_2865 = vector.broadcast %sub3A_2821 : vector<300x1xf32> to vector<300x64xf32>
    %max3A_2866 = vector.broadcast %sub3A_2837 : vector<1x64xf32> to vector<300x64xf32>
    %max3A_2867 = arith.maximumf %max3A_2865, %max3A_2866 : vector<300x64xf32>
    %sub3A_2868 = arith.subf %min3A_2864, %max3A_2867 : vector<300x64xf32>
    %jit3A_2869 = arith.constant 0.000000e+00 : f32
    %max3A_2870 = vector.broadcast %jit3A_2869 : f32 to vector<300x64xf32>
    %max3A_2871 = arith.maximumf %max3A_2870, %sub3A_2868 : vector<300x64xf32>
    %mul3A_2872 = arith.mulf %max3A_2861, %max3A_2871 : vector<300x64xf32>
    %add3A_2873 = vector.broadcast %mul3A_2848 : vector<300x1xf32> to vector<300x64xf32>
    %add3A_2874 = vector.broadcast %mul3A_2851 : vector<1x64xf32> to vector<300x64xf32>
    %add3A_2875 = arith.addf %add3A_2873, %add3A_2874 : vector<300x64xf32>
    %sub3A_2876 = arith.subf %add3A_2875, %mul3A_2872 : vector<300x64xf32>
    %div3A_2877 = arith.divf %mul3A_2872, %sub3A_2876 : vector<300x64xf32>
    %max3A_2878 = vector.broadcast %add3A_2825 : vector<300x1xf32> to vector<300x64xf32>
    %max3A_2879 = vector.broadcast %add3A_2841 : vector<1x64xf32> to vector<300x64xf32>
    %max3A_2880 = arith.maximumf %max3A_2878, %max3A_2879 : vector<300x64xf32>
    %min3A_2881 = vector.broadcast %sub3A_2817 : vector<300x1xf32> to vector<300x64xf32>
    %min3A_2882 = vector.broadcast %sub3A_2833 : vector<1x64xf32> to vector<300x64xf32>
    %min3A_2883 = arith.minimumf %min3A_2881, %min3A_2882 : vector<300x64xf32>
    %sub3A_2884 = arith.subf %max3A_2880, %min3A_2883 : vector<300x64xf32>
    %jit3A_2885 = arith.constant 0.000000e+00 : f32
    %max3A_2886 = vector.broadcast %jit3A_2885 : f32 to vector<300x64xf32>
    %max3A_2887 = arith.maximumf %max3A_2886, %sub3A_2884 : vector<300x64xf32>
    %max3A_2888 = vector.broadcast %add3A_2829 : vector<300x1xf32> to vector<300x64xf32>
    %max3A_2889 = vector.broadcast %add3A_2845 : vector<1x64xf32> to vector<300x64xf32>
    %max3A_2890 = arith.maximumf %max3A_2888, %max3A_2889 : vector<300x64xf32>
    %min3A_2891 = vector.broadcast %sub3A_2821 : vector<300x1xf32> to vector<300x64xf32>
    %min3A_2892 = vector.broadcast %sub3A_2837 : vector<1x64xf32> to vector<300x64xf32>
    %min3A_2893 = arith.minimumf %min3A_2891, %min3A_2892 : vector<300x64xf32>
    %sub3A_2894 = arith.subf %max3A_2890, %min3A_2893 : vector<300x64xf32>
    %jit3A_2895 = arith.constant 0.000000e+00 : f32
    %max3A_2896 = vector.broadcast %jit3A_2895 : f32 to vector<300x64xf32>
    %max3A_2897 = arith.maximumf %max3A_2896, %sub3A_2894 : vector<300x64xf32>
    %mul3A_2898 = arith.mulf %max3A_2887, %max3A_2897 : vector<300x64xf32>
    %sub3A_2899 = arith.subf %mul3A_2898, %sub3A_2876 : vector<300x64xf32>
    %div3A_2900 = arith.divf %sub3A_2899, %mul3A_2898 : vector<300x64xf32>
    %sub3A_2901 = arith.subf %div3A_2877, %div3A_2900 : vector<300x64xf32>
    %mul3A_2902 = arith.constant 5.000000e+00 : f32
    %mul3A_2903 = vector.broadcast %mul3A_2902 : f32 to vector<300x64xf32>
    %mul3A_2904 = arith.mulf %mul3A_2903, %add3A_2813 : vector<300x64xf32>
    %sub3A_2905 = arith.subf %mul3A_2904, %dot_general3A_2776 : vector<300x64xf32>
    %mul3A_2906 = arith.constant 2.000000e+00 : f32
    %mul3A_2907 = vector.broadcast %mul3A_2906 : f32 to vector<300x64xf32>
    %mul3A_2908 = arith.mulf %mul3A_2907, %sub3A_2901 : vector<300x64xf32>
    %sub3A_2909 = arith.subf %sub3A_2905, %mul3A_2908 : vector<300x64xf32>
    %jit3A_2910 = arith.constant 0x7F800000 : f32
    %broadcast_in_dim3A_2911 = vector.broadcast %jit3A_2910 : f32 to vector<300x64xf32>
    %select_n3A_2912 = arith.select %lt3A_14, %sub3A_2909, %broadcast_in_dim3A_2911 : vector<300x64xi1>, vector<300x64xf32>
    %swap3A_2913 = arith.constant 15 : index
    %swap3A_2914 = arith.constant 0 : index
    %swap3A_2915 = arith.constant 0 : index
    %swap3A_2916 = vector.load %arg4[%swap3A_2913, %swap3A_2914, %swap3A_2915] : memref<16x300x64xf32, #tpu.memory_space<vmem>>, vector<1x300x64xf32>
    %swap3A_2917 = vector.shape_cast %swap3A_2916 : vector<1x300x64xf32> to vector<300x64xf32>
    %swap3A_2918 = vector.shape_cast %select_n3A_2912 : vector<300x64xf32> to vector<1x300x64xf32>
    tpu.vector_store %arg4[%swap3A_2913, %swap3A_2914, %swap3A_2915], %swap3A_2918 {strides = array<i32>} : memref<16x300x64xf32, #tpu.memory_space<vmem>>, vector<1x300x64xf32>,
    %jit3A_2919 = arith.constant 0.000000e+00 : f32
    %broadcast_in_dim3A_2920 = vector.broadcast %jit3A_2919 : f32 to vector<300x64xf32>
    %select_n3A_2921 = arith.select %lt3A_14, %add3A_2813, %broadcast_in_dim3A_2920 : vector<300x64xi1>, vector<300x64xf32>
    %swap3A_2922 = arith.constant 15 : index
    %swap3A_2923 = arith.constant 0 : index
    %swap3A_2924 = arith.constant 0 : index
    %swap3A_2925 = vector.load %arg5[%swap3A_2922, %swap3A_2923, %swap3A_2924] : memref<16x300x64xf32, #tpu.memory_space<vmem>>, vector<1x300x64xf32>
    %swap3A_2926 = vector.shape_cast %swap3A_2925 : vector<1x300x64xf32> to vector<300x64xf32>
    %swap3A_2927 = vector.shape_cast %select_n3A_2921 : vector<300x64xf32> to vector<1x300x64xf32>
    tpu.vector_store %arg5[%swap3A_2922, %swap3A_2923, %swap3A_2924], %swap3A_2927 {strides = array<i32>} : memref<16x300x64xf32, #tpu.memory_space<vmem>>, vector<1x300x64xf32>,
    %jit3A_2928 = arith.constant 0.000000e+00 : f32
    %broadcast_in_dim3A_2929 = vector.broadcast %jit3A_2928 : f32 to vector<300x64xf32>
    %select_n3A_2930 = arith.select %lt3A_14, %sub3A_2901, %broadcast_in_dim3A_2929 : vector<300x64xi1>, vector<300x64xf32>
    %swap3A_2931 = arith.constant 15 : index
    %swap3A_2932 = arith.constant 0 : index
    %swap3A_2933 = arith.constant 0 : index
    %swap3A_2934 = vector.load %arg6[%swap3A_2931, %swap3A_2932, %swap3A_2933] : memref<16x300x64xf32, #tpu.memory_space<vmem>>, vector<1x300x64xf32>
    %swap3A_2935 = vector.shape_cast %swap3A_2934 : vector<1x300x64xf32> to vector<300x64xf32>
    %swap3A_2936 = vector.shape_cast %select_n3A_2930 : vector<300x64xf32> to vector<1x300x64xf32>
    tpu.vector_store %arg6[%swap3A_2931, %swap3A_2932, %swap3A_2933], %swap3A_2936 {strides = array<i32>} : memref<16x300x64xf32, #tpu.memory_space<vmem>>, vector<1x300x64xf32>,
    %slice3A_2937 = vector.extract_strided_slice %broadcast_in_dim3A {offsets = [15, 0, 0], sizes = [1, 300, 1], strides = [1, 1, 1]} : vector<16x300x1xf32> to vector<1x300x1xf32>
    %squeeze3A_2938 = vector.shape_cast %slice3A_2937 : vector<1x300x1xf32> to vector<300x1xf32>
    %broadcast_in_dim3A_2939 = vector.shape_cast %squeeze3A_2938 : vector<300x1xf32> to vector<300x1xf32>
    %broadcast_in_dim3A_2940 = vector.broadcast %broadcast_in_dim3A_2939 : vector<300x1xf32> to vector<300x64xf32>
    %swap3A_2941 = arith.constant 15 : index
    %swap3A_2942 = arith.constant 0 : index
    %swap3A_2943 = arith.constant 0 : index
    %swap3A_2944 = vector.load %arg7[%swap3A_2941, %swap3A_2942, %swap3A_2943] : memref<16x300x64xf32, #tpu.memory_space<vmem>>, vector<1x300x64xf32>
    %swap3A_2945 = vector.shape_cast %swap3A_2944 : vector<1x300x64xf32> to vector<300x64xf32>
    %swap3A_2946 = vector.shape_cast %broadcast_in_dim3A_2940 : vector<300x64xf32> to vector<1x300x64xf32>
    tpu.vector_store %arg7[%swap3A_2941, %swap3A_2942, %swap3A_2943], %swap3A_2946 {strides = array<i32>} : memref<16x300x64xf32, #tpu.memory_space<vmem>>, vector<1x300x64xf32>,
    return
  }
}

module attributes {stable_mosaic.version = 14 : i64} {
  func.func @_global_loss_body(%arg0: i32, %arg1: memref<16x8192xf32, #tpu.memory_space<vmem>>, %arg2: memref<16x8192xf32, #tpu.memory_space<vmem>>, %arg3: memref<16x8192xf32, #tpu.memory_space<vmem>>, %arg4: memref<16x8192xf32, #tpu.memory_space<vmem>>, %arg5: memref<2xf32, #tpu.memory_space<smem>>) attributes {dimension_semantics = [#tpu.dimension_semantics<arbitrary>], iteration_bounds = array<i64: 32>, scalar_prefetch = 0 : i64, scratch_operands = 0 : i64, tpu.core_type = #tpu.core_type<tc>, window_params = [{transform_indices = @transform_0, window_bounds = array<i64: 16, 8192>}, {transform_indices = @transform_1, window_bounds = array<i64: 16, 8192>}, {transform_indices = @transform_2, window_bounds = array<i64: 16, 8192>}, {transform_indices = @transform_3, window_bounds = array<i64: 16, 8192>}, {transform_indices = @transform_4, window_bounds = array<i64: 2>}]} {
    %eq3A = arith.constant 0 : i32
    %eq3A_0 = arith.cmpi eq, %arg0, %eq3A : i32
    %convert_element_type3A = arith.extui %eq3A_0 : i1 to i32
    %cond3A = arith.constant 0 : i32
    %cond3A_1 = arith.cmpi ne, %convert_element_type3A, %cond3A : i32
    scf.if %cond3A_1 {
      %swap3A_31 = arith.constant 0.000000e+00 : f32
      %swap3A_32 = arith.constant 0 : index
      %swap3A_33 = memref.load %arg5[%swap3A_32] : memref<2xf32, #tpu.memory_space<smem>>
      memref.store %swap3A_31, %arg5[%swap3A_32] : memref<2xf32, #tpu.memory_space<smem>>
      %swap3A_34 = arith.constant 0.000000e+00 : f32
      %swap3A_35 = arith.constant 1 : index
      %swap3A_36 = memref.load %arg5[%swap3A_35] : memref<2xf32, #tpu.memory_space<smem>>
      memref.store %swap3A_34, %arg5[%swap3A_35] : memref<2xf32, #tpu.memory_space<smem>>
    } else {
    }
    %get3A = arith.constant 0 : index
    %get3A_2 = arith.constant 0 : index
    %get3A_3 = vector.load %arg1[%get3A, %get3A_2] : memref<16x8192xf32, #tpu.memory_space<vmem>>, vector<16x8192xf32>
    %get3A_4 = arith.constant 0 : index
    %get3A_5 = arith.constant 0 : index
    %get3A_6 = vector.load %arg2[%get3A_4, %get3A_5] : memref<16x8192xf32, #tpu.memory_space<vmem>>, vector<16x8192xf32>
    %sub3A = arith.subf %get3A_3, %get3A_6 : vector<16x8192xf32>
    %abs3A = math.absf %sub3A : vector<16x8192xf32>
    %reduce_sum3A = vector.shape_cast %abs3A : vector<16x8192xf32> to vector<1x16x8192xf32>
    %reduce_sum3A_7 = arith.constant dense<0.000000e+00> : vector<1xf32>
    %reduce_sum3A_8 = vector.multi_reduction <add>, %reduce_sum3A, %reduce_sum3A_7 [1, 2] : vector<1x16x8192xf32> to vector<1xf32>
    %reduce_sum3A_9 = vector.shape_cast %reduce_sum3A_8 : vector<1xf32> to vector<1x1x1xf32>
    %reduce_sum3A_10 = vector.extract %reduce_sum3A_9[0, 0, 0] : f32 from vector<1x1x1xf32>
    %get3A_11 = arith.constant 0 : index
    %get3A_12 = arith.constant 0 : index
    %get3A_13 = vector.load %arg3[%get3A_11, %get3A_12] : memref<16x8192xf32, #tpu.memory_space<vmem>>, vector<16x8192xf32>
    %get3A_14 = arith.constant 0 : index
    %get3A_15 = arith.constant 0 : index
    %get3A_16 = vector.load %arg4[%get3A_14, %get3A_15] : memref<16x8192xf32, #tpu.memory_space<vmem>>, vector<16x8192xf32>
    %sub3A_17 = arith.subf %get3A_13, %get3A_16 : vector<16x8192xf32>
    %get3A_18 = arith.constant 0 : index
    %get3A_19 = memref.load %arg5[%get3A_18] : memref<2xf32, #tpu.memory_space<smem>>
    %add3A = arith.addf %get3A_19, %reduce_sum3A_10 : f32
    %swap3A = arith.constant 0 : index
    %swap3A_20 = memref.load %arg5[%swap3A] : memref<2xf32, #tpu.memory_space<smem>>
    memref.store %add3A, %arg5[%swap3A] : memref<2xf32, #tpu.memory_space<smem>>
    %get3A_21 = arith.constant 1 : index
    %get3A_22 = memref.load %arg5[%get3A_21] : memref<2xf32, #tpu.memory_space<smem>>
    %mul3A = arith.mulf %sub3A_17, %sub3A_17 : vector<16x8192xf32>
    %reduce_sum3A_23 = vector.shape_cast %mul3A : vector<16x8192xf32> to vector<1x16x8192xf32>
    %reduce_sum3A_24 = arith.constant dense<0.000000e+00> : vector<1xf32>
    %reduce_sum3A_25 = vector.multi_reduction <add>, %reduce_sum3A_23, %reduce_sum3A_24 [1, 2] : vector<1x16x8192xf32> to vector<1xf32>
    %reduce_sum3A_26 = vector.shape_cast %reduce_sum3A_25 : vector<1xf32> to vector<1x1x1xf32>
    %reduce_sum3A_27 = vector.extract %reduce_sum3A_26[0, 0, 0] : f32 from vector<1x1x1xf32>
    %add3A_28 = arith.addf %get3A_22, %reduce_sum3A_27 : f32
    %swap3A_29 = arith.constant 1 : index
    %swap3A_30 = memref.load %arg5[%swap3A_29] : memref<2xf32, #tpu.memory_space<smem>>
    memref.store %add3A_28, %arg5[%swap3A_29] : memref<2xf32, #tpu.memory_space<smem>>
    return
  }
  func.func @transform_0(%arg0: i32) -> (i32, i32) {
    %c0_i32 = arith.constant 0 : i32
    %c0_i32_0 = arith.constant 0 : i32
    return %c0_i32, %arg0 : i32, i32
  }
  func.func @transform_1(%arg0: i32) -> (i32, i32) {
    %c0_i32 = arith.constant 0 : i32
    %c0_i32_0 = arith.constant 0 : i32
    return %c0_i32, %arg0 : i32, i32
  }
  func.func @transform_2(%arg0: i32) -> (i32, i32) {
    %c0_i32 = arith.constant 0 : i32
    %c0_i32_0 = arith.constant 0 : i32
    return %c0_i32, %arg0 : i32, i32
  }
  func.func @transform_3(%arg0: i32) -> (i32, i32) {
    %c0_i32 = arith.constant 0 : i32
    %c0_i32_0 = arith.constant 0 : i32
    return %c0_i32, %arg0 : i32, i32
  }
  func.func @transform_4(%arg0: i32) -> i32 {
    %c0_i32 = arith.constant 0 : i32
    %c0_i32_0 = arith.constant 0 : i32
    return %c0_i32 : i32
  }
}

</mosaic_0001>

<sc_bundles>
// kernel: kernel.5.cloned.1.call-start
scs
__scs_entry_jumppad:
0x0: {  	(pc) =	sbr.rel $0x88, $3  }
0x1: {  	(tag) =	ssettag $0x0;
	lr =	simm.s32 $0x1  }
0x2: {  	[smem:$0x3F99] =	sst lr;
	_ =	strace $0xD0000000  }
0x3: {  	_ = 	snop  }
0x4: {  	_ = 	snop  }
0x5: {  	_ = 	snop  }
0x6: {  	_ = 	snop  }
0x7: {  	_ = 	snop  }
__scs_overlays_trampoline_lowered:
0x8: {  	[smem:$0x3FA8] =	sst s0  }
0x9: {  	[smem:$0x3FA9] =	sst s1  }
0xa: {  	[smem:$0x3FAA] =	sst s2  }
0xb: {  	[smem:$0x3FAB] =	sst s3  }
0xc: {  	[smem:$0x3FAC] =	sst s4  }
0xd: {  	[smem:$0x3FAD] =	sst s5  }
0xe: {  	[smem:$0x3FAE] =	sst s6  }
0xf: {  	[smem:$0x3FAF] =	sst s7  }
0x10: {  	[smem:$0x3FB0] =	sst s8  }
0x11: {  	[smem:$0x3FB1] =	sst s9;
	s0 =	simm.s32 @!p0 $0x0  }
0x12: {  	s1 =	sld [smem:$0x3F97];
	s0 =	simm.s32 @p0 $0x1  }
0x13: {  	[smem:$0x3FB2] =	sst s0;
	s0 =	simm.s32 @!p1 $0x0  }
0x14: {  	s2 =	sld [smem:$0x3F96];
	s0 =	simm.s32 @p1 $0x1  }
0x15: {  	[smem:$0x3FB3] =	sst s0;
	s0 =	simm.s32 @!p2 $0x0  }
0x16: {  	s3 =	sld [smem:$0x3FDB];
	s0 =	simm.s32 @p2 $0x1  }
0x17: {  	s4 =	simm.s32 $0x1BF5;
	[smem:$0x3FB5] =	sst s0  }
0x18: {  	s0 =	sld [smem:$0x3F98];
	_ =	swait.ge [sflag:s4], $0x0  }
0x19: {  	s7 =	sld [smem:$0x3F99]  }
0x1a: {  	s8 =	sadd.s32 $0xFFFFE003, lr  }
0x1b: {  	s9 =	sadd.s32 $0xFFFFFEF7, lr;
	s5 =	simm.s32 $0xFFFFFFFF;
	p2 =	slt.u32 s8, $0xFFFFF086  }
0x1c: {  	p1 =	slt.u32 s9, $0xF7A;
	s5 =	simm.s32 @!p2 $0x0  }
0x1d: {  	s5 =	simm.s32 @p1 $0x1;
	p0 =	seq.s32 s7, s2  }
0x1e: {  	s7 =	smul.u32 @!p0 $0xF7A, s2;
	p2 =	seq.s32 @!p0 s5, $0x0  }
0x1f: {  	s9 =	smul.u32 $0xF7A, s1;
	s8 =	simm.s32 @!p0 $0x1BF5;
	p2 =	por !p2, p0  }
0x20: {  	[sflag:s8] =	ssyncset.s32 @!p0 $0xFFFFF086;
	s6 =	sadd.s32 @!p0 s3, s7;
	s7 =	simm.s32 @!p0 $0x108  }
0x21: {  	s3 =	sadd.s32 s3, s9;
	s6 =	sadd.s32 @!p0 $0x88, s6;
	s7 =	simm.s32 @p2 $0x1082  }
0x22: {  	[simem:s7], [sflag:s8] =	dma.local @!p0 [hbm:s6], $0xF7A  }
0x23: {  	s9 =	sor.u32 $0xD0000000, s2;
	s6 =	simm.s32 $0x108;
	_ =	swait.ge @!p0 [sflag:s8], $0x0  }
0x24: {  	s3 =	sadd.s32 $0x88, s3;
	s6 =	simm.s32 @!p1 $0x1082;
	[sflag:s4] =	ssyncset.s32 $0xFFFFF086  }
0x25: {  	[simem:s6], [sflag:s4] =	dma.local [hbm:s3], $0xF7A  }
0x26: {  	[smem:$0x3F99] =	sst s1;
	(tag) =	ssettag s2;
	_ =	strace s9  }
0x27: {  	s1 =	sld [smem:$0x3FA9]  }
0x28: {  	s2 =	sld [smem:$0x3FAA]  }
0x29: {  	s4 =	sld [smem:$0x3FAC]  }
0x2a: {  	p0 =	seq.s32 s5, $0x0;
	s5 =	sld [smem:$0x3FAD]  }
0x2b: {  	s6 =	sld [smem:$0x3FAE]  }
0x2c: {  	s7 =	sld [smem:$0x3FAF]  }
0x2d: {  	s3 =	simm.s32 $0x108;
	s8 =	sld [smem:$0x3FB0]  }
0x2e: {  	s3 =	simm.s32 @!p0 $0x1082;
	s9 =	sld [smem:$0x3FB1]  }
0x2f: {  	lr =	sadd.s32 s0, s3;
	s0 =	sld [smem:$0x3FA8]  }
0x30: {  	s3 =	sld [smem:$0x3FAB]  }
0x31: {  	[smem:$0x3FB4] =	sst s10  }
0x32: {  	s10 =	sld [smem:$0x3FB2];
	_ =	sdelay $0x3  }
0x33: {  	p0 =	seq.s32 s10, $0x1;
	s10 =	sld [smem:$0x3FB4];
	_ =	sdelay $0x3  }
0x34: {  	[smem:$0x3FB4] =	sst s10  }
0x35: {  	s10 =	sld [smem:$0x3FB3];
	_ =	sdelay $0x3  }
0x36: {  	p1 =	seq.s32 s10, $0x1;
	s10 =	sld [smem:$0x3FB4];
	_ =	sdelay $0x3  }
0x37: {  	[smem:$0x3FB4] =	sst s10  }
0x38: {  	s10 =	sld [smem:$0x3FB5]  }
0x39: {  	_ = 	snop;
	(pc) =	sbr.ind lr, $3  }
0x3a: {  	_ = 	snop  }
0x3b: {  	_ = 	snop  }
0x3c: {  	p2 =	seq.s32 s10, $0x1;
	s10 =	sld [smem:$0x3FB4]  }
0x3d: {  	_ =	shalt  }
0x3e: {  	_ =	shalt  }
0x3f: {  	_ =	shalt  }
0x40: {  	_ =	shalt  }
0x41: {  	_ =	shalt  }
0x42: {  	_ =	shalt  }
0x43: {  	_ =	shalt  }
0x44: {  	_ =	shalt  }
0x45: {  	_ =	shalt  }
0x46: {  	_ =	shalt  }
0x47: {  	_ =	shalt  }
0x48: {  	_ =	shalt  }
0x49: {  	_ =	shalt  }
0x4a: {  	_ =	shalt  }
0x4b: {  	_ =	shalt  }
0x4c: {  	_ =	shalt  }
0x4d: {  	_ =	shalt  }
0x4e: {  	_ =	shalt  }
0x4f: {  	_ =	shalt  }
0x50: {  	_ =	shalt  }
0x51: {  	_ =	shalt  }
0x52: {  	_ =	shalt  }
0x53: {  	_ =	shalt  }
0x54: {  	_ =	shalt  }
0x55: {  	_ =	shalt  }
0x56: {  	_ =	shalt  }
0x57: {  	_ =	shalt  }
0x58: {  	_ =	shalt  }
0x59: {  	_ =	shalt  }
0x5a: {  	_ =	shalt  }
0x5b: {  	_ =	shalt  }
0x5c: {  	_ =	shalt  }
0x5d: {  	_ =	shalt  }
0x5e: {  	_ =	shalt  }
0x5f: {  	_ =	shalt  }
0x60: {  	_ =	shalt  }
0x61: {  	_ =	shalt  }
0x62: {  	_ =	shalt  }
0x63: {  	_ =	shalt  }
0x64: {  	_ =	shalt  }
0x65: {  	_ =	shalt  }
0x66: {  	_ =	shalt  }
0x67: {  	_ =	shalt  }
0x68: {  	_ =	shalt  }
0x69: {  	_ =	shalt  }
0x6a: {  	_ =	shalt  }
0x6b: {  	_ =	shalt  }
0x6c: {  	_ =	shalt  }
0x6d: {  	_ =	shalt  }
0x6e: {  	_ =	shalt  }
0x6f: {  	_ =	shalt  }
0x70: {  	_ =	shalt  }
0x71: {  	_ =	shalt  }
0x72: {  	_ =	shalt  }
0x73: {  	_ =	shalt  }
0x74: {  	_ =	shalt  }
0x75: {  	_ =	shalt  }
0x76: {  	_ =	shalt  }
0x77: {  	_ =	shalt  }
0x78: {  	_ =	shalt  }
0x79: {  	_ =	shalt  }
0x7a: {  	_ =	shalt  }
0x7b: {  	_ =	shalt  }
0x7c: {  	_ =	shalt  }
0x7d: {  	_ =	shalt  }
0x7e: {  	_ =	shalt  }
0x7f: {  	_ =	shalt  }
0x80: {  	_ =	shalt  }
0x81: {  	_ =	shalt  }
0x82: {  	_ =	shalt  }
0x83: {  	_ =	shalt  }
0x84: {  	_ =	shalt  }
0x85: {  	_ =	shalt  }
0x86: {  	_ =	shalt  }
0x87: {  	_ =	shalt  }
.Lfunc_end0:
.L_simem_size_0:
called_computation_lowered:
.L_overlay_start_0:
0x88: {  	s2 =	sld [smem:$0x3FD9]  }
0x89: {  	s3 =	sld [smem:$0x3FFE];
	_ =	sdelay $0x1  }
0x8a: {  	s1 =	srdreg.scid  }
0x8b: {  	s0 =	sand.u32 $0x1, s1  }
0x8c: {  	s16 =	sshll.u32 s0, $0xA;
	s2 =	sadd.s32 s3, s2  }
0x8d: {  	s2 =	sadd.s32 s2, s16  }
0x8e: {  	[smem:$0x3FC0] =	sst s2  }
0x8f: {  	_ = 	snop  }
0x90: {  	(tm) =	ssettm $0x1  }
0x91: {  	s17 =	sld [smem:$0x3FFB];
	_ =	sdelay $0x3  }
0x92: {  	_ =	strace s17  }
0x93: {  	s2 =	sld [smem:$0x3FFC];
	_ =	sdelay $0x3  }
0x94: {  	_ =	strace s2  }
0x95: {  	s2 =	sld [smem:$0x3FFD];
	_ =	sdelay $0x3  }
0x96: {  	_ =	strace s2  }
0x97: {  	_ =	strace $0x8FFFFFFF  }
0x98: {  	s18 =	sld [smem:$0x3FDB];
	_ =	sdelay $0x1  }
0x99: {  	s19 =	simm.s32 $_scs_section_size  }
0x9a: {  	s4 =	simm.s32 $_size__tile_overlayer_lowered;
	s5 =	simm.s32 $_tile_overlayer_lowered  }
0x9b: {  	s22 =	simm.s32 $0x1BFF;
	s21 =	sshll.u32 s5, $0x1;
	s2 =	sadd.s32 s19, s18  }
0x9c: {  	s6 =	simm.s32 $0x0;
	s20 =	sshll.u32 s4, $0x1;
	s4 =	sadd.s32 s21, s2  }
0x9d: {  	[timem:s6], [sflag:s22] =	dma.local [hbm:s4], s20  }
0x9e: {  	_ =	swait.ge [sflag:s22], s20  }
0x9f: {  	s3 =	ssub.s32 $0x0, s20;
	[sflag:s22] =	ssyncset.done $0x0  }
0xa0: {  	[sflag:s22] =	ssyncadd.s32 s3;
	_ =	sdelay $0x1  }
0xa1: {  	s23 =	simm.s32 $0x1B8B  }
0xa2: {  	_ =	swait.ge [sflag:s23], $0x1  }
0xa3: {  	[sflag:s23] =	ssyncset.done $0x0  }
0xa4: {  	s25 =	simm.s32 $0x1B8E;
	s24 =	sld [smem:$0x3FFE];
	[sflag:s23] =	ssyncadd.s32 $0xFFFFFFFF  }
0xa5: {  	s26 =	simm.s32 $execute0_lowered;
	[smem:$0x3FD2] =	sst s25  }
0xa6: {  	s4 =	sshll.u32 s26, $0x1;
	_ =	strace $0x80000046;
	[dreg:$0x1] =	wrdreg $0xFFFFFFFF  }
0xa7: {  	s28 =	simm.s32 $_size_execute0_lowered;
	s2 =	sadd.s32 s2, s4;
	[dreg:$0x0] =	wrdreg $0x0  }
0xa8: {  	s4 =	sshll.u32 s28, $0x1;
	[dreg:$0x2] =	wrdreg s2  }
0xa9: {  	[dreg:$0x3] =	wrdreg s4  }
0xaa: {  	[dreg:$0x4] =	wrdreg $0xC0  }
0xab: {  	_ =	task [dreg:s6], $0x5FFFF  }
0xac: {  	[dreg:$0x1] =	wrdreg $0xFFFFFFFF  }
0xad: {  	[dreg:$0x0] =	wrdreg $0x60  }
0xae: {  	[dreg:$0x2] =	wrdreg s24  }
0xaf: {  	[dreg:$0x3] =	wrdreg $0x9  }
0xb0: {  	_ =	task.clear_ibuf [dreg:s6], $0x4FFFF;
	_ =	strace $0x90000046  }
0xb1: {  	s29 =	simm.s32 $0x9;
	_ =	strace $0x80000048  }
0xb2: {  	_ =	swait.ge [sflag:s29], $0x1  }
0xb3: {  	[sflag:s29] =	ssyncadd.s32 $0xFFFFFFFF  }
0xb4: {  	_ =	strace $0x90000048  }
0xb5: {  	_ =	sfence  }
0xb6: {  	s30 =	sld [smem:$0x0];
	_ =	sdelay $0x2  }
0xb7: {  	s31 =	sshll.u32 s1, $0xD;
	s1 =	sshrl.u32 s1, $0x2  }
0xb8: {  	s3 =	sand.u32 $0x4000, s31;
	s1 =	sadd.s32 s1, s30  }
0xb9: {  	s0 =	sor.u32 s3, s0;
	s1 =	sshll.u32 s1, $0x11  }
0xba: {  	s0 =	sor.u32 s1, s0  }
0xbb: {  	s0 =	sadd.s32 $0x8F2B, s0  }
0xbc: {  	[sflag:s0] =	ssyncadd.remote.s32 $0x1  }
0xbd: {  	_ =	sfence.sel $0xFFFF  }
0xbe: {  	[dreg:$0x0] =	wrdreg $0xFFFFFFFF;
	(pc) =	sbr.abs _section_cstart, $3  }
0xbf: {  	[dreg:$0x1] =	wrdreg $0xFFFFFFFF  }
0xc0: {  	_ =	task.clear_ibuf [dreg:s6], $0x2FFFF;
	_ =	strace $0x9FFFFFFF  }
0xc1: {  	(tm) =	ssettm $0x7FFFFFFF  }
tec
execute0_lowered:
.L_overlay_start_1:
0x0: {  	(tag) =	ssettag $0x1  }
0x1: {  	s1 =	stileid.u32  }
0x2: {  	p0 =	sgt.u32 s1, $0x7  }
.Ltmp0:
0x3: {  	_ = 	snop;
	(pc) =	sbr.rel @p0 .LBB2_9-.Ltmp0, $4  }
0x4: {  	_ = 	snop  }
0x5: {  	s3 =	rddreg [dreg:$0x0];
	s2 =	simm.s32 $0x0  }
0x6: {  	[smem:$0x7FF] =	sst s2  }
0x7: {  	s0 =	rddreg [dreg:$0x1];
	_ =	strace $0x80000047  }
0x8: {  	s4 =	srdreg.scid;
	s29 =	sshrl.u32 s1, $0x2;
	s5 =	sshll.u32 s1, $0x8  }
0x9: {  	s14 =	sadd.s32 $0xE00, s3;
	s8 =	simm.s32 $0x4B00;
	s9 =	simm.s32 $0x9600  }
0xa: {  	s10 =	simm.s32 $0xE100;
	s11 =	simm.s32 $0x12C00;
	s16 =	simm.s32 $0x12D80  }
0xb: {  	v0 =	vimm.f32 $0.0e+00;
	vm0 =	vcmask $0x700;
	v1 =	vlaneseq.u32;
	s17 =	simm.s32 $0x12E00;
	s12 =	sand.u32 $0x1, s4;
	s5 =	sand.u32 $0x300, s5  }
0xc: {  	v2 =	vimm.f32 $+Inf;
	s7 =	smul.u32 $0x25800, s29;
	s4 =	sshll.u32 s29, $0xA;
	v3 =	vor.u32 $0x10, v1;
	v7 =	vor.u32 $0x80000010, v1;
	s6 =	sshll.u32 s12, $0x7  }
0xd: {  	v8 =	vor.u32 $0x80000020, v1;
	v9 =	vor.u32 $0x80000030, v1;
	v10 =	vor.u32 $0x80000040, v1;
	s12 =	ssub.s32 $0x2, s12;
	s5 =	sor.u32 s6, s5  }
0xe: {  	s18 =	simm.s32 $0x0;
	v11 =	vor.u32 $0x80000050, v1;
	v12 =	vor.u32 $0x80000060, v1;
	v13 =	vor.u32 $0x80000070, v1;
	s15 =	sshrl.u32 s12, $0x1;
	s6 =	sor.u32 s7, s5  }
0xf: {  	v4 =	vor.u32 $0x20, v1;
	v14 =	vor.u32 $0x80000080, v1;
	v15 =	vor.u32 $0x80000090, v1;
	s4 =	sor.u32 s4, s5;
	s7 =	simm.s32 $0x400;
	s13 =	sshrl.u32 s6, $0x3  }
0x10: {  	v16 =	vor.u32 $0x800000A0, v1;
	v17 =	vor.u32 $0x800000B0, v1;
	v18 =	vor.u32 $0x800000C0, v1;
	s15 =	ssub.s32 s12, s15;
	s4 =	sshrl.u32 s4, $0x3;
	s30 =	sadd.s32 s13, s3  }
0x11: {  	v19 =	vor.u32 $0x800000D0, v1;
	v20 =	vor.u32 $0x800000E0, v1;
	v21 =	vor.u32 $0x800000F0, v1;
	s31 =	sadd.s32 s4, s3;
	s12 =	sadd.s32 s14, s13;
	s13 =	smax.u32 s15, $0x1  }
0x12: {  	v5 =	vor.u32 $0x30, v1;
	v22 =	vor.u32 $0x80000100, v1;
	v24 =	vor.u32 $0x80000110, v1;
	s14 =	simm.s32 $0x80;
	s15 =	simm.s32 $0x1;
	s3 =	sadd.s32 $0xA400, s30  }
0x13: {  	v6 =	vor.u32 $0x80000000, v1;
	v23 =	vsel vm0, $0x0, v2;
	v25 =	vor.u32 $0x80000120, v1;
	s4 =	sadd.s32 $0x13A00, s30;
	s5 =	sadd.s32 $0x1D000, s30;
	s6 =	sadd.s32 $0x26600, s31  }
.LBB2_2:
0x14: {  	s19 =	simm.s32 $0x0  }
0x15: {  	[tilespmem:s19], [sflag:$0x1] =	stream.strided.gather [hbm4b:s12+s14], $0x4B00, s7, s14, $0x38;
	[tilespmem:$0x12E80] =	vst v63  }
0x16: {  	_ =	swait.ge [sflag:s15], $0x4B00  }
0x17: {  	[sflag:s15] =	ssyncset.done $0x0  }
0x18: {  	[sflag:s15] =	ssyncadd.s32 $0xFFFFB500  }
0x19: {  	[tilespmem:s8], [sflag:$0x1] =	stream.strided.gather [hbm4b:s3+s14], $0x4B00, s7, s14, $0x38;
	[tilespmem:$0x12E80] =	vst v63  }
0x1a: {  	_ =	swait.ge [sflag:s15], $0x4B00  }
0x1b: {  	[sflag:s15] =	ssyncset.done $0x0  }
0x1c: {  	[sflag:s15] =	ssyncadd.s32 $0xFFFFB500  }
0x1d: {  	[tilespmem:s9], [sflag:$0x1] =	stream.strided.gather [hbm4b:s4+s14], $0x4B00, s7, s14, $0x38;
	[tilespmem:$0x12E80] =	vst v63  }
0x1e: {  	_ =	swait.ge [sflag:s15], $0x4B00  }
0x1f: {  	[sflag:s15] =	ssyncset.done $0x0  }
0x20: {  	[sflag:s15] =	ssyncadd.s32 $0xFFFFB500  }
0x21: {  	[tilespmem:s10], [sflag:$0x1] =	stream.strided.gather [hbm4b:s5+s14], $0x4B00, s7, s14, $0x38;
	[tilespmem:$0x12E80] =	vst v63  }
0x22: {  	_ =	swait.ge [sflag:s15], $0x4B00  }
0x23: {  	v26 =	vmov s19;
	[sflag:s15] =	ssyncset.done $0x0  }
0x24: {  	v27 =	vshll.u32 v26, $0x6;
	[sflag:s15] =	ssyncadd.s32 $0xFFFFB500  }
0x25: {  	v28 =	vor.u32 v3, v27;
	[tilespmem:$0x12D80] =	vst v0  }
0x26: {  	v29 =	vor.u32 v1, v27;
	[tilespmem:$0x12D90] =	vst v0  }
0x27: {  	v30 =	vor.u32 v4, v27;
	[tilespmem:$0x12DA0] =	vst v0  }
0x28: {  	v27 =	vor.u32 v5, v27;
	[tilespmem:$0x12DB0] =	vst v23  }
0x29: {  	[tilespmem:$0x12D20] =	vst v2  }
0x2a: {  	v28 =	vld.idx.msk [tilespmem:v28+s19+$0x0], $0xffff  }
0x2b: {  	v29 =	vld.idx.msk [tilespmem:v29+s19+$0x0], $0xffff  }
0x2c: {  	v30 =	vld.idx.msk [tilespmem:v30+s19+$0x0], $0xffff  }
0x2d: {  	v27 =	vld.idx.msk [tilespmem:v27+s19+$0x0], $0xffff;
	_ =	sdelay $0x2  }
0x2e: {  	v28 =	vmin.f32 v29, v28  }
0x2f: {  	v28 =	vmin.f32 v28, v30  }
0x30: {  	v28 =	vmin.f32 v28, v27  }
0x31: {  	(xrf0) =	vmin.scan.msk.f32 $0xffff, v28;
	_ =	sdelay $0x1  }
0x32: {  	s20 =	simm.s32 $0x1  }
0x33: {  	v27 =	vmov s20  }
0x34: {  	s20 =	simm.s32 $0x2;
	v28 =	vshll.u32 v27, $0x6  }
.LBB2_3:
0x35: {  	p0 =	sne.s32 s20, $0x12B;
	v29 =	vor.u32 v3, v28  }
0x36: {  	v30 =	vor.u32 v1, v28;
	v31, _, _ =	vpop (xrf0)  }
0x37: {  	v32 =	vor.u32 v4, v28;
	v31 =	vbroadcast v31, $0xF  }
0x38: {  	v28 =	vor.u32 v5, v28  }
0x39: {  	[tilespmem:v26+s11+$0x0] =	vst.idx.msk $0x1, v31;
	v26 =	vmov v27  }
0x3a: {  	v27 =	vld.idx.msk [tilespmem:v29+s19+$0x0], $0xffff  }
0x3b: {  	v29 =	vld.idx.msk [tilespmem:v30+s19+$0x0], $0xffff  }
0x3c: {  	v30 =	vld.idx.msk [tilespmem:v32+s19+$0x0], $0xffff  }
0x3d: {  	v28 =	vld.idx.msk [tilespmem:v28+s19+$0x0], $0xffff;
	_ =	sdelay $0x3  }
0x3e: {  	v27 =	vmin.f32 v29, v27  }
0x3f: {  	v27 =	vmin.f32 v27, v30  }
0x40: {  	v27 =	vmin.f32 v27, v28  }
.Ltmp1:
0x41: {  	(xrf0) =	vmin.scan.msk.f32 $0xffff, v27;
	(pc) =	sbr.rel @p0 .LBB2_3-.Ltmp1, $3  }
0x42: {  	_ =	sdelay $0x1  }
0x43: {  	v27 =	vmov s20  }
0x44: {  	s20 =	sadd.s32 $0x1, s20;
	v28 =	vshll.u32 v27, $0x6  }
0x45: {  	v29 =	vor.u32 v3, v28  }
0x46: {  	v30 =	vor.u32 v1, v28;
	v31, _, _ =	vpop (xrf0)  }
0x47: {  	v32 =	vor.u32 v4, v28;
	v31 =	vbroadcast v31, $0xF  }
0x48: {  	v28 =	vor.u32 v5, v28  }
0x49: {  	[tilespmem:v26+s11+$0x0] =	vst.idx.msk $0x1, v31  }
0x4a: {  	v26 =	vld.idx.msk [tilespmem:v29+s19+$0x0], $0xffff  }
0x4b: {  	v29 =	vld.idx.msk [tilespmem:v30+s19+$0x0], $0xffff  }
0x4c: {  	v30 =	vld.idx.msk [tilespmem:v32+s19+$0x0], $0xffff  }
0x4d: {  	v28 =	vld.idx.msk [tilespmem:v28+s19+$0x0], $0xffff;
	_ =	sdelay $0x2  }
0x4e: {  	v26 =	vmin.f32 v29, v26  }
0x4f: {  	v26 =	vmin.f32 v26, v30  }
0x50: {  	v26 =	vmin.f32 v26, v28  }
0x51: {  	(xrf0) =	vmin.scan.msk.f32 $0xffff, v26;
	_ =	sdelay $0x4  }
.Ltmp2:
0x52: {  	_ = 	snop;
	(pc) =	sbr.rel .LBB2_5-.Ltmp2, $3  }
0x53: {  	v26, _, _ =	vpop (xrf0)  }
0x54: {  	v26 =	vbroadcast v26, $0xF;
	_ =	sdelay $0x1  }
0x55: {  	v28 =	vimm.f32 $0.0e+00;
	[tilespmem:v27+s11+$0x0] =	vst.idx.msk $0x1, v26;
	v26 =	vimm.f32 $0.0e+00;
	v27 =	vimm.f32 $0.0e+00  }
.LBB2_6:
0x56: {  	_ =	sdelay $0x3  }
0x57: {  	[tilespmem:v29+s11+$0x0] =	vst.idx.msk $0x1, v32  }
.LBB2_5:
0x58: {  	v29 =	vld [tilespmem:$0x12C00];
	_ =	sdelay $0x2  }
0x59: {  	v30 =	vld [tilespmem:$0x12C10];
	_ =	sdelay $0x1  }
0x5a: {  	v31 =	vld [tilespmem:$0x12C20];
	vm0 =	vlt.f32 v29, $+Inf;
	vm1 =	vgt.f32 v29, $+Inf  }
0x5b: {  	vm0 =	vmor vm1, vm0  }
0x5c: {  	v32 =	vld [tilespmem:$0x12C30];
	v29 =	vnsel vm0, $0x7F800000, v29  }
0x5d: {  	vm1 =	vlt.f32 v30, v29  }
0x5e: {  	v29 =	vsel vm1, v30, v29;
	v30 =	vld [tilespmem:$0x12C40]  }
0x5f: {  	vm2 =	vlt.f32 v31, v29  }
0x60: {  	v29 =	vsel vm2, v31, v29;
	v31 =	vld [tilespmem:$0x12C50]  }
0x61: {  	vm3 =	vlt.f32 v32, v29  }
0x62: {  	v52 =	vld [tilespmem:$0x12C60];
	v29 =	vsel vm3, v32, v29  }
0x63: {  	vm4 =	vlt.f32 v30, v29  }
0x64: {  	v29 =	vsel vm4, v30, v29;
	v30 =	vld [tilespmem:$0x12C70]  }
0x65: {  	vm5 =	vlt.f32 v31, v29  }
0x66: {  	v29 =	vsel vm5, v31, v29;
	v31 =	vld [tilespmem:$0x12C80]  }
0x67: {  	vm6 =	vlt.f32 v52, v29  }
0x68: {  	v53 =	vld [tilespmem:$0x12C90];
	v29 =	vsel vm6, v52, v29  }
0x69: {  	vm7 =	vlt.f32 v30, v29  }
0x6a: {  	v29 =	vsel vm7, v30, v29;
	v30 =	vld [tilespmem:$0x12CA0]  }
0x6b: {  	vm8 =	vlt.f32 v31, v29  }
0x6c: {  	v29 =	vsel vm8, v31, v29;
	v31 =	vld [tilespmem:$0x12CB0]  }
0x6d: {  	vm9 =	vlt.f32 v53, v29  }
0x6e: {  	v54 =	vld [tilespmem:$0x12CC0];
	v29 =	vsel vm9, v53, v29  }
0x6f: {  	vm10 =	vlt.f32 v30, v29  }
0x70: {  	v29 =	vsel vm10, v30, v29;
	v30 =	vld [tilespmem:$0x12CD0]  }
0x71: {  	vm11 =	vlt.f32 v31, v29  }
0x72: {  	v29 =	vsel vm11, v31, v29;
	v31 =	vld [tilespmem:$0x12CE0]  }
0x73: {  	vm12 =	vlt.f32 v54, v29  }
0x74: {  	v55 =	vld [tilespmem:$0x12CF0];
	v29 =	vsel vm12, v54, v29  }
0x75: {  	vm13 =	vlt.f32 v30, v29  }
0x76: {  	v29 =	vsel vm13, v30, v29;
	v30 =	vld [tilespmem:$0x12D00]  }
0x77: {  	vm14 =	vlt.f32 v31, v29  }
0x78: {  	v33 =	vnsel vm0, $0x80000000, v6;
	v29 =	vsel vm14, v31, v29;
	v31 =	vld [tilespmem:$0x12D10]  }
0x79: {  	v33 =	vsel vm1, v7, v33;
	vm0 =	vlt.f32 v55, v29  }
0x7a: {  	v56 =	vld [tilespmem:$0x12D20];
	v33 =	vsel vm2, v8, v33;
	v29 =	vsel vm0, v55, v29  }
0x7b: {  	v33 =	vsel vm3, v9, v33;
	vm1 =	vlt.f32 v30, v29  }
0x7c: {  	v33 =	vsel vm4, v10, v33;
	v29 =	vsel vm1, v30, v29  }
0x7d: {  	v30 =	vsel vm5, v11, v33;
	vm2 =	vlt.f32 v31, v29  }
0x7e: {  	v30 =	vsel vm6, v12, v30;
	v29 =	vsel vm2, v31, v29  }
0x7f: {  	v30 =	vsel vm7, v13, v30;
	vm3 =	vlt.f32 v56, v29  }
0x80: {  	v30 =	vsel vm8, v14, v30;
	v29 =	vsel vm3, v56, v29  }
0x81: {  	v30 =	vsel vm9, v15, v30;
	(xrf0) =	vmin.scan.msk.f32 $0xffff, v29  }
0x82: {  	v30 =	vsel vm10, v16, v30  }
0x83: {  	v30 =	vsel vm11, v17, v30  }
0x84: {  	v30 =	vsel vm12, v18, v30  }
0x85: {  	v30 =	vsel vm13, v19, v30  }
0x86: {  	v30 =	vsel vm14, v20, v30  }
0x87: {  	v30 =	vsel vm0, v21, v30;
	v31, _, _ =	vpop (xrf0)  }
0x88: {  	v30 =	vsel vm1, v22, v30;
	v31 =	vbroadcast v31, $0xF  }
0x89: {  	v30 =	vsel vm2, v24, v30  }
0x8a: {  	vm0 =	veq.f32 v29, v31;
	v29 =	vsel vm3, v25, v30  }
0x8b: {  	v29 =	vnsel vm0, $0xC0000000, v29  }
0x8c: {  	(xrf0) =	vmin.scan.msk.u32 $0xffff, v29;
	_ =	sdelay $0x5  }
0x8d: {  	v29, _, _ =	vpop (xrf0)  }
0x8e: {  	(v2sf) =	vpush v29, $0xF;
	_ =	sdelay $0xe  }
0x8f: {  	s20 =	spop (v2sf)  }
0x90: {  	s20 =	sxor.u32 $0x80000000, s20  }
0x91: {  	v29 =	vmov s20  }
0x92: {  	v30 =	vshll.u32 v29, $0x6  }
0x93: {  	v31 =	vor.u32 v1, v30;
	_ =	sdelay $0x2  }
0x94: {  	v57 =	vor.u32 v3, v30  }
0x95: {  	v34 =	vld [tilespmem:$0x12D80]  }
0x96: {  	v58 =	vor.u32 v4, v30;
	v31 =	vld.idx.msk [tilespmem:v31+s2+$0x0], $0xffff;
	_ =	sdelay $0x1  }
0x97: {  	v36 =	vld [tilespmem:$0x12D90];
	v35 =	vor.u32 v5, v30  }
0x98: {  	v32 =	vld.idx.msk [tilespmem:v57+s2+$0x0], $0xffff  }
0x99: {  	v59 =	vld [tilespmem:$0x12DA0]  }
0x9a: {  	v33 =	vld.idx.msk [tilespmem:v58+s2+$0x0], $0xffff;
	v31 =	vadd.f32 v34, v31  }
0x9b: {  	v37 =	vld [tilespmem:$0x12DB0]  }
0x9c: {  	v35 =	vld.idx.msk [tilespmem:v35+s2+$0x0], $0xffff;
	vm0 =	vlt.f32 v31, $+Inf;
	vm1 =	vgt.f32 v31, $+Inf  }
0x9d: {  	v32 =	vadd.f32 v36, v32;
	vm0 =	vmor vm1, vm0  }
0x9e: {  	v31 =	vnsel vm0, $0x7F800000, v31  }
0x9f: {  	v33 =	vadd.f32 v59, v33;
	vm1 =	vlt.f32 v32, v31  }
0xa0: {  	v31 =	vsel vm1, v32, v31  }
0xa1: {  	v61 =	vld.idx.msk [tilespmem:v29+s11+$0x0], $0xffff;
	v60 =	vadd.f32 v37, v35;
	vm2 =	vlt.f32 v33, v31  }
0xa2: {  	v31 =	vsel vm2, v33, v31  }
0xa3: {  	vm3 =	vlt.f32 v60, v31  }
0xa4: {  	v31 =	vsel vm3, v60, v31  }
0xa5: {  	(xrf0) =	vmin.scan.msk.f32 $0xffff, v31  }
0xa6: {  	(xrf0) =	vmin.scan.msk.f32 $0xffff, v61;
	_ =	sdelay $0x4  }
0xa7: {  	v62, _, _ =	vpop (xrf0)  }
0xa8: {  	(v2sf) =	vpush v62, $0xF;
	v63, _, _ =	vpop (xrf0)  }
0xa9: {  	(v2sf) =	vpush v63, $0xF;
	_ =	sdelay $0xd  }
0xaa: {  	s31 =	spop (v2sf)  }
0xab: {  	s21 =	spop (v2sf)  }
0xac: {  	p0 =	sgt.f32 s31, s21  }
.Ltmp3:
0xad: {  	_ = 	snop;
	(pc) =	sbr.rel @p0 .LBB2_6-.Ltmp3, $2  }
0xae: {  	_ =	sdelay $0x2  }
0xaf: {  	v32 =	vbroadcast v62, $0xF  }
0xb0: {  	v33 =	vnsel vm0, $0x80000000, v6  }
0xb1: {  	v33 =	vsel vm1, v7, v33  }
0xb2: {  	v33 =	vsel vm2, v8, v33  }
0xb3: {  	vm15 =	veq.f32 v31, v32;
	v31 =	vsel vm3, v9, v33  }
0xb4: {  	v31 =	vnsel vm15, $0xC0000000, v31  }
0xb5: {  	(xrf0) =	vmin.scan.msk.u32 $0xffff, v31;
	_ =	sdelay $0x5  }
0xb6: {  	v31, _, _ =	vpop (xrf0)  }
0xb7: {  	(v2sf) =	vpush v31, $0xF;
	_ =	sdelay $0xe  }
0xb8: {  	s20 =	spop (v2sf)  }
0xb9: {  	s20 =	sxor.u32 $0x80000000, s20  }
0xba: {  	v30 =	vadd.s32 s20, v30;
	_ =	sdelay $0x4  }
0xbb: {  	v31 =	vld.idx.msk [tilespmem:v30+s8+$0x0], $0xffff  }
0xbc: {  	s19 =	sadd.s32 $0x1, s19;
	v62 =	vld.idx.msk [tilespmem:v30+s9+$0x0], $0xffff  }
0xbd: {  	p0 =	sne.s32 s19, $0x32;
	v63 =	vmov s20;
	v30 =	vld.idx.msk [tilespmem:v30+s10+$0x0], $0xffff  }
.Ltmp4:
0xbe: {  	_ = 	snop;
	(pc) =	sbr.rel @p0 .LBB2_5-.Ltmp4, $3  }
0xbf: {  	_ =	sdelay $0x1  }
0xc0: {  	[tilespmem:v29+s11+$0x0] =	vst.idx.msk $0x1, v2;
	v28 =	vadd.f32 v31, v28  }
0xc1: {  	[tilespmem:v63+s16+$0x0] =	vst.idx.msk $0x1, v2;
	v27 =	vadd.f32 v62, v27;
	v26 =	vadd.f32 v30, v26  }
0xc2: {  	[tilespmem:$0x12E00] =	vst v28  }
0xc3: {  	[tilespmem:$0x12E30] =	vst v0;
	s18 =	sadd.s32 $0x1, s18  }
0xc4: {  	[tilespmem:$0x12E10] =	vst v27;
	p0 =	sne.s32 s18, s13  }
.Ltmp5:
0xc5: {  	[tilespmem:$0x12E20] =	vst v26;
	(pc) =	sbr.rel @p0 .LBB2_2-.Ltmp5, $4  }
0xc6: {  	[hbm4b:s6+s2] =	stream.linear.scatter [tilespmem:s17], [sflag:$0x1], $0x80, $0x38;
	[tilespmem:$0x12E80] =	vst v63  }
0xc7: {  	_ =	swait.ge [sflag:s15], $0x80  }
0xc8: {  	[sflag:s15] =	ssyncset.done $0x0  }
0xc9: {  	[sflag:s15] =	ssyncadd.s32 $0xFFFFFF80  }
.LBB2_9:
0xca: {  	_ =	sfence.sel $0x180000  }
0xcb: {  	[bflag:$0x0] =	sbarrier.arrive $0xFFFF  }
0xcc: {  	p0 =	sne.s32 s1, $0x0;
	_ =	strace $0x90000047  }
0xcd: {  	s0 =	sadd.s32 @!p0 $0x100000, s0;
	[bflag:$0x2] =	sbarrier.arrive $0xFFFF  }
0xce: {  	[sflag:s0] =	ssyncadd.tile.s32 @!p0 $0x1;
	_ =	shalt  }
.Lfunc_end2:
_tile_overlayer_lowered:
.L_overlay_start_2:
0xcf: {  	(tag) =	ssettag $0x2  }
0xd0: {  	s0 =	rddreg [dreg:$0x0];
	s2 =	stileid.u32  }
0xd1: {  	s1 =	rddreg [dreg:$0x1];
	p0 =	sne.s32 s2, $0x0  }
0xd2: {  	s3 =	rddreg [dreg:$0x2];
	[bflag:$0x3] =	sbarrier.arrive $0xFFFF;
	s2 =	simm.s32 @!p0 $0x1C01  }
0xd3: {  	[timem:s3], [sflag:s2] =	dma.local @!p0 [hbm:s0], s1  }
0xd4: {  	s0 =	simm.s32 @!p0 $0x1  }
0xd5: {  	_ =	swait.ge @!p0 [sflag:s0], s1  }
0xd6: {  	s1 =	ssub.s32 @!p0 $0x0, s1;
	[sflag:s0] =	ssyncset.done @!p0 $0x0  }
0xd7: {  	[sflag:s0] =	ssyncadd.s32 @!p0 s1  }
0xd8: {  	[bflag:$0x3] =	sbarrier.arrive $0xFFFF  }
0xd9: {  	_ =	shalt  }

</sc_bundles>
